<compile_context>
chip_gen: v7x
topology: tpu7x:2x2x1
jax: 0.10.2.dev20260603
libtpu: 0.0.44.dev20260713+nightly
codegen_flags: <defaults>
</compile_context>

<pallas_src>
import jax
import jax.numpy as jnp
from jax import lax
from jax.experimental import pallas as pl
from jax.experimental.pallas import tpu as pltpu
from jax.experimental.pallas import tpu_sc as plsc

L = 16
NC = 2
NS = 16
NW = NC * NS
HID = 128
SEQ = 200
K = 128
EPS = 1e-12

def _rsqrt_scalar(x):
    i = lax.bitcast_convert_type(x, jnp.int32)
    i = jnp.int32(0x5F3759DF) - lax.shift_right_logical(i, 1)
    y = lax.bitcast_convert_type(i, jnp.float32)
    y = y * (1.5 - 0.5 * x * y * y)
    return y


def _body(ids_hbm, tt_hbm, word_hbm, comb_hbm, gamma_hbm, beta_hbm, out_hbm,
          idx_v, ci_v, tt_v, wrows, obuf, comb_v, gb_v,
          sem_i, sem_w, sem_o):
    wid = lax.axis_index("s") * NC + lax.axis_index("c")
    tokens_per_w = ids_hbm.shape[0] // NW
    nchunks = tokens_per_w // K
    base = wid * tokens_per_w

    pltpu.sync_copy(gamma_hbm, gb_v.at[0])
    pltpu.sync_copy(beta_hbm, gb_v.at[1])
    pltpu.sync_copy(comb_hbm, comb_v)
    gregs = [gb_v[0, pl.ds(L * j, L)] for j in range(HID // L)]
    bregs = [gb_v[1, pl.ds(L * j, L)] for j in range(HID // L)]
    iota = lax.iota(jnp.int32, L)

    acc = None
    for j in range(HID // L):
        ok = jnp.logical_and(gregs[j] == 1.0, bregs[j] == 0.0)
        acc = ok if acc is None else jnp.logical_and(acc, ok)
    gb_trivial = jnp.all(acc)

    def ids_copies(c, b):
        g = base + c * K
        return (pltpu.make_async_copy(ids_hbm.at[pl.ds(g, K)], idx_v.at[b],
                                      sem_i[b]),
                pltpu.make_async_copy(tt_hbm.at[pl.ds(g, K)], tt_v.at[b],
                                      sem_i[b]))

    def gather_copy(b):
        return pltpu.make_async_copy(word_hbm.at[idx_v.at[b]], wrows.at[b],
                                     sem_w[b])

    def out_copy(c, b):
        g = base + c * K
        return pltpu.make_async_copy(obuf.at[b], out_hbm.at[pl.ds(g, K)],
                                     sem_o[b])

    def fire_ids(c, b):
        ca, cb = ids_copies(c, b)
        ca.start()
        cb.start()

    def build_and_fire_gathers(c, b):
        ca, cb = ids_copies(c, b)
        ca.wait()
        cb.wait()
        g = base + c * K
        for i in range(K // L):
            pos = jnp.remainder(g + (L * i) + iota, SEQ)
            ci_v[b, pl.ds(L * i, L)] = 2 * pos + tt_v[b, pl.ds(L * i, L)]
        gather_copy(b).start()

    def tok_loop(b, apply_gb):
        @plsc.parallel_loop(0, K, unroll=4)
        def tok(t):
            ci = ci_v[b, pl.ds(t, L)][0]
            s = jnp.zeros((L,), jnp.float32)
            q = jnp.zeros((L,), jnp.float32)
            vs = []
            for j in range(HID // L):
                v = wrows[b, t, pl.ds(L * j, L)] + comb_v[ci, pl.ds(L * j, L)]
                vs.append(v)
                s = s + v
                q = q + v * v
            mean = jnp.sum(s) * (1.0 / HID)
            var = jnp.sum(q) * (1.0 / HID) - mean * mean
            r = _rsqrt_scalar(var + EPS)
            for j in range(HID // L):
                o = (vs[j] - mean) * r
                if apply_gb:
                    o = o * gregs[j] + bregs[j]
                obuf[b, t, pl.ds(L * j, L)] = o

    def compute(c, b):
        @pl.when(gb_trivial)
        def _():
            tok_loop(b, False)

        @pl.when(jnp.logical_not(gb_trivial))
        def _():
            tok_loop(b, True)

    fire_ids(0, 0)
    build_and_fire_gathers(0, 0)
    fire_ids(1, 1)

    def step(c, b, bn):
        gather_copy(b).wait()

        @pl.when(c + 1 < nchunks)
        def _():
            build_and_fire_gathers(c + 1, bn)

        @pl.when(c + 2 < nchunks)
        def _():
            fire_ids(c + 2, b)

        @pl.when(c >= 2)
        def _():
            out_copy(c - 2, b).wait()

        compute(c, b)
        out_copy(c, b).start()

    def pair(i, carry):
        step(2 * i, 0, 1)
        step(2 * i + 1, 1, 0)
        return carry

    lax.fori_loop(0, nchunks // 2, pair, 0)
    out_copy(nchunks - 2, 0).wait()
    out_copy(nchunks - 1, 1).wait()


def kernel(input_ids, token_type_ids, word_emb, pos_emb, tok_emb, gamma, beta):
    B, S = input_ids.shape
    V, H = word_emb.shape
    N = B * S
    ids = input_ids.reshape(N).astype(jnp.int32)
    tts = token_type_ids.reshape(N).astype(jnp.int32)
    comb = (pos_emb[:S, None, :] + tok_emb[None, :, :]).reshape(2 * S, H)

    mesh = plsc.VectorSubcoreMesh(core_axis_name="c", subcore_axis_name="s")
    run = pl.kernel(
        _body,
        out_type=jax.ShapeDtypeStruct((N, H), jnp.float32),
        mesh=mesh,
        compiler_params=pltpu.CompilerParams(needs_layout_passes=False),
        scratch_types=[
            pltpu.VMEM((2, K), jnp.int32),
            pltpu.VMEM((2, K + L), jnp.int32),
            pltpu.VMEM((2, K), jnp.int32),
            pltpu.VMEM((2, K, HID), jnp.float32),
            pltpu.VMEM((2, K, HID), jnp.float32),
            pltpu.VMEM((2 * SEQ, HID), jnp.float32),
            pltpu.VMEM((2, HID), jnp.float32),
            [pltpu.SemaphoreType.DMA, pltpu.SemaphoreType.DMA],
            [pltpu.SemaphoreType.DMA, pltpu.SemaphoreType.DMA],
            [pltpu.SemaphoreType.DMA, pltpu.SemaphoreType.DMA],
        ],
    )
    out = run(ids, tts, word_emb, comb, gamma, beta)
    return out.reshape(B, S, H)

# --- scband reference (transcript-rebuilt; emitter-appended) ---
"""Pipeline reference for scband-bert-embeddings-36481452212914 (READ-ONLY COPY).

The authoritative reference and input builder live on the scoring server;
editing this copy changes nothing except your own understanding.
"""

import jax, jax.numpy as jnp
import numpy as np

VOCAB = 100000
TT_VOCAB = 2
HIDDEN = 128
MAX_POS = 512
EPS = 1e-12


def setup_inputs(seed: int = 0) -> dict:
    key = jax.random.key(seed)
    k1, k2, k3, k4, k5 = jax.random.split(key, 5)
    input_ids = jax.random.randint(k1, (1024, 200), 0, VOCAB, dtype=jnp.int64 if jax.config.jax_enable_x64 else jnp.int32)
    token_type_ids = jax.random.randint(k2, (1024, 200), 0, TT_VOCAB, dtype=jnp.int64 if jax.config.jax_enable_x64 else jnp.int32)
    word_emb = jax.random.normal(k3, (VOCAB, HIDDEN), dtype=jnp.float32) * 0.02
    word_emb = word_emb.at[0].set(0.0)  # padding_idx = 0
    pos_emb = jax.random.normal(k4, (MAX_POS, HIDDEN), dtype=jnp.float32) * 0.02
    tok_emb = jax.random.normal(k5, (TT_VOCAB, HIDDEN), dtype=jnp.float32) * 0.02
    gamma = jnp.ones((HIDDEN,), dtype=jnp.float32)
    beta = jnp.zeros((HIDDEN,), dtype=jnp.float32)
    return {
        "input_ids": input_ids,
        "token_type_ids": token_type_ids,
        "word_emb": word_emb,
        "pos_emb": pos_emb,
        "tok_emb": tok_emb,
        "gamma": gamma,
        "beta": beta,
    }


def _layer_norm(x, gamma, beta, eps=EPS):
    mean = jnp.mean(x, axis=-1, keepdims=True)
    var = jnp.mean(jnp.square(x - mean), axis=-1, keepdims=True)
    xn = (x - mean) / jnp.sqrt(var + eps)
    return xn * gamma + beta


def reference(input_ids, token_type_ids, word_emb, pos_emb, tok_emb, gamma, beta):
    seq_len = input_ids.shape[1]
    position_ids = jnp.arange(seq_len)  # [S]
    inputs_embeds = jnp.take(word_emb, input_ids, axis=0)          # [B, S, H]
    tt_embeds = jnp.take(tok_emb, token_type_ids, axis=0)          # [B, S, H]
    embeddings = inputs_embeds + tt_embeds
    # absolute position embedding type
    position_embeddings = jnp.take(pos_emb, position_ids, axis=0)  # [S, H]
    embeddings = embeddings + position_embeddings[None, :, :]
    embeddings = _layer_norm(embeddings, gamma, beta)
    # dropout prob = 0.0 (inference): identity; quant stub: identity
    return embeddings

if __name__ == "__main__":
    import jax
    _d = setup_inputs()
    print(jax.jit(kernel)(*tuple(_d.values())))

</pallas_src>

<mosaic_0001>
#map = affine_map<(d0, d1) -> (0)>
#map1 = affine_map<(d0, d1) -> (0, 0)>
module attributes {stable_mosaic.version = 14 : i64} {
  func.func @_body(%arg0: i32, %arg1: i32, %arg2: memref<204800xi32, #tpu.memory_space<hbm>>, %arg3: memref<204800xi32, #tpu.memory_space<hbm>>, %arg4: memref<100000x128xf32, #tpu.memory_space<hbm>>, %arg5: memref<400x128xf32, #tpu.memory_space<hbm>>, %arg6: memref<128xf32, #tpu.memory_space<hbm>>, %arg7: memref<128xf32, #tpu.memory_space<hbm>>, %arg8: memref<204800x128xf32, #tpu.memory_space<hbm>>, %arg9: memref<2x128xi32, #tpu.memory_space<vmem>>, %arg10: memref<2x144xi32, #tpu.memory_space<vmem>>, %arg11: memref<2x128xi32, #tpu.memory_space<vmem>>, %arg12: memref<2x128x128xf32, #tpu.memory_space<vmem>>, %arg13: memref<2x128x128xf32, #tpu.memory_space<vmem>>, %arg14: memref<400x128xf32, #tpu.memory_space<vmem>>, %arg15: memref<2x128xf32, #tpu.memory_space<vmem>>, %arg16: memref<!tpu.dma_semaphore, #tpu.memory_space<semaphore_mem>>, %arg17: memref<!tpu.dma_semaphore, #tpu.memory_space<semaphore_mem>>, %arg18: memref<!tpu.dma_semaphore, #tpu.memory_space<semaphore_mem>>, %arg19: memref<!tpu.dma_semaphore, #tpu.memory_space<semaphore_mem>>, %arg20: memref<!tpu.dma_semaphore, #tpu.memory_space<semaphore_mem>>, %arg21: memref<!tpu.dma_semaphore, #tpu.memory_space<semaphore_mem>>) attributes {dimension_semantics = [#tpu.dimension_semantics<core_parallel>, #tpu.dimension_semantics<subcore_parallel>], iteration_bounds = array<i64: 2, 16>, scalar_prefetch = 0 : i64, scratch_operands = 13 : i64, tpu.core_type = #tpu.core_type<sc_vector_subcore>, window_params = [{transform_indices = #map}, {transform_indices = #map}, {transform_indices = #map1}, {transform_indices = #map1}, {transform_indices = #map}, {transform_indices = #map}, {transform_indices = #map1}]} {
    %mul3A = arith.constant 2 : i32
    %mul3A_0 = arith.muli %arg1, %mul3A : i32
    %add3A = arith.addi %mul3A_0, %arg0 : i32
    %mul3A_1 = arith.constant 6400 : i32
    %mul3A_2 = arith.muli %add3A, %mul3A_1 : i32
    %run_scoped3A = arith.constant 0 : i32
    "tpu.region"() ({
      %run_scoped3A_543 = tpu.sem_alloc : memref<!tpu.dma_semaphore, #tpu.memory_space<semaphore_mem>>
      %dma_start3A_544 = arith.constant 0 : i32
      %dma_start3A_545 = tpu.memref_slice %arg15[%run_scoped3A, %dma_start3A_544] : memref<2x128xf32, #tpu.memory_space<vmem>> -> memref<1x128xf32, #tpu.memory_space<vmem>>
      %dma_start3A_546 = tpu.memref_squeeze %dma_start3A_545 : memref<1x128xf32, #tpu.memory_space<vmem>> -> memref<128xf32, #tpu.memory_space<vmem>>
      %dma_start3A_547 = arith.constant 0 : i32
      %dma_start3A_548 = tpu.memref_slice %arg15[%run_scoped3A, %dma_start3A_547] : memref<2x128xf32, #tpu.memory_space<vmem>> -> memref<1x128xf32, #tpu.memory_space<vmem>>
      %dma_start3A_549 = tpu.memref_squeeze %dma_start3A_548 : memref<1x128xf32, #tpu.memory_space<vmem>> -> memref<128xf32, #tpu.memory_space<vmem>>
      tpu.enqueue_dma source(%arg6 : memref<128xf32, #tpu.memory_space<hbm>>) target(%dma_start3A_549 : memref<128xf32, #tpu.memory_space<vmem>>) target_semaphore(%run_scoped3A_543 : memref<!tpu.dma_semaphore, #tpu.memory_space<semaphore_mem>>)
      %dma_wait3A_550 = arith.constant 0 : i32
      %dma_wait3A_551 = tpu.memref_slice %arg15[%run_scoped3A, %dma_wait3A_550] : memref<2x128xf32, #tpu.memory_space<vmem>> -> memref<1x128xf32, #tpu.memory_space<vmem>>
      %dma_wait3A_552 = tpu.memref_squeeze %dma_wait3A_551 : memref<1x128xf32, #tpu.memory_space<vmem>> -> memref<128xf32, #tpu.memory_space<vmem>>
      %dma_wait3A_553 = arith.constant 0 : i32
      %dma_wait3A_554 = tpu.memref_slice %arg15[%run_scoped3A, %dma_wait3A_553] : memref<2x128xf32, #tpu.memory_space<vmem>> -> memref<1x128xf32, #tpu.memory_space<vmem>>
      %dma_wait3A_555 = tpu.memref_squeeze %dma_wait3A_554 : memref<1x128xf32, #tpu.memory_space<vmem>> -> memref<128xf32, #tpu.memory_space<vmem>>
      tpu.wait_dma2 semaphore(%run_scoped3A_543 : memref<!tpu.dma_semaphore, #tpu.memory_space<semaphore_mem>>) src(%arg6 : memref<128xf32, #tpu.memory_space<hbm>>) dst(%dma_wait3A_555 : memref<128xf32, #tpu.memory_space<vmem>>)
      tpu.yield
    }) : () -> ()
    %run_scoped3A_3 = arith.constant 1 : i32
    "tpu.region"() ({
      %run_scoped3A_543 = tpu.sem_alloc : memref<!tpu.dma_semaphore, #tpu.memory_space<semaphore_mem>>
      %dma_start3A_544 = arith.constant 0 : i32
      %dma_start3A_545 = tpu.memref_slice %arg15[%run_scoped3A_3, %dma_start3A_544] : memref<2x128xf32, #tpu.memory_space<vmem>> -> memref<1x128xf32, #tpu.memory_space<vmem>>
      %dma_start3A_546 = tpu.memref_squeeze %dma_start3A_545 : memref<1x128xf32, #tpu.memory_space<vmem>> -> memref<128xf32, #tpu.memory_space<vmem>>
      %dma_start3A_547 = arith.constant 0 : i32
      %dma_start3A_548 = tpu.memref_slice %arg15[%run_scoped3A_3, %dma_start3A_547] : memref<2x128xf32, #tpu.memory_space<vmem>> -> memref<1x128xf32, #tpu.memory_space<vmem>>
      %dma_start3A_549 = tpu.memref_squeeze %dma_start3A_548 : memref<1x128xf32, #tpu.memory_space<vmem>> -> memref<128xf32, #tpu.memory_space<vmem>>
      tpu.enqueue_dma source(%arg7 : memref<128xf32, #tpu.memory_space<hbm>>) target(%dma_start3A_549 : memref<128xf32, #tpu.memory_space<vmem>>) target_semaphore(%run_scoped3A_543 : memref<!tpu.dma_semaphore, #tpu.memory_space<semaphore_mem>>)
      %dma_wait3A_550 = arith.constant 0 : i32
      %dma_wait3A_551 = tpu.memref_slice %arg15[%run_scoped3A_3, %dma_wait3A_550] : memref<2x128xf32, #tpu.memory_space<vmem>> -> memref<1x128xf32, #tpu.memory_space<vmem>>
      %dma_wait3A_552 = tpu.memref_squeeze %dma_wait3A_551 : memref<1x128xf32, #tpu.memory_space<vmem>> -> memref<128xf32, #tpu.memory_space<vmem>>
      %dma_wait3A_553 = arith.constant 0 : i32
      %dma_wait3A_554 = tpu.memref_slice %arg15[%run_scoped3A_3, %dma_wait3A_553] : memref<2x128xf32, #tpu.memory_space<vmem>> -> memref<1x128xf32, #tpu.memory_space<vmem>>
      %dma_wait3A_555 = tpu.memref_squeeze %dma_wait3A_554 : memref<1x128xf32, #tpu.memory_space<vmem>> -> memref<128xf32, #tpu.memory_space<vmem>>
      tpu.wait_dma2 semaphore(%run_scoped3A_543 : memref<!tpu.dma_semaphore, #tpu.memory_space<semaphore_mem>>) src(%arg7 : memref<128xf32, #tpu.memory_space<hbm>>) dst(%dma_wait3A_555 : memref<128xf32, #tpu.memory_space<vmem>>)
      tpu.yield
    }) : () -> ()
    "tpu.region"() ({
      %run_scoped3A_543 = tpu.sem_alloc : memref<!tpu.dma_semaphore, #tpu.memory_space<semaphore_mem>>
      tpu.enqueue_dma source(%arg5 : memref<400x128xf32, #tpu.memory_space<hbm>>) target(%arg14 : memref<400x128xf32, #tpu.memory_space<vmem>>) target_semaphore(%run_scoped3A_543 : memref<!tpu.dma_semaphore, #tpu.memory_space<semaphore_mem>>)
      tpu.wait_dma2 semaphore(%run_scoped3A_543 : memref<!tpu.dma_semaphore, #tpu.memory_space<semaphore_mem>>) src(%arg5 : memref<400x128xf32, #tpu.memory_space<hbm>>) dst(%arg14 : memref<400x128xf32, #tpu.memory_space<vmem>>)
      tpu.yield
    }) : () -> ()
    %get3A = arith.constant 0 : i32
    %get3A_4 = arith.index_cast %get3A : i32 to index
    %get3A_5 = arith.constant 0 : index
    %get3A_6 = tpu.vector_load %arg15[%get3A_4, %get3A_5] {strides = array<i32>} : memref<2x128xf32, #tpu.memory_space<vmem>>, vector<16xf32>,
    %get3A_7 = arith.constant 0 : i32
    %get3A_8 = arith.index_cast %get3A_7 : i32 to index
    %get3A_9 = arith.constant 16 : index
    %get3A_10 = tpu.vector_load %arg15[%get3A_8, %get3A_9] {strides = array<i32>} : memref<2x128xf32, #tpu.memory_space<vmem>>, vector<16xf32>,
    %get3A_11 = arith.constant 0 : i32
    %get3A_12 = arith.index_cast %get3A_11 : i32 to index
    %get3A_13 = arith.constant 32 : index
    %get3A_14 = tpu.vector_load %arg15[%get3A_12, %get3A_13] {strides = array<i32>} : memref<2x128xf32, #tpu.memory_space<vmem>>, vector<16xf32>,
    %get3A_15 = arith.constant 0 : i32
    %get3A_16 = arith.index_cast %get3A_15 : i32 to index
    %get3A_17 = arith.constant 48 : index
    %get3A_18 = tpu.vector_load %arg15[%get3A_16, %get3A_17] {strides = array<i32>} : memref<2x128xf32, #tpu.memory_space<vmem>>, vector<16xf32>,
    %get3A_19 = arith.constant 0 : i32
    %get3A_20 = arith.index_cast %get3A_19 : i32 to index
    %get3A_21 = arith.constant 64 : index
    %get3A_22 = tpu.vector_load %arg15[%get3A_20, %get3A_21] {strides = array<i32>} : memref<2x128xf32, #tpu.memory_space<vmem>>, vector<16xf32>,
    %get3A_23 = arith.constant 0 : i32
    %get3A_24 = arith.index_cast %get3A_23 : i32 to index
    %get3A_25 = arith.constant 80 : index
    %get3A_26 = tpu.vector_load %arg15[%get3A_24, %get3A_25] {strides = array<i32>} : memref<2x128xf32, #tpu.memory_space<vmem>>, vector<16xf32>,
    %get3A_27 = arith.constant 0 : i32
    %get3A_28 = arith.index_cast %get3A_27 : i32 to index
    %get3A_29 = arith.constant 96 : index
    %get3A_30 = tpu.vector_load %arg15[%get3A_28, %get3A_29] {strides = array<i32>} : memref<2x128xf32, #tpu.memory_space<vmem>>, vector<16xf32>,
    %get3A_31 = arith.constant 0 : i32
    %get3A_32 = arith.index_cast %get3A_31 : i32 to index
    %get3A_33 = arith.constant 112 : index
    %get3A_34 = tpu.vector_load %arg15[%get3A_32, %get3A_33] {strides = array<i32>} : memref<2x128xf32, #tpu.memory_space<vmem>>, vector<16xf32>,
    %get3A_35 = arith.constant 1 : i32
    %get3A_36 = arith.index_cast %get3A_35 : i32 to index
    %get3A_37 = arith.constant 0 : index
    %get3A_38 = tpu.vector_load %arg15[%get3A_36, %get3A_37] {strides = array<i32>} : memref<2x128xf32, #tpu.memory_space<vmem>>, vector<16xf32>,
    %get3A_39 = arith.constant 1 : i32
    %get3A_40 = arith.index_cast %get3A_39 : i32 to index
    %get3A_41 = arith.constant 16 : index
    %get3A_42 = tpu.vector_load %arg15[%get3A_40, %get3A_41] {strides = array<i32>} : memref<2x128xf32, #tpu.memory_space<vmem>>, vector<16xf32>,
    %get3A_43 = arith.constant 1 : i32
    %get3A_44 = arith.index_cast %get3A_43 : i32 to index
    %get3A_45 = arith.constant 32 : index
    %get3A_46 = tpu.vector_load %arg15[%get3A_44, %get3A_45] {strides = array<i32>} : memref<2x128xf32, #tpu.memory_space<vmem>>, vector<16xf32>,
    %get3A_47 = arith.constant 1 : i32
    %get3A_48 = arith.index_cast %get3A_47 : i32 to index
    %get3A_49 = arith.constant 48 : index
    %get3A_50 = tpu.vector_load %arg15[%get3A_48, %get3A_49] {strides = array<i32>} : memref<2x128xf32, #tpu.memory_space<vmem>>, vector<16xf32>,
    %get3A_51 = arith.constant 1 : i32
    %get3A_52 = arith.index_cast %get3A_51 : i32 to index
    %get3A_53 = arith.constant 64 : index
    %get3A_54 = tpu.vector_load %arg15[%get3A_52, %get3A_53] {strides = array<i32>} : memref<2x128xf32, #tpu.memory_space<vmem>>, vector<16xf32>,
    %get3A_55 = arith.constant 1 : i32
    %get3A_56 = arith.index_cast %get3A_55 : i32 to index
    %get3A_57 = arith.constant 80 : index
    %get3A_58 = tpu.vector_load %arg15[%get3A_56, %get3A_57] {strides = array<i32>} : memref<2x128xf32, #tpu.memory_space<vmem>>, vector<16xf32>,
    %get3A_59 = arith.constant 1 : i32
    %get3A_60 = arith.index_cast %get3A_59 : i32 to index
    %get3A_61 = arith.constant 96 : index
    %get3A_62 = tpu.vector_load %arg15[%get3A_60, %get3A_61] {strides = array<i32>} : memref<2x128xf32, #tpu.memory_space<vmem>>, vector<16xf32>,
    %get3A_63 = arith.constant 1 : i32
    %get3A_64 = arith.index_cast %get3A_63 : i32 to index
    %get3A_65 = arith.constant 112 : index
    %get3A_66 = tpu.vector_load %arg15[%get3A_64, %get3A_65] {strides = array<i32>} : memref<2x128xf32, #tpu.memory_space<vmem>>, vector<16xf32>,
    %iota3A = tpu.iota {dimensions = array<i32: 0>} : vector<16xi32>
    %eq3A = arith.constant 1.000000e+00 : f32
    %eq3A_67 = vector.broadcast %eq3A : f32 to vector<16xf32>
    %eq3A_68 = arith.cmpf oeq, %get3A_6, %eq3A_67 : vector<16xf32>
    %eq3A_69 = arith.constant 0.000000e+00 : f32
    %eq3A_70 = vector.broadcast %eq3A_69 : f32 to vector<16xf32>
    %eq3A_71 = arith.cmpf oeq, %get3A_38, %eq3A_70 : vector<16xf32>
    %and3A = arith.andi %eq3A_68, %eq3A_71 : vector<16xi1>
    %eq3A_72 = arith.constant 1.000000e+00 : f32
    %eq3A_73 = vector.broadcast %eq3A_72 : f32 to vector<16xf32>
    %eq3A_74 = arith.cmpf oeq, %get3A_10, %eq3A_73 : vector<16xf32>
    %eq3A_75 = arith.constant 0.000000e+00 : f32
    %eq3A_76 = vector.broadcast %eq3A_75 : f32 to vector<16xf32>
    %eq3A_77 = arith.cmpf oeq, %get3A_42, %eq3A_76 : vector<16xf32>
    %and3A_78 = arith.andi %eq3A_74, %eq3A_77 : vector<16xi1>
    %and3A_79 = arith.andi %and3A, %and3A_78 : vector<16xi1>
    %eq3A_80 = arith.constant 1.000000e+00 : f32
    %eq3A_81 = vector.broadcast %eq3A_80 : f32 to vector<16xf32>
    %eq3A_82 = arith.cmpf oeq, %get3A_14, %eq3A_81 : vector<16xf32>
    %eq3A_83 = arith.constant 0.000000e+00 : f32
    %eq3A_84 = vector.broadcast %eq3A_83 : f32 to vector<16xf32>
    %eq3A_85 = arith.cmpf oeq, %get3A_46, %eq3A_84 : vector<16xf32>
    %and3A_86 = arith.andi %eq3A_82, %eq3A_85 : vector<16xi1>
    %and3A_87 = arith.andi %and3A_79, %and3A_86 : vector<16xi1>
    %eq3A_88 = arith.constant 1.000000e+00 : f32
    %eq3A_89 = vector.broadcast %eq3A_88 : f32 to vector<16xf32>
    %eq3A_90 = arith.cmpf oeq, %get3A_18, %eq3A_89 : vector<16xf32>
    %eq3A_91 = arith.constant 0.000000e+00 : f32
    %eq3A_92 = vector.broadcast %eq3A_91 : f32 to vector<16xf32>
    %eq3A_93 = arith.cmpf oeq, %get3A_50, %eq3A_92 : vector<16xf32>
    %and3A_94 = arith.andi %eq3A_90, %eq3A_93 : vector<16xi1>
    %and3A_95 = arith.andi %and3A_87, %and3A_94 : vector<16xi1>
    %eq3A_96 = arith.constant 1.000000e+00 : f32
    %eq3A_97 = vector.broadcast %eq3A_96 : f32 to vector<16xf32>
    %eq3A_98 = arith.cmpf oeq, %get3A_22, %eq3A_97 : vector<16xf32>
    %eq3A_99 = arith.constant 0.000000e+00 : f32
    %eq3A_100 = vector.broadcast %eq3A_99 : f32 to vector<16xf32>
    %eq3A_101 = arith.cmpf oeq, %get3A_54, %eq3A_100 : vector<16xf32>
    %and3A_102 = arith.andi %eq3A_98, %eq3A_101 : vector<16xi1>
    %and3A_103 = arith.andi %and3A_95, %and3A_102 : vector<16xi1>
    %eq3A_104 = arith.constant 1.000000e+00 : f32
    %eq3A_105 = vector.broadcast %eq3A_104 : f32 to vector<16xf32>
    %eq3A_106 = arith.cmpf oeq, %get3A_26, %eq3A_105 : vector<16xf32>
    %eq3A_107 = arith.constant 0.000000e+00 : f32
    %eq3A_108 = vector.broadcast %eq3A_107 : f32 to vector<16xf32>
    %eq3A_109 = arith.cmpf oeq, %get3A_58, %eq3A_108 : vector<16xf32>
    %and3A_110 = arith.andi %eq3A_106, %eq3A_109 : vector<16xi1>
    %and3A_111 = arith.andi %and3A_103, %and3A_110 : vector<16xi1>
    %eq3A_112 = arith.constant 1.000000e+00 : f32
    %eq3A_113 = vector.broadcast %eq3A_112 : f32 to vector<16xf32>
    %eq3A_114 = arith.cmpf oeq, %get3A_30, %eq3A_113 : vector<16xf32>
    %eq3A_115 = arith.constant 0.000000e+00 : f32
    %eq3A_116 = vector.broadcast %eq3A_115 : f32 to vector<16xf32>
    %eq3A_117 = arith.cmpf oeq, %get3A_62, %eq3A_116 : vector<16xf32>
    %and3A_118 = arith.andi %eq3A_114, %eq3A_117 : vector<16xi1>
    %and3A_119 = arith.andi %and3A_111, %and3A_118 : vector<16xi1>
    %eq3A_120 = arith.constant 1.000000e+00 : f32
    %eq3A_121 = vector.broadcast %eq3A_120 : f32 to vector<16xf32>
    %eq3A_122 = arith.cmpf oeq, %get3A_34, %eq3A_121 : vector<16xf32>
    %eq3A_123 = arith.constant 0.000000e+00 : f32
    %eq3A_124 = vector.broadcast %eq3A_123 : f32 to vector<16xf32>
    %eq3A_125 = arith.cmpf oeq, %get3A_66, %eq3A_124 : vector<16xf32>
    %and3A_126 = arith.andi %eq3A_122, %eq3A_125 : vector<16xi1>
    %and3A_127 = arith.andi %and3A_119, %and3A_126 : vector<16xi1>
    %reduce_and3A = arith.constant 1.000000e+00 : f32
    %reduce_and3A_128 = arith.constant 0.000000e+00 : f32
    %reduce_and3A_129 = vector.broadcast %reduce_and3A : f32 to vector<16xf32>
    %reduce_and3A_130 = vector.broadcast %reduce_and3A_128 : f32 to vector<16xf32>
    %reduce_and3A_131 = arith.select %and3A_127, %reduce_and3A_129, %reduce_and3A_130 : vector<16xi1>, vector<16xf32>
    %reduce_and3A_132 = arith.constant true
    %reduce_and3A_133 = vector.broadcast %reduce_and3A_132 : i1 to vector<16xi1>
    %reduce_and3A_134 = tpu.scan <min>, %reduce_and3A_131 masked %reduce_and3A_133 : vector<16xf32>, vector<16xi1> -> vector<16xf32>
    %reduce_and3A_135 = vector.extract %reduce_and3A_134[15] : f32 from vector<16xf32>
    %reduce_and3A_136 = arith.constant 0.000000e+00 : f32
    %reduce_and3A_137 = arith.cmpf ogt, %reduce_and3A_135, %reduce_and3A_136 : f32
    %add3A_138 = arith.constant 0 : i32
    %add3A_139 = arith.addi %mul3A_2, %add3A_138 : i32
    %dma_start3A = arith.constant 0 : i32
    %dma_start3A_140 = arith.constant 0 : i32
    %dma_start3A_141 = tpu.memref_slice %arg9[%dma_start3A, %dma_start3A_140] : memref<2x128xi32, #tpu.memory_space<vmem>> -> memref<1x128xi32, #tpu.memory_space<vmem>>
    %dma_start3A_142 = tpu.memref_squeeze %dma_start3A_141 : memref<1x128xi32, #tpu.memory_space<vmem>> -> memref<128xi32, #tpu.memory_space<vmem>>
    %dma_start3A_143 = tpu.memref_slice %arg2[%add3A_139] : memref<204800xi32, #tpu.memory_space<hbm>> -> memref<128xi32, #tpu.memory_space<hbm>>
    %dma_start3A_144 = arith.constant 0 : i32
    %dma_start3A_145 = tpu.memref_slice %arg9[%dma_start3A, %dma_start3A_144] : memref<2x128xi32, #tpu.memory_space<vmem>> -> memref<1x128xi32, #tpu.memory_space<vmem>>
    %dma_start3A_146 = tpu.memref_squeeze %dma_start3A_145 : memref<1x128xi32, #tpu.memory_space<vmem>> -> memref<128xi32, #tpu.memory_space<vmem>>
    %dma_start3A_147 = tpu.memref_slice %arg2[%add3A_139] : memref<204800xi32, #tpu.memory_space<hbm>> -> memref<128xi32, #tpu.memory_space<hbm>>
    tpu.enqueue_dma source(%dma_start3A_147 : memref<128xi32, #tpu.memory_space<hbm>>) target(%dma_start3A_146 : memref<128xi32, #tpu.memory_space<vmem>>) target_semaphore(%arg16 : memref<!tpu.dma_semaphore, #tpu.memory_space<semaphore_mem>>)
    %dma_start3A_148 = arith.constant 0 : i32
    %dma_start3A_149 = arith.constant 0 : i32
    %dma_start3A_150 = tpu.memref_slice %arg11[%dma_start3A_148, %dma_start3A_149] : memref<2x128xi32, #tpu.memory_space<vmem>> -> memref<1x128xi32, #tpu.memory_space<vmem>>
    %dma_start3A_151 = tpu.memref_squeeze %dma_start3A_150 : memref<1x128xi32, #tpu.memory_space<vmem>> -> memref<128xi32, #tpu.memory_space<vmem>>
    %dma_start3A_152 = tpu.memref_slice %arg3[%add3A_139] : memref<204800xi32, #tpu.memory_space<hbm>> -> memref<128xi32, #tpu.memory_space<hbm>>
    %dma_start3A_153 = arith.constant 0 : i32
    %dma_start3A_154 = tpu.memref_slice %arg11[%dma_start3A_148, %dma_start3A_153] : memref<2x128xi32, #tpu.memory_space<vmem>> -> memref<1x128xi32, #tpu.memory_space<vmem>>
    %dma_start3A_155 = tpu.memref_squeeze %dma_start3A_154 : memref<1x128xi32, #tpu.memory_space<vmem>> -> memref<128xi32, #tpu.memory_space<vmem>>
    %dma_start3A_156 = tpu.memref_slice %arg3[%add3A_139] : memref<204800xi32, #tpu.memory_space<hbm>> -> memref<128xi32, #tpu.memory_space<hbm>>
    tpu.enqueue_dma source(%dma_start3A_156 : memref<128xi32, #tpu.memory_space<hbm>>) target(%dma_start3A_155 : memref<128xi32, #tpu.memory_space<vmem>>) target_semaphore(%arg16 : memref<!tpu.dma_semaphore, #tpu.memory_space<semaphore_mem>>)
    %add3A_157 = arith.constant 0 : i32
    %add3A_158 = arith.addi %mul3A_2, %add3A_157 : i32
    %dma_wait3A = arith.constant 0 : i32
    %dma_wait3A_159 = arith.constant 0 : i32
    %dma_wait3A_160 = tpu.memref_slice %arg9[%dma_wait3A, %dma_wait3A_159] : memref<2x128xi32, #tpu.memory_space<vmem>> -> memref<1x128xi32, #tpu.memory_space<vmem>>
    %dma_wait3A_161 = tpu.memref_squeeze %dma_wait3A_160 : memref<1x128xi32, #tpu.memory_space<vmem>> -> memref<128xi32, #tpu.memory_space<vmem>>
    %dma_wait3A_162 = tpu.memref_slice %arg2[%add3A_158] : memref<204800xi32, #tpu.memory_space<hbm>> -> memref<128xi32, #tpu.memory_space<hbm>>
    %dma_wait3A_163 = arith.constant 0 : i32
    %dma_wait3A_164 = tpu.memref_slice %arg9[%dma_wait3A, %dma_wait3A_163] : memref<2x128xi32, #tpu.memory_space<vmem>> -> memref<1x128xi32, #tpu.memory_space<vmem>>
    %dma_wait3A_165 = tpu.memref_squeeze %dma_wait3A_164 : memref<1x128xi32, #tpu.memory_space<vmem>> -> memref<128xi32, #tpu.memory_space<vmem>>
    %dma_wait3A_166 = tpu.memref_slice %arg2[%add3A_158] : memref<204800xi32, #tpu.memory_space<hbm>> -> memref<128xi32, #tpu.memory_space<hbm>>
    tpu.wait_dma2 semaphore(%arg16 : memref<!tpu.dma_semaphore, #tpu.memory_space<semaphore_mem>>) src(%dma_wait3A_166 : memref<128xi32, #tpu.memory_space<hbm>>) dst(%dma_wait3A_165 : memref<128xi32, #tpu.memory_space<vmem>>)
    %dma_wait3A_167 = arith.constant 0 : i32
    %dma_wait3A_168 = arith.constant 0 : i32
    %dma_wait3A_169 = tpu.memref_slice %arg11[%dma_wait3A_167, %dma_wait3A_168] : memref<2x128xi32, #tpu.memory_space<vmem>> -> memref<1x128xi32, #tpu.memory_space<vmem>>
    %dma_wait3A_170 = tpu.memref_squeeze %dma_wait3A_169 : memref<1x128xi32, #tpu.memory_space<vmem>> -> memref<128xi32, #tpu.memory_space<vmem>>
    %dma_wait3A_171 = tpu.memref_slice %arg3[%add3A_158] : memref<204800xi32, #tpu.memory_space<hbm>> -> memref<128xi32, #tpu.memory_space<hbm>>
    %dma_wait3A_172 = arith.constant 0 : i32
    %dma_wait3A_173 = tpu.memref_slice %arg11[%dma_wait3A_167, %dma_wait3A_172] : memref<2x128xi32, #tpu.memory_space<vmem>> -> memref<1x128xi32, #tpu.memory_space<vmem>>
    %dma_wait3A_174 = tpu.memref_squeeze %dma_wait3A_173 : memref<1x128xi32, #tpu.memory_space<vmem>> -> memref<128xi32, #tpu.memory_space<vmem>>
    %dma_wait3A_175 = tpu.memref_slice %arg3[%add3A_158] : memref<204800xi32, #tpu.memory_space<hbm>> -> memref<128xi32, #tpu.memory_space<hbm>>
    tpu.wait_dma2 semaphore(%arg16 : memref<!tpu.dma_semaphore, #tpu.memory_space<semaphore_mem>>) src(%dma_wait3A_175 : memref<128xi32, #tpu.memory_space<hbm>>) dst(%dma_wait3A_174 : memref<128xi32, #tpu.memory_space<vmem>>)
    %add3A_176 = arith.constant 0 : i32
    %add3A_177 = arith.addi %mul3A_2, %add3A_176 : i32
    %add3A_178 = arith.constant 0 : i32
    %add3A_179 = arith.addi %add3A_177, %add3A_178 : i32
    %add3A_180 = vector.broadcast %add3A_179 : i32 to vector<16xi32>
    %add3A_181 = arith.addi %add3A_180, %iota3A : vector<16xi32>
    %jit3A = arith.constant 200 : i32
    %eq3A_182 = arith.constant 0 : i32
    %eq3A_183 = arith.cmpi eq, %jit3A, %eq3A_182 : i32
    %jit3A_184 = arith.constant 1 : i32
    %select_n3A = arith.select %eq3A_183, %jit3A_184, %jit3A : i32
    %rem3A = vector.broadcast %select_n3A : i32 to vector<16xi32>
    %rem3A_185 = arith.remsi %add3A_181, %rem3A : vector<16xi32>
    %ne3A = arith.constant 0 : i32
    %ne3A_186 = vector.broadcast %ne3A : i32 to vector<16xi32>
    %ne3A_187 = arith.cmpi ne, %rem3A_185, %ne3A_186 : vector<16xi32>
    %lt3A = arith.constant 0 : i32
    %lt3A_188 = vector.broadcast %lt3A : i32 to vector<16xi32>
    %lt3A_189 = arith.cmpi slt, %rem3A_185, %lt3A_188 : vector<16xi32>
    %lt3A_190 = arith.constant 0 : i32
    %lt3A_191 = arith.cmpi slt, %select_n3A, %lt3A_190 : i32
    %ne3A_192 = vector.broadcast %lt3A_191 : i1 to vector<16xi1>
    %ne3A_193 = vector.broadcast %ne3A_192 : vector<16xi1> to vector<16xi1>
    %ne3A_194 = arith.xori %lt3A_189, %ne3A_193 : vector<16xi1>
    %and3A_195 = arith.andi %ne3A_194, %ne3A_187 : vector<16xi1>
    %add3A_196 = vector.broadcast %select_n3A : i32 to vector<16xi32>
    %add3A_197 = arith.addi %rem3A_185, %add3A_196 : vector<16xi32>
    %select_n3A_198 = arith.select %and3A_195, %add3A_197, %rem3A_185 : vector<16xi1>, vector<16xi32>
    %mul3A_199 = arith.constant 2 : i32
    %mul3A_200 = vector.broadcast %mul3A_199 : i32 to vector<16xi32>
    %mul3A_201 = arith.muli %mul3A_200, %select_n3A_198 : vector<16xi32>
    %get3A_202 = arith.constant 0 : i32
    %get3A_203 = arith.index_cast %get3A_202 : i32 to index
    %get3A_204 = arith.constant 0 : index
    %get3A_205 = tpu.vector_load %arg11[%get3A_203, %get3A_204] {strides = array<i32>} : memref<2x128xi32, #tpu.memory_space<vmem>>, vector<16xi32>,
    %add3A_206 = arith.addi %mul3A_201, %get3A_205 : vector<16xi32>
    %swap3A = arith.constant 0 : i32
    %swap3A_207 = arith.index_cast %swap3A : i32 to index
    %swap3A_208 = arith.constant 0 : index
    %swap3A_209 = tpu.vector_load %arg10[%swap3A_207, %swap3A_208] {strides = array<i32>} : memref<2x144xi32, #tpu.memory_space<vmem>>, vector<16xi32>,
    tpu.vector_store %arg10[%swap3A_207, %swap3A_208], %add3A_206 {strides = array<i32>} : memref<2x144xi32, #tpu.memory_space<vmem>>, vector<16xi32>,
    %add3A_210 = arith.constant 16 : i32
    %add3A_211 = arith.addi %add3A_177, %add3A_210 : i32
    %add3A_212 = vector.broadcast %add3A_211 : i32 to vector<16xi32>
    %add3A_213 = arith.addi %add3A_212, %iota3A : vector<16xi32>
    %jit3A_214 = arith.constant 200 : i32
    %eq3A_215 = arith.constant 0 : i32
    %eq3A_216 = arith.cmpi eq, %jit3A_214, %eq3A_215 : i32
    %jit3A_217 = arith.constant 1 : i32
    %select_n3A_218 = arith.select %eq3A_216, %jit3A_217, %jit3A_214 : i32
    %rem3A_219 = vector.broadcast %select_n3A_218 : i32 to vector<16xi32>
    %rem3A_220 = arith.remsi %add3A_213, %rem3A_219 : vector<16xi32>
    %ne3A_221 = arith.constant 0 : i32
    %ne3A_222 = vector.broadcast %ne3A_221 : i32 to vector<16xi32>
    %ne3A_223 = arith.cmpi ne, %rem3A_220, %ne3A_222 : vector<16xi32>
    %lt3A_224 = arith.constant 0 : i32
    %lt3A_225 = vector.broadcast %lt3A_224 : i32 to vector<16xi32>
    %lt3A_226 = arith.cmpi slt, %rem3A_220, %lt3A_225 : vector<16xi32>
    %lt3A_227 = arith.constant 0 : i32
    %lt3A_228 = arith.cmpi slt, %select_n3A_218, %lt3A_227 : i32
    %ne3A_229 = vector.broadcast %lt3A_228 : i1 to vector<16xi1>
    %ne3A_230 = vector.broadcast %ne3A_229 : vector<16xi1> to vector<16xi1>
    %ne3A_231 = arith.xori %lt3A_226, %ne3A_230 : vector<16xi1>
    %and3A_232 = arith.andi %ne3A_231, %ne3A_223 : vector<16xi1>
    %add3A_233 = vector.broadcast %select_n3A_218 : i32 to vector<16xi32>
    %add3A_234 = arith.addi %rem3A_220, %add3A_233 : vector<16xi32>
    %select_n3A_235 = arith.select %and3A_232, %add3A_234, %rem3A_220 : vector<16xi1>, vector<16xi32>
    %mul3A_236 = arith.constant 2 : i32
    %mul3A_237 = vector.broadcast %mul3A_236 : i32 to vector<16xi32>
    %mul3A_238 = arith.muli %mul3A_237, %select_n3A_235 : vector<16xi32>
    %get3A_239 = arith.constant 0 : i32
    %get3A_240 = arith.index_cast %get3A_239 : i32 to index
    %get3A_241 = arith.constant 16 : index
    %get3A_242 = tpu.vector_load %arg11[%get3A_240, %get3A_241] {strides = array<i32>} : memref<2x128xi32, #tpu.memory_space<vmem>>, vector<16xi32>,
    %add3A_243 = arith.addi %mul3A_238, %get3A_242 : vector<16xi32>
    %swap3A_244 = arith.constant 0 : i32
    %swap3A_245 = arith.index_cast %swap3A_244 : i32 to index
    %swap3A_246 = arith.constant 16 : index
    %swap3A_247 = tpu.vector_load %arg10[%swap3A_245, %swap3A_246] {strides = array<i32>} : memref<2x144xi32, #tpu.memory_space<vmem>>, vector<16xi32>,
    tpu.vector_store %arg10[%swap3A_245, %swap3A_246], %add3A_243 {strides = array<i32>} : memref<2x144xi32, #tpu.memory_space<vmem>>, vector<16xi32>,
    %add3A_248 = arith.constant 32 : i32
    %add3A_249 = arith.addi %add3A_177, %add3A_248 : i32
    %add3A_250 = vector.broadcast %add3A_249 : i32 to vector<16xi32>
    %add3A_251 = arith.addi %add3A_250, %iota3A : vector<16xi32>
    %jit3A_252 = arith.constant 200 : i32
    %eq3A_253 = arith.constant 0 : i32
    %eq3A_254 = arith.cmpi eq, %jit3A_252, %eq3A_253 : i32
    %jit3A_255 = arith.constant 1 : i32
    %select_n3A_256 = arith.select %eq3A_254, %jit3A_255, %jit3A_252 : i32
    %rem3A_257 = vector.broadcast %select_n3A_256 : i32 to vector<16xi32>
    %rem3A_258 = arith.remsi %add3A_251, %rem3A_257 : vector<16xi32>
    %ne3A_259 = arith.constant 0 : i32
    %ne3A_260 = vector.broadcast %ne3A_259 : i32 to vector<16xi32>
    %ne3A_261 = arith.cmpi ne, %rem3A_258, %ne3A_260 : vector<16xi32>
    %lt3A_262 = arith.constant 0 : i32
    %lt3A_263 = vector.broadcast %lt3A_262 : i32 to vector<16xi32>
    %lt3A_264 = arith.cmpi slt, %rem3A_258, %lt3A_263 : vector<16xi32>
    %lt3A_265 = arith.constant 0 : i32
    %lt3A_266 = arith.cmpi slt, %select_n3A_256, %lt3A_265 : i32
    %ne3A_267 = vector.broadcast %lt3A_266 : i1 to vector<16xi1>
    %ne3A_268 = vector.broadcast %ne3A_267 : vector<16xi1> to vector<16xi1>
    %ne3A_269 = arith.xori %lt3A_264, %ne3A_268 : vector<16xi1>
    %and3A_270 = arith.andi %ne3A_269, %ne3A_261 : vector<16xi1>
    %add3A_271 = vector.broadcast %select_n3A_256 : i32 to vector<16xi32>
    %add3A_272 = arith.addi %rem3A_258, %add3A_271 : vector<16xi32>
    %select_n3A_273 = arith.select %and3A_270, %add3A_272, %rem3A_258 : vector<16xi1>, vector<16xi32>
    %mul3A_274 = arith.constant 2 : i32
    %mul3A_275 = vector.broadcast %mul3A_274 : i32 to vector<16xi32>
    %mul3A_276 = arith.muli %mul3A_275, %select_n3A_273 : vector<16xi32>
    %get3A_277 = arith.constant 0 : i32
    %get3A_278 = arith.index_cast %get3A_277 : i32 to index
    %get3A_279 = arith.constant 32 : index
    %get3A_280 = tpu.vector_load %arg11[%get3A_278, %get3A_279] {strides = array<i32>} : memref<2x128xi32, #tpu.memory_space<vmem>>, vector<16xi32>,
    %add3A_281 = arith.addi %mul3A_276, %get3A_280 : vector<16xi32>
    %swap3A_282 = arith.constant 0 : i32
    %swap3A_283 = arith.index_cast %swap3A_282 : i32 to index
    %swap3A_284 = arith.constant 32 : index
    %swap3A_285 = tpu.vector_load %arg10[%swap3A_283, %swap3A_284] {strides = array<i32>} : memref<2x144xi32, #tpu.memory_space<vmem>>, vector<16xi32>,
    tpu.vector_store %arg10[%swap3A_283, %swap3A_284], %add3A_281 {strides = array<i32>} : memref<2x144xi32, #tpu.memory_space<vmem>>, vector<16xi32>,
    %add3A_286 = arith.constant 48 : i32
    %add3A_287 = arith.addi %add3A_177, %add3A_286 : i32
    %add3A_288 = vector.broadcast %add3A_287 : i32 to vector<16xi32>
    %add3A_289 = arith.addi %add3A_288, %iota3A : vector<16xi32>
    %jit3A_290 = arith.constant 200 : i32
    %eq3A_291 = arith.constant 0 : i32
    %eq3A_292 = arith.cmpi eq, %jit3A_290, %eq3A_291 : i32
    %jit3A_293 = arith.constant 1 : i32
    %select_n3A_294 = arith.select %eq3A_292, %jit3A_293, %jit3A_290 : i32
    %rem3A_295 = vector.broadcast %select_n3A_294 : i32 to vector<16xi32>
    %rem3A_296 = arith.remsi %add3A_289, %rem3A_295 : vector<16xi32>
    %ne3A_297 = arith.constant 0 : i32
    %ne3A_298 = vector.broadcast %ne3A_297 : i32 to vector<16xi32>
    %ne3A_299 = arith.cmpi ne, %rem3A_296, %ne3A_298 : vector<16xi32>
    %lt3A_300 = arith.constant 0 : i32
    %lt3A_301 = vector.broadcast %lt3A_300 : i32 to vector<16xi32>
    %lt3A_302 = arith.cmpi slt, %rem3A_296, %lt3A_301 : vector<16xi32>
    %lt3A_303 = arith.constant 0 : i32
    %lt3A_304 = arith.cmpi slt, %select_n3A_294, %lt3A_303 : i32
    %ne3A_305 = vector.broadcast %lt3A_304 : i1 to vector<16xi1>
    %ne3A_306 = vector.broadcast %ne3A_305 : vector<16xi1> to vector<16xi1>
    %ne3A_307 = arith.xori %lt3A_302, %ne3A_306 : vector<16xi1>
    %and3A_308 = arith.andi %ne3A_307, %ne3A_299 : vector<16xi1>
    %add3A_309 = vector.broadcast %select_n3A_294 : i32 to vector<16xi32>
    %add3A_310 = arith.addi %rem3A_296, %add3A_309 : vector<16xi32>
    %select_n3A_311 = arith.select %and3A_308, %add3A_310, %rem3A_296 : vector<16xi1>, vector<16xi32>
    %mul3A_312 = arith.constant 2 : i32
    %mul3A_313 = vector.broadcast %mul3A_312 : i32 to vector<16xi32>
    %mul3A_314 = arith.muli %mul3A_313, %select_n3A_311 : vector<16xi32>
    %get3A_315 = arith.constant 0 : i32
    %get3A_316 = arith.index_cast %get3A_315 : i32 to index
    %get3A_317 = arith.constant 48 : index
    %get3A_318 = tpu.vector_load %arg11[%get3A_316, %get3A_317] {strides = array<i32>} : memref<2x128xi32, #tpu.memory_space<vmem>>, vector<16xi32>,
    %add3A_319 = arith.addi %mul3A_314, %get3A_318 : vector<16xi32>
    %swap3A_320 = arith.constant 0 : i32
    %swap3A_321 = arith.index_cast %swap3A_320 : i32 to index
    %swap3A_322 = arith.constant 48 : index
    %swap3A_323 = tpu.vector_load %arg10[%swap3A_321, %swap3A_322] {strides = array<i32>} : memref<2x144xi32, #tpu.memory_space<vmem>>, vector<16xi32>,
    tpu.vector_store %arg10[%swap3A_321, %swap3A_322], %add3A_319 {strides = array<i32>} : memref<2x144xi32, #tpu.memory_space<vmem>>, vector<16xi32>,
    %add3A_324 = arith.constant 64 : i32
    %add3A_325 = arith.addi %add3A_177, %add3A_324 : i32
    %add3A_326 = vector.broadcast %add3A_325 : i32 to vector<16xi32>
    %add3A_327 = arith.addi %add3A_326, %iota3A : vector<16xi32>
    %jit3A_328 = arith.constant 200 : i32
    %eq3A_329 = arith.constant 0 : i32
    %eq3A_330 = arith.cmpi eq, %jit3A_328, %eq3A_329 : i32
    %jit3A_331 = arith.constant 1 : i32
    %select_n3A_332 = arith.select %eq3A_330, %jit3A_331, %jit3A_328 : i32
    %rem3A_333 = vector.broadcast %select_n3A_332 : i32 to vector<16xi32>
    %rem3A_334 = arith.remsi %add3A_327, %rem3A_333 : vector<16xi32>
    %ne3A_335 = arith.constant 0 : i32
    %ne3A_336 = vector.broadcast %ne3A_335 : i32 to vector<16xi32>
    %ne3A_337 = arith.cmpi ne, %rem3A_334, %ne3A_336 : vector<16xi32>
    %lt3A_338 = arith.constant 0 : i32
    %lt3A_339 = vector.broadcast %lt3A_338 : i32 to vector<16xi32>
    %lt3A_340 = arith.cmpi slt, %rem3A_334, %lt3A_339 : vector<16xi32>
    %lt3A_341 = arith.constant 0 : i32
    %lt3A_342 = arith.cmpi slt, %select_n3A_332, %lt3A_341 : i32
    %ne3A_343 = vector.broadcast %lt3A_342 : i1 to vector<16xi1>
    %ne3A_344 = vector.broadcast %ne3A_343 : vector<16xi1> to vector<16xi1>
    %ne3A_345 = arith.xori %lt3A_340, %ne3A_344 : vector<16xi1>
    %and3A_346 = arith.andi %ne3A_345, %ne3A_337 : vector<16xi1>
    %add3A_347 = vector.broadcast %select_n3A_332 : i32 to vector<16xi32>
    %add3A_348 = arith.addi %rem3A_334, %add3A_347 : vector<16xi32>
    %select_n3A_349 = arith.select %and3A_346, %add3A_348, %rem3A_334 : vector<16xi1>, vector<16xi32>
    %mul3A_350 = arith.constant 2 : i32
    %mul3A_351 = vector.broadcast %mul3A_350 : i32 to vector<16xi32>
    %mul3A_352 = arith.muli %mul3A_351, %select_n3A_349 : vector<16xi32>
    %get3A_353 = arith.constant 0 : i32
    %get3A_354 = arith.index_cast %get3A_353 : i32 to index
    %get3A_355 = arith.constant 64 : index
    %get3A_356 = tpu.vector_load %arg11[%get3A_354, %get3A_355] {strides = array<i32>} : memref<2x128xi32, #tpu.memory_space<vmem>>, vector<16xi32>,
    %add3A_357 = arith.addi %mul3A_352, %get3A_356 : vector<16xi32>
    %swap3A_358 = arith.constant 0 : i32
    %swap3A_359 = arith.index_cast %swap3A_358 : i32 to index
    %swap3A_360 = arith.constant 64 : index
    %swap3A_361 = tpu.vector_load %arg10[%swap3A_359, %swap3A_360] {strides = array<i32>} : memref<2x144xi32, #tpu.memory_space<vmem>>, vector<16xi32>,
    tpu.vector_store %arg10[%swap3A_359, %swap3A_360], %add3A_357 {strides = array<i32>} : memref<2x144xi32, #tpu.memory_space<vmem>>, vector<16xi32>,
    %add3A_362 = arith.constant 80 : i32
    %add3A_363 = arith.addi %add3A_177, %add3A_362 : i32
    %add3A_364 = vector.broadcast %add3A_363 : i32 to vector<16xi32>
    %add3A_365 = arith.addi %add3A_364, %iota3A : vector<16xi32>
    %jit3A_366 = arith.constant 200 : i32
    %eq3A_367 = arith.constant 0 : i32
    %eq3A_368 = arith.cmpi eq, %jit3A_366, %eq3A_367 : i32
    %jit3A_369 = arith.constant 1 : i32
    %select_n3A_370 = arith.select %eq3A_368, %jit3A_369, %jit3A_366 : i32
    %rem3A_371 = vector.broadcast %select_n3A_370 : i32 to vector<16xi32>
    %rem3A_372 = arith.remsi %add3A_365, %rem3A_371 : vector<16xi32>
    %ne3A_373 = arith.constant 0 : i32
    %ne3A_374 = vector.broadcast %ne3A_373 : i32 to vector<16xi32>
    %ne3A_375 = arith.cmpi ne, %rem3A_372, %ne3A_374 : vector<16xi32>
    %lt3A_376 = arith.constant 0 : i32
    %lt3A_377 = vector.broadcast %lt3A_376 : i32 to vector<16xi32>
    %lt3A_378 = arith.cmpi slt, %rem3A_372, %lt3A_377 : vector<16xi32>
    %lt3A_379 = arith.constant 0 : i32
    %lt3A_380 = arith.cmpi slt, %select_n3A_370, %lt3A_379 : i32
    %ne3A_381 = vector.broadcast %lt3A_380 : i1 to vector<16xi1>
    %ne3A_382 = vector.broadcast %ne3A_381 : vector<16xi1> to vector<16xi1>
    %ne3A_383 = arith.xori %lt3A_378, %ne3A_382 : vector<16xi1>
    %and3A_384 = arith.andi %ne3A_383, %ne3A_375 : vector<16xi1>
    %add3A_385 = vector.broadcast %select_n3A_370 : i32 to vector<16xi32>
    %add3A_386 = arith.addi %rem3A_372, %add3A_385 : vector<16xi32>
    %select_n3A_387 = arith.select %and3A_384, %add3A_386, %rem3A_372 : vector<16xi1>, vector<16xi32>
    %mul3A_388 = arith.constant 2 : i32
    %mul3A_389 = vector.broadcast %mul3A_388 : i32 to vector<16xi32>
    %mul3A_390 = arith.muli %mul3A_389, %select_n3A_387 : vector<16xi32>
    %get3A_391 = arith.constant 0 : i32
    %get3A_392 = arith.index_cast %get3A_391 : i32 to index
    %get3A_393 = arith.constant 80 : index
    %get3A_394 = tpu.vector_load %arg11[%get3A_392, %get3A_393] {strides = array<i32>} : memref<2x128xi32, #tpu.memory_space<vmem>>, vector<16xi32>,
    %add3A_395 = arith.addi %mul3A_390, %get3A_394 : vector<16xi32>
    %swap3A_396 = arith.constant 0 : i32
    %swap3A_397 = arith.index_cast %swap3A_396 : i32 to index
    %swap3A_398 = arith.constant 80 : index
    %swap3A_399 = tpu.vector_load %arg10[%swap3A_397, %swap3A_398] {strides = array<i32>} : memref<2x144xi32, #tpu.memory_space<vmem>>, vector<16xi32>,
    tpu.vector_store %arg10[%swap3A_397, %swap3A_398], %add3A_395 {strides = array<i32>} : memref<2x144xi32, #tpu.memory_space<vmem>>, vector<16xi32>,
    %add3A_400 = arith.constant 96 : i32
    %add3A_401 = arith.addi %add3A_177, %add3A_400 : i32
    %add3A_402 = vector.broadcast %add3A_401 : i32 to vector<16xi32>
    %add3A_403 = arith.addi %add3A_402, %iota3A : vector<16xi32>
    %jit3A_404 = arith.constant 200 : i32
    %eq3A_405 = arith.constant 0 : i32
    %eq3A_406 = arith.cmpi eq, %jit3A_404, %eq3A_405 : i32
    %jit3A_407 = arith.constant 1 : i32
    %select_n3A_408 = arith.select %eq3A_406, %jit3A_407, %jit3A_404 : i32
    %rem3A_409 = vector.broadcast %select_n3A_408 : i32 to vector<16xi32>
    %rem3A_410 = arith.remsi %add3A_403, %rem3A_409 : vector<16xi32>
    %ne3A_411 = arith.constant 0 : i32
    %ne3A_412 = vector.broadcast %ne3A_411 : i32 to vector<16xi32>
    %ne3A_413 = arith.cmpi ne, %rem3A_410, %ne3A_412 : vector<16xi32>
    %lt3A_414 = arith.constant 0 : i32
    %lt3A_415 = vector.broadcast %lt3A_414 : i32 to vector<16xi32>
    %lt3A_416 = arith.cmpi slt, %rem3A_410, %lt3A_415 : vector<16xi32>
    %lt3A_417 = arith.constant 0 : i32
    %lt3A_418 = arith.cmpi slt, %select_n3A_408, %lt3A_417 : i32
    %ne3A_419 = vector.broadcast %lt3A_418 : i1 to vector<16xi1>
    %ne3A_420 = vector.broadcast %ne3A_419 : vector<16xi1> to vector<16xi1>
    %ne3A_421 = arith.xori %lt3A_416, %ne3A_420 : vector<16xi1>
    %and3A_422 = arith.andi %ne3A_421, %ne3A_413 : vector<16xi1>
    %add3A_423 = vector.broadcast %select_n3A_408 : i32 to vector<16xi32>
    %add3A_424 = arith.addi %rem3A_410, %add3A_423 : vector<16xi32>
    %select_n3A_425 = arith.select %and3A_422, %add3A_424, %rem3A_410 : vector<16xi1>, vector<16xi32>
    %mul3A_426 = arith.constant 2 : i32
    %mul3A_427 = vector.broadcast %mul3A_426 : i32 to vector<16xi32>
    %mul3A_428 = arith.muli %mul3A_427, %select_n3A_425 : vector<16xi32>
    %get3A_429 = arith.constant 0 : i32
    %get3A_430 = arith.index_cast %get3A_429 : i32 to index
    %get3A_431 = arith.constant 96 : index
    %get3A_432 = tpu.vector_load %arg11[%get3A_430, %get3A_431] {strides = array<i32>} : memref<2x128xi32, #tpu.memory_space<vmem>>, vector<16xi32>,
    %add3A_433 = arith.addi %mul3A_428, %get3A_432 : vector<16xi32>
    %swap3A_434 = arith.constant 0 : i32
    %swap3A_435 = arith.index_cast %swap3A_434 : i32 to index
    %swap3A_436 = arith.constant 96 : index
    %swap3A_437 = tpu.vector_load %arg10[%swap3A_435, %swap3A_436] {strides = array<i32>} : memref<2x144xi32, #tpu.memory_space<vmem>>, vector<16xi32>,
    tpu.vector_store %arg10[%swap3A_435, %swap3A_436], %add3A_433 {strides = array<i32>} : memref<2x144xi32, #tpu.memory_space<vmem>>, vector<16xi32>,
    %add3A_438 = arith.constant 112 : i32
    %add3A_439 = arith.addi %add3A_177, %add3A_438 : i32
    %add3A_440 = vector.broadcast %add3A_439 : i32 to vector<16xi32>
    %add3A_441 = arith.addi %add3A_440, %iota3A : vector<16xi32>
    %jit3A_442 = arith.constant 200 : i32
    %eq3A_443 = arith.constant 0 : i32
    %eq3A_444 = arith.cmpi eq, %jit3A_442, %eq3A_443 : i32
    %jit3A_445 = arith.constant 1 : i32
    %select_n3A_446 = arith.select %eq3A_444, %jit3A_445, %jit3A_442 : i32
    %rem3A_447 = vector.broadcast %select_n3A_446 : i32 to vector<16xi32>
    %rem3A_448 = arith.remsi %add3A_441, %rem3A_447 : vector<16xi32>
    %ne3A_449 = arith.constant 0 : i32
    %ne3A_450 = vector.broadcast %ne3A_449 : i32 to vector<16xi32>
    %ne3A_451 = arith.cmpi ne, %rem3A_448, %ne3A_450 : vector<16xi32>
    %lt3A_452 = arith.constant 0 : i32
    %lt3A_453 = vector.broadcast %lt3A_452 : i32 to vector<16xi32>
    %lt3A_454 = arith.cmpi slt, %rem3A_448, %lt3A_453 : vector<16xi32>
    %lt3A_455 = arith.constant 0 : i32
    %lt3A_456 = arith.cmpi slt, %select_n3A_446, %lt3A_455 : i32
    %ne3A_457 = vector.broadcast %lt3A_456 : i1 to vector<16xi1>
    %ne3A_458 = vector.broadcast %ne3A_457 : vector<16xi1> to vector<16xi1>
    %ne3A_459 = arith.xori %lt3A_454, %ne3A_458 : vector<16xi1>
    %and3A_460 = arith.andi %ne3A_459, %ne3A_451 : vector<16xi1>
    %add3A_461 = vector.broadcast %select_n3A_446 : i32 to vector<16xi32>
    %add3A_462 = arith.addi %rem3A_448, %add3A_461 : vector<16xi32>
    %select_n3A_463 = arith.select %and3A_460, %add3A_462, %rem3A_448 : vector<16xi1>, vector<16xi32>
    %mul3A_464 = arith.constant 2 : i32
    %mul3A_465 = vector.broadcast %mul3A_464 : i32 to vector<16xi32>
    %mul3A_466 = arith.muli %mul3A_465, %select_n3A_463 : vector<16xi32>
    %get3A_467 = arith.constant 0 : i32
    %get3A_468 = arith.index_cast %get3A_467 : i32 to index
    %get3A_469 = arith.constant 112 : index
    %get3A_470 = tpu.vector_load %arg11[%get3A_468, %get3A_469] {strides = array<i32>} : memref<2x128xi32, #tpu.memory_space<vmem>>, vector<16xi32>,
    %add3A_471 = arith.addi %mul3A_466, %get3A_470 : vector<16xi32>
    %swap3A_472 = arith.constant 0 : i32
    %swap3A_473 = arith.index_cast %swap3A_472 : i32 to index
    %swap3A_474 = arith.constant 112 : index
    %swap3A_475 = tpu.vector_load %arg10[%swap3A_473, %swap3A_474] {strides = array<i32>} : memref<2x144xi32, #tpu.memory_space<vmem>>, vector<16xi32>,
    tpu.vector_store %arg10[%swap3A_473, %swap3A_474], %add3A_471 {strides = array<i32>} : memref<2x144xi32, #tpu.memory_space<vmem>>, vector<16xi32>,
    %dma_start3A_476 = arith.constant 0 : i32
    %dma_start3A_477 = arith.constant 0 : i32
    %dma_start3A_478 = arith.constant 0 : i32
    %dma_start3A_479 = arith.constant 0 : i32
    %dma_start3A_480 = tpu.memref_slice %arg12[%dma_start3A_477, %dma_start3A_478, %dma_start3A_479] : memref<2x128x128xf32, #tpu.memory_space<vmem>> -> memref<1x128x128xf32, #tpu.memory_space<vmem>>
    %dma_start3A_481 = tpu.memref_squeeze %dma_start3A_480 : memref<1x128x128xf32, #tpu.memory_space<vmem>> -> memref<128x128xf32, #tpu.memory_space<vmem>>
    %dma_start3A_482 = arith.constant 0 : i32
    %dma_start3A_483 = tpu.memref_slice %arg9[%dma_start3A_476, %dma_start3A_482] : memref<2x128xi32, #tpu.memory_space<vmem>> -> memref<1x128xi32, #tpu.memory_space<vmem>>
    %dma_start3A_484 = tpu.memref_squeeze %dma_start3A_483 : memref<1x128xi32, #tpu.memory_space<vmem>> -> memref<128xi32, #tpu.memory_space<vmem>>
    %dma_start3A_485 = arith.constant 0 : i32
    %dma_start3A_486 = arith.constant 0 : i32
    %dma_start3A_487 = tpu.memref_slice %arg4[%dma_start3A_485, %dma_start3A_486] : memref<100000x128xf32, #tpu.memory_space<hbm>> -> memref<100000x128xf32, #tpu.memory_space<hbm>>
    tpu.enqueue_indirect_dma source(%dma_start3A_487 : memref<100000x128xf32, #tpu.memory_space<hbm>>) target(%dma_start3A_481 : memref<128x128xf32, #tpu.memory_space<vmem>>) offsets(%dma_start3A_484 : memref<128xi32, #tpu.memory_space<vmem>>) semaphore(%arg18 : memref<!tpu.dma_semaphore, #tpu.memory_space<semaphore_mem>>)
    %add3A_488 = arith.constant 128 : i32
    %add3A_489 = arith.addi %mul3A_2, %add3A_488 : i32
    %dma_start3A_490 = arith.constant 1 : i32
    %dma_start3A_491 = arith.constant 0 : i32
    %dma_start3A_492 = tpu.memref_slice %arg9[%dma_start3A_490, %dma_start3A_491] : memref<2x128xi32, #tpu.memory_space<vmem>> -> memref<1x128xi32, #tpu.memory_space<vmem>>
    %dma_start3A_493 = tpu.memref_squeeze %dma_start3A_492 : memref<1x128xi32, #tpu.memory_space<vmem>> -> memref<128xi32, #tpu.memory_space<vmem>>
    %dma_start3A_494 = tpu.memref_slice %arg2[%add3A_489] : memref<204800xi32, #tpu.memory_space<hbm>> -> memref<128xi32, #tpu.memory_space<hbm>>
    %dma_start3A_495 = arith.constant 0 : i32
    %dma_start3A_496 = tpu.memref_slice %arg9[%dma_start3A_490, %dma_start3A_495] : memref<2x128xi32, #tpu.memory_space<vmem>> -> memref<1x128xi32, #tpu.memory_space<vmem>>
    %dma_start3A_497 = tpu.memref_squeeze %dma_start3A_496 : memref<1x128xi32, #tpu.memory_space<vmem>> -> memref<128xi32, #tpu.memory_space<vmem>>
    %dma_start3A_498 = tpu.memref_slice %arg2[%add3A_489] : memref<204800xi32, #tpu.memory_space<hbm>> -> memref<128xi32, #tpu.memory_space<hbm>>
    tpu.enqueue_dma source(%dma_start3A_498 : memref<128xi32, #tpu.memory_space<hbm>>) target(%dma_start3A_497 : memref<128xi32, #tpu.memory_space<vmem>>) target_semaphore(%arg17 : memref<!tpu.dma_semaphore, #tpu.memory_space<semaphore_mem>>)
    %dma_start3A_499 = arith.constant 1 : i32
    %dma_start3A_500 = arith.constant 0 : i32
    %dma_start3A_501 = tpu.memref_slice %arg11[%dma_start3A_499, %dma_start3A_500] : memref<2x128xi32, #tpu.memory_space<vmem>> -> memref<1x128xi32, #tpu.memory_space<vmem>>
    %dma_start3A_502 = tpu.memref_squeeze %dma_start3A_501 : memref<1x128xi32, #tpu.memory_space<vmem>> -> memref<128xi32, #tpu.memory_space<vmem>>
    %dma_start3A_503 = tpu.memref_slice %arg3[%add3A_489] : memref<204800xi32, #tpu.memory_space<hbm>> -> memref<128xi32, #tpu.memory_space<hbm>>
    %dma_start3A_504 = arith.constant 0 : i32
    %dma_start3A_505 = tpu.memref_slice %arg11[%dma_start3A_499, %dma_start3A_504] : memref<2x128xi32, #tpu.memory_space<vmem>> -> memref<1x128xi32, #tpu.memory_space<vmem>>
    %dma_start3A_506 = tpu.memref_squeeze %dma_start3A_505 : memref<1x128xi32, #tpu.memory_space<vmem>> -> memref<128xi32, #tpu.memory_space<vmem>>
    %dma_start3A_507 = tpu.memref_slice %arg3[%add3A_489] : memref<204800xi32, #tpu.memory_space<hbm>> -> memref<128xi32, #tpu.memory_space<hbm>>
    tpu.enqueue_dma source(%dma_start3A_507 : memref<128xi32, #tpu.memory_space<hbm>>) target(%dma_start3A_506 : memref<128xi32, #tpu.memory_space<vmem>>) target_semaphore(%arg17 : memref<!tpu.dma_semaphore, #tpu.memory_space<semaphore_mem>>)
    %scan3A = arith.constant 0 : i32
    %scan3A_508 = arith.constant 0 : i32
    %scan3A_509 = arith.constant 25 : i32
    %scan3A_510 = arith.addi %scan3A_508, %scan3A_509 : i32
    %scan3A_511 = arith.constant 1 : i32
    scf.for %scan3A_543 = %scan3A_508 to %scan3A_510 step %scan3A_511  : i32 {
      %mul3A_544 = arith.constant 2 : i32
      %mul3A_545 = arith.muli %mul3A_544, %scan3A_543 : i32
      %dma_wait3A_546 = arith.constant 0 : i32
      %dma_wait3A_547 = arith.constant 0 : i32
      %dma_wait3A_548 = arith.constant 0 : i32
      %dma_wait3A_549 = arith.constant 0 : i32
      %dma_wait3A_550 = tpu.memref_slice %arg12[%dma_wait3A_547, %dma_wait3A_548, %dma_wait3A_549] : memref<2x128x128xf32, #tpu.memory_space<vmem>> -> memref<1x128x128xf32, #tpu.memory_space<vmem>>
      %dma_wait3A_551 = tpu.memref_squeeze %dma_wait3A_550 : memref<1x128x128xf32, #tpu.memory_space<vmem>> -> memref<128x128xf32, #tpu.memory_space<vmem>>
      %dma_wait3A_552 = arith.constant 0 : i32
      %dma_wait3A_553 = tpu.memref_slice %arg9[%dma_wait3A_546, %dma_wait3A_552] : memref<2x128xi32, #tpu.memory_space<vmem>> -> memref<1x128xi32, #tpu.memory_space<vmem>>
      %dma_wait3A_554 = tpu.memref_squeeze %dma_wait3A_553 : memref<1x128xi32, #tpu.memory_space<vmem>> -> memref<128xi32, #tpu.memory_space<vmem>>
      %dma_wait3A_555 = arith.constant 0 : i32
      %dma_wait3A_556 = arith.constant 0 : i32
      %dma_wait3A_557 = tpu.memref_slice %arg4[%dma_wait3A_555, %dma_wait3A_556] : memref<100000x128xf32, #tpu.memory_space<hbm>> -> memref<100000x128xf32, #tpu.memory_space<hbm>>
      tpu.wait_indirect_dma semaphore(%arg18 : memref<!tpu.dma_semaphore, #tpu.memory_space<semaphore_mem>>) src(%dma_wait3A_557 : memref<100000x128xf32, #tpu.memory_space<hbm>>) dst(%dma_wait3A_551 : memref<128x128xf32, #tpu.memory_space<vmem>>)
      %add3A_558 = arith.constant 1 : i32
      %add3A_559 = arith.addi %mul3A_545, %add3A_558 : i32
      %lt3A_560 = arith.constant 50 : i32
      %lt3A_561 = arith.cmpi slt, %add3A_559, %lt3A_560 : i32
      %convert_element_type3A = arith.extui %lt3A_561 : i1 to i32
      %cond3A = arith.constant 0 : i32
      %cond3A_562 = arith.cmpi ne, %convert_element_type3A, %cond3A : i32
      scf.if %cond3A_562 {
        %add3A_656 = arith.constant 1 : i32
        %add3A_657 = arith.addi %mul3A_545, %add3A_656 : i32
        %mul3A_658 = arith.constant 128 : i32
        %mul3A_659 = arith.muli %add3A_657, %mul3A_658 : i32
        %add3A_660 = arith.addi %mul3A_2, %mul3A_659 : i32
        %dma_wait3A_661 = arith.constant 1 : i32
        %dma_wait3A_662 = arith.constant 0 : i32
        %dma_wait3A_663 = tpu.memref_slice %arg9[%dma_wait3A_661, %dma_wait3A_662] : memref<2x128xi32, #tpu.memory_space<vmem>> -> memref<1x128xi32, #tpu.memory_space<vmem>>
        %dma_wait3A_664 = tpu.memref_squeeze %dma_wait3A_663 : memref<1x128xi32, #tpu.memory_space<vmem>> -> memref<128xi32, #tpu.memory_space<vmem>>
        %dma_wait3A_665 = tpu.memref_slice %arg2[%add3A_660] : memref<204800xi32, #tpu.memory_space<hbm>> -> memref<128xi32, #tpu.memory_space<hbm>>
        %dma_wait3A_666 = arith.constant 0 : i32
        %dma_wait3A_667 = tpu.memref_slice %arg9[%dma_wait3A_661, %dma_wait3A_666] : memref<2x128xi32, #tpu.memory_space<vmem>> -> memref<1x128xi32, #tpu.memory_space<vmem>>
        %dma_wait3A_668 = tpu.memref_squeeze %dma_wait3A_667 : memref<1x128xi32, #tpu.memory_space<vmem>> -> memref<128xi32, #tpu.memory_space<vmem>>
        %dma_wait3A_669 = tpu.memref_slice %arg2[%add3A_660] : memref<204800xi32, #tpu.memory_space<hbm>> -> memref<128xi32, #tpu.memory_space<hbm>>
        tpu.wait_dma2 semaphore(%arg17 : memref<!tpu.dma_semaphore, #tpu.memory_space<semaphore_mem>>) src(%dma_wait3A_669 : memref<128xi32, #tpu.memory_space<hbm>>) dst(%dma_wait3A_668 : memref<128xi32, #tpu.memory_space<vmem>>)
        %dma_wait3A_670 = arith.constant 1 : i32
        %dma_wait3A_671 = arith.constant 0 : i32
        %dma_wait3A_672 = tpu.memref_slice %arg11[%dma_wait3A_670, %dma_wait3A_671] : memref<2x128xi32, #tpu.memory_space<vmem>> -> memref<1x128xi32, #tpu.memory_space<vmem>>
        %dma_wait3A_673 = tpu.memref_squeeze %dma_wait3A_672 : memref<1x128xi32, #tpu.memory_space<vmem>> -> memref<128xi32, #tpu.memory_space<vmem>>
        %dma_wait3A_674 = tpu.memref_slice %arg3[%add3A_660] : memref<204800xi32, #tpu.memory_space<hbm>> -> memref<128xi32, #tpu.memory_space<hbm>>
        %dma_wait3A_675 = arith.constant 0 : i32
        %dma_wait3A_676 = tpu.memref_slice %arg11[%dma_wait3A_670, %dma_wait3A_675] : memref<2x128xi32, #tpu.memory_space<vmem>> -> memref<1x128xi32, #tpu.memory_space<vmem>>
        %dma_wait3A_677 = tpu.memref_squeeze %dma_wait3A_676 : memref<1x128xi32, #tpu.memory_space<vmem>> -> memref<128xi32, #tpu.memory_space<vmem>>
        %dma_wait3A_678 = tpu.memref_slice %arg3[%add3A_660] : memref<204800xi32, #tpu.memory_space<hbm>> -> memref<128xi32, #tpu.memory_space<hbm>>
        tpu.wait_dma2 semaphore(%arg17 : memref<!tpu.dma_semaphore, #tpu.memory_space<semaphore_mem>>) src(%dma_wait3A_678 : memref<128xi32, #tpu.memory_space<hbm>>) dst(%dma_wait3A_677 : memref<128xi32, #tpu.memory_space<vmem>>)
        %mul3A_679 = arith.constant 128 : i32
        %mul3A_680 = arith.muli %add3A_657, %mul3A_679 : i32
        %add3A_681 = arith.addi %mul3A_2, %mul3A_680 : i32
        %add3A_682 = arith.constant 0 : i32
        %add3A_683 = arith.addi %add3A_681, %add3A_682 : i32
        %add3A_684 = vector.broadcast %add3A_683 : i32 to vector<16xi32>
        %add3A_685 = arith.addi %add3A_684, %iota3A : vector<16xi32>
        %jit3A_686 = arith.constant 200 : i32
        %eq3A_687 = arith.constant 0 : i32
        %eq3A_688 = arith.cmpi eq, %jit3A_686, %eq3A_687 : i32
        %jit3A_689 = arith.constant 1 : i32
        %select_n3A_690 = arith.select %eq3A_688, %jit3A_689, %jit3A_686 : i32
        %rem3A_691 = vector.broadcast %select_n3A_690 : i32 to vector<16xi32>
        %rem3A_692 = arith.remsi %add3A_685, %rem3A_691 : vector<16xi32>
        %ne3A_693 = arith.constant 0 : i32
        %ne3A_694 = vector.broadcast %ne3A_693 : i32 to vector<16xi32>
        %ne3A_695 = arith.cmpi ne, %rem3A_692, %ne3A_694 : vector<16xi32>
        %lt3A_696 = arith.constant 0 : i32
        %lt3A_697 = vector.broadcast %lt3A_696 : i32 to vector<16xi32>
        %lt3A_698 = arith.cmpi slt, %rem3A_692, %lt3A_697 : vector<16xi32>
        %lt3A_699 = arith.constant 0 : i32
        %lt3A_700 = arith.cmpi slt, %select_n3A_690, %lt3A_699 : i32
        %ne3A_701 = vector.broadcast %lt3A_700 : i1 to vector<16xi1>
        %ne3A_702 = vector.broadcast %ne3A_701 : vector<16xi1> to vector<16xi1>
        %ne3A_703 = arith.xori %lt3A_698, %ne3A_702 : vector<16xi1>
        %and3A_704 = arith.andi %ne3A_703, %ne3A_695 : vector<16xi1>
        %add3A_705 = vector.broadcast %select_n3A_690 : i32 to vector<16xi32>
        %add3A_706 = arith.addi %rem3A_692, %add3A_705 : vector<16xi32>
        %select_n3A_707 = arith.select %and3A_704, %add3A_706, %rem3A_692 : vector<16xi1>, vector<16xi32>
        %mul3A_708 = arith.constant 2 : i32
        %mul3A_709 = vector.broadcast %mul3A_708 : i32 to vector<16xi32>
        %mul3A_710 = arith.muli %mul3A_709, %select_n3A_707 : vector<16xi32>
        %get3A_711 = arith.constant 1 : i32
        %get3A_712 = arith.index_cast %get3A_711 : i32 to index
        %get3A_713 = arith.constant 0 : index
        %get3A_714 = tpu.vector_load %arg11[%get3A_712, %get3A_713] {strides = array<i32>} : memref<2x128xi32, #tpu.memory_space<vmem>>, vector<16xi32>,
        %add3A_715 = arith.addi %mul3A_710, %get3A_714 : vector<16xi32>
        %swap3A_716 = arith.constant 1 : i32
        %swap3A_717 = arith.index_cast %swap3A_716 : i32 to index
        %swap3A_718 = arith.constant 0 : index
        %swap3A_719 = tpu.vector_load %arg10[%swap3A_717, %swap3A_718] {strides = array<i32>} : memref<2x144xi32, #tpu.memory_space<vmem>>, vector<16xi32>,
        tpu.vector_store %arg10[%swap3A_717, %swap3A_718], %add3A_715 {strides = array<i32>} : memref<2x144xi32, #tpu.memory_space<vmem>>, vector<16xi32>,
        %add3A_720 = arith.constant 16 : i32
        %add3A_721 = arith.addi %add3A_681, %add3A_720 : i32
        %add3A_722 = vector.broadcast %add3A_721 : i32 to vector<16xi32>
        %add3A_723 = arith.addi %add3A_722, %iota3A : vector<16xi32>
        %jit3A_724 = arith.constant 200 : i32
        %eq3A_725 = arith.constant 0 : i32
        %eq3A_726 = arith.cmpi eq, %jit3A_724, %eq3A_725 : i32
        %jit3A_727 = arith.constant 1 : i32
        %select_n3A_728 = arith.select %eq3A_726, %jit3A_727, %jit3A_724 : i32
        %rem3A_729 = vector.broadcast %select_n3A_728 : i32 to vector<16xi32>
        %rem3A_730 = arith.remsi %add3A_723, %rem3A_729 : vector<16xi32>
        %ne3A_731 = arith.constant 0 : i32
        %ne3A_732 = vector.broadcast %ne3A_731 : i32 to vector<16xi32>
        %ne3A_733 = arith.cmpi ne, %rem3A_730, %ne3A_732 : vector<16xi32>
        %lt3A_734 = arith.constant 0 : i32
        %lt3A_735 = vector.broadcast %lt3A_734 : i32 to vector<16xi32>
        %lt3A_736 = arith.cmpi slt, %rem3A_730, %lt3A_735 : vector<16xi32>
        %lt3A_737 = arith.constant 0 : i32
        %lt3A_738 = arith.cmpi slt, %select_n3A_728, %lt3A_737 : i32
        %ne3A_739 = vector.broadcast %lt3A_738 : i1 to vector<16xi1>
        %ne3A_740 = vector.broadcast %ne3A_739 : vector<16xi1> to vector<16xi1>
        %ne3A_741 = arith.xori %lt3A_736, %ne3A_740 : vector<16xi1>
        %and3A_742 = arith.andi %ne3A_741, %ne3A_733 : vector<16xi1>
        %add3A_743 = vector.broadcast %select_n3A_728 : i32 to vector<16xi32>
        %add3A_744 = arith.addi %rem3A_730, %add3A_743 : vector<16xi32>
        %select_n3A_745 = arith.select %and3A_742, %add3A_744, %rem3A_730 : vector<16xi1>, vector<16xi32>
        %mul3A_746 = arith.constant 2 : i32
        %mul3A_747 = vector.broadcast %mul3A_746 : i32 to vector<16xi32>
        %mul3A_748 = arith.muli %mul3A_747, %select_n3A_745 : vector<16xi32>
        %get3A_749 = arith.constant 1 : i32
        %get3A_750 = arith.index_cast %get3A_749 : i32 to index
        %get3A_751 = arith.constant 16 : index
        %get3A_752 = tpu.vector_load %arg11[%get3A_750, %get3A_751] {strides = array<i32>} : memref<2x128xi32, #tpu.memory_space<vmem>>, vector<16xi32>,
        %add3A_753 = arith.addi %mul3A_748, %get3A_752 : vector<16xi32>
        %swap3A_754 = arith.constant 1 : i32
        %swap3A_755 = arith.index_cast %swap3A_754 : i32 to index
        %swap3A_756 = arith.constant 16 : index
        %swap3A_757 = tpu.vector_load %arg10[%swap3A_755, %swap3A_756] {strides = array<i32>} : memref<2x144xi32, #tpu.memory_space<vmem>>, vector<16xi32>,
        tpu.vector_store %arg10[%swap3A_755, %swap3A_756], %add3A_753 {strides = array<i32>} : memref<2x144xi32, #tpu.memory_space<vmem>>, vector<16xi32>,
        %add3A_758 = arith.constant 32 : i32
        %add3A_759 = arith.addi %add3A_681, %add3A_758 : i32
        %add3A_760 = vector.broadcast %add3A_759 : i32 to vector<16xi32>
        %add3A_761 = arith.addi %add3A_760, %iota3A : vector<16xi32>
        %jit3A_762 = arith.constant 200 : i32
        %eq3A_763 = arith.constant 0 : i32
        %eq3A_764 = arith.cmpi eq, %jit3A_762, %eq3A_763 : i32
        %jit3A_765 = arith.constant 1 : i32
        %select_n3A_766 = arith.select %eq3A_764, %jit3A_765, %jit3A_762 : i32
        %rem3A_767 = vector.broadcast %select_n3A_766 : i32 to vector<16xi32>
        %rem3A_768 = arith.remsi %add3A_761, %rem3A_767 : vector<16xi32>
        %ne3A_769 = arith.constant 0 : i32
        %ne3A_770 = vector.broadcast %ne3A_769 : i32 to vector<16xi32>
        %ne3A_771 = arith.cmpi ne, %rem3A_768, %ne3A_770 : vector<16xi32>
        %lt3A_772 = arith.constant 0 : i32
        %lt3A_773 = vector.broadcast %lt3A_772 : i32 to vector<16xi32>
        %lt3A_774 = arith.cmpi slt, %rem3A_768, %lt3A_773 : vector<16xi32>
        %lt3A_775 = arith.constant 0 : i32
        %lt3A_776 = arith.cmpi slt, %select_n3A_766, %lt3A_775 : i32
        %ne3A_777 = vector.broadcast %lt3A_776 : i1 to vector<16xi1>
        %ne3A_778 = vector.broadcast %ne3A_777 : vector<16xi1> to vector<16xi1>
        %ne3A_779 = arith.xori %lt3A_774, %ne3A_778 : vector<16xi1>
        %and3A_780 = arith.andi %ne3A_779, %ne3A_771 : vector<16xi1>
        %add3A_781 = vector.broadcast %select_n3A_766 : i32 to vector<16xi32>
        %add3A_782 = arith.addi %rem3A_768, %add3A_781 : vector<16xi32>
        %select_n3A_783 = arith.select %and3A_780, %add3A_782, %rem3A_768 : vector<16xi1>, vector<16xi32>
        %mul3A_784 = arith.constant 2 : i32
        %mul3A_785 = vector.broadcast %mul3A_784 : i32 to vector<16xi32>
        %mul3A_786 = arith.muli %mul3A_785, %select_n3A_783 : vector<16xi32>
        %get3A_787 = arith.constant 1 : i32
        %get3A_788 = arith.index_cast %get3A_787 : i32 to index
        %get3A_789 = arith.constant 32 : index
        %get3A_790 = tpu.vector_load %arg11[%get3A_788, %get3A_789] {strides = array<i32>} : memref<2x128xi32, #tpu.memory_space<vmem>>, vector<16xi32>,
        %add3A_791 = arith.addi %mul3A_786, %get3A_790 : vector<16xi32>
        %swap3A_792 = arith.constant 1 : i32
        %swap3A_793 = arith.index_cast %swap3A_792 : i32 to index
        %swap3A_794 = arith.constant 32 : index
        %swap3A_795 = tpu.vector_load %arg10[%swap3A_793, %swap3A_794] {strides = array<i32>} : memref<2x144xi32, #tpu.memory_space<vmem>>, vector<16xi32>,
        tpu.vector_store %arg10[%swap3A_793, %swap3A_794], %add3A_791 {strides = array<i32>} : memref<2x144xi32, #tpu.memory_space<vmem>>, vector<16xi32>,
        %add3A_796 = arith.constant 48 : i32
        %add3A_797 = arith.addi %add3A_681, %add3A_796 : i32
        %add3A_798 = vector.broadcast %add3A_797 : i32 to vector<16xi32>
        %add3A_799 = arith.addi %add3A_798, %iota3A : vector<16xi32>
        %jit3A_800 = arith.constant 200 : i32
        %eq3A_801 = arith.constant 0 : i32
        %eq3A_802 = arith.cmpi eq, %jit3A_800, %eq3A_801 : i32
        %jit3A_803 = arith.constant 1 : i32
        %select_n3A_804 = arith.select %eq3A_802, %jit3A_803, %jit3A_800 : i32
        %rem3A_805 = vector.broadcast %select_n3A_804 : i32 to vector<16xi32>
        %rem3A_806 = arith.remsi %add3A_799, %rem3A_805 : vector<16xi32>
        %ne3A_807 = arith.constant 0 : i32
        %ne3A_808 = vector.broadcast %ne3A_807 : i32 to vector<16xi32>
        %ne3A_809 = arith.cmpi ne, %rem3A_806, %ne3A_808 : vector<16xi32>
        %lt3A_810 = arith.constant 0 : i32
        %lt3A_811 = vector.broadcast %lt3A_810 : i32 to vector<16xi32>
        %lt3A_812 = arith.cmpi slt, %rem3A_806, %lt3A_811 : vector<16xi32>
        %lt3A_813 = arith.constant 0 : i32
        %lt3A_814 = arith.cmpi slt, %select_n3A_804, %lt3A_813 : i32
        %ne3A_815 = vector.broadcast %lt3A_814 : i1 to vector<16xi1>
        %ne3A_816 = vector.broadcast %ne3A_815 : vector<16xi1> to vector<16xi1>
        %ne3A_817 = arith.xori %lt3A_812, %ne3A_816 : vector<16xi1>
        %and3A_818 = arith.andi %ne3A_817, %ne3A_809 : vector<16xi1>
        %add3A_819 = vector.broadcast %select_n3A_804 : i32 to vector<16xi32>
        %add3A_820 = arith.addi %rem3A_806, %add3A_819 : vector<16xi32>
        %select_n3A_821 = arith.select %and3A_818, %add3A_820, %rem3A_806 : vector<16xi1>, vector<16xi32>
        %mul3A_822 = arith.constant 2 : i32
        %mul3A_823 = vector.broadcast %mul3A_822 : i32 to vector<16xi32>
        %mul3A_824 = arith.muli %mul3A_823, %select_n3A_821 : vector<16xi32>
        %get3A_825 = arith.constant 1 : i32
        %get3A_826 = arith.index_cast %get3A_825 : i32 to index
        %get3A_827 = arith.constant 48 : index
        %get3A_828 = tpu.vector_load %arg11[%get3A_826, %get3A_827] {strides = array<i32>} : memref<2x128xi32, #tpu.memory_space<vmem>>, vector<16xi32>,
        %add3A_829 = arith.addi %mul3A_824, %get3A_828 : vector<16xi32>
        %swap3A_830 = arith.constant 1 : i32
        %swap3A_831 = arith.index_cast %swap3A_830 : i32 to index
        %swap3A_832 = arith.constant 48 : index
        %swap3A_833 = tpu.vector_load %arg10[%swap3A_831, %swap3A_832] {strides = array<i32>} : memref<2x144xi32, #tpu.memory_space<vmem>>, vector<16xi32>,
        tpu.vector_store %arg10[%swap3A_831, %swap3A_832], %add3A_829 {strides = array<i32>} : memref<2x144xi32, #tpu.memory_space<vmem>>, vector<16xi32>,
        %add3A_834 = arith.constant 64 : i32
        %add3A_835 = arith.addi %add3A_681, %add3A_834 : i32
        %add3A_836 = vector.broadcast %add3A_835 : i32 to vector<16xi32>
        %add3A_837 = arith.addi %add3A_836, %iota3A : vector<16xi32>
        %jit3A_838 = arith.constant 200 : i32
        %eq3A_839 = arith.constant 0 : i32
        %eq3A_840 = arith.cmpi eq, %jit3A_838, %eq3A_839 : i32
        %jit3A_841 = arith.constant 1 : i32
        %select_n3A_842 = arith.select %eq3A_840, %jit3A_841, %jit3A_838 : i32
        %rem3A_843 = vector.broadcast %select_n3A_842 : i32 to vector<16xi32>
        %rem3A_844 = arith.remsi %add3A_837, %rem3A_843 : vector<16xi32>
        %ne3A_845 = arith.constant 0 : i32
        %ne3A_846 = vector.broadcast %ne3A_845 : i32 to vector<16xi32>
        %ne3A_847 = arith.cmpi ne, %rem3A_844, %ne3A_846 : vector<16xi32>
        %lt3A_848 = arith.constant 0 : i32
        %lt3A_849 = vector.broadcast %lt3A_848 : i32 to vector<16xi32>
        %lt3A_850 = arith.cmpi slt, %rem3A_844, %lt3A_849 : vector<16xi32>
        %lt3A_851 = arith.constant 0 : i32
        %lt3A_852 = arith.cmpi slt, %select_n3A_842, %lt3A_851 : i32
        %ne3A_853 = vector.broadcast %lt3A_852 : i1 to vector<16xi1>
        %ne3A_854 = vector.broadcast %ne3A_853 : vector<16xi1> to vector<16xi1>
        %ne3A_855 = arith.xori %lt3A_850, %ne3A_854 : vector<16xi1>
        %and3A_856 = arith.andi %ne3A_855, %ne3A_847 : vector<16xi1>
        %add3A_857 = vector.broadcast %select_n3A_842 : i32 to vector<16xi32>
        %add3A_858 = arith.addi %rem3A_844, %add3A_857 : vector<16xi32>
        %select_n3A_859 = arith.select %and3A_856, %add3A_858, %rem3A_844 : vector<16xi1>, vector<16xi32>
        %mul3A_860 = arith.constant 2 : i32
        %mul3A_861 = vector.broadcast %mul3A_860 : i32 to vector<16xi32>
        %mul3A_862 = arith.muli %mul3A_861, %select_n3A_859 : vector<16xi32>
        %get3A_863 = arith.constant 1 : i32
        %get3A_864 = arith.index_cast %get3A_863 : i32 to index
        %get3A_865 = arith.constant 64 : index
        %get3A_866 = tpu.vector_load %arg11[%get3A_864, %get3A_865] {strides = array<i32>} : memref<2x128xi32, #tpu.memory_space<vmem>>, vector<16xi32>,
        %add3A_867 = arith.addi %mul3A_862, %get3A_866 : vector<16xi32>
        %swap3A_868 = arith.constant 1 : i32
        %swap3A_869 = arith.index_cast %swap3A_868 : i32 to index
        %swap3A_870 = arith.constant 64 : index
        %swap3A_871 = tpu.vector_load %arg10[%swap3A_869, %swap3A_870] {strides = array<i32>} : memref<2x144xi32, #tpu.memory_space<vmem>>, vector<16xi32>,
        tpu.vector_store %arg10[%swap3A_869, %swap3A_870], %add3A_867 {strides = array<i32>} : memref<2x144xi32, #tpu.memory_space<vmem>>, vector<16xi32>,
        %add3A_872 = arith.constant 80 : i32
        %add3A_873 = arith.addi %add3A_681, %add3A_872 : i32
        %add3A_874 = vector.broadcast %add3A_873 : i32 to vector<16xi32>
        %add3A_875 = arith.addi %add3A_874, %iota3A : vector<16xi32>
        %jit3A_876 = arith.constant 200 : i32
        %eq3A_877 = arith.constant 0 : i32
        %eq3A_878 = arith.cmpi eq, %jit3A_876, %eq3A_877 : i32
        %jit3A_879 = arith.constant 1 : i32
        %select_n3A_880 = arith.select %eq3A_878, %jit3A_879, %jit3A_876 : i32
        %rem3A_881 = vector.broadcast %select_n3A_880 : i32 to vector<16xi32>
        %rem3A_882 = arith.remsi %add3A_875, %rem3A_881 : vector<16xi32>
        %ne3A_883 = arith.constant 0 : i32
        %ne3A_884 = vector.broadcast %ne3A_883 : i32 to vector<16xi32>
        %ne3A_885 = arith.cmpi ne, %rem3A_882, %ne3A_884 : vector<16xi32>
        %lt3A_886 = arith.constant 0 : i32
        %lt3A_887 = vector.broadcast %lt3A_886 : i32 to vector<16xi32>
        %lt3A_888 = arith.cmpi slt, %rem3A_882, %lt3A_887 : vector<16xi32>
        %lt3A_889 = arith.constant 0 : i32
        %lt3A_890 = arith.cmpi slt, %select_n3A_880, %lt3A_889 : i32
        %ne3A_891 = vector.broadcast %lt3A_890 : i1 to vector<16xi1>
        %ne3A_892 = vector.broadcast %ne3A_891 : vector<16xi1> to vector<16xi1>
        %ne3A_893 = arith.xori %lt3A_888, %ne3A_892 : vector<16xi1>
        %and3A_894 = arith.andi %ne3A_893, %ne3A_885 : vector<16xi1>
        %add3A_895 = vector.broadcast %select_n3A_880 : i32 to vector<16xi32>
        %add3A_896 = arith.addi %rem3A_882, %add3A_895 : vector<16xi32>
        %select_n3A_897 = arith.select %and3A_894, %add3A_896, %rem3A_882 : vector<16xi1>, vector<16xi32>
        %mul3A_898 = arith.constant 2 : i32
        %mul3A_899 = vector.broadcast %mul3A_898 : i32 to vector<16xi32>
        %mul3A_900 = arith.muli %mul3A_899, %select_n3A_897 : vector<16xi32>
        %get3A_901 = arith.constant 1 : i32
        %get3A_902 = arith.index_cast %get3A_901 : i32 to index
        %get3A_903 = arith.constant 80 : index
        %get3A_904 = tpu.vector_load %arg11[%get3A_902, %get3A_903] {strides = array<i32>} : memref<2x128xi32, #tpu.memory_space<vmem>>, vector<16xi32>,
        %add3A_905 = arith.addi %mul3A_900, %get3A_904 : vector<16xi32>
        %swap3A_906 = arith.constant 1 : i32
        %swap3A_907 = arith.index_cast %swap3A_906 : i32 to index
        %swap3A_908 = arith.constant 80 : index
        %swap3A_909 = tpu.vector_load %arg10[%swap3A_907, %swap3A_908] {strides = array<i32>} : memref<2x144xi32, #tpu.memory_space<vmem>>, vector<16xi32>,
        tpu.vector_store %arg10[%swap3A_907, %swap3A_908], %add3A_905 {strides = array<i32>} : memref<2x144xi32, #tpu.memory_space<vmem>>, vector<16xi32>,
        %add3A_910 = arith.constant 96 : i32
        %add3A_911 = arith.addi %add3A_681, %add3A_910 : i32
        %add3A_912 = vector.broadcast %add3A_911 : i32 to vector<16xi32>
        %add3A_913 = arith.addi %add3A_912, %iota3A : vector<16xi32>
        %jit3A_914 = arith.constant 200 : i32
        %eq3A_915 = arith.constant 0 : i32
        %eq3A_916 = arith.cmpi eq, %jit3A_914, %eq3A_915 : i32
        %jit3A_917 = arith.constant 1 : i32
        %select_n3A_918 = arith.select %eq3A_916, %jit3A_917, %jit3A_914 : i32
        %rem3A_919 = vector.broadcast %select_n3A_918 : i32 to vector<16xi32>
        %rem3A_920 = arith.remsi %add3A_913, %rem3A_919 : vector<16xi32>
        %ne3A_921 = arith.constant 0 : i32
        %ne3A_922 = vector.broadcast %ne3A_921 : i32 to vector<16xi32>
        %ne3A_923 = arith.cmpi ne, %rem3A_920, %ne3A_922 : vector<16xi32>
        %lt3A_924 = arith.constant 0 : i32
        %lt3A_925 = vector.broadcast %lt3A_924 : i32 to vector<16xi32>
        %lt3A_926 = arith.cmpi slt, %rem3A_920, %lt3A_925 : vector<16xi32>
        %lt3A_927 = arith.constant 0 : i32
        %lt3A_928 = arith.cmpi slt, %select_n3A_918, %lt3A_927 : i32
        %ne3A_929 = vector.broadcast %lt3A_928 : i1 to vector<16xi1>
        %ne3A_930 = vector.broadcast %ne3A_929 : vector<16xi1> to vector<16xi1>
        %ne3A_931 = arith.xori %lt3A_926, %ne3A_930 : vector<16xi1>
        %and3A_932 = arith.andi %ne3A_931, %ne3A_923 : vector<16xi1>
        %add3A_933 = vector.broadcast %select_n3A_918 : i32 to vector<16xi32>
        %add3A_934 = arith.addi %rem3A_920, %add3A_933 : vector<16xi32>
        %select_n3A_935 = arith.select %and3A_932, %add3A_934, %rem3A_920 : vector<16xi1>, vector<16xi32>
        %mul3A_936 = arith.constant 2 : i32
        %mul3A_937 = vector.broadcast %mul3A_936 : i32 to vector<16xi32>
        %mul3A_938 = arith.muli %mul3A_937, %select_n3A_935 : vector<16xi32>
        %get3A_939 = arith.constant 1 : i32
        %get3A_940 = arith.index_cast %get3A_939 : i32 to index
        %get3A_941 = arith.constant 96 : index
        %get3A_942 = tpu.vector_load %arg11[%get3A_940, %get3A_941] {strides = array<i32>} : memref<2x128xi32, #tpu.memory_space<vmem>>, vector<16xi32>,
        %add3A_943 = arith.addi %mul3A_938, %get3A_942 : vector<16xi32>
        %swap3A_944 = arith.constant 1 : i32
        %swap3A_945 = arith.index_cast %swap3A_944 : i32 to index
        %swap3A_946 = arith.constant 96 : index
        %swap3A_947 = tpu.vector_load %arg10[%swap3A_945, %swap3A_946] {strides = array<i32>} : memref<2x144xi32, #tpu.memory_space<vmem>>, vector<16xi32>,
        tpu.vector_store %arg10[%swap3A_945, %swap3A_946], %add3A_943 {strides = array<i32>} : memref<2x144xi32, #tpu.memory_space<vmem>>, vector<16xi32>,
        %add3A_948 = arith.constant 112 : i32
        %add3A_949 = arith.addi %add3A_681, %add3A_948 : i32
        %add3A_950 = vector.broadcast %add3A_949 : i32 to vector<16xi32>
        %add3A_951 = arith.addi %add3A_950, %iota3A : vector<16xi32>
        %jit3A_952 = arith.constant 200 : i32
        %eq3A_953 = arith.constant 0 : i32
        %eq3A_954 = arith.cmpi eq, %jit3A_952, %eq3A_953 : i32
        %jit3A_955 = arith.constant 1 : i32
        %select_n3A_956 = arith.select %eq3A_954, %jit3A_955, %jit3A_952 : i32
        %rem3A_957 = vector.broadcast %select_n3A_956 : i32 to vector<16xi32>
        %rem3A_958 = arith.remsi %add3A_951, %rem3A_957 : vector<16xi32>
        %ne3A_959 = arith.constant 0 : i32
        %ne3A_960 = vector.broadcast %ne3A_959 : i32 to vector<16xi32>
        %ne3A_961 = arith.cmpi ne, %rem3A_958, %ne3A_960 : vector<16xi32>
        %lt3A_962 = arith.constant 0 : i32
        %lt3A_963 = vector.broadcast %lt3A_962 : i32 to vector<16xi32>
        %lt3A_964 = arith.cmpi slt, %rem3A_958, %lt3A_963 : vector<16xi32>
        %lt3A_965 = arith.constant 0 : i32
        %lt3A_966 = arith.cmpi slt, %select_n3A_956, %lt3A_965 : i32
        %ne3A_967 = vector.broadcast %lt3A_966 : i1 to vector<16xi1>
        %ne3A_968 = vector.broadcast %ne3A_967 : vector<16xi1> to vector<16xi1>
        %ne3A_969 = arith.xori %lt3A_964, %ne3A_968 : vector<16xi1>
        %and3A_970 = arith.andi %ne3A_969, %ne3A_961 : vector<16xi1>
        %add3A_971 = vector.broadcast %select_n3A_956 : i32 to vector<16xi32>
        %add3A_972 = arith.addi %rem3A_958, %add3A_971 : vector<16xi32>
        %select_n3A_973 = arith.select %and3A_970, %add3A_972, %rem3A_958 : vector<16xi1>, vector<16xi32>
        %mul3A_974 = arith.constant 2 : i32
        %mul3A_975 = vector.broadcast %mul3A_974 : i32 to vector<16xi32>
        %mul3A_976 = arith.muli %mul3A_975, %select_n3A_973 : vector<16xi32>
        %get3A_977 = arith.constant 1 : i32
        %get3A_978 = arith.index_cast %get3A_977 : i32 to index
        %get3A_979 = arith.constant 112 : index
        %get3A_980 = tpu.vector_load %arg11[%get3A_978, %get3A_979] {strides = array<i32>} : memref<2x128xi32, #tpu.memory_space<vmem>>, vector<16xi32>,
        %add3A_981 = arith.addi %mul3A_976, %get3A_980 : vector<16xi32>
        %swap3A_982 = arith.constant 1 : i32
        %swap3A_983 = arith.index_cast %swap3A_982 : i32 to index
        %swap3A_984 = arith.constant 112 : index
        %swap3A_985 = tpu.vector_load %arg10[%swap3A_983, %swap3A_984] {strides = array<i32>} : memref<2x144xi32, #tpu.memory_space<vmem>>, vector<16xi32>,
        tpu.vector_store %arg10[%swap3A_983, %swap3A_984], %add3A_981 {strides = array<i32>} : memref<2x144xi32, #tpu.memory_space<vmem>>, vector<16xi32>,
        %dma_start3A_986 = arith.constant 1 : i32
        %dma_start3A_987 = arith.constant 1 : i32
        %dma_start3A_988 = arith.constant 0 : i32
        %dma_start3A_989 = arith.constant 0 : i32
        %dma_start3A_990 = tpu.memref_slice %arg12[%dma_start3A_987, %dma_start3A_988, %dma_start3A_989] : memref<2x128x128xf32, #tpu.memory_space<vmem>> -> memref<1x128x128xf32, #tpu.memory_space<vmem>>
        %dma_start3A_991 = tpu.memref_squeeze %dma_start3A_990 : memref<1x128x128xf32, #tpu.memory_space<vmem>> -> memref<128x128xf32, #tpu.memory_space<vmem>>
        %dma_start3A_992 = arith.constant 0 : i32
        %dma_start3A_993 = tpu.memref_slice %arg9[%dma_start3A_986, %dma_start3A_992] : memref<2x128xi32, #tpu.memory_space<vmem>> -> memref<1x128xi32, #tpu.memory_space<vmem>>
        %dma_start3A_994 = tpu.memref_squeeze %dma_start3A_993 : memref<1x128xi32, #tpu.memory_space<vmem>> -> memref<128xi32, #tpu.memory_space<vmem>>
        %dma_start3A_995 = arith.constant 0 : i32
        %dma_start3A_996 = arith.constant 0 : i32
        %dma_start3A_997 = tpu.memref_slice %arg4[%dma_start3A_995, %dma_start3A_996] : memref<100000x128xf32, #tpu.memory_space<hbm>> -> memref<100000x128xf32, #tpu.memory_space<hbm>>
        tpu.enqueue_indirect_dma source(%dma_start3A_997 : memref<100000x128xf32, #tpu.memory_space<hbm>>) target(%dma_start3A_991 : memref<128x128xf32, #tpu.memory_space<vmem>>) offsets(%dma_start3A_994 : memref<128xi32, #tpu.memory_space<vmem>>) semaphore(%arg19 : memref<!tpu.dma_semaphore, #tpu.memory_space<semaphore_mem>>)
      } else {
      }
      %add3A_563 = arith.constant 2 : i32
      %add3A_564 = arith.addi %mul3A_545, %add3A_563 : i32
      %lt3A_565 = arith.constant 50 : i32
      %lt3A_566 = arith.cmpi slt, %add3A_564, %lt3A_565 : i32
      %convert_element_type3A_567 = arith.extui %lt3A_566 : i1 to i32
      %cond3A_568 = arith.constant 0 : i32
      %cond3A_569 = arith.cmpi ne, %convert_element_type3A_567, %cond3A_568 : i32
      scf.if %cond3A_569 {
        %add3A_656 = arith.constant 2 : i32
        %add3A_657 = arith.addi %mul3A_545, %add3A_656 : i32
        %mul3A_658 = arith.constant 128 : i32
        %mul3A_659 = arith.muli %add3A_657, %mul3A_658 : i32
        %add3A_660 = arith.addi %mul3A_2, %mul3A_659 : i32
        %dma_start3A_661 = arith.constant 0 : i32
        %dma_start3A_662 = arith.constant 0 : i32
        %dma_start3A_663 = tpu.memref_slice %arg9[%dma_start3A_661, %dma_start3A_662] : memref<2x128xi32, #tpu.memory_space<vmem>> -> memref<1x128xi32, #tpu.memory_space<vmem>>
        %dma_start3A_664 = tpu.memref_squeeze %dma_start3A_663 : memref<1x128xi32, #tpu.memory_space<vmem>> -> memref<128xi32, #tpu.memory_space<vmem>>
        %dma_start3A_665 = tpu.memref_slice %arg2[%add3A_660] : memref<204800xi32, #tpu.memory_space<hbm>> -> memref<128xi32, #tpu.memory_space<hbm>>
        %dma_start3A_666 = arith.constant 0 : i32
        %dma_start3A_667 = tpu.memref_slice %arg9[%dma_start3A_661, %dma_start3A_666] : memref<2x128xi32, #tpu.memory_space<vmem>> -> memref<1x128xi32, #tpu.memory_space<vmem>>
        %dma_start3A_668 = tpu.memref_squeeze %dma_start3A_667 : memref<1x128xi32, #tpu.memory_space<vmem>> -> memref<128xi32, #tpu.memory_space<vmem>>
        %dma_start3A_669 = tpu.memref_slice %arg2[%add3A_660] : memref<204800xi32, #tpu.memory_space<hbm>> -> memref<128xi32, #tpu.memory_space<hbm>>
        tpu.enqueue_dma source(%dma_start3A_669 : memref<128xi32, #tpu.memory_space<hbm>>) target(%dma_start3A_668 : memref<128xi32, #tpu.memory_space<vmem>>) target_semaphore(%arg16 : memref<!tpu.dma_semaphore, #tpu.memory_space<semaphore_mem>>)
        %dma_start3A_670 = arith.constant 0 : i32
        %dma_start3A_671 = arith.constant 0 : i32
        %dma_start3A_672 = tpu.memref_slice %arg11[%dma_start3A_670, %dma_start3A_671] : memref<2x128xi32, #tpu.memory_space<vmem>> -> memref<1x128xi32, #tpu.memory_space<vmem>>
        %dma_start3A_673 = tpu.memref_squeeze %dma_start3A_672 : memref<1x128xi32, #tpu.memory_space<vmem>> -> memref<128xi32, #tpu.memory_space<vmem>>
        %dma_start3A_674 = tpu.memref_slice %arg3[%add3A_660] : memref<204800xi32, #tpu.memory_space<hbm>> -> memref<128xi32, #tpu.memory_space<hbm>>
        %dma_start3A_675 = arith.constant 0 : i32
        %dma_start3A_676 = tpu.memref_slice %arg11[%dma_start3A_670, %dma_start3A_675] : memref<2x128xi32, #tpu.memory_space<vmem>> -> memref<1x128xi32, #tpu.memory_space<vmem>>
        %dma_start3A_677 = tpu.memref_squeeze %dma_start3A_676 : memref<1x128xi32, #tpu.memory_space<vmem>> -> memref<128xi32, #tpu.memory_space<vmem>>
        %dma_start3A_678 = tpu.memref_slice %arg3[%add3A_660] : memref<204800xi32, #tpu.memory_space<hbm>> -> memref<128xi32, #tpu.memory_space<hbm>>
        tpu.enqueue_dma source(%dma_start3A_678 : memref<128xi32, #tpu.memory_space<hbm>>) target(%dma_start3A_677 : memref<128xi32, #tpu.memory_space<vmem>>) target_semaphore(%arg16 : memref<!tpu.dma_semaphore, #tpu.memory_space<semaphore_mem>>)
      } else {
      }
      %ge3A = arith.constant 2 : i32
      %ge3A_570 = arith.cmpi sge, %mul3A_545, %ge3A : i32
      %convert_element_type3A_571 = arith.extui %ge3A_570 : i1 to i32
      %cond3A_572 = arith.constant 0 : i32
      %cond3A_573 = arith.cmpi ne, %convert_element_type3A_571, %cond3A_572 : i32
      scf.if %cond3A_573 {
        %sub3A = arith.constant 2 : i32
        %sub3A_656 = arith.subi %mul3A_545, %sub3A : i32
        %mul3A_657 = arith.constant 128 : i32
        %mul3A_658 = arith.muli %sub3A_656, %mul3A_657 : i32
        %add3A_659 = arith.addi %mul3A_2, %mul3A_658 : i32
        %dma_wait3A_660 = arith.constant 0 : i32
        %dma_wait3A_661 = arith.constant 0 : i32
        %dma_wait3A_662 = arith.constant 0 : i32
        %dma_wait3A_663 = tpu.memref_slice %arg13[%dma_wait3A_660, %dma_wait3A_661, %dma_wait3A_662] : memref<2x128x128xf32, #tpu.memory_space<vmem>> -> memref<1x128x128xf32, #tpu.memory_space<vmem>>
        %dma_wait3A_664 = tpu.memref_squeeze %dma_wait3A_663 : memref<1x128x128xf32, #tpu.memory_space<vmem>> -> memref<128x128xf32, #tpu.memory_space<vmem>>
        %dma_wait3A_665 = arith.constant 0 : i32
        %dma_wait3A_666 = tpu.memref_slice %arg8[%add3A_659, %dma_wait3A_665] : memref<204800x128xf32, #tpu.memory_space<hbm>> -> memref<128x128xf32, #tpu.memory_space<hbm>>
        %dma_wait3A_667 = arith.constant 0 : i32
        %dma_wait3A_668 = tpu.memref_slice %arg8[%add3A_659, %dma_wait3A_667] : memref<204800x128xf32, #tpu.memory_space<hbm>> -> memref<128x128xf32, #tpu.memory_space<hbm>>
        %dma_wait3A_669 = arith.constant 0 : i32
        %dma_wait3A_670 = arith.constant 0 : i32
        %dma_wait3A_671 = tpu.memref_slice %arg13[%dma_wait3A_660, %dma_wait3A_669, %dma_wait3A_670] : memref<2x128x128xf32, #tpu.memory_space<vmem>> -> memref<1x128x128xf32, #tpu.memory_space<vmem>>
        %dma_wait3A_672 = tpu.memref_squeeze %dma_wait3A_671 : memref<1x128x128xf32, #tpu.memory_space<vmem>> -> memref<128x128xf32, #tpu.memory_space<vmem>>
        tpu.wait_dma2 semaphore(%arg20 : memref<!tpu.dma_semaphore, #tpu.memory_space<semaphore_mem>>) src(%dma_wait3A_672 : memref<128x128xf32, #tpu.memory_space<vmem>>) dst(%dma_wait3A_668 : memref<128x128xf32, #tpu.memory_space<hbm>>)
      } else {
      }
      %convert_element_type3A_574 = arith.extui %reduce_and3A_137 : i1 to i32
      %cond3A_575 = arith.constant 0 : i32
      %cond3A_576 = arith.cmpi ne, %convert_element_type3A_574, %cond3A_575 : i32
      scf.if %cond3A_576 {
        %parallel_loop3A = arith.constant 0 : i32
        %parallel_loop3A_656 = arith.constant 128 : i32
        %parallel_loop3A_657 = arith.constant 1 : i32
        scf.for %parallel_loop3A_658 = %parallel_loop3A to %parallel_loop3A_656 step %parallel_loop3A_657  : i32 {
          %parallel_loop3A_659 = arith.constant 0 : i32
          %parallel_loop3A_660 = arith.index_cast %parallel_loop3A_659 : i32 to index
          %parallel_loop3A_661 = arith.index_cast %parallel_loop3A_658 : i32 to index
          %parallel_loop3A_662 = tpu.vector_load %arg10[%parallel_loop3A_660, %parallel_loop3A_661] {strides = array<i32>} : memref<2x144xi32, #tpu.memory_space<vmem>>, vector<16xi32>,
          %parallel_loop3A_663 = vector.extract_strided_slice %parallel_loop3A_662 {offsets = [0], sizes = [1], strides = [1]} : vector<16xi32> to vector<1xi32>
          %parallel_loop3A_664 = vector.extract %parallel_loop3A_663[0] : i32 from vector<1xi32>
          %parallel_loop3A_665 = arith.constant 0.000000e+00 : f32
          %parallel_loop3A_666 = vector.broadcast %parallel_loop3A_665 : f32 to vector<16xf32>
          %parallel_loop3A_667 = arith.constant 0.000000e+00 : f32
          %parallel_loop3A_668 = vector.broadcast %parallel_loop3A_667 : f32 to vector<16xf32>
          %parallel_loop3A_669 = arith.constant 0 : i32
          %parallel_loop3A_670 = arith.index_cast %parallel_loop3A_669 : i32 to index
          %parallel_loop3A_671 = arith.index_cast %parallel_loop3A_658 : i32 to index
          %parallel_loop3A_672 = arith.constant 0 : index
          %parallel_loop3A_673 = tpu.vector_load %arg12[%parallel_loop3A_670, %parallel_loop3A_671, %parallel_loop3A_672] {strides = array<i32>} : memref<2x128x128xf32, #tpu.memory_space<vmem>>, vector<16xf32>,
          %parallel_loop3A_674 = arith.index_cast %parallel_loop3A_664 : i32 to index
          %parallel_loop3A_675 = arith.constant 0 : index
          %parallel_loop3A_676 = tpu.vector_load %arg14[%parallel_loop3A_674, %parallel_loop3A_675] {strides = array<i32>} : memref<400x128xf32, #tpu.memory_space<vmem>>, vector<16xf32>,
          %parallel_loop3A_677 = arith.addf %parallel_loop3A_673, %parallel_loop3A_676 : vector<16xf32>
          %parallel_loop3A_678 = arith.addf %parallel_loop3A_666, %parallel_loop3A_677 : vector<16xf32>
          %parallel_loop3A_679 = arith.mulf %parallel_loop3A_677, %parallel_loop3A_677 : vector<16xf32>
          %parallel_loop3A_680 = arith.addf %parallel_loop3A_668, %parallel_loop3A_679 : vector<16xf32>
          %parallel_loop3A_681 = arith.constant 0 : i32
          %parallel_loop3A_682 = arith.index_cast %parallel_loop3A_681 : i32 to index
          %parallel_loop3A_683 = arith.index_cast %parallel_loop3A_658 : i32 to index
          %parallel_loop3A_684 = arith.constant 16 : index
          %parallel_loop3A_685 = tpu.vector_load %arg12[%parallel_loop3A_682, %parallel_loop3A_683, %parallel_loop3A_684] {strides = array<i32>} : memref<2x128x128xf32, #tpu.memory_space<vmem>>, vector<16xf32>,
          %parallel_loop3A_686 = arith.index_cast %parallel_loop3A_664 : i32 to index
          %parallel_loop3A_687 = arith.constant 16 : index
          %parallel_loop3A_688 = tpu.vector_load %arg14[%parallel_loop3A_686, %parallel_loop3A_687] {strides = array<i32>} : memref<400x128xf32, #tpu.memory_space<vmem>>, vector<16xf32>,
          %parallel_loop3A_689 = arith.addf %parallel_loop3A_685, %parallel_loop3A_688 : vector<16xf32>
          %parallel_loop3A_690 = arith.addf %parallel_loop3A_678, %parallel_loop3A_689 : vector<16xf32>
          %parallel_loop3A_691 = arith.mulf %parallel_loop3A_689, %parallel_loop3A_689 : vector<16xf32>
          %parallel_loop3A_692 = arith.addf %parallel_loop3A_680, %parallel_loop3A_691 : vector<16xf32>
          %parallel_loop3A_693 = arith.constant 0 : i32
          %parallel_loop3A_694 = arith.index_cast %parallel_loop3A_693 : i32 to index
          %parallel_loop3A_695 = arith.index_cast %parallel_loop3A_658 : i32 to index
          %parallel_loop3A_696 = arith.constant 32 : index
          %parallel_loop3A_697 = tpu.vector_load %arg12[%parallel_loop3A_694, %parallel_loop3A_695, %parallel_loop3A_696] {strides = array<i32>} : memref<2x128x128xf32, #tpu.memory_space<vmem>>, vector<16xf32>,
          %parallel_loop3A_698 = arith.index_cast %parallel_loop3A_664 : i32 to index
          %parallel_loop3A_699 = arith.constant 32 : index
          %parallel_loop3A_700 = tpu.vector_load %arg14[%parallel_loop3A_698, %parallel_loop3A_699] {strides = array<i32>} : memref<400x128xf32, #tpu.memory_space<vmem>>, vector<16xf32>,
          %parallel_loop3A_701 = arith.addf %parallel_loop3A_697, %parallel_loop3A_700 : vector<16xf32>
          %parallel_loop3A_702 = arith.addf %parallel_loop3A_690, %parallel_loop3A_701 : vector<16xf32>
          %parallel_loop3A_703 = arith.mulf %parallel_loop3A_701, %parallel_loop3A_701 : vector<16xf32>
          %parallel_loop3A_704 = arith.addf %parallel_loop3A_692, %parallel_loop3A_703 : vector<16xf32>
          %parallel_loop3A_705 = arith.constant 0 : i32
          %parallel_loop3A_706 = arith.index_cast %parallel_loop3A_705 : i32 to index
          %parallel_loop3A_707 = arith.index_cast %parallel_loop3A_658 : i32 to index
          %parallel_loop3A_708 = arith.constant 48 : index
          %parallel_loop3A_709 = tpu.vector_load %arg12[%parallel_loop3A_706, %parallel_loop3A_707, %parallel_loop3A_708] {strides = array<i32>} : memref<2x128x128xf32, #tpu.memory_space<vmem>>, vector<16xf32>,
          %parallel_loop3A_710 = arith.index_cast %parallel_loop3A_664 : i32 to index
          %parallel_loop3A_711 = arith.constant 48 : index
          %parallel_loop3A_712 = tpu.vector_load %arg14[%parallel_loop3A_710, %parallel_loop3A_711] {strides = array<i32>} : memref<400x128xf32, #tpu.memory_space<vmem>>, vector<16xf32>,
          %parallel_loop3A_713 = arith.addf %parallel_loop3A_709, %parallel_loop3A_712 : vector<16xf32>
          %parallel_loop3A_714 = arith.addf %parallel_loop3A_702, %parallel_loop3A_713 : vector<16xf32>
          %parallel_loop3A_715 = arith.mulf %parallel_loop3A_713, %parallel_loop3A_713 : vector<16xf32>
          %parallel_loop3A_716 = arith.addf %parallel_loop3A_704, %parallel_loop3A_715 : vector<16xf32>
          %parallel_loop3A_717 = arith.constant 0 : i32
          %parallel_loop3A_718 = arith.index_cast %parallel_loop3A_717 : i32 to index
          %parallel_loop3A_719 = arith.index_cast %parallel_loop3A_658 : i32 to index
          %parallel_loop3A_720 = arith.constant 64 : index
          %parallel_loop3A_721 = tpu.vector_load %arg12[%parallel_loop3A_718, %parallel_loop3A_719, %parallel_loop3A_720] {strides = array<i32>} : memref<2x128x128xf32, #tpu.memory_space<vmem>>, vector<16xf32>,
          %parallel_loop3A_722 = arith.index_cast %parallel_loop3A_664 : i32 to index
          %parallel_loop3A_723 = arith.constant 64 : index
          %parallel_loop3A_724 = tpu.vector_load %arg14[%parallel_loop3A_722, %parallel_loop3A_723] {strides = array<i32>} : memref<400x128xf32, #tpu.memory_space<vmem>>, vector<16xf32>,
          %parallel_loop3A_725 = arith.addf %parallel_loop3A_721, %parallel_loop3A_724 : vector<16xf32>
          %parallel_loop3A_726 = arith.addf %parallel_loop3A_714, %parallel_loop3A_725 : vector<16xf32>
          %parallel_loop3A_727 = arith.mulf %parallel_loop3A_725, %parallel_loop3A_725 : vector<16xf32>
          %parallel_loop3A_728 = arith.addf %parallel_loop3A_716, %parallel_loop3A_727 : vector<16xf32>
          %parallel_loop3A_729 = arith.constant 0 : i32
          %parallel_loop3A_730 = arith.index_cast %parallel_loop3A_729 : i32 to index
          %parallel_loop3A_731 = arith.index_cast %parallel_loop3A_658 : i32 to index
          %parallel_loop3A_732 = arith.constant 80 : index
          %parallel_loop3A_733 = tpu.vector_load %arg12[%parallel_loop3A_730, %parallel_loop3A_731, %parallel_loop3A_732] {strides = array<i32>} : memref<2x128x128xf32, #tpu.memory_space<vmem>>, vector<16xf32>,
          %parallel_loop3A_734 = arith.index_cast %parallel_loop3A_664 : i32 to index
          %parallel_loop3A_735 = arith.constant 80 : index
          %parallel_loop3A_736 = tpu.vector_load %arg14[%parallel_loop3A_734, %parallel_loop3A_735] {strides = array<i32>} : memref<400x128xf32, #tpu.memory_space<vmem>>, vector<16xf32>,
          %parallel_loop3A_737 = arith.addf %parallel_loop3A_733, %parallel_loop3A_736 : vector<16xf32>
          %parallel_loop3A_738 = arith.addf %parallel_loop3A_726, %parallel_loop3A_737 : vector<16xf32>
          %parallel_loop3A_739 = arith.mulf %parallel_loop3A_737, %parallel_loop3A_737 : vector<16xf32>
          %parallel_loop3A_740 = arith.addf %parallel_loop3A_728, %parallel_loop3A_739 : vector<16xf32>
          %parallel_loop3A_741 = arith.constant 0 : i32
          %parallel_loop3A_742 = arith.index_cast %parallel_loop3A_741 : i32 to index
          %parallel_loop3A_743 = arith.index_cast %parallel_loop3A_658 : i32 to index
          %parallel_loop3A_744 = arith.constant 96 : index
          %parallel_loop3A_745 = tpu.vector_load %arg12[%parallel_loop3A_742, %parallel_loop3A_743, %parallel_loop3A_744] {strides = array<i32>} : memref<2x128x128xf32, #tpu.memory_space<vmem>>, vector<16xf32>,
          %parallel_loop3A_746 = arith.index_cast %parallel_loop3A_664 : i32 to index
          %parallel_loop3A_747 = arith.constant 96 : index
          %parallel_loop3A_748 = tpu.vector_load %arg14[%parallel_loop3A_746, %parallel_loop3A_747] {strides = array<i32>} : memref<400x128xf32, #tpu.memory_space<vmem>>, vector<16xf32>,
          %parallel_loop3A_749 = arith.addf %parallel_loop3A_745, %parallel_loop3A_748 : vector<16xf32>
          %parallel_loop3A_750 = arith.addf %parallel_loop3A_738, %parallel_loop3A_749 : vector<16xf32>
          %parallel_loop3A_751 = arith.mulf %parallel_loop3A_749, %parallel_loop3A_749 : vector<16xf32>
          %parallel_loop3A_752 = arith.addf %parallel_loop3A_740, %parallel_loop3A_751 : vector<16xf32>
          %parallel_loop3A_753 = arith.constant 0 : i32
          %parallel_loop3A_754 = arith.index_cast %parallel_loop3A_753 : i32 to index
          %parallel_loop3A_755 = arith.index_cast %parallel_loop3A_658 : i32 to index
          %parallel_loop3A_756 = arith.constant 112 : index
          %parallel_loop3A_757 = tpu.vector_load %arg12[%parallel_loop3A_754, %parallel_loop3A_755, %parallel_loop3A_756] {strides = array<i32>} : memref<2x128x128xf32, #tpu.memory_space<vmem>>, vector<16xf32>,
          %parallel_loop3A_758 = arith.index_cast %parallel_loop3A_664 : i32 to index
          %parallel_loop3A_759 = arith.constant 112 : index
          %parallel_loop3A_760 = tpu.vector_load %arg14[%parallel_loop3A_758, %parallel_loop3A_759] {strides = array<i32>} : memref<400x128xf32, #tpu.memory_space<vmem>>, vector<16xf32>,
          %parallel_loop3A_761 = arith.addf %parallel_loop3A_757, %parallel_loop3A_760 : vector<16xf32>
          %parallel_loop3A_762 = arith.addf %parallel_loop3A_750, %parallel_loop3A_761 : vector<16xf32>
          %parallel_loop3A_763 = arith.mulf %parallel_loop3A_761, %parallel_loop3A_761 : vector<16xf32>
          %parallel_loop3A_764 = arith.addf %parallel_loop3A_752, %parallel_loop3A_763 : vector<16xf32>
          %parallel_loop3A_765 = arith.constant true
          %parallel_loop3A_766 = vector.broadcast %parallel_loop3A_765 : i1 to vector<16xi1>
          %parallel_loop3A_767 = tpu.scan <sum>, %parallel_loop3A_762 masked %parallel_loop3A_766 : vector<16xf32>, vector<16xi1> -> vector<16xf32>
          %parallel_loop3A_768 = vector.extract %parallel_loop3A_767[15] : f32 from vector<16xf32>
          %parallel_loop3A_769 = arith.constant 7.812500e-03 : f32
          %parallel_loop3A_770 = arith.mulf %parallel_loop3A_768, %parallel_loop3A_769 : f32
          %parallel_loop3A_771 = arith.constant true
          %parallel_loop3A_772 = vector.broadcast %parallel_loop3A_771 : i1 to vector<16xi1>
          %parallel_loop3A_773 = tpu.scan <sum>, %parallel_loop3A_764 masked %parallel_loop3A_772 : vector<16xf32>, vector<16xi1> -> vector<16xf32>
          %parallel_loop3A_774 = vector.extract %parallel_loop3A_773[15] : f32 from vector<16xf32>
          %parallel_loop3A_775 = arith.constant 7.812500e-03 : f32
          %parallel_loop3A_776 = arith.mulf %parallel_loop3A_774, %parallel_loop3A_775 : f32
          %parallel_loop3A_777 = arith.mulf %parallel_loop3A_770, %parallel_loop3A_770 : f32
          %parallel_loop3A_778 = arith.subf %parallel_loop3A_776, %parallel_loop3A_777 : f32
          %parallel_loop3A_779 = arith.constant 9.99999996E-13 : f32
          %parallel_loop3A_780 = arith.addf %parallel_loop3A_778, %parallel_loop3A_779 : f32
          %parallel_loop3A_781 = arith.bitcast %parallel_loop3A_780 : f32 to i32
          %parallel_loop3A_782 = arith.constant 1 : i32
          %parallel_loop3A_783 = arith.shrui %parallel_loop3A_781, %parallel_loop3A_782 : i32
          %parallel_loop3A_784 = arith.constant 1597463007 : i32
          %parallel_loop3A_785 = arith.subi %parallel_loop3A_784, %parallel_loop3A_783 : i32
          %parallel_loop3A_786 = arith.bitcast %parallel_loop3A_785 : i32 to f32
          %parallel_loop3A_787 = arith.constant 5.000000e-01 : f32
          %parallel_loop3A_788 = arith.mulf %parallel_loop3A_787, %parallel_loop3A_780 : f32
          %parallel_loop3A_789 = arith.mulf %parallel_loop3A_788, %parallel_loop3A_786 : f32
          %parallel_loop3A_790 = arith.mulf %parallel_loop3A_789, %parallel_loop3A_786 : f32
          %parallel_loop3A_791 = arith.constant 1.500000e+00 : f32
          %parallel_loop3A_792 = arith.subf %parallel_loop3A_791, %parallel_loop3A_790 : f32
          %parallel_loop3A_793 = arith.mulf %parallel_loop3A_786, %parallel_loop3A_792 : f32
          %parallel_loop3A_794 = vector.broadcast %parallel_loop3A_770 : f32 to vector<16xf32>
          %parallel_loop3A_795 = arith.subf %parallel_loop3A_677, %parallel_loop3A_794 : vector<16xf32>
          %parallel_loop3A_796 = vector.broadcast %parallel_loop3A_793 : f32 to vector<16xf32>
          %parallel_loop3A_797 = arith.mulf %parallel_loop3A_795, %parallel_loop3A_796 : vector<16xf32>
          %parallel_loop3A_798 = arith.constant 0 : i32
          %parallel_loop3A_799 = arith.index_cast %parallel_loop3A_798 : i32 to index
          %parallel_loop3A_800 = arith.index_cast %parallel_loop3A_658 : i32 to index
          %parallel_loop3A_801 = arith.constant 0 : index
          %parallel_loop3A_802 = tpu.vector_load %arg13[%parallel_loop3A_799, %parallel_loop3A_800, %parallel_loop3A_801] {strides = array<i32>} : memref<2x128x128xf32, #tpu.memory_space<vmem>>, vector<16xf32>,
          tpu.vector_store %arg13[%parallel_loop3A_799, %parallel_loop3A_800, %parallel_loop3A_801], %parallel_loop3A_797 {strides = array<i32>} : memref<2x128x128xf32, #tpu.memory_space<vmem>>, vector<16xf32>,
          %parallel_loop3A_803 = vector.broadcast %parallel_loop3A_770 : f32 to vector<16xf32>
          %parallel_loop3A_804 = arith.subf %parallel_loop3A_689, %parallel_loop3A_803 : vector<16xf32>
          %parallel_loop3A_805 = vector.broadcast %parallel_loop3A_793 : f32 to vector<16xf32>
          %parallel_loop3A_806 = arith.mulf %parallel_loop3A_804, %parallel_loop3A_805 : vector<16xf32>
          %parallel_loop3A_807 = arith.constant 0 : i32
          %parallel_loop3A_808 = arith.index_cast %parallel_loop3A_807 : i32 to index
          %parallel_loop3A_809 = arith.index_cast %parallel_loop3A_658 : i32 to index
          %parallel_loop3A_810 = arith.constant 16 : index
          %parallel_loop3A_811 = tpu.vector_load %arg13[%parallel_loop3A_808, %parallel_loop3A_809, %parallel_loop3A_810] {strides = array<i32>} : memref<2x128x128xf32, #tpu.memory_space<vmem>>, vector<16xf32>,
          tpu.vector_store %arg13[%parallel_loop3A_808, %parallel_loop3A_809, %parallel_loop3A_810], %parallel_loop3A_806 {strides = array<i32>} : memref<2x128x128xf32, #tpu.memory_space<vmem>>, vector<16xf32>,
          %parallel_loop3A_812 = vector.broadcast %parallel_loop3A_770 : f32 to vector<16xf32>
          %parallel_loop3A_813 = arith.subf %parallel_loop3A_701, %parallel_loop3A_812 : vector<16xf32>
          %parallel_loop3A_814 = vector.broadcast %parallel_loop3A_793 : f32 to vector<16xf32>
          %parallel_loop3A_815 = arith.mulf %parallel_loop3A_813, %parallel_loop3A_814 : vector<16xf32>
          %parallel_loop3A_816 = arith.constant 0 : i32
          %parallel_loop3A_817 = arith.index_cast %parallel_loop3A_816 : i32 to index
          %parallel_loop3A_818 = arith.index_cast %parallel_loop3A_658 : i32 to index
          %parallel_loop3A_819 = arith.constant 32 : index
          %parallel_loop3A_820 = tpu.vector_load %arg13[%parallel_loop3A_817, %parallel_loop3A_818, %parallel_loop3A_819] {strides = array<i32>} : memref<2x128x128xf32, #tpu.memory_space<vmem>>, vector<16xf32>,
          tpu.vector_store %arg13[%parallel_loop3A_817, %parallel_loop3A_818, %parallel_loop3A_819], %parallel_loop3A_815 {strides = array<i32>} : memref<2x128x128xf32, #tpu.memory_space<vmem>>, vector<16xf32>,
          %parallel_loop3A_821 = vector.broadcast %parallel_loop3A_770 : f32 to vector<16xf32>
          %parallel_loop3A_822 = arith.subf %parallel_loop3A_713, %parallel_loop3A_821 : vector<16xf32>
          %parallel_loop3A_823 = vector.broadcast %parallel_loop3A_793 : f32 to vector<16xf32>
          %parallel_loop3A_824 = arith.mulf %parallel_loop3A_822, %parallel_loop3A_823 : vector<16xf32>
          %parallel_loop3A_825 = arith.constant 0 : i32
          %parallel_loop3A_826 = arith.index_cast %parallel_loop3A_825 : i32 to index
          %parallel_loop3A_827 = arith.index_cast %parallel_loop3A_658 : i32 to index
          %parallel_loop3A_828 = arith.constant 48 : index
          %parallel_loop3A_829 = tpu.vector_load %arg13[%parallel_loop3A_826, %parallel_loop3A_827, %parallel_loop3A_828] {strides = array<i32>} : memref<2x128x128xf32, #tpu.memory_space<vmem>>, vector<16xf32>,
          tpu.vector_store %arg13[%parallel_loop3A_826, %parallel_loop3A_827, %parallel_loop3A_828], %parallel_loop3A_824 {strides = array<i32>} : memref<2x128x128xf32, #tpu.memory_space<vmem>>, vector<16xf32>,
          %parallel_loop3A_830 = vector.broadcast %parallel_loop3A_770 : f32 to vector<16xf32>
          %parallel_loop3A_831 = arith.subf %parallel_loop3A_725, %parallel_loop3A_830 : vector<16xf32>
          %parallel_loop3A_832 = vector.broadcast %parallel_loop3A_793 : f32 to vector<16xf32>
          %parallel_loop3A_833 = arith.mulf %parallel_loop3A_831, %parallel_loop3A_832 : vector<16xf32>
          %parallel_loop3A_834 = arith.constant 0 : i32
          %parallel_loop3A_835 = arith.index_cast %parallel_loop3A_834 : i32 to index
          %parallel_loop3A_836 = arith.index_cast %parallel_loop3A_658 : i32 to index
          %parallel_loop3A_837 = arith.constant 64 : index
          %parallel_loop3A_838 = tpu.vector_load %arg13[%parallel_loop3A_835, %parallel_loop3A_836, %parallel_loop3A_837] {strides = array<i32>} : memref<2x128x128xf32, #tpu.memory_space<vmem>>, vector<16xf32>,
          tpu.vector_store %arg13[%parallel_loop3A_835, %parallel_loop3A_836, %parallel_loop3A_837], %parallel_loop3A_833 {strides = array<i32>} : memref<2x128x128xf32, #tpu.memory_space<vmem>>, vector<16xf32>,
          %parallel_loop3A_839 = vector.broadcast %parallel_loop3A_770 : f32 to vector<16xf32>
          %parallel_loop3A_840 = arith.subf %parallel_loop3A_737, %parallel_loop3A_839 : vector<16xf32>
          %parallel_loop3A_841 = vector.broadcast %parallel_loop3A_793 : f32 to vector<16xf32>
          %parallel_loop3A_842 = arith.mulf %parallel_loop3A_840, %parallel_loop3A_841 : vector<16xf32>
          %parallel_loop3A_843 = arith.constant 0 : i32
          %parallel_loop3A_844 = arith.index_cast %parallel_loop3A_843 : i32 to index
          %parallel_loop3A_845 = arith.index_cast %parallel_loop3A_658 : i32 to index
          %parallel_loop3A_846 = arith.constant 80 : index
          %parallel_loop3A_847 = tpu.vector_load %arg13[%parallel_loop3A_844, %parallel_loop3A_845, %parallel_loop3A_846] {strides = array<i32>} : memref<2x128x128xf32, #tpu.memory_space<vmem>>, vector<16xf32>,
          tpu.vector_store %arg13[%parallel_loop3A_844, %parallel_loop3A_845, %parallel_loop3A_846], %parallel_loop3A_842 {strides = array<i32>} : memref<2x128x128xf32, #tpu.memory_space<vmem>>, vector<16xf32>,
          %parallel_loop3A_848 = vector.broadcast %parallel_loop3A_770 : f32 to vector<16xf32>
          %parallel_loop3A_849 = arith.subf %parallel_loop3A_749, %parallel_loop3A_848 : vector<16xf32>
          %parallel_loop3A_850 = vector.broadcast %parallel_loop3A_793 : f32 to vector<16xf32>
          %parallel_loop3A_851 = arith.mulf %parallel_loop3A_849, %parallel_loop3A_850 : vector<16xf32>
          %parallel_loop3A_852 = arith.constant 0 : i32
          %parallel_loop3A_853 = arith.index_cast %parallel_loop3A_852 : i32 to index
          %parallel_loop3A_854 = arith.index_cast %parallel_loop3A_658 : i32 to index
          %parallel_loop3A_855 = arith.constant 96 : index
          %parallel_loop3A_856 = tpu.vector_load %arg13[%parallel_loop3A_853, %parallel_loop3A_854, %parallel_loop3A_855] {strides = array<i32>} : memref<2x128x128xf32, #tpu.memory_space<vmem>>, vector<16xf32>,
          tpu.vector_store %arg13[%parallel_loop3A_853, %parallel_loop3A_854, %parallel_loop3A_855], %parallel_loop3A_851 {strides = array<i32>} : memref<2x128x128xf32, #tpu.memory_space<vmem>>, vector<16xf32>,
          %parallel_loop3A_857 = vector.broadcast %parallel_loop3A_770 : f32 to vector<16xf32>
          %parallel_loop3A_858 = arith.subf %parallel_loop3A_761, %parallel_loop3A_857 : vector<16xf32>
          %parallel_loop3A_859 = vector.broadcast %parallel_loop3A_793 : f32 to vector<16xf32>
          %parallel_loop3A_860 = arith.mulf %parallel_loop3A_858, %parallel_loop3A_859 : vector<16xf32>
          %parallel_loop3A_861 = arith.constant 0 : i32
          %parallel_loop3A_862 = arith.index_cast %parallel_loop3A_861 : i32 to index
          %parallel_loop3A_863 = arith.index_cast %parallel_loop3A_658 : i32 to index
          %parallel_loop3A_864 = arith.constant 112 : index
          %parallel_loop3A_865 = tpu.vector_load %arg13[%parallel_loop3A_862, %parallel_loop3A_863, %parallel_loop3A_864] {strides = array<i32>} : memref<2x128x128xf32, #tpu.memory_space<vmem>>, vector<16xf32>,
          tpu.vector_store %arg13[%parallel_loop3A_862, %parallel_loop3A_863, %parallel_loop3A_864], %parallel_loop3A_860 {strides = array<i32>} : memref<2x128x128xf32, #tpu.memory_space<vmem>>, vector<16xf32>,
        } {sc.loop_unroll_factor = 4 : i64, sc.parallel_access}
      } else {
      }
      %not3A = arith.constant true
      %not3A_577 = arith.xori %reduce_and3A_137, %not3A : i1
      %convert_element_type3A_578 = arith.extui %not3A_577 : i1 to i32
      %cond3A_579 = arith.constant 0 : i32
      %cond3A_580 = arith.cmpi ne, %convert_element_type3A_578, %cond3A_579 : i32
      scf.if %cond3A_580 {
        %parallel_loop3A = arith.constant 0 : i32
        %parallel_loop3A_656 = arith.constant 128 : i32
        %parallel_loop3A_657 = arith.constant 1 : i32
        scf.for %parallel_loop3A_658 = %parallel_loop3A to %parallel_loop3A_656 step %parallel_loop3A_657  : i32 {
          %parallel_loop3A_659 = arith.constant 0 : i32
          %parallel_loop3A_660 = arith.index_cast %parallel_loop3A_659 : i32 to index
          %parallel_loop3A_661 = arith.index_cast %parallel_loop3A_658 : i32 to index
          %parallel_loop3A_662 = tpu.vector_load %arg10[%parallel_loop3A_660, %parallel_loop3A_661] {strides = array<i32>} : memref<2x144xi32, #tpu.memory_space<vmem>>, vector<16xi32>,
          %parallel_loop3A_663 = vector.extract_strided_slice %parallel_loop3A_662 {offsets = [0], sizes = [1], strides = [1]} : vector<16xi32> to vector<1xi32>
          %parallel_loop3A_664 = vector.extract %parallel_loop3A_663[0] : i32 from vector<1xi32>
          %parallel_loop3A_665 = arith.constant 0.000000e+00 : f32
          %parallel_loop3A_666 = vector.broadcast %parallel_loop3A_665 : f32 to vector<16xf32>
          %parallel_loop3A_667 = arith.constant 0.000000e+00 : f32
          %parallel_loop3A_668 = vector.broadcast %parallel_loop3A_667 : f32 to vector<16xf32>
          %parallel_loop3A_669 = arith.constant 0 : i32
          %parallel_loop3A_670 = arith.index_cast %parallel_loop3A_669 : i32 to index
          %parallel_loop3A_671 = arith.index_cast %parallel_loop3A_658 : i32 to index
          %parallel_loop3A_672 = arith.constant 0 : index
          %parallel_loop3A_673 = tpu.vector_load %arg12[%parallel_loop3A_670, %parallel_loop3A_671, %parallel_loop3A_672] {strides = array<i32>} : memref<2x128x128xf32, #tpu.memory_space<vmem>>, vector<16xf32>,
          %parallel_loop3A_674 = arith.index_cast %parallel_loop3A_664 : i32 to index
          %parallel_loop3A_675 = arith.constant 0 : index
          %parallel_loop3A_676 = tpu.vector_load %arg14[%parallel_loop3A_674, %parallel_loop3A_675] {strides = array<i32>} : memref<400x128xf32, #tpu.memory_space<vmem>>, vector<16xf32>,
          %parallel_loop3A_677 = arith.addf %parallel_loop3A_673, %parallel_loop3A_676 : vector<16xf32>
          %parallel_loop3A_678 = arith.addf %parallel_loop3A_666, %parallel_loop3A_677 : vector<16xf32>
          %parallel_loop3A_679 = arith.mulf %parallel_loop3A_677, %parallel_loop3A_677 : vector<16xf32>
          %parallel_loop3A_680 = arith.addf %parallel_loop3A_668, %parallel_loop3A_679 : vector<16xf32>
          %parallel_loop3A_681 = arith.constant 0 : i32
          %parallel_loop3A_682 = arith.index_cast %parallel_loop3A_681 : i32 to index
          %parallel_loop3A_683 = arith.index_cast %parallel_loop3A_658 : i32 to index
          %parallel_loop3A_684 = arith.constant 16 : index
          %parallel_loop3A_685 = tpu.vector_load %arg12[%parallel_loop3A_682, %parallel_loop3A_683, %parallel_loop3A_684] {strides = array<i32>} : memref<2x128x128xf32, #tpu.memory_space<vmem>>, vector<16xf32>,
          %parallel_loop3A_686 = arith.index_cast %parallel_loop3A_664 : i32 to index
          %parallel_loop3A_687 = arith.constant 16 : index
          %parallel_loop3A_688 = tpu.vector_load %arg14[%parallel_loop3A_686, %parallel_loop3A_687] {strides = array<i32>} : memref<400x128xf32, #tpu.memory_space<vmem>>, vector<16xf32>,
          %parallel_loop3A_689 = arith.addf %parallel_loop3A_685, %parallel_loop3A_688 : vector<16xf32>
          %parallel_loop3A_690 = arith.addf %parallel_loop3A_678, %parallel_loop3A_689 : vector<16xf32>
          %parallel_loop3A_691 = arith.mulf %parallel_loop3A_689, %parallel_loop3A_689 : vector<16xf32>
          %parallel_loop3A_692 = arith.addf %parallel_loop3A_680, %parallel_loop3A_691 : vector<16xf32>
          %parallel_loop3A_693 = arith.constant 0 : i32
          %parallel_loop3A_694 = arith.index_cast %parallel_loop3A_693 : i32 to index
          %parallel_loop3A_695 = arith.index_cast %parallel_loop3A_658 : i32 to index
          %parallel_loop3A_696 = arith.constant 32 : index
          %parallel_loop3A_697 = tpu.vector_load %arg12[%parallel_loop3A_694, %parallel_loop3A_695, %parallel_loop3A_696] {strides = array<i32>} : memref<2x128x128xf32, #tpu.memory_space<vmem>>, vector<16xf32>,
          %parallel_loop3A_698 = arith.index_cast %parallel_loop3A_664 : i32 to index
          %parallel_loop3A_699 = arith.constant 32 : index
          %parallel_loop3A_700 = tpu.vector_load %arg14[%parallel_loop3A_698, %parallel_loop3A_699] {strides = array<i32>} : memref<400x128xf32, #tpu.memory_space<vmem>>, vector<16xf32>,
          %parallel_loop3A_701 = arith.addf %parallel_loop3A_697, %parallel_loop3A_700 : vector<16xf32>
          %parallel_loop3A_702 = arith.addf %parallel_loop3A_690, %parallel_loop3A_701 : vector<16xf32>
          %parallel_loop3A_703 = arith.mulf %parallel_loop3A_701, %parallel_loop3A_701 : vector<16xf32>
          %parallel_loop3A_704 = arith.addf %parallel_loop3A_692, %parallel_loop3A_703 : vector<16xf32>
          %parallel_loop3A_705 = arith.constant 0 : i32
          %parallel_loop3A_706 = arith.index_cast %parallel_loop3A_705 : i32 to index
          %parallel_loop3A_707 = arith.index_cast %parallel_loop3A_658 : i32 to index
          %parallel_loop3A_708 = arith.constant 48 : index
          %parallel_loop3A_709 = tpu.vector_load %arg12[%parallel_loop3A_706, %parallel_loop3A_707, %parallel_loop3A_708] {strides = array<i32>} : memref<2x128x128xf32, #tpu.memory_space<vmem>>, vector<16xf32>,
          %parallel_loop3A_710 = arith.index_cast %parallel_loop3A_664 : i32 to index
          %parallel_loop3A_711 = arith.constant 48 : index
          %parallel_loop3A_712 = tpu.vector_load %arg14[%parallel_loop3A_710, %parallel_loop3A_711] {strides = array<i32>} : memref<400x128xf32, #tpu.memory_space<vmem>>, vector<16xf32>,
          %parallel_loop3A_713 = arith.addf %parallel_loop3A_709, %parallel_loop3A_712 : vector<16xf32>
          %parallel_loop3A_714 = arith.addf %parallel_loop3A_702, %parallel_loop3A_713 : vector<16xf32>
          %parallel_loop3A_715 = arith.mulf %parallel_loop3A_713, %parallel_loop3A_713 : vector<16xf32>
          %parallel_loop3A_716 = arith.addf %parallel_loop3A_704, %parallel_loop3A_715 : vector<16xf32>
          %parallel_loop3A_717 = arith.constant 0 : i32
          %parallel_loop3A_718 = arith.index_cast %parallel_loop3A_717 : i32 to index
          %parallel_loop3A_719 = arith.index_cast %parallel_loop3A_658 : i32 to index
          %parallel_loop3A_720 = arith.constant 64 : index
          %parallel_loop3A_721 = tpu.vector_load %arg12[%parallel_loop3A_718, %parallel_loop3A_719, %parallel_loop3A_720] {strides = array<i32>} : memref<2x128x128xf32, #tpu.memory_space<vmem>>, vector<16xf32>,
          %parallel_loop3A_722 = arith.index_cast %parallel_loop3A_664 : i32 to index
          %parallel_loop3A_723 = arith.constant 64 : index
          %parallel_loop3A_724 = tpu.vector_load %arg14[%parallel_loop3A_722, %parallel_loop3A_723] {strides = array<i32>} : memref<400x128xf32, #tpu.memory_space<vmem>>, vector<16xf32>,
          %parallel_loop3A_725 = arith.addf %parallel_loop3A_721, %parallel_loop3A_724 : vector<16xf32>
          %parallel_loop3A_726 = arith.addf %parallel_loop3A_714, %parallel_loop3A_725 : vector<16xf32>
          %parallel_loop3A_727 = arith.mulf %parallel_loop3A_725, %parallel_loop3A_725 : vector<16xf32>
          %parallel_loop3A_728 = arith.addf %parallel_loop3A_716, %parallel_loop3A_727 : vector<16xf32>
          %parallel_loop3A_729 = arith.constant 0 : i32
          %parallel_loop3A_730 = arith.index_cast %parallel_loop3A_729 : i32 to index
          %parallel_loop3A_731 = arith.index_cast %parallel_loop3A_658 : i32 to index
          %parallel_loop3A_732 = arith.constant 80 : index
          %parallel_loop3A_733 = tpu.vector_load %arg12[%parallel_loop3A_730, %parallel_loop3A_731, %parallel_loop3A_732] {strides = array<i32>} : memref<2x128x128xf32, #tpu.memory_space<vmem>>, vector<16xf32>,
          %parallel_loop3A_734 = arith.index_cast %parallel_loop3A_664 : i32 to index
          %parallel_loop3A_735 = arith.constant 80 : index
          %parallel_loop3A_736 = tpu.vector_load %arg14[%parallel_loop3A_734, %parallel_loop3A_735] {strides = array<i32>} : memref<400x128xf32, #tpu.memory_space<vmem>>, vector<16xf32>,
          %parallel_loop3A_737 = arith.addf %parallel_loop3A_733, %parallel_loop3A_736 : vector<16xf32>
          %parallel_loop3A_738 = arith.addf %parallel_loop3A_726, %parallel_loop3A_737 : vector<16xf32>
          %parallel_loop3A_739 = arith.mulf %parallel_loop3A_737, %parallel_loop3A_737 : vector<16xf32>
          %parallel_loop3A_740 = arith.addf %parallel_loop3A_728, %parallel_loop3A_739 : vector<16xf32>
          %parallel_loop3A_741 = arith.constant 0 : i32
          %parallel_loop3A_742 = arith.index_cast %parallel_loop3A_741 : i32 to index
          %parallel_loop3A_743 = arith.index_cast %parallel_loop3A_658 : i32 to index
          %parallel_loop3A_744 = arith.constant 96 : index
          %parallel_loop3A_745 = tpu.vector_load %arg12[%parallel_loop3A_742, %parallel_loop3A_743, %parallel_loop3A_744] {strides = array<i32>} : memref<2x128x128xf32, #tpu.memory_space<vmem>>, vector<16xf32>,
          %parallel_loop3A_746 = arith.index_cast %parallel_loop3A_664 : i32 to index
          %parallel_loop3A_747 = arith.constant 96 : index
          %parallel_loop3A_748 = tpu.vector_load %arg14[%parallel_loop3A_746, %parallel_loop3A_747] {strides = array<i32>} : memref<400x128xf32, #tpu.memory_space<vmem>>, vector<16xf32>,
          %parallel_loop3A_749 = arith.addf %parallel_loop3A_745, %parallel_loop3A_748 : vector<16xf32>
          %parallel_loop3A_750 = arith.addf %parallel_loop3A_738, %parallel_loop3A_749 : vector<16xf32>
          %parallel_loop3A_751 = arith.mulf %parallel_loop3A_749, %parallel_loop3A_749 : vector<16xf32>
          %parallel_loop3A_752 = arith.addf %parallel_loop3A_740, %parallel_loop3A_751 : vector<16xf32>
          %parallel_loop3A_753 = arith.constant 0 : i32
          %parallel_loop3A_754 = arith.index_cast %parallel_loop3A_753 : i32 to index
          %parallel_loop3A_755 = arith.index_cast %parallel_loop3A_658 : i32 to index
          %parallel_loop3A_756 = arith.constant 112 : index
          %parallel_loop3A_757 = tpu.vector_load %arg12[%parallel_loop3A_754, %parallel_loop3A_755, %parallel_loop3A_756] {strides = array<i32>} : memref<2x128x128xf32, #tpu.memory_space<vmem>>, vector<16xf32>,
          %parallel_loop3A_758 = arith.index_cast %parallel_loop3A_664 : i32 to index
          %parallel_loop3A_759 = arith.constant 112 : index
          %parallel_loop3A_760 = tpu.vector_load %arg14[%parallel_loop3A_758, %parallel_loop3A_759] {strides = array<i32>} : memref<400x128xf32, #tpu.memory_space<vmem>>, vector<16xf32>,
          %parallel_loop3A_761 = arith.addf %parallel_loop3A_757, %parallel_loop3A_760 : vector<16xf32>
          %parallel_loop3A_762 = arith.addf %parallel_loop3A_750, %parallel_loop3A_761 : vector<16xf32>
          %parallel_loop3A_763 = arith.mulf %parallel_loop3A_761, %parallel_loop3A_761 : vector<16xf32>
          %parallel_loop3A_764 = arith.addf %parallel_loop3A_752, %parallel_loop3A_763 : vector<16xf32>
          %parallel_loop3A_765 = arith.constant true
          %parallel_loop3A_766 = vector.broadcast %parallel_loop3A_765 : i1 to vector<16xi1>
          %parallel_loop3A_767 = tpu.scan <sum>, %parallel_loop3A_762 masked %parallel_loop3A_766 : vector<16xf32>, vector<16xi1> -> vector<16xf32>
          %parallel_loop3A_768 = vector.extract %parallel_loop3A_767[15] : f32 from vector<16xf32>
          %parallel_loop3A_769 = arith.constant 7.812500e-03 : f32
          %parallel_loop3A_770 = arith.mulf %parallel_loop3A_768, %parallel_loop3A_769 : f32
          %parallel_loop3A_771 = arith.constant true
          %parallel_loop3A_772 = vector.broadcast %parallel_loop3A_771 : i1 to vector<16xi1>
          %parallel_loop3A_773 = tpu.scan <sum>, %parallel_loop3A_764 masked %parallel_loop3A_772 : vector<16xf32>, vector<16xi1> -> vector<16xf32>
          %parallel_loop3A_774 = vector.extract %parallel_loop3A_773[15] : f32 from vector<16xf32>
          %parallel_loop3A_775 = arith.constant 7.812500e-03 : f32
          %parallel_loop3A_776 = arith.mulf %parallel_loop3A_774, %parallel_loop3A_775 : f32
          %parallel_loop3A_777 = arith.mulf %parallel_loop3A_770, %parallel_loop3A_770 : f32
          %parallel_loop3A_778 = arith.subf %parallel_loop3A_776, %parallel_loop3A_777 : f32
          %parallel_loop3A_779 = arith.constant 9.99999996E-13 : f32
          %parallel_loop3A_780 = arith.addf %parallel_loop3A_778, %parallel_loop3A_779 : f32
          %parallel_loop3A_781 = arith.bitcast %parallel_loop3A_780 : f32 to i32
          %parallel_loop3A_782 = arith.constant 1 : i32
          %parallel_loop3A_783 = arith.shrui %parallel_loop3A_781, %parallel_loop3A_782 : i32
          %parallel_loop3A_784 = arith.constant 1597463007 : i32
          %parallel_loop3A_785 = arith.subi %parallel_loop3A_784, %parallel_loop3A_783 : i32
          %parallel_loop3A_786 = arith.bitcast %parallel_loop3A_785 : i32 to f32
          %parallel_loop3A_787 = arith.constant 5.000000e-01 : f32
          %parallel_loop3A_788 = arith.mulf %parallel_loop3A_787, %parallel_loop3A_780 : f32
          %parallel_loop3A_789 = arith.mulf %parallel_loop3A_788, %parallel_loop3A_786 : f32
          %parallel_loop3A_790 = arith.mulf %parallel_loop3A_789, %parallel_loop3A_786 : f32
          %parallel_loop3A_791 = arith.constant 1.500000e+00 : f32
          %parallel_loop3A_792 = arith.subf %parallel_loop3A_791, %parallel_loop3A_790 : f32
          %parallel_loop3A_793 = arith.mulf %parallel_loop3A_786, %parallel_loop3A_792 : f32
          %parallel_loop3A_794 = vector.broadcast %parallel_loop3A_770 : f32 to vector<16xf32>
          %parallel_loop3A_795 = arith.subf %parallel_loop3A_677, %parallel_loop3A_794 : vector<16xf32>
          %parallel_loop3A_796 = vector.broadcast %parallel_loop3A_793 : f32 to vector<16xf32>
          %parallel_loop3A_797 = arith.mulf %parallel_loop3A_795, %parallel_loop3A_796 : vector<16xf32>
          %parallel_loop3A_798 = arith.mulf %parallel_loop3A_797, %get3A_6 : vector<16xf32>
          %parallel_loop3A_799 = arith.addf %parallel_loop3A_798, %get3A_38 : vector<16xf32>
          %parallel_loop3A_800 = arith.constant 0 : i32
          %parallel_loop3A_801 = arith.index_cast %parallel_loop3A_800 : i32 to index
          %parallel_loop3A_802 = arith.index_cast %parallel_loop3A_658 : i32 to index
          %parallel_loop3A_803 = arith.constant 0 : index
          %parallel_loop3A_804 = tpu.vector_load %arg13[%parallel_loop3A_801, %parallel_loop3A_802, %parallel_loop3A_803] {strides = array<i32>} : memref<2x128x128xf32, #tpu.memory_space<vmem>>, vector<16xf32>,
          tpu.vector_store %arg13[%parallel_loop3A_801, %parallel_loop3A_802, %parallel_loop3A_803], %parallel_loop3A_799 {strides = array<i32>} : memref<2x128x128xf32, #tpu.memory_space<vmem>>, vector<16xf32>,
          %parallel_loop3A_805 = vector.broadcast %parallel_loop3A_770 : f32 to vector<16xf32>
          %parallel_loop3A_806 = arith.subf %parallel_loop3A_689, %parallel_loop3A_805 : vector<16xf32>
          %parallel_loop3A_807 = vector.broadcast %parallel_loop3A_793 : f32 to vector<16xf32>
          %parallel_loop3A_808 = arith.mulf %parallel_loop3A_806, %parallel_loop3A_807 : vector<16xf32>
          %parallel_loop3A_809 = arith.mulf %parallel_loop3A_808, %get3A_10 : vector<16xf32>
          %parallel_loop3A_810 = arith.addf %parallel_loop3A_809, %get3A_42 : vector<16xf32>
          %parallel_loop3A_811 = arith.constant 0 : i32
          %parallel_loop3A_812 = arith.index_cast %parallel_loop3A_811 : i32 to index
          %parallel_loop3A_813 = arith.index_cast %parallel_loop3A_658 : i32 to index
          %parallel_loop3A_814 = arith.constant 16 : index
          %parallel_loop3A_815 = tpu.vector_load %arg13[%parallel_loop3A_812, %parallel_loop3A_813, %parallel_loop3A_814] {strides = array<i32>} : memref<2x128x128xf32, #tpu.memory_space<vmem>>, vector<16xf32>,
          tpu.vector_store %arg13[%parallel_loop3A_812, %parallel_loop3A_813, %parallel_loop3A_814], %parallel_loop3A_810 {strides = array<i32>} : memref<2x128x128xf32, #tpu.memory_space<vmem>>, vector<16xf32>,
          %parallel_loop3A_816 = vector.broadcast %parallel_loop3A_770 : f32 to vector<16xf32>
          %parallel_loop3A_817 = arith.subf %parallel_loop3A_701, %parallel_loop3A_816 : vector<16xf32>
          %parallel_loop3A_818 = vector.broadcast %parallel_loop3A_793 : f32 to vector<16xf32>
          %parallel_loop3A_819 = arith.mulf %parallel_loop3A_817, %parallel_loop3A_818 : vector<16xf32>
          %parallel_loop3A_820 = arith.mulf %parallel_loop3A_819, %get3A_14 : vector<16xf32>
          %parallel_loop3A_821 = arith.addf %parallel_loop3A_820, %get3A_46 : vector<16xf32>
          %parallel_loop3A_822 = arith.constant 0 : i32
          %parallel_loop3A_823 = arith.index_cast %parallel_loop3A_822 : i32 to index
          %parallel_loop3A_824 = arith.index_cast %parallel_loop3A_658 : i32 to index
          %parallel_loop3A_825 = arith.constant 32 : index
          %parallel_loop3A_826 = tpu.vector_load %arg13[%parallel_loop3A_823, %parallel_loop3A_824, %parallel_loop3A_825] {strides = array<i32>} : memref<2x128x128xf32, #tpu.memory_space<vmem>>, vector<16xf32>,
          tpu.vector_store %arg13[%parallel_loop3A_823, %parallel_loop3A_824, %parallel_loop3A_825], %parallel_loop3A_821 {strides = array<i32>} : memref<2x128x128xf32, #tpu.memory_space<vmem>>, vector<16xf32>,
          %parallel_loop3A_827 = vector.broadcast %parallel_loop3A_770 : f32 to vector<16xf32>
          %parallel_loop3A_828 = arith.subf %parallel_loop3A_713, %parallel_loop3A_827 : vector<16xf32>
          %parallel_loop3A_829 = vector.broadcast %parallel_loop3A_793 : f32 to vector<16xf32>
          %parallel_loop3A_830 = arith.mulf %parallel_loop3A_828, %parallel_loop3A_829 : vector<16xf32>
          %parallel_loop3A_831 = arith.mulf %parallel_loop3A_830, %get3A_18 : vector<16xf32>
          %parallel_loop3A_832 = arith.addf %parallel_loop3A_831, %get3A_50 : vector<16xf32>
          %parallel_loop3A_833 = arith.constant 0 : i32
          %parallel_loop3A_834 = arith.index_cast %parallel_loop3A_833 : i32 to index
          %parallel_loop3A_835 = arith.index_cast %parallel_loop3A_658 : i32 to index
          %parallel_loop3A_836 = arith.constant 48 : index
          %parallel_loop3A_837 = tpu.vector_load %arg13[%parallel_loop3A_834, %parallel_loop3A_835, %parallel_loop3A_836] {strides = array<i32>} : memref<2x128x128xf32, #tpu.memory_space<vmem>>, vector<16xf32>,
          tpu.vector_store %arg13[%parallel_loop3A_834, %parallel_loop3A_835, %parallel_loop3A_836], %parallel_loop3A_832 {strides = array<i32>} : memref<2x128x128xf32, #tpu.memory_space<vmem>>, vector<16xf32>,
          %parallel_loop3A_838 = vector.broadcast %parallel_loop3A_770 : f32 to vector<16xf32>
          %parallel_loop3A_839 = arith.subf %parallel_loop3A_725, %parallel_loop3A_838 : vector<16xf32>
          %parallel_loop3A_840 = vector.broadcast %parallel_loop3A_793 : f32 to vector<16xf32>
          %parallel_loop3A_841 = arith.mulf %parallel_loop3A_839, %parallel_loop3A_840 : vector<16xf32>
          %parallel_loop3A_842 = arith.mulf %parallel_loop3A_841, %get3A_22 : vector<16xf32>
          %parallel_loop3A_843 = arith.addf %parallel_loop3A_842, %get3A_54 : vector<16xf32>
          %parallel_loop3A_844 = arith.constant 0 : i32
          %parallel_loop3A_845 = arith.index_cast %parallel_loop3A_844 : i32 to index
          %parallel_loop3A_846 = arith.index_cast %parallel_loop3A_658 : i32 to index
          %parallel_loop3A_847 = arith.constant 64 : index
          %parallel_loop3A_848 = tpu.vector_load %arg13[%parallel_loop3A_845, %parallel_loop3A_846, %parallel_loop3A_847] {strides = array<i32>} : memref<2x128x128xf32, #tpu.memory_space<vmem>>, vector<16xf32>,
          tpu.vector_store %arg13[%parallel_loop3A_845, %parallel_loop3A_846, %parallel_loop3A_847], %parallel_loop3A_843 {strides = array<i32>} : memref<2x128x128xf32, #tpu.memory_space<vmem>>, vector<16xf32>,
          %parallel_loop3A_849 = vector.broadcast %parallel_loop3A_770 : f32 to vector<16xf32>
          %parallel_loop3A_850 = arith.subf %parallel_loop3A_737, %parallel_loop3A_849 : vector<16xf32>
          %parallel_loop3A_851 = vector.broadcast %parallel_loop3A_793 : f32 to vector<16xf32>
          %parallel_loop3A_852 = arith.mulf %parallel_loop3A_850, %parallel_loop3A_851 : vector<16xf32>
          %parallel_loop3A_853 = arith.mulf %parallel_loop3A_852, %get3A_26 : vector<16xf32>
          %parallel_loop3A_854 = arith.addf %parallel_loop3A_853, %get3A_58 : vector<16xf32>
          %parallel_loop3A_855 = arith.constant 0 : i32
          %parallel_loop3A_856 = arith.index_cast %parallel_loop3A_855 : i32 to index
          %parallel_loop3A_857 = arith.index_cast %parallel_loop3A_658 : i32 to index
          %parallel_loop3A_858 = arith.constant 80 : index
          %parallel_loop3A_859 = tpu.vector_load %arg13[%parallel_loop3A_856, %parallel_loop3A_857, %parallel_loop3A_858] {strides = array<i32>} : memref<2x128x128xf32, #tpu.memory_space<vmem>>, vector<16xf32>,
          tpu.vector_store %arg13[%parallel_loop3A_856, %parallel_loop3A_857, %parallel_loop3A_858], %parallel_loop3A_854 {strides = array<i32>} : memref<2x128x128xf32, #tpu.memory_space<vmem>>, vector<16xf32>,
          %parallel_loop3A_860 = vector.broadcast %parallel_loop3A_770 : f32 to vector<16xf32>
          %parallel_loop3A_861 = arith.subf %parallel_loop3A_749, %parallel_loop3A_860 : vector<16xf32>
          %parallel_loop3A_862 = vector.broadcast %parallel_loop3A_793 : f32 to vector<16xf32>
          %parallel_loop3A_863 = arith.mulf %parallel_loop3A_861, %parallel_loop3A_862 : vector<16xf32>
          %parallel_loop3A_864 = arith.mulf %parallel_loop3A_863, %get3A_30 : vector<16xf32>
          %parallel_loop3A_865 = arith.addf %parallel_loop3A_864, %get3A_62 : vector<16xf32>
          %parallel_loop3A_866 = arith.constant 0 : i32
          %parallel_loop3A_867 = arith.index_cast %parallel_loop3A_866 : i32 to index
          %parallel_loop3A_868 = arith.index_cast %parallel_loop3A_658 : i32 to index
          %parallel_loop3A_869 = arith.constant 96 : index
          %parallel_loop3A_870 = tpu.vector_load %arg13[%parallel_loop3A_867, %parallel_loop3A_868, %parallel_loop3A_869] {strides = array<i32>} : memref<2x128x128xf32, #tpu.memory_space<vmem>>, vector<16xf32>,
          tpu.vector_store %arg13[%parallel_loop3A_867, %parallel_loop3A_868, %parallel_loop3A_869], %parallel_loop3A_865 {strides = array<i32>} : memref<2x128x128xf32, #tpu.memory_space<vmem>>, vector<16xf32>,
          %parallel_loop3A_871 = vector.broadcast %parallel_loop3A_770 : f32 to vector<16xf32>
          %parallel_loop3A_872 = arith.subf %parallel_loop3A_761, %parallel_loop3A_871 : vector<16xf32>
          %parallel_loop3A_873 = vector.broadcast %parallel_loop3A_793 : f32 to vector<16xf32>
          %parallel_loop3A_874 = arith.mulf %parallel_loop3A_872, %parallel_loop3A_873 : vector<16xf32>
          %parallel_loop3A_875 = arith.mulf %parallel_loop3A_874, %get3A_34 : vector<16xf32>
          %parallel_loop3A_876 = arith.addf %parallel_loop3A_875, %get3A_66 : vector<16xf32>
          %parallel_loop3A_877 = arith.constant 0 : i32
          %parallel_loop3A_878 = arith.index_cast %parallel_loop3A_877 : i32 to index
          %parallel_loop3A_879 = arith.index_cast %parallel_loop3A_658 : i32 to index
          %parallel_loop3A_880 = arith.constant 112 : index
          %parallel_loop3A_881 = tpu.vector_load %arg13[%parallel_loop3A_878, %parallel_loop3A_879, %parallel_loop3A_880] {strides = array<i32>} : memref<2x128x128xf32, #tpu.memory_space<vmem>>, vector<16xf32>,
          tpu.vector_store %arg13[%parallel_loop3A_878, %parallel_loop3A_879, %parallel_loop3A_880], %parallel_loop3A_876 {strides = array<i32>} : memref<2x128x128xf32, #tpu.memory_space<vmem>>, vector<16xf32>,
        } {sc.loop_unroll_factor = 4 : i64, sc.parallel_access}
      } else {
      }
      %mul3A_581 = arith.constant 128 : i32
      %mul3A_582 = arith.muli %mul3A_545, %mul3A_581 : i32
      %add3A_583 = arith.addi %mul3A_2, %mul3A_582 : i32
      %dma_start3A_584 = arith.constant 0 : i32
      %dma_start3A_585 = arith.constant 0 : i32
      %dma_start3A_586 = arith.constant 0 : i32
      %dma_start3A_587 = tpu.memref_slice %arg13[%dma_start3A_584, %dma_start3A_585, %dma_start3A_586] : memref<2x128x128xf32, #tpu.memory_space<vmem>> -> memref<1x128x128xf32, #tpu.memory_space<vmem>>
      %dma_start3A_588 = tpu.memref_squeeze %dma_start3A_587 : memref<1x128x128xf32, #tpu.memory_space<vmem>> -> memref<128x128xf32, #tpu.memory_space<vmem>>
      %dma_start3A_589 = arith.constant 0 : i32
      %dma_start3A_590 = tpu.memref_slice %arg8[%add3A_583, %dma_start3A_589] : memref<204800x128xf32, #tpu.memory_space<hbm>> -> memref<128x128xf32, #tpu.memory_space<hbm>>
      %dma_start3A_591 = arith.constant 0 : i32
      %dma_start3A_592 = tpu.memref_slice %arg8[%add3A_583, %dma_start3A_591] : memref<204800x128xf32, #tpu.memory_space<hbm>> -> memref<128x128xf32, #tpu.memory_space<hbm>>
      %dma_start3A_593 = arith.constant 0 : i32
      %dma_start3A_594 = arith.constant 0 : i32
      %dma_start3A_595 = tpu.memref_slice %arg13[%dma_start3A_584, %dma_start3A_593, %dma_start3A_594] : memref<2x128x128xf32, #tpu.memory_space<vmem>> -> memref<1x128x128xf32, #tpu.memory_space<vmem>>
      %dma_start3A_596 = tpu.memref_squeeze %dma_start3A_595 : memref<1x128x128xf32, #tpu.memory_space<vmem>> -> memref<128x128xf32, #tpu.memory_space<vmem>>
      tpu.enqueue_dma source(%dma_start3A_596 : memref<128x128xf32, #tpu.memory_space<vmem>>) target(%dma_start3A_592 : memref<128x128xf32, #tpu.memory_space<hbm>>) target_semaphore(%arg20 : memref<!tpu.dma_semaphore, #tpu.memory_space<semaphore_mem>>)
      %mul3A_597 = arith.constant 2 : i32
      %mul3A_598 = arith.muli %mul3A_597, %scan3A_543 : i32
      %add3A_599 = arith.constant 1 : i32
      %add3A_600 = arith.addi %mul3A_598, %add3A_599 : i32
      %dma_wait3A_601 = arith.constant 1 : i32
      %dma_wait3A_602 = arith.constant 1 : i32
      %dma_wait3A_603 = arith.constant 0 : i32
      %dma_wait3A_604 = arith.constant 0 : i32
      %dma_wait3A_605 = tpu.memref_slice %arg12[%dma_wait3A_602, %dma_wait3A_603, %dma_wait3A_604] : memref<2x128x128xf32, #tpu.memory_space<vmem>> -> memref<1x128x128xf32, #tpu.memory_space<vmem>>
      %dma_wait3A_606 = tpu.memref_squeeze %dma_wait3A_605 : memref<1x128x128xf32, #tpu.memory_space<vmem>> -> memref<128x128xf32, #tpu.memory_space<vmem>>
      %dma_wait3A_607 = arith.constant 0 : i32
      %dma_wait3A_608 = tpu.memref_slice %arg9[%dma_wait3A_601, %dma_wait3A_607] : memref<2x128xi32, #tpu.memory_space<vmem>> -> memref<1x128xi32, #tpu.memory_space<vmem>>
      %dma_wait3A_609 = tpu.memref_squeeze %dma_wait3A_608 : memref<1x128xi32, #tpu.memory_space<vmem>> -> memref<128xi32, #tpu.memory_space<vmem>>
      %dma_wait3A_610 = arith.constant 0 : i32
      %dma_wait3A_611 = arith.constant 0 : i32
      %dma_wait3A_612 = tpu.memref_slice %arg4[%dma_wait3A_610, %dma_wait3A_611] : memref<100000x128xf32, #tpu.memory_space<hbm>> -> memref<100000x128xf32, #tpu.memory_space<hbm>>
      tpu.wait_indirect_dma semaphore(%arg19 : memref<!tpu.dma_semaphore, #tpu.memory_space<semaphore_mem>>) src(%dma_wait3A_612 : memref<100000x128xf32, #tpu.memory_space<hbm>>) dst(%dma_wait3A_606 : memref<128x128xf32, #tpu.memory_space<vmem>>)
      %add3A_613 = arith.constant 1 : i32
      %add3A_614 = arith.addi %add3A_600, %add3A_613 : i32
      %lt3A_615 = arith.constant 50 : i32
      %lt3A_616 = arith.cmpi slt, %add3A_614, %lt3A_615 : i32
      %convert_element_type3A_617 = arith.extui %lt3A_616 : i1 to i32
      %cond3A_618 = arith.constant 0 : i32
      %cond3A_619 = arith.cmpi ne, %convert_element_type3A_617, %cond3A_618 : i32
      scf.if %cond3A_619 {
        %add3A_656 = arith.constant 1 : i32
        %add3A_657 = arith.addi %add3A_600, %add3A_656 : i32
        %mul3A_658 = arith.constant 128 : i32
        %mul3A_659 = arith.muli %add3A_657, %mul3A_658 : i32
        %add3A_660 = arith.addi %mul3A_2, %mul3A_659 : i32
        %dma_wait3A_661 = arith.constant 0 : i32
        %dma_wait3A_662 = arith.constant 0 : i32
        %dma_wait3A_663 = tpu.memref_slice %arg9[%dma_wait3A_661, %dma_wait3A_662] : memref<2x128xi32, #tpu.memory_space<vmem>> -> memref<1x128xi32, #tpu.memory_space<vmem>>
        %dma_wait3A_664 = tpu.memref_squeeze %dma_wait3A_663 : memref<1x128xi32, #tpu.memory_space<vmem>> -> memref<128xi32, #tpu.memory_space<vmem>>
        %dma_wait3A_665 = tpu.memref_slice %arg2[%add3A_660] : memref<204800xi32, #tpu.memory_space<hbm>> -> memref<128xi32, #tpu.memory_space<hbm>>
        %dma_wait3A_666 = arith.constant 0 : i32
        %dma_wait3A_667 = tpu.memref_slice %arg9[%dma_wait3A_661, %dma_wait3A_666] : memref<2x128xi32, #tpu.memory_space<vmem>> -> memref<1x128xi32, #tpu.memory_space<vmem>>
        %dma_wait3A_668 = tpu.memref_squeeze %dma_wait3A_667 : memref<1x128xi32, #tpu.memory_space<vmem>> -> memref<128xi32, #tpu.memory_space<vmem>>
        %dma_wait3A_669 = tpu.memref_slice %arg2[%add3A_660] : memref<204800xi32, #tpu.memory_space<hbm>> -> memref<128xi32, #tpu.memory_space<hbm>>
        tpu.wait_dma2 semaphore(%arg16 : memref<!tpu.dma_semaphore, #tpu.memory_space<semaphore_mem>>) src(%dma_wait3A_669 : memref<128xi32, #tpu.memory_space<hbm>>) dst(%dma_wait3A_668 : memref<128xi32, #tpu.memory_space<vmem>>)
        %dma_wait3A_670 = arith.constant 0 : i32
        %dma_wait3A_671 = arith.constant 0 : i32
        %dma_wait3A_672 = tpu.memref_slice %arg11[%dma_wait3A_670, %dma_wait3A_671] : memref<2x128xi32, #tpu.memory_space<vmem>> -> memref<1x128xi32, #tpu.memory_space<vmem>>
        %dma_wait3A_673 = tpu.memref_squeeze %dma_wait3A_672 : memref<1x128xi32, #tpu.memory_space<vmem>> -> memref<128xi32, #tpu.memory_space<vmem>>
        %dma_wait3A_674 = tpu.memref_slice %arg3[%add3A_660] : memref<204800xi32, #tpu.memory_space<hbm>> -> memref<128xi32, #tpu.memory_space<hbm>>
        %dma_wait3A_675 = arith.constant 0 : i32
        %dma_wait3A_676 = tpu.memref_slice %arg11[%dma_wait3A_670, %dma_wait3A_675] : memref<2x128xi32, #tpu.memory_space<vmem>> -> memref<1x128xi32, #tpu.memory_space<vmem>>
        %dma_wait3A_677 = tpu.memref_squeeze %dma_wait3A_676 : memref<1x128xi32, #tpu.memory_space<vmem>> -> memref<128xi32, #tpu.memory_space<vmem>>
        %dma_wait3A_678 = tpu.memref_slice %arg3[%add3A_660] : memref<204800xi32, #tpu.memory_space<hbm>> -> memref<128xi32, #tpu.memory_space<hbm>>
        tpu.wait_dma2 semaphore(%arg16 : memref<!tpu.dma_semaphore, #tpu.memory_space<semaphore_mem>>) src(%dma_wait3A_678 : memref<128xi32, #tpu.memory_space<hbm>>) dst(%dma_wait3A_677 : memref<128xi32, #tpu.memory_space<vmem>>)
        %mul3A_679 = arith.constant 128 : i32
        %mul3A_680 = arith.muli %add3A_657, %mul3A_679 : i32
        %add3A_681 = arith.addi %mul3A_2, %mul3A_680 : i32
        %add3A_682 = arith.constant 0 : i32
        %add3A_683 = arith.addi %add3A_681, %add3A_682 : i32
        %add3A_684 = vector.broadcast %add3A_683 : i32 to vector<16xi32>
        %add3A_685 = arith.addi %add3A_684, %iota3A : vector<16xi32>
        %jit3A_686 = arith.constant 200 : i32
        %eq3A_687 = arith.constant 0 : i32
        %eq3A_688 = arith.cmpi eq, %jit3A_686, %eq3A_687 : i32
        %jit3A_689 = arith.constant 1 : i32
        %select_n3A_690 = arith.select %eq3A_688, %jit3A_689, %jit3A_686 : i32
        %rem3A_691 = vector.broadcast %select_n3A_690 : i32 to vector<16xi32>
        %rem3A_692 = arith.remsi %add3A_685, %rem3A_691 : vector<16xi32>
        %ne3A_693 = arith.constant 0 : i32
        %ne3A_694 = vector.broadcast %ne3A_693 : i32 to vector<16xi32>
        %ne3A_695 = arith.cmpi ne, %rem3A_692, %ne3A_694 : vector<16xi32>
        %lt3A_696 = arith.constant 0 : i32
        %lt3A_697 = vector.broadcast %lt3A_696 : i32 to vector<16xi32>
        %lt3A_698 = arith.cmpi slt, %rem3A_692, %lt3A_697 : vector<16xi32>
        %lt3A_699 = arith.constant 0 : i32
        %lt3A_700 = arith.cmpi slt, %select_n3A_690, %lt3A_699 : i32
        %ne3A_701 = vector.broadcast %lt3A_700 : i1 to vector<16xi1>
        %ne3A_702 = vector.broadcast %ne3A_701 : vector<16xi1> to vector<16xi1>
        %ne3A_703 = arith.xori %lt3A_698, %ne3A_702 : vector<16xi1>
        %and3A_704 = arith.andi %ne3A_703, %ne3A_695 : vector<16xi1>
        %add3A_705 = vector.broadcast %select_n3A_690 : i32 to vector<16xi32>
        %add3A_706 = arith.addi %rem3A_692, %add3A_705 : vector<16xi32>
        %select_n3A_707 = arith.select %and3A_704, %add3A_706, %rem3A_692 : vector<16xi1>, vector<16xi32>
        %mul3A_708 = arith.constant 2 : i32
        %mul3A_709 = vector.broadcast %mul3A_708 : i32 to vector<16xi32>
        %mul3A_710 = arith.muli %mul3A_709, %select_n3A_707 : vector<16xi32>
        %get3A_711 = arith.constant 0 : i32
        %get3A_712 = arith.index_cast %get3A_711 : i32 to index
        %get3A_713 = arith.constant 0 : index
        %get3A_714 = tpu.vector_load %arg11[%get3A_712, %get3A_713] {strides = array<i32>} : memref<2x128xi32, #tpu.memory_space<vmem>>, vector<16xi32>,
        %add3A_715 = arith.addi %mul3A_710, %get3A_714 : vector<16xi32>
        %swap3A_716 = arith.constant 0 : i32
        %swap3A_717 = arith.index_cast %swap3A_716 : i32 to index
        %swap3A_718 = arith.constant 0 : index
        %swap3A_719 = tpu.vector_load %arg10[%swap3A_717, %swap3A_718] {strides = array<i32>} : memref<2x144xi32, #tpu.memory_space<vmem>>, vector<16xi32>,
        tpu.vector_store %arg10[%swap3A_717, %swap3A_718], %add3A_715 {strides = array<i32>} : memref<2x144xi32, #tpu.memory_space<vmem>>, vector<16xi32>,
        %add3A_720 = arith.constant 16 : i32
        %add3A_721 = arith.addi %add3A_681, %add3A_720 : i32
        %add3A_722 = vector.broadcast %add3A_721 : i32 to vector<16xi32>
        %add3A_723 = arith.addi %add3A_722, %iota3A : vector<16xi32>
        %jit3A_724 = arith.constant 200 : i32
        %eq3A_725 = arith.constant 0 : i32
        %eq3A_726 = arith.cmpi eq, %jit3A_724, %eq3A_725 : i32
        %jit3A_727 = arith.constant 1 : i32
        %select_n3A_728 = arith.select %eq3A_726, %jit3A_727, %jit3A_724 : i32
        %rem3A_729 = vector.broadcast %select_n3A_728 : i32 to vector<16xi32>
        %rem3A_730 = arith.remsi %add3A_723, %rem3A_729 : vector<16xi32>
        %ne3A_731 = arith.constant 0 : i32
        %ne3A_732 = vector.broadcast %ne3A_731 : i32 to vector<16xi32>
        %ne3A_733 = arith.cmpi ne, %rem3A_730, %ne3A_732 : vector<16xi32>
        %lt3A_734 = arith.constant 0 : i32
        %lt3A_735 = vector.broadcast %lt3A_734 : i32 to vector<16xi32>
        %lt3A_736 = arith.cmpi slt, %rem3A_730, %lt3A_735 : vector<16xi32>
        %lt3A_737 = arith.constant 0 : i32
        %lt3A_738 = arith.cmpi slt, %select_n3A_728, %lt3A_737 : i32
        %ne3A_739 = vector.broadcast %lt3A_738 : i1 to vector<16xi1>
        %ne3A_740 = vector.broadcast %ne3A_739 : vector<16xi1> to vector<16xi1>
        %ne3A_741 = arith.xori %lt3A_736, %ne3A_740 : vector<16xi1>
        %and3A_742 = arith.andi %ne3A_741, %ne3A_733 : vector<16xi1>
        %add3A_743 = vector.broadcast %select_n3A_728 : i32 to vector<16xi32>
        %add3A_744 = arith.addi %rem3A_730, %add3A_743 : vector<16xi32>
        %select_n3A_745 = arith.select %and3A_742, %add3A_744, %rem3A_730 : vector<16xi1>, vector<16xi32>
        %mul3A_746 = arith.constant 2 : i32
        %mul3A_747 = vector.broadcast %mul3A_746 : i32 to vector<16xi32>
        %mul3A_748 = arith.muli %mul3A_747, %select_n3A_745 : vector<16xi32>
        %get3A_749 = arith.constant 0 : i32
        %get3A_750 = arith.index_cast %get3A_749 : i32 to index
        %get3A_751 = arith.constant 16 : index
        %get3A_752 = tpu.vector_load %arg11[%get3A_750, %get3A_751] {strides = array<i32>} : memref<2x128xi32, #tpu.memory_space<vmem>>, vector<16xi32>,
        %add3A_753 = arith.addi %mul3A_748, %get3A_752 : vector<16xi32>
        %swap3A_754 = arith.constant 0 : i32
        %swap3A_755 = arith.index_cast %swap3A_754 : i32 to index
        %swap3A_756 = arith.constant 16 : index
        %swap3A_757 = tpu.vector_load %arg10[%swap3A_755, %swap3A_756] {strides = array<i32>} : memref<2x144xi32, #tpu.memory_space<vmem>>, vector<16xi32>,
        tpu.vector_store %arg10[%swap3A_755, %swap3A_756], %add3A_753 {strides = array<i32>} : memref<2x144xi32, #tpu.memory_space<vmem>>, vector<16xi32>,
        %add3A_758 = arith.constant 32 : i32
        %add3A_759 = arith.addi %add3A_681, %add3A_758 : i32
        %add3A_760 = vector.broadcast %add3A_759 : i32 to vector<16xi32>
        %add3A_761 = arith.addi %add3A_760, %iota3A : vector<16xi32>
        %jit3A_762 = arith.constant 200 : i32
        %eq3A_763 = arith.constant 0 : i32
        %eq3A_764 = arith.cmpi eq, %jit3A_762, %eq3A_763 : i32
        %jit3A_765 = arith.constant 1 : i32
        %select_n3A_766 = arith.select %eq3A_764, %jit3A_765, %jit3A_762 : i32
        %rem3A_767 = vector.broadcast %select_n3A_766 : i32 to vector<16xi32>
        %rem3A_768 = arith.remsi %add3A_761, %rem3A_767 : vector<16xi32>
        %ne3A_769 = arith.constant 0 : i32
        %ne3A_770 = vector.broadcast %ne3A_769 : i32 to vector<16xi32>
        %ne3A_771 = arith.cmpi ne, %rem3A_768, %ne3A_770 : vector<16xi32>
        %lt3A_772 = arith.constant 0 : i32
        %lt3A_773 = vector.broadcast %lt3A_772 : i32 to vector<16xi32>
        %lt3A_774 = arith.cmpi slt, %rem3A_768, %lt3A_773 : vector<16xi32>
        %lt3A_775 = arith.constant 0 : i32
        %lt3A_776 = arith.cmpi slt, %select_n3A_766, %lt3A_775 : i32
        %ne3A_777 = vector.broadcast %lt3A_776 : i1 to vector<16xi1>
        %ne3A_778 = vector.broadcast %ne3A_777 : vector<16xi1> to vector<16xi1>
        %ne3A_779 = arith.xori %lt3A_774, %ne3A_778 : vector<16xi1>
        %and3A_780 = arith.andi %ne3A_779, %ne3A_771 : vector<16xi1>
        %add3A_781 = vector.broadcast %select_n3A_766 : i32 to vector<16xi32>
        %add3A_782 = arith.addi %rem3A_768, %add3A_781 : vector<16xi32>
        %select_n3A_783 = arith.select %and3A_780, %add3A_782, %rem3A_768 : vector<16xi1>, vector<16xi32>
        %mul3A_784 = arith.constant 2 : i32
        %mul3A_785 = vector.broadcast %mul3A_784 : i32 to vector<16xi32>
        %mul3A_786 = arith.muli %mul3A_785, %select_n3A_783 : vector<16xi32>
        %get3A_787 = arith.constant 0 : i32
        %get3A_788 = arith.index_cast %get3A_787 : i32 to index
        %get3A_789 = arith.constant 32 : index
        %get3A_790 = tpu.vector_load %arg11[%get3A_788, %get3A_789] {strides = array<i32>} : memref<2x128xi32, #tpu.memory_space<vmem>>, vector<16xi32>,
        %add3A_791 = arith.addi %mul3A_786, %get3A_790 : vector<16xi32>
        %swap3A_792 = arith.constant 0 : i32
        %swap3A_793 = arith.index_cast %swap3A_792 : i32 to index
        %swap3A_794 = arith.constant 32 : index
        %swap3A_795 = tpu.vector_load %arg10[%swap3A_793, %swap3A_794] {strides = array<i32>} : memref<2x144xi32, #tpu.memory_space<vmem>>, vector<16xi32>,
        tpu.vector_store %arg10[%swap3A_793, %swap3A_794], %add3A_791 {strides = array<i32>} : memref<2x144xi32, #tpu.memory_space<vmem>>, vector<16xi32>,
        %add3A_796 = arith.constant 48 : i32
        %add3A_797 = arith.addi %add3A_681, %add3A_796 : i32
        %add3A_798 = vector.broadcast %add3A_797 : i32 to vector<16xi32>
        %add3A_799 = arith.addi %add3A_798, %iota3A : vector<16xi32>
        %jit3A_800 = arith.constant 200 : i32
        %eq3A_801 = arith.constant 0 : i32
        %eq3A_802 = arith.cmpi eq, %jit3A_800, %eq3A_801 : i32
        %jit3A_803 = arith.constant 1 : i32
        %select_n3A_804 = arith.select %eq3A_802, %jit3A_803, %jit3A_800 : i32
        %rem3A_805 = vector.broadcast %select_n3A_804 : i32 to vector<16xi32>
        %rem3A_806 = arith.remsi %add3A_799, %rem3A_805 : vector<16xi32>
        %ne3A_807 = arith.constant 0 : i32
        %ne3A_808 = vector.broadcast %ne3A_807 : i32 to vector<16xi32>
        %ne3A_809 = arith.cmpi ne, %rem3A_806, %ne3A_808 : vector<16xi32>
        %lt3A_810 = arith.constant 0 : i32
        %lt3A_811 = vector.broadcast %lt3A_810 : i32 to vector<16xi32>
        %lt3A_812 = arith.cmpi slt, %rem3A_806, %lt3A_811 : vector<16xi32>
        %lt3A_813 = arith.constant 0 : i32
        %lt3A_814 = arith.cmpi slt, %select_n3A_804, %lt3A_813 : i32
        %ne3A_815 = vector.broadcast %lt3A_814 : i1 to vector<16xi1>
        %ne3A_816 = vector.broadcast %ne3A_815 : vector<16xi1> to vector<16xi1>
        %ne3A_817 = arith.xori %lt3A_812, %ne3A_816 : vector<16xi1>
        %and3A_818 = arith.andi %ne3A_817, %ne3A_809 : vector<16xi1>
        %add3A_819 = vector.broadcast %select_n3A_804 : i32 to vector<16xi32>
        %add3A_820 = arith.addi %rem3A_806, %add3A_819 : vector<16xi32>
        %select_n3A_821 = arith.select %and3A_818, %add3A_820, %rem3A_806 : vector<16xi1>, vector<16xi32>
        %mul3A_822 = arith.constant 2 : i32
        %mul3A_823 = vector.broadcast %mul3A_822 : i32 to vector<16xi32>
        %mul3A_824 = arith.muli %mul3A_823, %select_n3A_821 : vector<16xi32>
        %get3A_825 = arith.constant 0 : i32
        %get3A_826 = arith.index_cast %get3A_825 : i32 to index
        %get3A_827 = arith.constant 48 : index
        %get3A_828 = tpu.vector_load %arg11[%get3A_826, %get3A_827] {strides = array<i32>} : memref<2x128xi32, #tpu.memory_space<vmem>>, vector<16xi32>,
        %add3A_829 = arith.addi %mul3A_824, %get3A_828 : vector<16xi32>
        %swap3A_830 = arith.constant 0 : i32
        %swap3A_831 = arith.index_cast %swap3A_830 : i32 to index
        %swap3A_832 = arith.constant 48 : index
        %swap3A_833 = tpu.vector_load %arg10[%swap3A_831, %swap3A_832] {strides = array<i32>} : memref<2x144xi32, #tpu.memory_space<vmem>>, vector<16xi32>,
        tpu.vector_store %arg10[%swap3A_831, %swap3A_832], %add3A_829 {strides = array<i32>} : memref<2x144xi32, #tpu.memory_space<vmem>>, vector<16xi32>,
        %add3A_834 = arith.constant 64 : i32
        %add3A_835 = arith.addi %add3A_681, %add3A_834 : i32
        %add3A_836 = vector.broadcast %add3A_835 : i32 to vector<16xi32>
        %add3A_837 = arith.addi %add3A_836, %iota3A : vector<16xi32>
        %jit3A_838 = arith.constant 200 : i32
        %eq3A_839 = arith.constant 0 : i32
        %eq3A_840 = arith.cmpi eq, %jit3A_838, %eq3A_839 : i32
        %jit3A_841 = arith.constant 1 : i32
        %select_n3A_842 = arith.select %eq3A_840, %jit3A_841, %jit3A_838 : i32
        %rem3A_843 = vector.broadcast %select_n3A_842 : i32 to vector<16xi32>
        %rem3A_844 = arith.remsi %add3A_837, %rem3A_843 : vector<16xi32>
        %ne3A_845 = arith.constant 0 : i32
        %ne3A_846 = vector.broadcast %ne3A_845 : i32 to vector<16xi32>
        %ne3A_847 = arith.cmpi ne, %rem3A_844, %ne3A_846 : vector<16xi32>
        %lt3A_848 = arith.constant 0 : i32
        %lt3A_849 = vector.broadcast %lt3A_848 : i32 to vector<16xi32>
        %lt3A_850 = arith.cmpi slt, %rem3A_844, %lt3A_849 : vector<16xi32>
        %lt3A_851 = arith.constant 0 : i32
        %lt3A_852 = arith.cmpi slt, %select_n3A_842, %lt3A_851 : i32
        %ne3A_853 = vector.broadcast %lt3A_852 : i1 to vector<16xi1>
        %ne3A_854 = vector.broadcast %ne3A_853 : vector<16xi1> to vector<16xi1>
        %ne3A_855 = arith.xori %lt3A_850, %ne3A_854 : vector<16xi1>
        %and3A_856 = arith.andi %ne3A_855, %ne3A_847 : vector<16xi1>
        %add3A_857 = vector.broadcast %select_n3A_842 : i32 to vector<16xi32>
        %add3A_858 = arith.addi %rem3A_844, %add3A_857 : vector<16xi32>
        %select_n3A_859 = arith.select %and3A_856, %add3A_858, %rem3A_844 : vector<16xi1>, vector<16xi32>
        %mul3A_860 = arith.constant 2 : i32
        %mul3A_861 = vector.broadcast %mul3A_860 : i32 to vector<16xi32>
        %mul3A_862 = arith.muli %mul3A_861, %select_n3A_859 : vector<16xi32>
        %get3A_863 = arith.constant 0 : i32
        %get3A_864 = arith.index_cast %get3A_863 : i32 to index
        %get3A_865 = arith.constant 64 : index
        %get3A_866 = tpu.vector_load %arg11[%get3A_864, %get3A_865] {strides = array<i32>} : memref<2x128xi32, #tpu.memory_space<vmem>>, vector<16xi32>,
        %add3A_867 = arith.addi %mul3A_862, %get3A_866 : vector<16xi32>
        %swap3A_868 = arith.constant 0 : i32
        %swap3A_869 = arith.index_cast %swap3A_868 : i32 to index
        %swap3A_870 = arith.constant 64 : index
        %swap3A_871 = tpu.vector_load %arg10[%swap3A_869, %swap3A_870] {strides = array<i32>} : memref<2x144xi32, #tpu.memory_space<vmem>>, vector<16xi32>,
        tpu.vector_store %arg10[%swap3A_869, %swap3A_870], %add3A_867 {strides = array<i32>} : memref<2x144xi32, #tpu.memory_space<vmem>>, vector<16xi32>,
        %add3A_872 = arith.constant 80 : i32
        %add3A_873 = arith.addi %add3A_681, %add3A_872 : i32
        %add3A_874 = vector.broadcast %add3A_873 : i32 to vector<16xi32>
        %add3A_875 = arith.addi %add3A_874, %iota3A : vector<16xi32>
        %jit3A_876 = arith.constant 200 : i32
        %eq3A_877 = arith.constant 0 : i32
        %eq3A_878 = arith.cmpi eq, %jit3A_876, %eq3A_877 : i32
        %jit3A_879 = arith.constant 1 : i32
        %select_n3A_880 = arith.select %eq3A_878, %jit3A_879, %jit3A_876 : i32
        %rem3A_881 = vector.broadcast %select_n3A_880 : i32 to vector<16xi32>
        %rem3A_882 = arith.remsi %add3A_875, %rem3A_881 : vector<16xi32>
        %ne3A_883 = arith.constant 0 : i32
        %ne3A_884 = vector.broadcast %ne3A_883 : i32 to vector<16xi32>
        %ne3A_885 = arith.cmpi ne, %rem3A_882, %ne3A_884 : vector<16xi32>
        %lt3A_886 = arith.constant 0 : i32
        %lt3A_887 = vector.broadcast %lt3A_886 : i32 to vector<16xi32>
        %lt3A_888 = arith.cmpi slt, %rem3A_882, %lt3A_887 : vector<16xi32>
        %lt3A_889 = arith.constant 0 : i32
        %lt3A_890 = arith.cmpi slt, %select_n3A_880, %lt3A_889 : i32
        %ne3A_891 = vector.broadcast %lt3A_890 : i1 to vector<16xi1>
        %ne3A_892 = vector.broadcast %ne3A_891 : vector<16xi1> to vector<16xi1>
        %ne3A_893 = arith.xori %lt3A_888, %ne3A_892 : vector<16xi1>
        %and3A_894 = arith.andi %ne3A_893, %ne3A_885 : vector<16xi1>
        %add3A_895 = vector.broadcast %select_n3A_880 : i32 to vector<16xi32>
        %add3A_896 = arith.addi %rem3A_882, %add3A_895 : vector<16xi32>
        %select_n3A_897 = arith.select %and3A_894, %add3A_896, %rem3A_882 : vector<16xi1>, vector<16xi32>
        %mul3A_898 = arith.constant 2 : i32
        %mul3A_899 = vector.broadcast %mul3A_898 : i32 to vector<16xi32>
        %mul3A_900 = arith.muli %mul3A_899, %select_n3A_897 : vector<16xi32>
        %get3A_901 = arith.constant 0 : i32
        %get3A_902 = arith.index_cast %get3A_901 : i32 to index
        %get3A_903 = arith.constant 80 : index
        %get3A_904 = tpu.vector_load %arg11[%get3A_902, %get3A_903] {strides = array<i32>} : memref<2x128xi32, #tpu.memory_space<vmem>>, vector<16xi32>,
        %add3A_905 = arith.addi %mul3A_900, %get3A_904 : vector<16xi32>
        %swap3A_906 = arith.constant 0 : i32
        %swap3A_907 = arith.index_cast %swap3A_906 : i32 to index
        %swap3A_908 = arith.constant 80 : index
        %swap3A_909 = tpu.vector_load %arg10[%swap3A_907, %swap3A_908] {strides = array<i32>} : memref<2x144xi32, #tpu.memory_space<vmem>>, vector<16xi32>,
        tpu.vector_store %arg10[%swap3A_907, %swap3A_908], %add3A_905 {strides = array<i32>} : memref<2x144xi32, #tpu.memory_space<vmem>>, vector<16xi32>,
        %add3A_910 = arith.constant 96 : i32
        %add3A_911 = arith.addi %add3A_681, %add3A_910 : i32
        %add3A_912 = vector.broadcast %add3A_911 : i32 to vector<16xi32>
        %add3A_913 = arith.addi %add3A_912, %iota3A : vector<16xi32>
        %jit3A_914 = arith.constant 200 : i32
        %eq3A_915 = arith.constant 0 : i32
        %eq3A_916 = arith.cmpi eq, %jit3A_914, %eq3A_915 : i32
        %jit3A_917 = arith.constant 1 : i32
        %select_n3A_918 = arith.select %eq3A_916, %jit3A_917, %jit3A_914 : i32
        %rem3A_919 = vector.broadcast %select_n3A_918 : i32 to vector<16xi32>
        %rem3A_920 = arith.remsi %add3A_913, %rem3A_919 : vector<16xi32>
        %ne3A_921 = arith.constant 0 : i32
        %ne3A_922 = vector.broadcast %ne3A_921 : i32 to vector<16xi32>
        %ne3A_923 = arith.cmpi ne, %rem3A_920, %ne3A_922 : vector<16xi32>
        %lt3A_924 = arith.constant 0 : i32
        %lt3A_925 = vector.broadcast %lt3A_924 : i32 to vector<16xi32>
        %lt3A_926 = arith.cmpi slt, %rem3A_920, %lt3A_925 : vector<16xi32>
        %lt3A_927 = arith.constant 0 : i32
        %lt3A_928 = arith.cmpi slt, %select_n3A_918, %lt3A_927 : i32
        %ne3A_929 = vector.broadcast %lt3A_928 : i1 to vector<16xi1>
        %ne3A_930 = vector.broadcast %ne3A_929 : vector<16xi1> to vector<16xi1>
        %ne3A_931 = arith.xori %lt3A_926, %ne3A_930 : vector<16xi1>
        %and3A_932 = arith.andi %ne3A_931, %ne3A_923 : vector<16xi1>
        %add3A_933 = vector.broadcast %select_n3A_918 : i32 to vector<16xi32>
        %add3A_934 = arith.addi %rem3A_920, %add3A_933 : vector<16xi32>
        %select_n3A_935 = arith.select %and3A_932, %add3A_934, %rem3A_920 : vector<16xi1>, vector<16xi32>
        %mul3A_936 = arith.constant 2 : i32
        %mul3A_937 = vector.broadcast %mul3A_936 : i32 to vector<16xi32>
        %mul3A_938 = arith.muli %mul3A_937, %select_n3A_935 : vector<16xi32>
        %get3A_939 = arith.constant 0 : i32
        %get3A_940 = arith.index_cast %get3A_939 : i32 to index
        %get3A_941 = arith.constant 96 : index
        %get3A_942 = tpu.vector_load %arg11[%get3A_940, %get3A_941] {strides = array<i32>} : memref<2x128xi32, #tpu.memory_space<vmem>>, vector<16xi32>,
        %add3A_943 = arith.addi %mul3A_938, %get3A_942 : vector<16xi32>
        %swap3A_944 = arith.constant 0 : i32
        %swap3A_945 = arith.index_cast %swap3A_944 : i32 to index
        %swap3A_946 = arith.constant 96 : index
        %swap3A_947 = tpu.vector_load %arg10[%swap3A_945, %swap3A_946] {strides = array<i32>} : memref<2x144xi32, #tpu.memory_space<vmem>>, vector<16xi32>,
        tpu.vector_store %arg10[%swap3A_945, %swap3A_946], %add3A_943 {strides = array<i32>} : memref<2x144xi32, #tpu.memory_space<vmem>>, vector<16xi32>,
        %add3A_948 = arith.constant 112 : i32
        %add3A_949 = arith.addi %add3A_681, %add3A_948 : i32
        %add3A_950 = vector.broadcast %add3A_949 : i32 to vector<16xi32>
        %add3A_951 = arith.addi %add3A_950, %iota3A : vector<16xi32>
        %jit3A_952 = arith.constant 200 : i32
        %eq3A_953 = arith.constant 0 : i32
        %eq3A_954 = arith.cmpi eq, %jit3A_952, %eq3A_953 : i32
        %jit3A_955 = arith.constant 1 : i32
        %select_n3A_956 = arith.select %eq3A_954, %jit3A_955, %jit3A_952 : i32
        %rem3A_957 = vector.broadcast %select_n3A_956 : i32 to vector<16xi32>
        %rem3A_958 = arith.remsi %add3A_951, %rem3A_957 : vector<16xi32>
        %ne3A_959 = arith.constant 0 : i32
        %ne3A_960 = vector.broadcast %ne3A_959 : i32 to vector<16xi32>
        %ne3A_961 = arith.cmpi ne, %rem3A_958, %ne3A_960 : vector<16xi32>
        %lt3A_962 = arith.constant 0 : i32
        %lt3A_963 = vector.broadcast %lt3A_962 : i32 to vector<16xi32>
        %lt3A_964 = arith.cmpi slt, %rem3A_958, %lt3A_963 : vector<16xi32>
        %lt3A_965 = arith.constant 0 : i32
        %lt3A_966 = arith.cmpi slt, %select_n3A_956, %lt3A_965 : i32
        %ne3A_967 = vector.broadcast %lt3A_966 : i1 to vector<16xi1>
        %ne3A_968 = vector.broadcast %ne3A_967 : vector<16xi1> to vector<16xi1>
        %ne3A_969 = arith.xori %lt3A_964, %ne3A_968 : vector<16xi1>
        %and3A_970 = arith.andi %ne3A_969, %ne3A_961 : vector<16xi1>
        %add3A_971 = vector.broadcast %select_n3A_956 : i32 to vector<16xi32>
        %add3A_972 = arith.addi %rem3A_958, %add3A_971 : vector<16xi32>
        %select_n3A_973 = arith.select %and3A_970, %add3A_972, %rem3A_958 : vector<16xi1>, vector<16xi32>
        %mul3A_974 = arith.constant 2 : i32
        %mul3A_975 = vector.broadcast %mul3A_974 : i32 to vector<16xi32>
        %mul3A_976 = arith.muli %mul3A_975, %select_n3A_973 : vector<16xi32>
        %get3A_977 = arith.constant 0 : i32
        %get3A_978 = arith.index_cast %get3A_977 : i32 to index
        %get3A_979 = arith.constant 112 : index
        %get3A_980 = tpu.vector_load %arg11[%get3A_978, %get3A_979] {strides = array<i32>} : memref<2x128xi32, #tpu.memory_space<vmem>>, vector<16xi32>,
        %add3A_981 = arith.addi %mul3A_976, %get3A_980 : vector<16xi32>
        %swap3A_982 = arith.constant 0 : i32
        %swap3A_983 = arith.index_cast %swap3A_982 : i32 to index
        %swap3A_984 = arith.constant 112 : index
        %swap3A_985 = tpu.vector_load %arg10[%swap3A_983, %swap3A_984] {strides = array<i32>} : memref<2x144xi32, #tpu.memory_space<vmem>>, vector<16xi32>,
        tpu.vector_store %arg10[%swap3A_983, %swap3A_984], %add3A_981 {strides = array<i32>} : memref<2x144xi32, #tpu.memory_space<vmem>>, vector<16xi32>,
        %dma_start3A_986 = arith.constant 0 : i32
        %dma_start3A_987 = arith.constant 0 : i32
        %dma_start3A_988 = arith.constant 0 : i32
        %dma_start3A_989 = arith.constant 0 : i32
        %dma_start3A_990 = tpu.memref_slice %arg12[%dma_start3A_987, %dma_start3A_988, %dma_start3A_989] : memref<2x128x128xf32, #tpu.memory_space<vmem>> -> memref<1x128x128xf32, #tpu.memory_space<vmem>>
        %dma_start3A_991 = tpu.memref_squeeze %dma_start3A_990 : memref<1x128x128xf32, #tpu.memory_space<vmem>> -> memref<128x128xf32, #tpu.memory_space<vmem>>
        %dma_start3A_992 = arith.constant 0 : i32
        %dma_start3A_993 = tpu.memref_slice %arg9[%dma_start3A_986, %dma_start3A_992] : memref<2x128xi32, #tpu.memory_space<vmem>> -> memref<1x128xi32, #tpu.memory_space<vmem>>
        %dma_start3A_994 = tpu.memref_squeeze %dma_start3A_993 : memref<1x128xi32, #tpu.memory_space<vmem>> -> memref<128xi32, #tpu.memory_space<vmem>>
        %dma_start3A_995 = arith.constant 0 : i32
        %dma_start3A_996 = arith.constant 0 : i32
        %dma_start3A_997 = tpu.memref_slice %arg4[%dma_start3A_995, %dma_start3A_996] : memref<100000x128xf32, #tpu.memory_space<hbm>> -> memref<100000x128xf32, #tpu.memory_space<hbm>>
        tpu.enqueue_indirect_dma source(%dma_start3A_997 : memref<100000x128xf32, #tpu.memory_space<hbm>>) target(%dma_start3A_991 : memref<128x128xf32, #tpu.memory_space<vmem>>) offsets(%dma_start3A_994 : memref<128xi32, #tpu.memory_space<vmem>>) semaphore(%arg18 : memref<!tpu.dma_semaphore, #tpu.memory_space<semaphore_mem>>)
      } else {
      }
      %add3A_620 = arith.constant 2 : i32
      %add3A_621 = arith.addi %add3A_600, %add3A_620 : i32
      %lt3A_622 = arith.constant 50 : i32
      %lt3A_623 = arith.cmpi slt, %add3A_621, %lt3A_622 : i32
      %convert_element_type3A_624 = arith.extui %lt3A_623 : i1 to i32
      %cond3A_625 = arith.constant 0 : i32
      %cond3A_626 = arith.cmpi ne, %convert_element_type3A_624, %cond3A_625 : i32
      scf.if %cond3A_626 {
        %add3A_656 = arith.constant 2 : i32
        %add3A_657 = arith.addi %add3A_600, %add3A_656 : i32
        %mul3A_658 = arith.constant 128 : i32
        %mul3A_659 = arith.muli %add3A_657, %mul3A_658 : i32
        %add3A_660 = arith.addi %mul3A_2, %mul3A_659 : i32
        %dma_start3A_661 = arith.constant 1 : i32
        %dma_start3A_662 = arith.constant 0 : i32
        %dma_start3A_663 = tpu.memref_slice %arg9[%dma_start3A_661, %dma_start3A_662] : memref<2x128xi32, #tpu.memory_space<vmem>> -> memref<1x128xi32, #tpu.memory_space<vmem>>
        %dma_start3A_664 = tpu.memref_squeeze %dma_start3A_663 : memref<1x128xi32, #tpu.memory_space<vmem>> -> memref<128xi32, #tpu.memory_space<vmem>>
        %dma_start3A_665 = tpu.memref_slice %arg2[%add3A_660] : memref<204800xi32, #tpu.memory_space<hbm>> -> memref<128xi32, #tpu.memory_space<hbm>>
        %dma_start3A_666 = arith.constant 0 : i32
        %dma_start3A_667 = tpu.memref_slice %arg9[%dma_start3A_661, %dma_start3A_666] : memref<2x128xi32, #tpu.memory_space<vmem>> -> memref<1x128xi32, #tpu.memory_space<vmem>>
        %dma_start3A_668 = tpu.memref_squeeze %dma_start3A_667 : memref<1x128xi32, #tpu.memory_space<vmem>> -> memref<128xi32, #tpu.memory_space<vmem>>
        %dma_start3A_669 = tpu.memref_slice %arg2[%add3A_660] : memref<204800xi32, #tpu.memory_space<hbm>> -> memref<128xi32, #tpu.memory_space<hbm>>
        tpu.enqueue_dma source(%dma_start3A_669 : memref<128xi32, #tpu.memory_space<hbm>>) target(%dma_start3A_668 : memref<128xi32, #tpu.memory_space<vmem>>) target_semaphore(%arg17 : memref<!tpu.dma_semaphore, #tpu.memory_space<semaphore_mem>>)
        %dma_start3A_670 = arith.constant 1 : i32
        %dma_start3A_671 = arith.constant 0 : i32
        %dma_start3A_672 = tpu.memref_slice %arg11[%dma_start3A_670, %dma_start3A_671] : memref<2x128xi32, #tpu.memory_space<vmem>> -> memref<1x128xi32, #tpu.memory_space<vmem>>
        %dma_start3A_673 = tpu.memref_squeeze %dma_start3A_672 : memref<1x128xi32, #tpu.memory_space<vmem>> -> memref<128xi32, #tpu.memory_space<vmem>>
        %dma_start3A_674 = tpu.memref_slice %arg3[%add3A_660] : memref<204800xi32, #tpu.memory_space<hbm>> -> memref<128xi32, #tpu.memory_space<hbm>>
        %dma_start3A_675 = arith.constant 0 : i32
        %dma_start3A_676 = tpu.memref_slice %arg11[%dma_start3A_670, %dma_start3A_675] : memref<2x128xi32, #tpu.memory_space<vmem>> -> memref<1x128xi32, #tpu.memory_space<vmem>>
        %dma_start3A_677 = tpu.memref_squeeze %dma_start3A_676 : memref<1x128xi32, #tpu.memory_space<vmem>> -> memref<128xi32, #tpu.memory_space<vmem>>
        %dma_start3A_678 = tpu.memref_slice %arg3[%add3A_660] : memref<204800xi32, #tpu.memory_space<hbm>> -> memref<128xi32, #tpu.memory_space<hbm>>
        tpu.enqueue_dma source(%dma_start3A_678 : memref<128xi32, #tpu.memory_space<hbm>>) target(%dma_start3A_677 : memref<128xi32, #tpu.memory_space<vmem>>) target_semaphore(%arg17 : memref<!tpu.dma_semaphore, #tpu.memory_space<semaphore_mem>>)
      } else {
      }
      %ge3A_627 = arith.constant 2 : i32
      %ge3A_628 = arith.cmpi sge, %add3A_600, %ge3A_627 : i32
      %convert_element_type3A_629 = arith.extui %ge3A_628 : i1 to i32
      %cond3A_630 = arith.constant 0 : i32
      %cond3A_631 = arith.cmpi ne, %convert_element_type3A_629, %cond3A_630 : i32
      scf.if %cond3A_631 {
        %sub3A = arith.constant 2 : i32
        %sub3A_656 = arith.subi %add3A_600, %sub3A : i32
        %mul3A_657 = arith.constant 128 : i32
        %mul3A_658 = arith.muli %sub3A_656, %mul3A_657 : i32
        %add3A_659 = arith.addi %mul3A_2, %mul3A_658 : i32
        %dma_wait3A_660 = arith.constant 1 : i32
        %dma_wait3A_661 = arith.constant 0 : i32
        %dma_wait3A_662 = arith.constant 0 : i32
        %dma_wait3A_663 = tpu.memref_slice %arg13[%dma_wait3A_660, %dma_wait3A_661, %dma_wait3A_662] : memref<2x128x128xf32, #tpu.memory_space<vmem>> -> memref<1x128x128xf32, #tpu.memory_space<vmem>>
        %dma_wait3A_664 = tpu.memref_squeeze %dma_wait3A_663 : memref<1x128x128xf32, #tpu.memory_space<vmem>> -> memref<128x128xf32, #tpu.memory_space<vmem>>
        %dma_wait3A_665 = arith.constant 0 : i32
        %dma_wait3A_666 = tpu.memref_slice %arg8[%add3A_659, %dma_wait3A_665] : memref<204800x128xf32, #tpu.memory_space<hbm>> -> memref<128x128xf32, #tpu.memory_space<hbm>>
        %dma_wait3A_667 = arith.constant 0 : i32
        %dma_wait3A_668 = tpu.memref_slice %arg8[%add3A_659, %dma_wait3A_667] : memref<204800x128xf32, #tpu.memory_space<hbm>> -> memref<128x128xf32, #tpu.memory_space<hbm>>
        %dma_wait3A_669 = arith.constant 0 : i32
        %dma_wait3A_670 = arith.constant 0 : i32
        %dma_wait3A_671 = tpu.memref_slice %arg13[%dma_wait3A_660, %dma_wait3A_669, %dma_wait3A_670] : memref<2x128x128xf32, #tpu.memory_space<vmem>> -> memref<1x128x128xf32, #tpu.memory_space<vmem>>
        %dma_wait3A_672 = tpu.memref_squeeze %dma_wait3A_671 : memref<1x128x128xf32, #tpu.memory_space<vmem>> -> memref<128x128xf32, #tpu.memory_space<vmem>>
        tpu.wait_dma2 semaphore(%arg21 : memref<!tpu.dma_semaphore, #tpu.memory_space<semaphore_mem>>) src(%dma_wait3A_672 : memref<128x128xf32, #tpu.memory_space<vmem>>) dst(%dma_wait3A_668 : memref<128x128xf32, #tpu.memory_space<hbm>>)
      } else {
      }
      %convert_element_type3A_632 = arith.extui %reduce_and3A_137 : i1 to i32
      %cond3A_633 = arith.constant 0 : i32
      %cond3A_634 = arith.cmpi ne, %convert_element_type3A_632, %cond3A_633 : i32
      scf.if %cond3A_634 {
        %parallel_loop3A = arith.constant 0 : i32
        %parallel_loop3A_656 = arith.constant 128 : i32
        %parallel_loop3A_657 = arith.constant 1 : i32
        scf.for %parallel_loop3A_658 = %parallel_loop3A to %parallel_loop3A_656 step %parallel_loop3A_657  : i32 {
          %parallel_loop3A_659 = arith.constant 1 : i32
          %parallel_loop3A_660 = arith.index_cast %parallel_loop3A_659 : i32 to index
          %parallel_loop3A_661 = arith.index_cast %parallel_loop3A_658 : i32 to index
          %parallel_loop3A_662 = tpu.vector_load %arg10[%parallel_loop3A_660, %parallel_loop3A_661] {strides = array<i32>} : memref<2x144xi32, #tpu.memory_space<vmem>>, vector<16xi32>,
          %parallel_loop3A_663 = vector.extract_strided_slice %parallel_loop3A_662 {offsets = [0], sizes = [1], strides = [1]} : vector<16xi32> to vector<1xi32>
          %parallel_loop3A_664 = vector.extract %parallel_loop3A_663[0] : i32 from vector<1xi32>
          %parallel_loop3A_665 = arith.constant 0.000000e+00 : f32
          %parallel_loop3A_666 = vector.broadcast %parallel_loop3A_665 : f32 to vector<16xf32>
          %parallel_loop3A_667 = arith.constant 0.000000e+00 : f32
          %parallel_loop3A_668 = vector.broadcast %parallel_loop3A_667 : f32 to vector<16xf32>
          %parallel_loop3A_669 = arith.constant 1 : i32
          %parallel_loop3A_670 = arith.index_cast %parallel_loop3A_669 : i32 to index
          %parallel_loop3A_671 = arith.index_cast %parallel_loop3A_658 : i32 to index
          %parallel_loop3A_672 = arith.constant 0 : index
          %parallel_loop3A_673 = tpu.vector_load %arg12[%parallel_loop3A_670, %parallel_loop3A_671, %parallel_loop3A_672] {strides = array<i32>} : memref<2x128x128xf32, #tpu.memory_space<vmem>>, vector<16xf32>,
          %parallel_loop3A_674 = arith.index_cast %parallel_loop3A_664 : i32 to index
          %parallel_loop3A_675 = arith.constant 0 : index
          %parallel_loop3A_676 = tpu.vector_load %arg14[%parallel_loop3A_674, %parallel_loop3A_675] {strides = array<i32>} : memref<400x128xf32, #tpu.memory_space<vmem>>, vector<16xf32>,
          %parallel_loop3A_677 = arith.addf %parallel_loop3A_673, %parallel_loop3A_676 : vector<16xf32>
          %parallel_loop3A_678 = arith.addf %parallel_loop3A_666, %parallel_loop3A_677 : vector<16xf32>
          %parallel_loop3A_679 = arith.mulf %parallel_loop3A_677, %parallel_loop3A_677 : vector<16xf32>
          %parallel_loop3A_680 = arith.addf %parallel_loop3A_668, %parallel_loop3A_679 : vector<16xf32>
          %parallel_loop3A_681 = arith.constant 1 : i32
          %parallel_loop3A_682 = arith.index_cast %parallel_loop3A_681 : i32 to index
          %parallel_loop3A_683 = arith.index_cast %parallel_loop3A_658 : i32 to index
          %parallel_loop3A_684 = arith.constant 16 : index
          %parallel_loop3A_685 = tpu.vector_load %arg12[%parallel_loop3A_682, %parallel_loop3A_683, %parallel_loop3A_684] {strides = array<i32>} : memref<2x128x128xf32, #tpu.memory_space<vmem>>, vector<16xf32>,
          %parallel_loop3A_686 = arith.index_cast %parallel_loop3A_664 : i32 to index
          %parallel_loop3A_687 = arith.constant 16 : index
          %parallel_loop3A_688 = tpu.vector_load %arg14[%parallel_loop3A_686, %parallel_loop3A_687] {strides = array<i32>} : memref<400x128xf32, #tpu.memory_space<vmem>>, vector<16xf32>,
          %parallel_loop3A_689 = arith.addf %parallel_loop3A_685, %parallel_loop3A_688 : vector<16xf32>
          %parallel_loop3A_690 = arith.addf %parallel_loop3A_678, %parallel_loop3A_689 : vector<16xf32>
          %parallel_loop3A_691 = arith.mulf %parallel_loop3A_689, %parallel_loop3A_689 : vector<16xf32>
          %parallel_loop3A_692 = arith.addf %parallel_loop3A_680, %parallel_loop3A_691 : vector<16xf32>
          %parallel_loop3A_693 = arith.constant 1 : i32
          %parallel_loop3A_694 = arith.index_cast %parallel_loop3A_693 : i32 to index
          %parallel_loop3A_695 = arith.index_cast %parallel_loop3A_658 : i32 to index
          %parallel_loop3A_696 = arith.constant 32 : index
          %parallel_loop3A_697 = tpu.vector_load %arg12[%parallel_loop3A_694, %parallel_loop3A_695, %parallel_loop3A_696] {strides = array<i32>} : memref<2x128x128xf32, #tpu.memory_space<vmem>>, vector<16xf32>,
          %parallel_loop3A_698 = arith.index_cast %parallel_loop3A_664 : i32 to index
          %parallel_loop3A_699 = arith.constant 32 : index
          %parallel_loop3A_700 = tpu.vector_load %arg14[%parallel_loop3A_698, %parallel_loop3A_699] {strides = array<i32>} : memref<400x128xf32, #tpu.memory_space<vmem>>, vector<16xf32>,
          %parallel_loop3A_701 = arith.addf %parallel_loop3A_697, %parallel_loop3A_700 : vector<16xf32>
          %parallel_loop3A_702 = arith.addf %parallel_loop3A_690, %parallel_loop3A_701 : vector<16xf32>
          %parallel_loop3A_703 = arith.mulf %parallel_loop3A_701, %parallel_loop3A_701 : vector<16xf32>
          %parallel_loop3A_704 = arith.addf %parallel_loop3A_692, %parallel_loop3A_703 : vector<16xf32>
          %parallel_loop3A_705 = arith.constant 1 : i32
          %parallel_loop3A_706 = arith.index_cast %parallel_loop3A_705 : i32 to index
          %parallel_loop3A_707 = arith.index_cast %parallel_loop3A_658 : i32 to index
          %parallel_loop3A_708 = arith.constant 48 : index
          %parallel_loop3A_709 = tpu.vector_load %arg12[%parallel_loop3A_706, %parallel_loop3A_707, %parallel_loop3A_708] {strides = array<i32>} : memref<2x128x128xf32, #tpu.memory_space<vmem>>, vector<16xf32>,
          %parallel_loop3A_710 = arith.index_cast %parallel_loop3A_664 : i32 to index
          %parallel_loop3A_711 = arith.constant 48 : index
          %parallel_loop3A_712 = tpu.vector_load %arg14[%parallel_loop3A_710, %parallel_loop3A_711] {strides = array<i32>} : memref<400x128xf32, #tpu.memory_space<vmem>>, vector<16xf32>,
          %parallel_loop3A_713 = arith.addf %parallel_loop3A_709, %parallel_loop3A_712 : vector<16xf32>
          %parallel_loop3A_714 = arith.addf %parallel_loop3A_702, %parallel_loop3A_713 : vector<16xf32>
          %parallel_loop3A_715 = arith.mulf %parallel_loop3A_713, %parallel_loop3A_713 : vector<16xf32>
          %parallel_loop3A_716 = arith.addf %parallel_loop3A_704, %parallel_loop3A_715 : vector<16xf32>
          %parallel_loop3A_717 = arith.constant 1 : i32
          %parallel_loop3A_718 = arith.index_cast %parallel_loop3A_717 : i32 to index
          %parallel_loop3A_719 = arith.index_cast %parallel_loop3A_658 : i32 to index
          %parallel_loop3A_720 = arith.constant 64 : index
          %parallel_loop3A_721 = tpu.vector_load %arg12[%parallel_loop3A_718, %parallel_loop3A_719, %parallel_loop3A_720] {strides = array<i32>} : memref<2x128x128xf32, #tpu.memory_space<vmem>>, vector<16xf32>,
          %parallel_loop3A_722 = arith.index_cast %parallel_loop3A_664 : i32 to index
          %parallel_loop3A_723 = arith.constant 64 : index
          %parallel_loop3A_724 = tpu.vector_load %arg14[%parallel_loop3A_722, %parallel_loop3A_723] {strides = array<i32>} : memref<400x128xf32, #tpu.memory_space<vmem>>, vector<16xf32>,
          %parallel_loop3A_725 = arith.addf %parallel_loop3A_721, %parallel_loop3A_724 : vector<16xf32>
          %parallel_loop3A_726 = arith.addf %parallel_loop3A_714, %parallel_loop3A_725 : vector<16xf32>
          %parallel_loop3A_727 = arith.mulf %parallel_loop3A_725, %parallel_loop3A_725 : vector<16xf32>
          %parallel_loop3A_728 = arith.addf %parallel_loop3A_716, %parallel_loop3A_727 : vector<16xf32>
          %parallel_loop3A_729 = arith.constant 1 : i32
          %parallel_loop3A_730 = arith.index_cast %parallel_loop3A_729 : i32 to index
          %parallel_loop3A_731 = arith.index_cast %parallel_loop3A_658 : i32 to index
          %parallel_loop3A_732 = arith.constant 80 : index
          %parallel_loop3A_733 = tpu.vector_load %arg12[%parallel_loop3A_730, %parallel_loop3A_731, %parallel_loop3A_732] {strides = array<i32>} : memref<2x128x128xf32, #tpu.memory_space<vmem>>, vector<16xf32>,
          %parallel_loop3A_734 = arith.index_cast %parallel_loop3A_664 : i32 to index
          %parallel_loop3A_735 = arith.constant 80 : index
          %parallel_loop3A_736 = tpu.vector_load %arg14[%parallel_loop3A_734, %parallel_loop3A_735] {strides = array<i32>} : memref<400x128xf32, #tpu.memory_space<vmem>>, vector<16xf32>,
          %parallel_loop3A_737 = arith.addf %parallel_loop3A_733, %parallel_loop3A_736 : vector<16xf32>
          %parallel_loop3A_738 = arith.addf %parallel_loop3A_726, %parallel_loop3A_737 : vector<16xf32>
          %parallel_loop3A_739 = arith.mulf %parallel_loop3A_737, %parallel_loop3A_737 : vector<16xf32>
          %parallel_loop3A_740 = arith.addf %parallel_loop3A_728, %parallel_loop3A_739 : vector<16xf32>
          %parallel_loop3A_741 = arith.constant 1 : i32
          %parallel_loop3A_742 = arith.index_cast %parallel_loop3A_741 : i32 to index
          %parallel_loop3A_743 = arith.index_cast %parallel_loop3A_658 : i32 to index
          %parallel_loop3A_744 = arith.constant 96 : index
          %parallel_loop3A_745 = tpu.vector_load %arg12[%parallel_loop3A_742, %parallel_loop3A_743, %parallel_loop3A_744] {strides = array<i32>} : memref<2x128x128xf32, #tpu.memory_space<vmem>>, vector<16xf32>,
          %parallel_loop3A_746 = arith.index_cast %parallel_loop3A_664 : i32 to index
          %parallel_loop3A_747 = arith.constant 96 : index
          %parallel_loop3A_748 = tpu.vector_load %arg14[%parallel_loop3A_746, %parallel_loop3A_747] {strides = array<i32>} : memref<400x128xf32, #tpu.memory_space<vmem>>, vector<16xf32>,
          %parallel_loop3A_749 = arith.addf %parallel_loop3A_745, %parallel_loop3A_748 : vector<16xf32>
          %parallel_loop3A_750 = arith.addf %parallel_loop3A_738, %parallel_loop3A_749 : vector<16xf32>
          %parallel_loop3A_751 = arith.mulf %parallel_loop3A_749, %parallel_loop3A_749 : vector<16xf32>
          %parallel_loop3A_752 = arith.addf %parallel_loop3A_740, %parallel_loop3A_751 : vector<16xf32>
          %parallel_loop3A_753 = arith.constant 1 : i32
          %parallel_loop3A_754 = arith.index_cast %parallel_loop3A_753 : i32 to index
          %parallel_loop3A_755 = arith.index_cast %parallel_loop3A_658 : i32 to index
          %parallel_loop3A_756 = arith.constant 112 : index
          %parallel_loop3A_757 = tpu.vector_load %arg12[%parallel_loop3A_754, %parallel_loop3A_755, %parallel_loop3A_756] {strides = array<i32>} : memref<2x128x128xf32, #tpu.memory_space<vmem>>, vector<16xf32>,
          %parallel_loop3A_758 = arith.index_cast %parallel_loop3A_664 : i32 to index
          %parallel_loop3A_759 = arith.constant 112 : index
          %parallel_loop3A_760 = tpu.vector_load %arg14[%parallel_loop3A_758, %parallel_loop3A_759] {strides = array<i32>} : memref<400x128xf32, #tpu.memory_space<vmem>>, vector<16xf32>,
          %parallel_loop3A_761 = arith.addf %parallel_loop3A_757, %parallel_loop3A_760 : vector<16xf32>
          %parallel_loop3A_762 = arith.addf %parallel_loop3A_750, %parallel_loop3A_761 : vector<16xf32>
          %parallel_loop3A_763 = arith.mulf %parallel_loop3A_761, %parallel_loop3A_761 : vector<16xf32>
          %parallel_loop3A_764 = arith.addf %parallel_loop3A_752, %parallel_loop3A_763 : vector<16xf32>
          %parallel_loop3A_765 = arith.constant true
          %parallel_loop3A_766 = vector.broadcast %parallel_loop3A_765 : i1 to vector<16xi1>
          %parallel_loop3A_767 = tpu.scan <sum>, %parallel_loop3A_762 masked %parallel_loop3A_766 : vector<16xf32>, vector<16xi1> -> vector<16xf32>
          %parallel_loop3A_768 = vector.extract %parallel_loop3A_767[15] : f32 from vector<16xf32>
          %parallel_loop3A_769 = arith.constant 7.812500e-03 : f32
          %parallel_loop3A_770 = arith.mulf %parallel_loop3A_768, %parallel_loop3A_769 : f32
          %parallel_loop3A_771 = arith.constant true
          %parallel_loop3A_772 = vector.broadcast %parallel_loop3A_771 : i1 to vector<16xi1>
          %parallel_loop3A_773 = tpu.scan <sum>, %parallel_loop3A_764 masked %parallel_loop3A_772 : vector<16xf32>, vector<16xi1> -> vector<16xf32>
          %parallel_loop3A_774 = vector.extract %parallel_loop3A_773[15] : f32 from vector<16xf32>
          %parallel_loop3A_775 = arith.constant 7.812500e-03 : f32
          %parallel_loop3A_776 = arith.mulf %parallel_loop3A_774, %parallel_loop3A_775 : f32
          %parallel_loop3A_777 = arith.mulf %parallel_loop3A_770, %parallel_loop3A_770 : f32
          %parallel_loop3A_778 = arith.subf %parallel_loop3A_776, %parallel_loop3A_777 : f32
          %parallel_loop3A_779 = arith.constant 9.99999996E-13 : f32
          %parallel_loop3A_780 = arith.addf %parallel_loop3A_778, %parallel_loop3A_779 : f32
          %parallel_loop3A_781 = arith.bitcast %parallel_loop3A_780 : f32 to i32
          %parallel_loop3A_782 = arith.constant 1 : i32
          %parallel_loop3A_783 = arith.shrui %parallel_loop3A_781, %parallel_loop3A_782 : i32
          %parallel_loop3A_784 = arith.constant 1597463007 : i32
          %parallel_loop3A_785 = arith.subi %parallel_loop3A_784, %parallel_loop3A_783 : i32
          %parallel_loop3A_786 = arith.bitcast %parallel_loop3A_785 : i32 to f32
          %parallel_loop3A_787 = arith.constant 5.000000e-01 : f32
          %parallel_loop3A_788 = arith.mulf %parallel_loop3A_787, %parallel_loop3A_780 : f32
          %parallel_loop3A_789 = arith.mulf %parallel_loop3A_788, %parallel_loop3A_786 : f32
          %parallel_loop3A_790 = arith.mulf %parallel_loop3A_789, %parallel_loop3A_786 : f32
          %parallel_loop3A_791 = arith.constant 1.500000e+00 : f32
          %parallel_loop3A_792 = arith.subf %parallel_loop3A_791, %parallel_loop3A_790 : f32
          %parallel_loop3A_793 = arith.mulf %parallel_loop3A_786, %parallel_loop3A_792 : f32
          %parallel_loop3A_794 = vector.broadcast %parallel_loop3A_770 : f32 to vector<16xf32>
          %parallel_loop3A_795 = arith.subf %parallel_loop3A_677, %parallel_loop3A_794 : vector<16xf32>
          %parallel_loop3A_796 = vector.broadcast %parallel_loop3A_793 : f32 to vector<16xf32>
          %parallel_loop3A_797 = arith.mulf %parallel_loop3A_795, %parallel_loop3A_796 : vector<16xf32>
          %parallel_loop3A_798 = arith.constant 1 : i32
          %parallel_loop3A_799 = arith.index_cast %parallel_loop3A_798 : i32 to index
          %parallel_loop3A_800 = arith.index_cast %parallel_loop3A_658 : i32 to index
          %parallel_loop3A_801 = arith.constant 0 : index
          %parallel_loop3A_802 = tpu.vector_load %arg13[%parallel_loop3A_799, %parallel_loop3A_800, %parallel_loop3A_801] {strides = array<i32>} : memref<2x128x128xf32, #tpu.memory_space<vmem>>, vector<16xf32>,
          tpu.vector_store %arg13[%parallel_loop3A_799, %parallel_loop3A_800, %parallel_loop3A_801], %parallel_loop3A_797 {strides = array<i32>} : memref<2x128x128xf32, #tpu.memory_space<vmem>>, vector<16xf32>,
          %parallel_loop3A_803 = vector.broadcast %parallel_loop3A_770 : f32 to vector<16xf32>
          %parallel_loop3A_804 = arith.subf %parallel_loop3A_689, %parallel_loop3A_803 : vector<16xf32>
          %parallel_loop3A_805 = vector.broadcast %parallel_loop3A_793 : f32 to vector<16xf32>
          %parallel_loop3A_806 = arith.mulf %parallel_loop3A_804, %parallel_loop3A_805 : vector<16xf32>
          %parallel_loop3A_807 = arith.constant 1 : i32
          %parallel_loop3A_808 = arith.index_cast %parallel_loop3A_807 : i32 to index
          %parallel_loop3A_809 = arith.index_cast %parallel_loop3A_658 : i32 to index
          %parallel_loop3A_810 = arith.constant 16 : index
          %parallel_loop3A_811 = tpu.vector_load %arg13[%parallel_loop3A_808, %parallel_loop3A_809, %parallel_loop3A_810] {strides = array<i32>} : memref<2x128x128xf32, #tpu.memory_space<vmem>>, vector<16xf32>,
          tpu.vector_store %arg13[%parallel_loop3A_808, %parallel_loop3A_809, %parallel_loop3A_810], %parallel_loop3A_806 {strides = array<i32>} : memref<2x128x128xf32, #tpu.memory_space<vmem>>, vector<16xf32>,
          %parallel_loop3A_812 = vector.broadcast %parallel_loop3A_770 : f32 to vector<16xf32>
          %parallel_loop3A_813 = arith.subf %parallel_loop3A_701, %parallel_loop3A_812 : vector<16xf32>
          %parallel_loop3A_814 = vector.broadcast %parallel_loop3A_793 : f32 to vector<16xf32>
          %parallel_loop3A_815 = arith.mulf %parallel_loop3A_813, %parallel_loop3A_814 : vector<16xf32>
          %parallel_loop3A_816 = arith.constant 1 : i32
          %parallel_loop3A_817 = arith.index_cast %parallel_loop3A_816 : i32 to index
          %parallel_loop3A_818 = arith.index_cast %parallel_loop3A_658 : i32 to index
          %parallel_loop3A_819 = arith.constant 32 : index
          %parallel_loop3A_820 = tpu.vector_load %arg13[%parallel_loop3A_817, %parallel_loop3A_818, %parallel_loop3A_819] {strides = array<i32>} : memref<2x128x128xf32, #tpu.memory_space<vmem>>, vector<16xf32>,
          tpu.vector_store %arg13[%parallel_loop3A_817, %parallel_loop3A_818, %parallel_loop3A_819], %parallel_loop3A_815 {strides = array<i32>} : memref<2x128x128xf32, #tpu.memory_space<vmem>>, vector<16xf32>,
          %parallel_loop3A_821 = vector.broadcast %parallel_loop3A_770 : f32 to vector<16xf32>
          %parallel_loop3A_822 = arith.subf %parallel_loop3A_713, %parallel_loop3A_821 : vector<16xf32>
          %parallel_loop3A_823 = vector.broadcast %parallel_loop3A_793 : f32 to vector<16xf32>
          %parallel_loop3A_824 = arith.mulf %parallel_loop3A_822, %parallel_loop3A_823 : vector<16xf32>
          %parallel_loop3A_825 = arith.constant 1 : i32
          %parallel_loop3A_826 = arith.index_cast %parallel_loop3A_825 : i32 to index
          %parallel_loop3A_827 = arith.index_cast %parallel_loop3A_658 : i32 to index
          %parallel_loop3A_828 = arith.constant 48 : index
          %parallel_loop3A_829 = tpu.vector_load %arg13[%parallel_loop3A_826, %parallel_loop3A_827, %parallel_loop3A_828] {strides = array<i32>} : memref<2x128x128xf32, #tpu.memory_space<vmem>>, vector<16xf32>,
          tpu.vector_store %arg13[%parallel_loop3A_826, %parallel_loop3A_827, %parallel_loop3A_828], %parallel_loop3A_824 {strides = array<i32>} : memref<2x128x128xf32, #tpu.memory_space<vmem>>, vector<16xf32>,
          %parallel_loop3A_830 = vector.broadcast %parallel_loop3A_770 : f32 to vector<16xf32>
          %parallel_loop3A_831 = arith.subf %parallel_loop3A_725, %parallel_loop3A_830 : vector<16xf32>
          %parallel_loop3A_832 = vector.broadcast %parallel_loop3A_793 : f32 to vector<16xf32>
          %parallel_loop3A_833 = arith.mulf %parallel_loop3A_831, %parallel_loop3A_832 : vector<16xf32>
          %parallel_loop3A_834 = arith.constant 1 : i32
          %parallel_loop3A_835 = arith.index_cast %parallel_loop3A_834 : i32 to index
          %parallel_loop3A_836 = arith.index_cast %parallel_loop3A_658 : i32 to index
          %parallel_loop3A_837 = arith.constant 64 : index
          %parallel_loop3A_838 = tpu.vector_load %arg13[%parallel_loop3A_835, %parallel_loop3A_836, %parallel_loop3A_837] {strides = array<i32>} : memref<2x128x128xf32, #tpu.memory_space<vmem>>, vector<16xf32>,
          tpu.vector_store %arg13[%parallel_loop3A_835, %parallel_loop3A_836, %parallel_loop3A_837], %parallel_loop3A_833 {strides = array<i32>} : memref<2x128x128xf32, #tpu.memory_space<vmem>>, vector<16xf32>,
          %parallel_loop3A_839 = vector.broadcast %parallel_loop3A_770 : f32 to vector<16xf32>
          %parallel_loop3A_840 = arith.subf %parallel_loop3A_737, %parallel_loop3A_839 : vector<16xf32>
          %parallel_loop3A_841 = vector.broadcast %parallel_loop3A_793 : f32 to vector<16xf32>
          %parallel_loop3A_842 = arith.mulf %parallel_loop3A_840, %parallel_loop3A_841 : vector<16xf32>
          %parallel_loop3A_843 = arith.constant 1 : i32
          %parallel_loop3A_844 = arith.index_cast %parallel_loop3A_843 : i32 to index
          %parallel_loop3A_845 = arith.index_cast %parallel_loop3A_658 : i32 to index
          %parallel_loop3A_846 = arith.constant 80 : index
          %parallel_loop3A_847 = tpu.vector_load %arg13[%parallel_loop3A_844, %parallel_loop3A_845, %parallel_loop3A_846] {strides = array<i32>} : memref<2x128x128xf32, #tpu.memory_space<vmem>>, vector<16xf32>,
          tpu.vector_store %arg13[%parallel_loop3A_844, %parallel_loop3A_845, %parallel_loop3A_846], %parallel_loop3A_842 {strides = array<i32>} : memref<2x128x128xf32, #tpu.memory_space<vmem>>, vector<16xf32>,
          %parallel_loop3A_848 = vector.broadcast %parallel_loop3A_770 : f32 to vector<16xf32>
          %parallel_loop3A_849 = arith.subf %parallel_loop3A_749, %parallel_loop3A_848 : vector<16xf32>
          %parallel_loop3A_850 = vector.broadcast %parallel_loop3A_793 : f32 to vector<16xf32>
          %parallel_loop3A_851 = arith.mulf %parallel_loop3A_849, %parallel_loop3A_850 : vector<16xf32>
          %parallel_loop3A_852 = arith.constant 1 : i32
          %parallel_loop3A_853 = arith.index_cast %parallel_loop3A_852 : i32 to index
          %parallel_loop3A_854 = arith.index_cast %parallel_loop3A_658 : i32 to index
          %parallel_loop3A_855 = arith.constant 96 : index
          %parallel_loop3A_856 = tpu.vector_load %arg13[%parallel_loop3A_853, %parallel_loop3A_854, %parallel_loop3A_855] {strides = array<i32>} : memref<2x128x128xf32, #tpu.memory_space<vmem>>, vector<16xf32>,
          tpu.vector_store %arg13[%parallel_loop3A_853, %parallel_loop3A_854, %parallel_loop3A_855], %parallel_loop3A_851 {strides = array<i32>} : memref<2x128x128xf32, #tpu.memory_space<vmem>>, vector<16xf32>,
          %parallel_loop3A_857 = vector.broadcast %parallel_loop3A_770 : f32 to vector<16xf32>
          %parallel_loop3A_858 = arith.subf %parallel_loop3A_761, %parallel_loop3A_857 : vector<16xf32>
          %parallel_loop3A_859 = vector.broadcast %parallel_loop3A_793 : f32 to vector<16xf32>
          %parallel_loop3A_860 = arith.mulf %parallel_loop3A_858, %parallel_loop3A_859 : vector<16xf32>
          %parallel_loop3A_861 = arith.constant 1 : i32
          %parallel_loop3A_862 = arith.index_cast %parallel_loop3A_861 : i32 to index
          %parallel_loop3A_863 = arith.index_cast %parallel_loop3A_658 : i32 to index
          %parallel_loop3A_864 = arith.constant 112 : index
          %parallel_loop3A_865 = tpu.vector_load %arg13[%parallel_loop3A_862, %parallel_loop3A_863, %parallel_loop3A_864] {strides = array<i32>} : memref<2x128x128xf32, #tpu.memory_space<vmem>>, vector<16xf32>,
          tpu.vector_store %arg13[%parallel_loop3A_862, %parallel_loop3A_863, %parallel_loop3A_864], %parallel_loop3A_860 {strides = array<i32>} : memref<2x128x128xf32, #tpu.memory_space<vmem>>, vector<16xf32>,
        } {sc.loop_unroll_factor = 4 : i64, sc.parallel_access}
      } else {
      }
      %not3A_635 = arith.constant true
      %not3A_636 = arith.xori %reduce_and3A_137, %not3A_635 : i1
      %convert_element_type3A_637 = arith.extui %not3A_636 : i1 to i32
      %cond3A_638 = arith.constant 0 : i32
      %cond3A_639 = arith.cmpi ne, %convert_element_type3A_637, %cond3A_638 : i32
      scf.if %cond3A_639 {
        %parallel_loop3A = arith.constant 0 : i32
        %parallel_loop3A_656 = arith.constant 128 : i32
        %parallel_loop3A_657 = arith.constant 1 : i32
        scf.for %parallel_loop3A_658 = %parallel_loop3A to %parallel_loop3A_656 step %parallel_loop3A_657  : i32 {
          %parallel_loop3A_659 = arith.constant 1 : i32
          %parallel_loop3A_660 = arith.index_cast %parallel_loop3A_659 : i32 to index
          %parallel_loop3A_661 = arith.index_cast %parallel_loop3A_658 : i32 to index
          %parallel_loop3A_662 = tpu.vector_load %arg10[%parallel_loop3A_660, %parallel_loop3A_661] {strides = array<i32>} : memref<2x144xi32, #tpu.memory_space<vmem>>, vector<16xi32>,
          %parallel_loop3A_663 = vector.extract_strided_slice %parallel_loop3A_662 {offsets = [0], sizes = [1], strides = [1]} : vector<16xi32> to vector<1xi32>
          %parallel_loop3A_664 = vector.extract %parallel_loop3A_663[0] : i32 from vector<1xi32>
          %parallel_loop3A_665 = arith.constant 0.000000e+00 : f32
          %parallel_loop3A_666 = vector.broadcast %parallel_loop3A_665 : f32 to vector<16xf32>
          %parallel_loop3A_667 = arith.constant 0.000000e+00 : f32
          %parallel_loop3A_668 = vector.broadcast %parallel_loop3A_667 : f32 to vector<16xf32>
          %parallel_loop3A_669 = arith.constant 1 : i32
          %parallel_loop3A_670 = arith.index_cast %parallel_loop3A_669 : i32 to index
          %parallel_loop3A_671 = arith.index_cast %parallel_loop3A_658 : i32 to index
          %parallel_loop3A_672 = arith.constant 0 : index
          %parallel_loop3A_673 = tpu.vector_load %arg12[%parallel_loop3A_670, %parallel_loop3A_671, %parallel_loop3A_672] {strides = array<i32>} : memref<2x128x128xf32, #tpu.memory_space<vmem>>, vector<16xf32>,
          %parallel_loop3A_674 = arith.index_cast %parallel_loop3A_664 : i32 to index
          %parallel_loop3A_675 = arith.constant 0 : index
          %parallel_loop3A_676 = tpu.vector_load %arg14[%parallel_loop3A_674, %parallel_loop3A_675] {strides = array<i32>} : memref<400x128xf32, #tpu.memory_space<vmem>>, vector<16xf32>,
          %parallel_loop3A_677 = arith.addf %parallel_loop3A_673, %parallel_loop3A_676 : vector<16xf32>
          %parallel_loop3A_678 = arith.addf %parallel_loop3A_666, %parallel_loop3A_677 : vector<16xf32>
          %parallel_loop3A_679 = arith.mulf %parallel_loop3A_677, %parallel_loop3A_677 : vector<16xf32>
          %parallel_loop3A_680 = arith.addf %parallel_loop3A_668, %parallel_loop3A_679 : vector<16xf32>
          %parallel_loop3A_681 = arith.constant 1 : i32
          %parallel_loop3A_682 = arith.index_cast %parallel_loop3A_681 : i32 to index
          %parallel_loop3A_683 = arith.index_cast %parallel_loop3A_658 : i32 to index
          %parallel_loop3A_684 = arith.constant 16 : index
          %parallel_loop3A_685 = tpu.vector_load %arg12[%parallel_loop3A_682, %parallel_loop3A_683, %parallel_loop3A_684] {strides = array<i32>} : memref<2x128x128xf32, #tpu.memory_space<vmem>>, vector<16xf32>,
          %parallel_loop3A_686 = arith.index_cast %parallel_loop3A_664 : i32 to index
          %parallel_loop3A_687 = arith.constant 16 : index
          %parallel_loop3A_688 = tpu.vector_load %arg14[%parallel_loop3A_686, %parallel_loop3A_687] {strides = array<i32>} : memref<400x128xf32, #tpu.memory_space<vmem>>, vector<16xf32>,
          %parallel_loop3A_689 = arith.addf %parallel_loop3A_685, %parallel_loop3A_688 : vector<16xf32>
          %parallel_loop3A_690 = arith.addf %parallel_loop3A_678, %parallel_loop3A_689 : vector<16xf32>
          %parallel_loop3A_691 = arith.mulf %parallel_loop3A_689, %parallel_loop3A_689 : vector<16xf32>
          %parallel_loop3A_692 = arith.addf %parallel_loop3A_680, %parallel_loop3A_691 : vector<16xf32>
          %parallel_loop3A_693 = arith.constant 1 : i32
          %parallel_loop3A_694 = arith.index_cast %parallel_loop3A_693 : i32 to index
          %parallel_loop3A_695 = arith.index_cast %parallel_loop3A_658 : i32 to index
          %parallel_loop3A_696 = arith.constant 32 : index
          %parallel_loop3A_697 = tpu.vector_load %arg12[%parallel_loop3A_694, %parallel_loop3A_695, %parallel_loop3A_696] {strides = array<i32>} : memref<2x128x128xf32, #tpu.memory_space<vmem>>, vector<16xf32>,
          %parallel_loop3A_698 = arith.index_cast %parallel_loop3A_664 : i32 to index
          %parallel_loop3A_699 = arith.constant 32 : index
          %parallel_loop3A_700 = tpu.vector_load %arg14[%parallel_loop3A_698, %parallel_loop3A_699] {strides = array<i32>} : memref<400x128xf32, #tpu.memory_space<vmem>>, vector<16xf32>,
          %parallel_loop3A_701 = arith.addf %parallel_loop3A_697, %parallel_loop3A_700 : vector<16xf32>
          %parallel_loop3A_702 = arith.addf %parallel_loop3A_690, %parallel_loop3A_701 : vector<16xf32>
          %parallel_loop3A_703 = arith.mulf %parallel_loop3A_701, %parallel_loop3A_701 : vector<16xf32>
          %parallel_loop3A_704 = arith.addf %parallel_loop3A_692, %parallel_loop3A_703 : vector<16xf32>
          %parallel_loop3A_705 = arith.constant 1 : i32
          %parallel_loop3A_706 = arith.index_cast %parallel_loop3A_705 : i32 to index
          %parallel_loop3A_707 = arith.index_cast %parallel_loop3A_658 : i32 to index
          %parallel_loop3A_708 = arith.constant 48 : index
          %parallel_loop3A_709 = tpu.vector_load %arg12[%parallel_loop3A_706, %parallel_loop3A_707, %parallel_loop3A_708] {strides = array<i32>} : memref<2x128x128xf32, #tpu.memory_space<vmem>>, vector<16xf32>,
          %parallel_loop3A_710 = arith.index_cast %parallel_loop3A_664 : i32 to index
          %parallel_loop3A_711 = arith.constant 48 : index
          %parallel_loop3A_712 = tpu.vector_load %arg14[%parallel_loop3A_710, %parallel_loop3A_711] {strides = array<i32>} : memref<400x128xf32, #tpu.memory_space<vmem>>, vector<16xf32>,
          %parallel_loop3A_713 = arith.addf %parallel_loop3A_709, %parallel_loop3A_712 : vector<16xf32>
          %parallel_loop3A_714 = arith.addf %parallel_loop3A_702, %parallel_loop3A_713 : vector<16xf32>
          %parallel_loop3A_715 = arith.mulf %parallel_loop3A_713, %parallel_loop3A_713 : vector<16xf32>
          %parallel_loop3A_716 = arith.addf %parallel_loop3A_704, %parallel_loop3A_715 : vector<16xf32>
          %parallel_loop3A_717 = arith.constant 1 : i32
          %parallel_loop3A_718 = arith.index_cast %parallel_loop3A_717 : i32 to index
          %parallel_loop3A_719 = arith.index_cast %parallel_loop3A_658 : i32 to index
          %parallel_loop3A_720 = arith.constant 64 : index
          %parallel_loop3A_721 = tpu.vector_load %arg12[%parallel_loop3A_718, %parallel_loop3A_719, %parallel_loop3A_720] {strides = array<i32>} : memref<2x128x128xf32, #tpu.memory_space<vmem>>, vector<16xf32>,
          %parallel_loop3A_722 = arith.index_cast %parallel_loop3A_664 : i32 to index
          %parallel_loop3A_723 = arith.constant 64 : index
          %parallel_loop3A_724 = tpu.vector_load %arg14[%parallel_loop3A_722, %parallel_loop3A_723] {strides = array<i32>} : memref<400x128xf32, #tpu.memory_space<vmem>>, vector<16xf32>,
          %parallel_loop3A_725 = arith.addf %parallel_loop3A_721, %parallel_loop3A_724 : vector<16xf32>
          %parallel_loop3A_726 = arith.addf %parallel_loop3A_714, %parallel_loop3A_725 : vector<16xf32>
          %parallel_loop3A_727 = arith.mulf %parallel_loop3A_725, %parallel_loop3A_725 : vector<16xf32>
          %parallel_loop3A_728 = arith.addf %parallel_loop3A_716, %parallel_loop3A_727 : vector<16xf32>
          %parallel_loop3A_729 = arith.constant 1 : i32
          %parallel_loop3A_730 = arith.index_cast %parallel_loop3A_729 : i32 to index
          %parallel_loop3A_731 = arith.index_cast %parallel_loop3A_658 : i32 to index
          %parallel_loop3A_732 = arith.constant 80 : index
          %parallel_loop3A_733 = tpu.vector_load %arg12[%parallel_loop3A_730, %parallel_loop3A_731, %parallel_loop3A_732] {strides = array<i32>} : memref<2x128x128xf32, #tpu.memory_space<vmem>>, vector<16xf32>,
          %parallel_loop3A_734 = arith.index_cast %parallel_loop3A_664 : i32 to index
          %parallel_loop3A_735 = arith.constant 80 : index
          %parallel_loop3A_736 = tpu.vector_load %arg14[%parallel_loop3A_734, %parallel_loop3A_735] {strides = array<i32>} : memref<400x128xf32, #tpu.memory_space<vmem>>, vector<16xf32>,
          %parallel_loop3A_737 = arith.addf %parallel_loop3A_733, %parallel_loop3A_736 : vector<16xf32>
          %parallel_loop3A_738 = arith.addf %parallel_loop3A_726, %parallel_loop3A_737 : vector<16xf32>
          %parallel_loop3A_739 = arith.mulf %parallel_loop3A_737, %parallel_loop3A_737 : vector<16xf32>
          %parallel_loop3A_740 = arith.addf %parallel_loop3A_728, %parallel_loop3A_739 : vector<16xf32>
          %parallel_loop3A_741 = arith.constant 1 : i32
          %parallel_loop3A_742 = arith.index_cast %parallel_loop3A_741 : i32 to index
          %parallel_loop3A_743 = arith.index_cast %parallel_loop3A_658 : i32 to index
          %parallel_loop3A_744 = arith.constant 96 : index
          %parallel_loop3A_745 = tpu.vector_load %arg12[%parallel_loop3A_742, %parallel_loop3A_743, %parallel_loop3A_744] {strides = array<i32>} : memref<2x128x128xf32, #tpu.memory_space<vmem>>, vector<16xf32>,
          %parallel_loop3A_746 = arith.index_cast %parallel_loop3A_664 : i32 to index
          %parallel_loop3A_747 = arith.constant 96 : index
          %parallel_loop3A_748 = tpu.vector_load %arg14[%parallel_loop3A_746, %parallel_loop3A_747] {strides = array<i32>} : memref<400x128xf32, #tpu.memory_space<vmem>>, vector<16xf32>,
          %parallel_loop3A_749 = arith.addf %parallel_loop3A_745, %parallel_loop3A_748 : vector<16xf32>
          %parallel_loop3A_750 = arith.addf %parallel_loop3A_738, %parallel_loop3A_749 : vector<16xf32>
          %parallel_loop3A_751 = arith.mulf %parallel_loop3A_749, %parallel_loop3A_749 : vector<16xf32>
          %parallel_loop3A_752 = arith.addf %parallel_loop3A_740, %parallel_loop3A_751 : vector<16xf32>
          %parallel_loop3A_753 = arith.constant 1 : i32
          %parallel_loop3A_754 = arith.index_cast %parallel_loop3A_753 : i32 to index
          %parallel_loop3A_755 = arith.index_cast %parallel_loop3A_658 : i32 to index
          %parallel_loop3A_756 = arith.constant 112 : index
          %parallel_loop3A_757 = tpu.vector_load %arg12[%parallel_loop3A_754, %parallel_loop3A_755, %parallel_loop3A_756] {strides = array<i32>} : memref<2x128x128xf32, #tpu.memory_space<vmem>>, vector<16xf32>,
          %parallel_loop3A_758 = arith.index_cast %parallel_loop3A_664 : i32 to index
          %parallel_loop3A_759 = arith.constant 112 : index
          %parallel_loop3A_760 = tpu.vector_load %arg14[%parallel_loop3A_758, %parallel_loop3A_759] {strides = array<i32>} : memref<400x128xf32, #tpu.memory_space<vmem>>, vector<16xf32>,
          %parallel_loop3A_761 = arith.addf %parallel_loop3A_757, %parallel_loop3A_760 : vector<16xf32>
          %parallel_loop3A_762 = arith.addf %parallel_loop3A_750, %parallel_loop3A_761 : vector<16xf32>
          %parallel_loop3A_763 = arith.mulf %parallel_loop3A_761, %parallel_loop3A_761 : vector<16xf32>
          %parallel_loop3A_764 = arith.addf %parallel_loop3A_752, %parallel_loop3A_763 : vector<16xf32>
          %parallel_loop3A_765 = arith.constant true
          %parallel_loop3A_766 = vector.broadcast %parallel_loop3A_765 : i1 to vector<16xi1>
          %parallel_loop3A_767 = tpu.scan <sum>, %parallel_loop3A_762 masked %parallel_loop3A_766 : vector<16xf32>, vector<16xi1> -> vector<16xf32>
          %parallel_loop3A_768 = vector.extract %parallel_loop3A_767[15] : f32 from vector<16xf32>
          %parallel_loop3A_769 = arith.constant 7.812500e-03 : f32
          %parallel_loop3A_770 = arith.mulf %parallel_loop3A_768, %parallel_loop3A_769 : f32
          %parallel_loop3A_771 = arith.constant true
          %parallel_loop3A_772 = vector.broadcast %parallel_loop3A_771 : i1 to vector<16xi1>
          %parallel_loop3A_773 = tpu.scan <sum>, %parallel_loop3A_764 masked %parallel_loop3A_772 : vector<16xf32>, vector<16xi1> -> vector<16xf32>
          %parallel_loop3A_774 = vector.extract %parallel_loop3A_773[15] : f32 from vector<16xf32>
          %parallel_loop3A_775 = arith.constant 7.812500e-03 : f32
          %parallel_loop3A_776 = arith.mulf %parallel_loop3A_774, %parallel_loop3A_775 : f32
          %parallel_loop3A_777 = arith.mulf %parallel_loop3A_770, %parallel_loop3A_770 : f32
          %parallel_loop3A_778 = arith.subf %parallel_loop3A_776, %parallel_loop3A_777 : f32
          %parallel_loop3A_779 = arith.constant 9.99999996E-13 : f32
          %parallel_loop3A_780 = arith.addf %parallel_loop3A_778, %parallel_loop3A_779 : f32
          %parallel_loop3A_781 = arith.bitcast %parallel_loop3A_780 : f32 to i32
          %parallel_loop3A_782 = arith.constant 1 : i32
          %parallel_loop3A_783 = arith.shrui %parallel_loop3A_781, %parallel_loop3A_782 : i32
          %parallel_loop3A_784 = arith.constant 1597463007 : i32
          %parallel_loop3A_785 = arith.subi %parallel_loop3A_784, %parallel_loop3A_783 : i32
          %parallel_loop3A_786 = arith.bitcast %parallel_loop3A_785 : i32 to f32
          %parallel_loop3A_787 = arith.constant 5.000000e-01 : f32
          %parallel_loop3A_788 = arith.mulf %parallel_loop3A_787, %parallel_loop3A_780 : f32
          %parallel_loop3A_789 = arith.mulf %parallel_loop3A_788, %parallel_loop3A_786 : f32
          %parallel_loop3A_790 = arith.mulf %parallel_loop3A_789, %parallel_loop3A_786 : f32
          %parallel_loop3A_791 = arith.constant 1.500000e+00 : f32
          %parallel_loop3A_792 = arith.subf %parallel_loop3A_791, %parallel_loop3A_790 : f32
          %parallel_loop3A_793 = arith.mulf %parallel_loop3A_786, %parallel_loop3A_792 : f32
          %parallel_loop3A_794 = vector.broadcast %parallel_loop3A_770 : f32 to vector<16xf32>
          %parallel_loop3A_795 = arith.subf %parallel_loop3A_677, %parallel_loop3A_794 : vector<16xf32>
          %parallel_loop3A_796 = vector.broadcast %parallel_loop3A_793 : f32 to vector<16xf32>
          %parallel_loop3A_797 = arith.mulf %parallel_loop3A_795, %parallel_loop3A_796 : vector<16xf32>
          %parallel_loop3A_798 = arith.mulf %parallel_loop3A_797, %get3A_6 : vector<16xf32>
          %parallel_loop3A_799 = arith.addf %parallel_loop3A_798, %get3A_38 : vector<16xf32>
          %parallel_loop3A_800 = arith.constant 1 : i32
          %parallel_loop3A_801 = arith.index_cast %parallel_loop3A_800 : i32 to index
          %parallel_loop3A_802 = arith.index_cast %parallel_loop3A_658 : i32 to index
          %parallel_loop3A_803 = arith.constant 0 : index
          %parallel_loop3A_804 = tpu.vector_load %arg13[%parallel_loop3A_801, %parallel_loop3A_802, %parallel_loop3A_803] {strides = array<i32>} : memref<2x128x128xf32, #tpu.memory_space<vmem>>, vector<16xf32>,
          tpu.vector_store %arg13[%parallel_loop3A_801, %parallel_loop3A_802, %parallel_loop3A_803], %parallel_loop3A_799 {strides = array<i32>} : memref<2x128x128xf32, #tpu.memory_space<vmem>>, vector<16xf32>,
          %parallel_loop3A_805 = vector.broadcast %parallel_loop3A_770 : f32 to vector<16xf32>
          %parallel_loop3A_806 = arith.subf %parallel_loop3A_689, %parallel_loop3A_805 : vector<16xf32>
          %parallel_loop3A_807 = vector.broadcast %parallel_loop3A_793 : f32 to vector<16xf32>
          %parallel_loop3A_808 = arith.mulf %parallel_loop3A_806, %parallel_loop3A_807 : vector<16xf32>
          %parallel_loop3A_809 = arith.mulf %parallel_loop3A_808, %get3A_10 : vector<16xf32>
          %parallel_loop3A_810 = arith.addf %parallel_loop3A_809, %get3A_42 : vector<16xf32>
          %parallel_loop3A_811 = arith.constant 1 : i32
          %parallel_loop3A_812 = arith.index_cast %parallel_loop3A_811 : i32 to index
          %parallel_loop3A_813 = arith.index_cast %parallel_loop3A_658 : i32 to index
          %parallel_loop3A_814 = arith.constant 16 : index
          %parallel_loop3A_815 = tpu.vector_load %arg13[%parallel_loop3A_812, %parallel_loop3A_813, %parallel_loop3A_814] {strides = array<i32>} : memref<2x128x128xf32, #tpu.memory_space<vmem>>, vector<16xf32>,
          tpu.vector_store %arg13[%parallel_loop3A_812, %parallel_loop3A_813, %parallel_loop3A_814], %parallel_loop3A_810 {strides = array<i32>} : memref<2x128x128xf32, #tpu.memory_space<vmem>>, vector<16xf32>,
          %parallel_loop3A_816 = vector.broadcast %parallel_loop3A_770 : f32 to vector<16xf32>
          %parallel_loop3A_817 = arith.subf %parallel_loop3A_701, %parallel_loop3A_816 : vector<16xf32>
          %parallel_loop3A_818 = vector.broadcast %parallel_loop3A_793 : f32 to vector<16xf32>
          %parallel_loop3A_819 = arith.mulf %parallel_loop3A_817, %parallel_loop3A_818 : vector<16xf32>
          %parallel_loop3A_820 = arith.mulf %parallel_loop3A_819, %get3A_14 : vector<16xf32>
          %parallel_loop3A_821 = arith.addf %parallel_loop3A_820, %get3A_46 : vector<16xf32>
          %parallel_loop3A_822 = arith.constant 1 : i32
          %parallel_loop3A_823 = arith.index_cast %parallel_loop3A_822 : i32 to index
          %parallel_loop3A_824 = arith.index_cast %parallel_loop3A_658 : i32 to index
          %parallel_loop3A_825 = arith.constant 32 : index
          %parallel_loop3A_826 = tpu.vector_load %arg13[%parallel_loop3A_823, %parallel_loop3A_824, %parallel_loop3A_825] {strides = array<i32>} : memref<2x128x128xf32, #tpu.memory_space<vmem>>, vector<16xf32>,
          tpu.vector_store %arg13[%parallel_loop3A_823, %parallel_loop3A_824, %parallel_loop3A_825], %parallel_loop3A_821 {strides = array<i32>} : memref<2x128x128xf32, #tpu.memory_space<vmem>>, vector<16xf32>,
          %parallel_loop3A_827 = vector.broadcast %parallel_loop3A_770 : f32 to vector<16xf32>
          %parallel_loop3A_828 = arith.subf %parallel_loop3A_713, %parallel_loop3A_827 : vector<16xf32>
          %parallel_loop3A_829 = vector.broadcast %parallel_loop3A_793 : f32 to vector<16xf32>
          %parallel_loop3A_830 = arith.mulf %parallel_loop3A_828, %parallel_loop3A_829 : vector<16xf32>
          %parallel_loop3A_831 = arith.mulf %parallel_loop3A_830, %get3A_18 : vector<16xf32>
          %parallel_loop3A_832 = arith.addf %parallel_loop3A_831, %get3A_50 : vector<16xf32>
          %parallel_loop3A_833 = arith.constant 1 : i32
          %parallel_loop3A_834 = arith.index_cast %parallel_loop3A_833 : i32 to index
          %parallel_loop3A_835 = arith.index_cast %parallel_loop3A_658 : i32 to index
          %parallel_loop3A_836 = arith.constant 48 : index
          %parallel_loop3A_837 = tpu.vector_load %arg13[%parallel_loop3A_834, %parallel_loop3A_835, %parallel_loop3A_836] {strides = array<i32>} : memref<2x128x128xf32, #tpu.memory_space<vmem>>, vector<16xf32>,
          tpu.vector_store %arg13[%parallel_loop3A_834, %parallel_loop3A_835, %parallel_loop3A_836], %parallel_loop3A_832 {strides = array<i32>} : memref<2x128x128xf32, #tpu.memory_space<vmem>>, vector<16xf32>,
          %parallel_loop3A_838 = vector.broadcast %parallel_loop3A_770 : f32 to vector<16xf32>
          %parallel_loop3A_839 = arith.subf %parallel_loop3A_725, %parallel_loop3A_838 : vector<16xf32>
          %parallel_loop3A_840 = vector.broadcast %parallel_loop3A_793 : f32 to vector<16xf32>
          %parallel_loop3A_841 = arith.mulf %parallel_loop3A_839, %parallel_loop3A_840 : vector<16xf32>
          %parallel_loop3A_842 = arith.mulf %parallel_loop3A_841, %get3A_22 : vector<16xf32>
          %parallel_loop3A_843 = arith.addf %parallel_loop3A_842, %get3A_54 : vector<16xf32>
          %parallel_loop3A_844 = arith.constant 1 : i32
          %parallel_loop3A_845 = arith.index_cast %parallel_loop3A_844 : i32 to index
          %parallel_loop3A_846 = arith.index_cast %parallel_loop3A_658 : i32 to index
          %parallel_loop3A_847 = arith.constant 64 : index
          %parallel_loop3A_848 = tpu.vector_load %arg13[%parallel_loop3A_845, %parallel_loop3A_846, %parallel_loop3A_847] {strides = array<i32>} : memref<2x128x128xf32, #tpu.memory_space<vmem>>, vector<16xf32>,
          tpu.vector_store %arg13[%parallel_loop3A_845, %parallel_loop3A_846, %parallel_loop3A_847], %parallel_loop3A_843 {strides = array<i32>} : memref<2x128x128xf32, #tpu.memory_space<vmem>>, vector<16xf32>,
          %parallel_loop3A_849 = vector.broadcast %parallel_loop3A_770 : f32 to vector<16xf32>
          %parallel_loop3A_850 = arith.subf %parallel_loop3A_737, %parallel_loop3A_849 : vector<16xf32>
          %parallel_loop3A_851 = vector.broadcast %parallel_loop3A_793 : f32 to vector<16xf32>
          %parallel_loop3A_852 = arith.mulf %parallel_loop3A_850, %parallel_loop3A_851 : vector<16xf32>
          %parallel_loop3A_853 = arith.mulf %parallel_loop3A_852, %get3A_26 : vector<16xf32>
          %parallel_loop3A_854 = arith.addf %parallel_loop3A_853, %get3A_58 : vector<16xf32>
          %parallel_loop3A_855 = arith.constant 1 : i32
          %parallel_loop3A_856 = arith.index_cast %parallel_loop3A_855 : i32 to index
          %parallel_loop3A_857 = arith.index_cast %parallel_loop3A_658 : i32 to index
          %parallel_loop3A_858 = arith.constant 80 : index
          %parallel_loop3A_859 = tpu.vector_load %arg13[%parallel_loop3A_856, %parallel_loop3A_857, %parallel_loop3A_858] {strides = array<i32>} : memref<2x128x128xf32, #tpu.memory_space<vmem>>, vector<16xf32>,
          tpu.vector_store %arg13[%parallel_loop3A_856, %parallel_loop3A_857, %parallel_loop3A_858], %parallel_loop3A_854 {strides = array<i32>} : memref<2x128x128xf32, #tpu.memory_space<vmem>>, vector<16xf32>,
          %parallel_loop3A_860 = vector.broadcast %parallel_loop3A_770 : f32 to vector<16xf32>
          %parallel_loop3A_861 = arith.subf %parallel_loop3A_749, %parallel_loop3A_860 : vector<16xf32>
          %parallel_loop3A_862 = vector.broadcast %parallel_loop3A_793 : f32 to vector<16xf32>
          %parallel_loop3A_863 = arith.mulf %parallel_loop3A_861, %parallel_loop3A_862 : vector<16xf32>
          %parallel_loop3A_864 = arith.mulf %parallel_loop3A_863, %get3A_30 : vector<16xf32>
          %parallel_loop3A_865 = arith.addf %parallel_loop3A_864, %get3A_62 : vector<16xf32>
          %parallel_loop3A_866 = arith.constant 1 : i32
          %parallel_loop3A_867 = arith.index_cast %parallel_loop3A_866 : i32 to index
          %parallel_loop3A_868 = arith.index_cast %parallel_loop3A_658 : i32 to index
          %parallel_loop3A_869 = arith.constant 96 : index
          %parallel_loop3A_870 = tpu.vector_load %arg13[%parallel_loop3A_867, %parallel_loop3A_868, %parallel_loop3A_869] {strides = array<i32>} : memref<2x128x128xf32, #tpu.memory_space<vmem>>, vector<16xf32>,
          tpu.vector_store %arg13[%parallel_loop3A_867, %parallel_loop3A_868, %parallel_loop3A_869], %parallel_loop3A_865 {strides = array<i32>} : memref<2x128x128xf32, #tpu.memory_space<vmem>>, vector<16xf32>,
          %parallel_loop3A_871 = vector.broadcast %parallel_loop3A_770 : f32 to vector<16xf32>
          %parallel_loop3A_872 = arith.subf %parallel_loop3A_761, %parallel_loop3A_871 : vector<16xf32>
          %parallel_loop3A_873 = vector.broadcast %parallel_loop3A_793 : f32 to vector<16xf32>
          %parallel_loop3A_874 = arith.mulf %parallel_loop3A_872, %parallel_loop3A_873 : vector<16xf32>
          %parallel_loop3A_875 = arith.mulf %parallel_loop3A_874, %get3A_34 : vector<16xf32>
          %parallel_loop3A_876 = arith.addf %parallel_loop3A_875, %get3A_66 : vector<16xf32>
          %parallel_loop3A_877 = arith.constant 1 : i32
          %parallel_loop3A_878 = arith.index_cast %parallel_loop3A_877 : i32 to index
          %parallel_loop3A_879 = arith.index_cast %parallel_loop3A_658 : i32 to index
          %parallel_loop3A_880 = arith.constant 112 : index
          %parallel_loop3A_881 = tpu.vector_load %arg13[%parallel_loop3A_878, %parallel_loop3A_879, %parallel_loop3A_880] {strides = array<i32>} : memref<2x128x128xf32, #tpu.memory_space<vmem>>, vector<16xf32>,
          tpu.vector_store %arg13[%parallel_loop3A_878, %parallel_loop3A_879, %parallel_loop3A_880], %parallel_loop3A_876 {strides = array<i32>} : memref<2x128x128xf32, #tpu.memory_space<vmem>>, vector<16xf32>,
        } {sc.loop_unroll_factor = 4 : i64, sc.parallel_access}
      } else {
      }
      %mul3A_640 = arith.constant 128 : i32
      %mul3A_641 = arith.muli %add3A_600, %mul3A_640 : i32
      %add3A_642 = arith.addi %mul3A_2, %mul3A_641 : i32
      %dma_start3A_643 = arith.constant 1 : i32
      %dma_start3A_644 = arith.constant 0 : i32
      %dma_start3A_645 = arith.constant 0 : i32
      %dma_start3A_646 = tpu.memref_slice %arg13[%dma_start3A_643, %dma_start3A_644, %dma_start3A_645] : memref<2x128x128xf32, #tpu.memory_space<vmem>> -> memref<1x128x128xf32, #tpu.memory_space<vmem>>
      %dma_start3A_647 = tpu.memref_squeeze %dma_start3A_646 : memref<1x128x128xf32, #tpu.memory_space<vmem>> -> memref<128x128xf32, #tpu.memory_space<vmem>>
      %dma_start3A_648 = arith.constant 0 : i32
      %dma_start3A_649 = tpu.memref_slice %arg8[%add3A_642, %dma_start3A_648] : memref<204800x128xf32, #tpu.memory_space<hbm>> -> memref<128x128xf32, #tpu.memory_space<hbm>>
      %dma_start3A_650 = arith.constant 0 : i32
      %dma_start3A_651 = tpu.memref_slice %arg8[%add3A_642, %dma_start3A_650] : memref<204800x128xf32, #tpu.memory_space<hbm>> -> memref<128x128xf32, #tpu.memory_space<hbm>>
      %dma_start3A_652 = arith.constant 0 : i32
      %dma_start3A_653 = arith.constant 0 : i32
      %dma_start3A_654 = tpu.memref_slice %arg13[%dma_start3A_643, %dma_start3A_652, %dma_start3A_653] : memref<2x128x128xf32, #tpu.memory_space<vmem>> -> memref<1x128x128xf32, #tpu.memory_space<vmem>>
      %dma_start3A_655 = tpu.memref_squeeze %dma_start3A_654 : memref<1x128x128xf32, #tpu.memory_space<vmem>> -> memref<128x128xf32, #tpu.memory_space<vmem>>
      tpu.enqueue_dma source(%dma_start3A_655 : memref<128x128xf32, #tpu.memory_space<vmem>>) target(%dma_start3A_651 : memref<128x128xf32, #tpu.memory_space<hbm>>) target_semaphore(%arg21 : memref<!tpu.dma_semaphore, #tpu.memory_space<semaphore_mem>>)
    }
    %scan3A_512 = arith.constant 25 : i32
    %add3A_513 = arith.constant 6144 : i32
    %add3A_514 = arith.addi %mul3A_2, %add3A_513 : i32
    %dma_wait3A_515 = arith.constant 0 : i32
    %dma_wait3A_516 = arith.constant 0 : i32
    %dma_wait3A_517 = arith.constant 0 : i32
    %dma_wait3A_518 = tpu.memref_slice %arg13[%dma_wait3A_515, %dma_wait3A_516, %dma_wait3A_517] : memref<2x128x128xf32, #tpu.memory_space<vmem>> -> memref<1x128x128xf32, #tpu.memory_space<vmem>>
    %dma_wait3A_519 = tpu.memref_squeeze %dma_wait3A_518 : memref<1x128x128xf32, #tpu.memory_space<vmem>> -> memref<128x128xf32, #tpu.memory_space<vmem>>
    %dma_wait3A_520 = arith.constant 0 : i32
    %dma_wait3A_521 = tpu.memref_slice %arg8[%add3A_514, %dma_wait3A_520] : memref<204800x128xf32, #tpu.memory_space<hbm>> -> memref<128x128xf32, #tpu.memory_space<hbm>>
    %dma_wait3A_522 = arith.constant 0 : i32
    %dma_wait3A_523 = tpu.memref_slice %arg8[%add3A_514, %dma_wait3A_522] : memref<204800x128xf32, #tpu.memory_space<hbm>> -> memref<128x128xf32, #tpu.memory_space<hbm>>
    %dma_wait3A_524 = arith.constant 0 : i32
    %dma_wait3A_525 = arith.constant 0 : i32
    %dma_wait3A_526 = tpu.memref_slice %arg13[%dma_wait3A_515, %dma_wait3A_524, %dma_wait3A_525] : memref<2x128x128xf32, #tpu.memory_space<vmem>> -> memref<1x128x128xf32, #tpu.memory_space<vmem>>
    %dma_wait3A_527 = tpu.memref_squeeze %dma_wait3A_526 : memref<1x128x128xf32, #tpu.memory_space<vmem>> -> memref<128x128xf32, #tpu.memory_space<vmem>>
    tpu.wait_dma2 semaphore(%arg20 : memref<!tpu.dma_semaphore, #tpu.memory_space<semaphore_mem>>) src(%dma_wait3A_527 : memref<128x128xf32, #tpu.memory_space<vmem>>) dst(%dma_wait3A_523 : memref<128x128xf32, #tpu.memory_space<hbm>>)
    %add3A_528 = arith.constant 6272 : i32
    %add3A_529 = arith.addi %mul3A_2, %add3A_528 : i32
    %dma_wait3A_530 = arith.constant 1 : i32
    %dma_wait3A_531 = arith.constant 0 : i32
    %dma_wait3A_532 = arith.constant 0 : i32
    %dma_wait3A_533 = tpu.memref_slice %arg13[%dma_wait3A_530, %dma_wait3A_531, %dma_wait3A_532] : memref<2x128x128xf32, #tpu.memory_space<vmem>> -> memref<1x128x128xf32, #tpu.memory_space<vmem>>
    %dma_wait3A_534 = tpu.memref_squeeze %dma_wait3A_533 : memref<1x128x128xf32, #tpu.memory_space<vmem>> -> memref<128x128xf32, #tpu.memory_space<vmem>>
    %dma_wait3A_535 = arith.constant 0 : i32
    %dma_wait3A_536 = tpu.memref_slice %arg8[%add3A_529, %dma_wait3A_535] : memref<204800x128xf32, #tpu.memory_space<hbm>> -> memref<128x128xf32, #tpu.memory_space<hbm>>
    %dma_wait3A_537 = arith.constant 0 : i32
    %dma_wait3A_538 = tpu.memref_slice %arg8[%add3A_529, %dma_wait3A_537] : memref<204800x128xf32, #tpu.memory_space<hbm>> -> memref<128x128xf32, #tpu.memory_space<hbm>>
    %dma_wait3A_539 = arith.constant 0 : i32
    %dma_wait3A_540 = arith.constant 0 : i32
    %dma_wait3A_541 = tpu.memref_slice %arg13[%dma_wait3A_530, %dma_wait3A_539, %dma_wait3A_540] : memref<2x128x128xf32, #tpu.memory_space<vmem>> -> memref<1x128x128xf32, #tpu.memory_space<vmem>>
    %dma_wait3A_542 = tpu.memref_squeeze %dma_wait3A_541 : memref<1x128x128xf32, #tpu.memory_space<vmem>> -> memref<128x128xf32, #tpu.memory_space<vmem>>
    tpu.wait_dma2 semaphore(%arg21 : memref<!tpu.dma_semaphore, #tpu.memory_space<semaphore_mem>>) src(%dma_wait3A_542 : memref<128x128xf32, #tpu.memory_space<vmem>>) dst(%dma_wait3A_538 : memref<128x128xf32, #tpu.memory_space<hbm>>)
    return
  }
}

</mosaic_0001>

<sc_bundles>
// kernel: kernel.3.cloned.1.call-start
scs
__scs_entry_jumppad:
0x0: {  	(pc) =	sbr.rel $0x88, $3  }
0x1: {  	(tag) =	ssettag $0x0;
	lr =	simm.s32 $0x1  }
0x2: {  	[smem:$0x3F9A] =	sst lr;
	_ =	strace $0xD0000000  }
0x3: {  	_ = 	snop  }
0x4: {  	_ = 	snop  }
0x5: {  	_ = 	snop  }
0x6: {  	_ = 	snop  }
0x7: {  	_ = 	snop  }
__scs_overlays_trampoline_lowered:
0x8: {  	[smem:$0x3FA9] =	sst s0  }
0x9: {  	[smem:$0x3FAA] =	sst s1  }
0xa: {  	[smem:$0x3FAB] =	sst s2  }
0xb: {  	[smem:$0x3FAC] =	sst s3  }
0xc: {  	[smem:$0x3FAD] =	sst s4  }
0xd: {  	[smem:$0x3FAE] =	sst s5  }
0xe: {  	[smem:$0x3FAF] =	sst s6  }
0xf: {  	[smem:$0x3FB0] =	sst s7  }
0x10: {  	[smem:$0x3FB1] =	sst s8  }
0x11: {  	[smem:$0x3FB2] =	sst s9;
	s0 =	simm.s32 @!p0 $0x0  }
0x12: {  	s1 =	sld [smem:$0x3F98];
	s0 =	simm.s32 @p0 $0x1  }
0x13: {  	[smem:$0x3FB3] =	sst s0;
	s0 =	simm.s32 @!p1 $0x0  }
0x14: {  	s2 =	sld [smem:$0x3F97];
	s0 =	simm.s32 @p1 $0x1  }
0x15: {  	[smem:$0x3FB4] =	sst s0;
	s0 =	simm.s32 @!p2 $0x0  }
0x16: {  	s3 =	sld [smem:$0x3FDB];
	s0 =	simm.s32 @p2 $0x1  }
0x17: {  	s4 =	simm.s32 $0x1BF5;
	[smem:$0x3FB6] =	sst s0  }
0x18: {  	s0 =	sld [smem:$0x3F99];
	_ =	swait.ge [sflag:s4], $0x0  }
0x19: {  	s7 =	sld [smem:$0x3F9A]  }
0x1a: {  	s8 =	sadd.s32 $0xFFFFE003, lr  }
0x1b: {  	s9 =	sadd.s32 $0xFFFFFEF7, lr;
	s5 =	simm.s32 $0xFFFFFFFF;
	p2 =	slt.u32 s8, $0xFFFFF086  }
0x1c: {  	p1 =	slt.u32 s9, $0xF7A;
	s5 =	simm.s32 @!p2 $0x0  }
0x1d: {  	s5 =	simm.s32 @p1 $0x1;
	p0 =	seq.s32 s7, s2  }
0x1e: {  	s7 =	smul.u32 @!p0 $0xF7A, s2;
	p2 =	seq.s32 @!p0 s5, $0x0  }
0x1f: {  	s9 =	smul.u32 $0xF7A, s1;
	s8 =	simm.s32 @!p0 $0x1BF5;
	p2 =	por !p2, p0  }
0x20: {  	[sflag:s8] =	ssyncset.s32 @!p0 $0xFFFFF086;
	s6 =	sadd.s32 @!p0 s3, s7;
	s7 =	simm.s32 @!p0 $0x108  }
0x21: {  	s3 =	sadd.s32 s3, s9;
	s6 =	sadd.s32 @!p0 $0x88, s6;
	s7 =	simm.s32 @p2 $0x1082  }
0x22: {  	[simem:s7], [sflag:s8] =	dma.local @!p0 [hbm:s6], $0xF7A  }
0x23: {  	s9 =	sor.u32 $0xD0000000, s2;
	s6 =	simm.s32 $0x108;
	_ =	swait.ge @!p0 [sflag:s8], $0x0  }
0x24: {  	s3 =	sadd.s32 $0x88, s3;
	s6 =	simm.s32 @!p1 $0x1082;
	[sflag:s4] =	ssyncset.s32 $0xFFFFF086  }
0x25: {  	[simem:s6], [sflag:s4] =	dma.local [hbm:s3], $0xF7A  }
0x26: {  	[smem:$0x3F9A] =	sst s1;
	(tag) =	ssettag s2;
	_ =	strace s9  }
0x27: {  	s1 =	sld [smem:$0x3FAA]  }
0x28: {  	s2 =	sld [smem:$0x3FAB]  }
0x29: {  	s4 =	sld [smem:$0x3FAD]  }
0x2a: {  	p0 =	seq.s32 s5, $0x0;
	s5 =	sld [smem:$0x3FAE]  }
0x2b: {  	s6 =	sld [smem:$0x3FAF]  }
0x2c: {  	s7 =	sld [smem:$0x3FB0]  }
0x2d: {  	s3 =	simm.s32 $0x108;
	s8 =	sld [smem:$0x3FB1]  }
0x2e: {  	s3 =	simm.s32 @!p0 $0x1082;
	s9 =	sld [smem:$0x3FB2]  }
0x2f: {  	lr =	sadd.s32 s0, s3;
	s0 =	sld [smem:$0x3FA9]  }
0x30: {  	s3 =	sld [smem:$0x3FAC]  }
0x31: {  	[smem:$0x3FB5] =	sst s10  }
0x32: {  	s10 =	sld [smem:$0x3FB3];
	_ =	sdelay $0x3  }
0x33: {  	p0 =	seq.s32 s10, $0x1;
	s10 =	sld [smem:$0x3FB5];
	_ =	sdelay $0x3  }
0x34: {  	[smem:$0x3FB5] =	sst s10  }
0x35: {  	s10 =	sld [smem:$0x3FB4];
	_ =	sdelay $0x3  }
0x36: {  	p1 =	seq.s32 s10, $0x1;
	s10 =	sld [smem:$0x3FB5];
	_ =	sdelay $0x3  }
0x37: {  	[smem:$0x3FB5] =	sst s10  }
0x38: {  	s10 =	sld [smem:$0x3FB6]  }
0x39: {  	_ = 	snop;
	(pc) =	sbr.ind lr, $3  }
0x3a: {  	_ = 	snop  }
0x3b: {  	_ = 	snop  }
0x3c: {  	p2 =	seq.s32 s10, $0x1;
	s10 =	sld [smem:$0x3FB5]  }
0x3d: {  	_ =	shalt  }
0x3e: {  	_ =	shalt  }
0x3f: {  	_ =	shalt  }
0x40: {  	_ =	shalt  }
0x41: {  	_ =	shalt  }
0x42: {  	_ =	shalt  }
0x43: {  	_ =	shalt  }
0x44: {  	_ =	shalt  }
0x45: {  	_ =	shalt  }
0x46: {  	_ =	shalt  }
0x47: {  	_ =	shalt  }
0x48: {  	_ =	shalt  }
0x49: {  	_ =	shalt  }
0x4a: {  	_ =	shalt  }
0x4b: {  	_ =	shalt  }
0x4c: {  	_ =	shalt  }
0x4d: {  	_ =	shalt  }
0x4e: {  	_ =	shalt  }
0x4f: {  	_ =	shalt  }
0x50: {  	_ =	shalt  }
0x51: {  	_ =	shalt  }
0x52: {  	_ =	shalt  }
0x53: {  	_ =	shalt  }
0x54: {  	_ =	shalt  }
0x55: {  	_ =	shalt  }
0x56: {  	_ =	shalt  }
0x57: {  	_ =	shalt  }
0x58: {  	_ =	shalt  }
0x59: {  	_ =	shalt  }
0x5a: {  	_ =	shalt  }
0x5b: {  	_ =	shalt  }
0x5c: {  	_ =	shalt  }
0x5d: {  	_ =	shalt  }
0x5e: {  	_ =	shalt  }
0x5f: {  	_ =	shalt  }
0x60: {  	_ =	shalt  }
0x61: {  	_ =	shalt  }
0x62: {  	_ =	shalt  }
0x63: {  	_ =	shalt  }
0x64: {  	_ =	shalt  }
0x65: {  	_ =	shalt  }
0x66: {  	_ =	shalt  }
0x67: {  	_ =	shalt  }
0x68: {  	_ =	shalt  }
0x69: {  	_ =	shalt  }
0x6a: {  	_ =	shalt  }
0x6b: {  	_ =	shalt  }
0x6c: {  	_ =	shalt  }
0x6d: {  	_ =	shalt  }
0x6e: {  	_ =	shalt  }
0x6f: {  	_ =	shalt  }
0x70: {  	_ =	shalt  }
0x71: {  	_ =	shalt  }
0x72: {  	_ =	shalt  }
0x73: {  	_ =	shalt  }
0x74: {  	_ =	shalt  }
0x75: {  	_ =	shalt  }
0x76: {  	_ =	shalt  }
0x77: {  	_ =	shalt  }
0x78: {  	_ =	shalt  }
0x79: {  	_ =	shalt  }
0x7a: {  	_ =	shalt  }
0x7b: {  	_ =	shalt  }
0x7c: {  	_ =	shalt  }
0x7d: {  	_ =	shalt  }
0x7e: {  	_ =	shalt  }
0x7f: {  	_ =	shalt  }
0x80: {  	_ =	shalt  }
0x81: {  	_ =	shalt  }
0x82: {  	_ =	shalt  }
0x83: {  	_ =	shalt  }
0x84: {  	_ =	shalt  }
0x85: {  	_ =	shalt  }
0x86: {  	_ =	shalt  }
0x87: {  	_ =	shalt  }
.Lfunc_end0:
.L_simem_size_0:
called_computation_lowered:
.L_overlay_start_0:
0x88: {  	s2 =	sld [smem:$0x3FD9]  }
0x89: {  	s3 =	sld [smem:$0x3FFE];
	_ =	sdelay $0x1  }
0x8a: {  	s1 =	srdreg.scid  }
0x8b: {  	s0 =	sand.u32 $0x1, s1  }
0x8c: {  	s17 =	sshll.u32 s0, $0xA;
	s2 =	sadd.s32 s3, s2  }
0x8d: {  	s2 =	sadd.s32 s2, s17  }
0x8e: {  	[smem:$0x3FC1] =	sst s2  }
0x8f: {  	_ = 	snop  }
0x90: {  	s2 =	sld [smem:$0x3FC7]  }
0x91: {  	s18 =	sld [smem:$0x3FC4]  }
0x92: {  	s4 =	sld [smem:$0x3FC3]  }
0x93: {  	s5 =	sld [smem:$0x3FD0];
	(tm) =	ssettm $0x1  }
0x94: {  	s6 =	sld [smem:$0x3FFB];
	_ =	sdelay $0x3  }
0x95: {  	_ =	strace s6  }
0x96: {  	s6 =	sld [smem:$0x3FFC];
	_ =	sdelay $0x3  }
0x97: {  	_ =	strace s6  }
0x98: {  	s6 =	sld [smem:$0x3FFD];
	_ =	sdelay $0x3  }
0x99: {  	_ =	strace s6  }
0x9a: {  	_ =	strace $0x8FFFFFFF  }
0x9b: {  	s19 =	sld [smem:$0x3FDB];
	_ =	sdelay $0x1  }
0x9c: {  	s7 =	simm.s32 $_scs_section_size  }
0x9d: {  	s8 =	simm.s32 $_size__tile_overlayer_lowered;
	s9 =	simm.s32 $_tile_overlayer_lowered  }
0x9e: {  	s22 =	simm.s32 $0x1BFF;
	s21 =	sshll.u32 s9, $0x1;
	s6 =	sadd.s32 s7, s19  }
0x9f: {  	s10 =	simm.s32 $0x0;
	s20 =	sshll.u32 s8, $0x1;
	s8 =	sadd.s32 s21, s6  }
0xa0: {  	[timem:s10], [sflag:s22] =	dma.local [hbm:s8], s20  }
0xa1: {  	_ =	swait.ge [sflag:s22], s20  }
0xa2: {  	s7 =	ssub.s32 $0x0, s20;
	[sflag:s22] =	ssyncset.done $0x0  }
0xa3: {  	[sflag:s22] =	ssyncadd.s32 s7;
	_ =	sdelay $0x1  }
0xa4: {  	s23 =	simm.s32 $0x1B8B  }
0xa5: {  	_ =	swait.ge [sflag:s23], $0x1  }
0xa6: {  	[sflag:s23] =	ssyncset.done $0x0  }
0xa7: {  	s25 =	simm.s32 $0x1B8E;
	s24 =	sld [smem:$0x3FFE];
	[sflag:s23] =	ssyncadd.s32 $0xFFFFFFFF  }
0xa8: {  	s26 =	simm.s32 $execute0_lowered;
	[smem:$0x3FD2] =	sst s25  }
0xa9: {  	s8 =	sshll.u32 s26, $0x1;
	_ =	strace $0x80000046;
	[dreg:$0x1] =	wrdreg $0xFFFFFFFF  }
0xaa: {  	s28 =	simm.s32 $_size_execute0_lowered;
	s6 =	sadd.s32 s6, s8;
	[dreg:$0x0] =	wrdreg $0x0  }
0xab: {  	s8 =	sshll.u32 s28, $0x1;
	[dreg:$0x2] =	wrdreg s6  }
0xac: {  	[dreg:$0x3] =	wrdreg s8  }
0xad: {  	[dreg:$0x4] =	wrdreg $0xC0  }
0xae: {  	_ =	task [dreg:s10], $0x5FFFF  }
0xaf: {  	[dreg:$0x1] =	wrdreg $0xFFFFFFFF  }
0xb0: {  	[dreg:$0x0] =	wrdreg $0x60  }
0xb1: {  	[dreg:$0x2] =	wrdreg s24  }
0xb2: {  	[dreg:$0x3] =	wrdreg s2  }
0xb3: {  	[dreg:$0x4] =	wrdreg s18  }
0xb4: {  	[dreg:$0x5] =	wrdreg s4  }
0xb5: {  	[dreg:$0x6] =	wrdreg s5  }
0xb6: {  	[dreg:$0x7] =	wrdreg $0x9  }
0xb7: {  	_ =	task.clear_ibuf [dreg:s10], $0x8FFFF;
	_ =	strace $0x90000046  }
0xb8: {  	s29 =	simm.s32 $0x9;
	_ =	strace $0x80000048  }
0xb9: {  	_ =	swait.ge [sflag:s29], $0x1  }
0xba: {  	[sflag:s29] =	ssyncadd.s32 $0xFFFFFFFF  }
0xbb: {  	_ =	strace $0x90000048  }
0xbc: {  	_ =	sfence  }
0xbd: {  	s30 =	sld [smem:$0x0];
	_ =	sdelay $0x2  }
0xbe: {  	s31 =	sshll.u32 s1, $0xD;
	s1 =	sshrl.u32 s1, $0x2  }
0xbf: {  	s3 =	sand.u32 $0x4000, s31;
	s1 =	sadd.s32 s1, s30  }
0xc0: {  	s0 =	sor.u32 s3, s0;
	s1 =	sshll.u32 s1, $0x11  }
0xc1: {  	s0 =	sor.u32 s1, s0  }
0xc2: {  	s0 =	sadd.s32 $0x8F2B, s0  }
0xc3: {  	[sflag:s0] =	ssyncadd.remote.s32 $0x1  }
0xc4: {  	_ =	sfence.sel $0xFFFF  }
0xc5: {  	[dreg:$0x0] =	wrdreg $0xFFFFFFFF;
	(pc) =	sbr.abs _section_cstart, $3  }
0xc6: {  	[dreg:$0x1] =	wrdreg $0xFFFFFFFF  }
0xc7: {  	_ =	task.clear_ibuf [dreg:s10], $0x2FFFF;
	_ =	strace $0x9FFFFFFF  }
0xc8: {  	(tm) =	ssettm $0x7FFFFFFF  }
0xc9: {  	_ =	shalt  }
tec
execute0_lowered:
.L_overlay_start_1:
0x0: {  	(tag) =	ssettag $0x1  }
0x1: {  	s0 =	srdreg.scid;
	s1 =	stileid.u32  }
0x2: {  	s0 =	sand.u32 $0x1, s0;
	s1 =	sshll.u32 s1, $0x1  }
0x3: {  	s3 =	sor.u32 s0, s1  }
0x4: {  	s1 =	smul.u32 $0x1900, s3  }
0x5: {  	v12 =	vlaneseq.u32  }
0x6: {  	v0 =	vor.u32 s1, v12;
	s5 =	sor.u32 $0x10, s1  }
0x7: {  	s18 =	sor.u32 $0x20, s1;
	v1 =	vmulhi.u32 $0x51EB851F, v0;
	v2 =	vor.u32 s5, v12  }
0x8: {  	s19 =	sor.u32 $0x30, s1;
	v4 =	vor.u32 s18, v12;
	v3 =	vmulhi.u32 $0x51EB851F, v2  }
0x9: {  	s20 =	sor.u32 $0x40, s1;
	v51 =	vor.u32 s19, v12;
	v5 =	vmulhi.u32 $0x51EB851F, v4  }
0xa: {  	s21 =	sor.u32 $0x50, s1;
	v6 =	vor.u32 s20, v12;
	v53 =	vmulhi.u32 $0x51EB851F, v51  }
0xb: {  	s22 =	sor.u32 $0x60, s1;
	v8 =	vor.u32 s21, v12;
	v7 =	vmulhi.u32 $0x51EB851F, v6  }
0xc: {  	s25 =	sor.u32 $0x70, s1;
	v10 =	vor.u32 s22, v12;
	v9 =	vmulhi.u32 $0x51EB851F, v8  }
0xd: {  	v12 =	vor.u32 s25, v12;
	v11 =	vmulhi.u32 $0x51EB851F, v10;
	v1 =	vshrl.u32 v1, $0x6  }
0xe: {  	v13 =	vmulhi.u32 $0x51EB851F, v12;
	v3 =	vshrl.u32 v3, $0x6;
	v1 =	vmul.u32 $0xC8, v1  }
0xf: {  	s4 =	rddreg [dreg:$0x0];
	v52 =	vshrl.u32 v5, $0x6;
	v5 =	vshrl.u32 v53, $0x6;
	v7 =	vshrl.u32 v7, $0x6  }
0x10: {  	s2 =	rddreg [dreg:$0x1];
	v9 =	vshrl.u32 v9, $0x6;
	v11 =	vshrl.u32 v11, $0x6;
	v3 =	vmul.u32 $0xC8, v3  }
0x11: {  	s6 =	rddreg [dreg:$0x4];
	s7 =	simm.s32 $0x0;
	s28 =	simm.s32 $0x3;
	v57 =	vshrl.u32 v13, $0x6;
	v5 =	vmul.u32 $0xC8, v5;
	v0 =	vsub.s32 v0, v1  }
0x12: {  	s29 =	simm.s32 $0x2;
	[smem:$0x7FF] =	sst s7;
	s0 =	ssub.s32 $0x2, s0;
	v7 =	vmul.u32 $0xC8, v7;
	v50 =	vsub.s32 v2, v3;
	v0 =	vshll.u32 v0, $0x1  }
0x13: {  	s8 =	sadd.s32 $0x400, s4;
	_ =	strace $0x80000047;
	s10 =	sshrl.u32 s0, $0x1;
	v9 =	vmul.u32 $0xC8, v9;
	v2 =	vsub.s32 v51, v5;
	[tilespmem:$0x1FF80] =	vst v0;
	v1 =	vshll.u32 v50, $0x1  }
0x14: {  	s9 =	sadd.s32 $0x6800, s4;
	s4 =	sadd.s32 $0xCC00, s4;
	s0 =	ssub.s32 s0, s10;
	v58 =	vmul.u32 $0xC8, v57;
	v55 =	vsub.s32 v6, v7;
	v60 =	vshll.u32 v2, $0x1;
	[tilespmem:$0x1FF90] =	vst v1  }
0x15: {  	[dreg:$0x6] =	wrdreg s4;
	s23 =	sshrl.u32 s1, $0x3;
	s0 =	smax.u32 s0, $0x1;
	v3 =	vmul.u32 $0xC8, v52;
	v56 =	vsub.s32 v8, v9;
	v61 =	vshll.u32 v55, $0x1;
	[tilespmem:$0x1FFB0] =	vst v60  }
.Ltmp0:
0x16: {  	s24 =	sadd.s32 s8, s23;
	[dreg:$0xb] =	wrdreg s0;
	v54 =	vmul.u32 $0xC8, v11;
	v62 =	vshll.u32 v56, $0x1;
	v0 =	vsub.s32 v12, v58;
	[tilespmem:$0x1FFC0] =	vst v61;
	(pc) =	sbr.rel .LBB2_1-.Ltmp0, $4  }
0x17: {  	s26 =	sor.u32 $0x10, s23;
	s4 =	sadd.s32 s9, s23;
	[dreg:$0x7] =	wrdreg s24;
	v3 =	vsub.s32 v4, v3;
	[tilespmem:$0x1FFD0] =	vst v62;
	v0 =	vshll.u32 v0, $0x1  }
0x18: {  	s15 =	smul.u32 $0xC8000, s3;
	[dreg:$0x8] =	wrdreg s4;
	s30 =	sadd.s32 s8, s26;
	v4 =	vsub.s32 v10, v54;
	v59 =	vshll.u32 v3, $0x1;
	[tilespmem:$0x1FFF0] =	vst v0  }
0x19: {  	s16 =	sadd.s32 $0x180, s1;
	s31 =	sadd.s32 s9, s26;
	[dreg:$0x9] =	wrdreg s30;
	v63 =	vshll.u32 v4, $0x1;
	[tilespmem:$0x1FFA0] =	vst v59  }
0x1a: {  	s5 =	simm.s32 $0x0;
	s4 =	simm.s32 $0x4;
	[dreg:$0xa] =	wrdreg s31;
	[tilespmem:$0x1FFE0] =	vst v63  }
.LBB2_20:
0x1b: {  	s0 =	simm.s32 $0x5  }
0x1c: {  	_ =	swait.ge [sflag:s0], $0x4000  }
0x1d: {  	[sflag:s0] =	ssyncset.done $0x0  }
0x1e: {  	s3 =	simm.s32 $0x6;
	[sflag:s0] =	ssyncadd.s32 $0xFFFFC000  }
0x1f: {  	_ =	swait.ge [sflag:s3], $0x4000  }
0x20: {  	s5 =	rddreg [dreg:$0xc]  }
0x21: {  	s31 =	rddreg [dreg:$0xb];
	s5 =	sadd.s32 $0x1, s5  }
0x22: {  	p0 =	sne.s32 s5, s31  }
.Ltmp1:
0x23: {  	_ = 	snop;
	(pc) =	sbr.rel @!p0 .LBB2_21-.Ltmp1, $3  }
0x24: {  	_ =	sdelay $0x1  }
0x25: {  	[sflag:s3] =	ssyncset.done $0x0  }
0x26: {  	[sflag:s3] =	ssyncadd.s32 $0xFFFFC000  }
.LBB2_1:
0x27: {  	[dreg:$0xc] =	wrdreg s5  }
0x28: {  	s0 =	rddreg [dreg:$0x2];
	s3 =	simm.s32 $0x1CC00;
	s12 =	simm.s32 $0x7  }
0x29: {  	[tilespmem:s3], [sflag:$0x7] =	stream.linear.gather [hbm4b:s0+s7], $0x80, $0x38;
	[tilespmem:$0x1CD00] =	vst v63  }
0x2a: {  	_ =	swait.ge [sflag:s12], $0x80  }
0x2b: {  	[sflag:s12] =	ssyncset.done $0x0  }
0x2c: {  	[sflag:s12] =	ssyncadd.s32 $0xFFFFFF80  }
0x2d: {  	s14 =	simm.s32 $0x1CC80;
	s13 =	rddreg [dreg:$0x3]  }
0x2e: {  	[tilespmem:s14], [sflag:$0x7] =	stream.linear.gather [hbm4b:s13+s7], $0x80, $0x38;
	[tilespmem:$0x1CD00] =	vst v63  }
0x2f: {  	_ =	swait.ge [sflag:s12], $0x80  }
0x30: {  	[sflag:s12] =	ssyncset.done $0x0  }
0x31: {  	s18 =	simm.s32 $0x10400;
	s17 =	rddreg [dreg:$0x6];
	[sflag:s12] =	ssyncadd.s32 $0xFFFFFF80  }
0x32: {  	[tilespmem:s18], [sflag:$0x7] =	stream.linear.gather [hbm4b:s17+s7], $0xC800, $0x38;
	[tilespmem:$0x1CD00] =	vst v63  }
0x33: {  	_ =	swait.ge [sflag:s12], $0xC800  }
0x34: {  	[sflag:s12] =	ssyncset.done $0x0  }
0x35: {  	[sflag:s12] =	ssyncadd.s32 $0xFFFF3800  }
0x36: {  	v33 =	vld [tilespmem:$0x1CC00]  }
0x37: {  	v16 =	vld [tilespmem:$0x1CC10]  }
0x38: {  	v17 =	vld [tilespmem:$0x1CC20]  }
0x39: {  	v31 =	vld [tilespmem:$0x1CC30]  }
0x3a: {  	v29 =	vld [tilespmem:$0x1CC40]  }
0x3b: {  	v59 =	vld [tilespmem:$0x1CC80]  }
0x3c: {  	v62 =	vld [tilespmem:$0x1CC90]  }
0x3d: {  	v63 =	vld [tilespmem:$0x1CCA0]  }
0x3e: {  	v15 =	vld [tilespmem:$0x1CCB0]  }
0x3f: {  	v45 =	vld [tilespmem:$0x1CCC0]  }
0x40: {  	v30 =	vld [tilespmem:$0x1CC50]  }
0x41: {  	v24 =	vld [tilespmem:$0x1CCD0];
	vm0 =	veq.f32 v33, $1.000000000e+00  }
0x42: {  	v22 =	vld [tilespmem:$0x1CC60];
	vm1 =	veq.f32 v59, $0.0e+00;
	vm2 =	veq.f32 v16, $1.000000000e+00;
	vm3 =	veq.f32 v62, $0.0e+00  }
0x43: {  	v26 =	vld [tilespmem:$0x1CCE0];
	vm12 =	veq.f32 v17, $1.000000000e+00;
	vm13 =	veq.f32 v63, $0.0e+00;
	vm14 =	veq.f32 v31, $1.000000000e+00  }
0x44: {  	v32 =	vld [tilespmem:$0x1CC70];
	vm15 =	veq.f32 v15, $0.0e+00;
	vm6 =	veq.f32 v29, $1.000000000e+00;
	vm7 =	veq.f32 v45, $0.0e+00  }
0x45: {  	v0 =	vld [tilespmem:$0x1CCF0];
	vm8 =	veq.f32 v30, $1.000000000e+00;
	vm0 =	vmand vm0, vm1;
	vm11 =	vmand vm2, vm3  }
0x46: {  	vm9 =	veq.f32 v24, $0.0e+00;
	vm1 =	vmand vm12, vm13;
	vm0 =	vmand vm0, vm11  }
0x47: {  	vm5 =	vmand vm14, vm15;
	vm10 =	vmand vm8, vm9;
	vm0 =	vmand vm0, vm1  }
0x48: {  	vm12 =	veq.f32 v26, $0.0e+00;
	vm1 =	vmand vm6, vm7;
	vm0 =	vmand vm0, vm5  }
0x49: {  	vm13 =	veq.f32 v32, $1.000000000e+00;
	vm11 =	veq.f32 v22, $1.000000000e+00;
	vm0 =	vmand vm0, vm1  }
0x4a: {  	vm14 =	veq.f32 v0, $0.0e+00;
	vm1 =	vmand vm11, vm12;
	vm0 =	vmand vm0, vm10  }
0x4b: {  	vm15 =	vmand vm13, vm14;
	vm0 =	vmand vm0, vm1  }
0x4c: {  	v49 =	vimm.f32 $0.0e+00;
	vm0 =	vmand vm0, vm15  }
0x4d: {  	[tilespmem:$0x1FE80] =	vst v0;
	v0 =	vsel vm0, $0x3F800000, v49  }
0x4e: {  	(xrf0) =	vmin.scan.msk.f32 $0xffff, v0;
	_ =	sdelay $0x5  }
0x4f: {  	v0, _, _ =	vpop (xrf0)  }
0x50: {  	(v2sf) =	vpush v0, $0xF;
	_ =	sdelay $0xa  }
0x51: {  	s19 =	rddreg [dreg:$0x7]  }
0x52: {  	[tilespmem:s7], [sflag:$0x1] =	stream.linear.gather [hbm4b:s19+s7], $0x80, $0x38;
	[tilespmem:$0x1CD00] =	vst v63  }
0x53: {  	s22 =	simm.s32 $0x300;
	s21 =	rddreg [dreg:$0x8]  }
0x54: {  	[tilespmem:s22], [sflag:$0x1] =	stream.linear.gather [hbm4b:s21+s7], $0x80, $0x38;
	[tilespmem:$0x1CD00] =	vst v63  }
0x55: {  	s23 =	simm.s32 $0x1;
	s20 =	spop (v2sf)  }
0x56: {  	_ =	swait.ge [sflag:s23], $0x80  }
0x57: {  	[sflag:s23] =	ssyncset.done $0x0  }
0x58: {  	[sflag:s23] =	ssyncadd.s32 $0xFFFFFF80  }
0x59: {  	_ =	swait.ge [sflag:s23], $0x80  }
0x5a: {  	v5 =	vld [tilespmem:$0x1FF80]  }
0x5b: {  	v52 =	vld [tilespmem:$0x1FF90]  }
0x5c: {  	v54 =	vld [tilespmem:$0x1FFA0];
	[tilespmem:$0x1FE90] =	vst v59  }
0x5d: {  	v56 =	vld [tilespmem:$0x1FFB0];
	[tilespmem:$0x1FEA0] =	vst v62  }
0x5e: {  	v57 =	vld [tilespmem:$0x1FFC0];
	[tilespmem:$0x1FEB0] =	vst v63  }
0x5f: {  	v58 =	vld [tilespmem:$0x1FFD0];
	[tilespmem:$0x1FEC0] =	vst v33  }
0x60: {  	[sflag:s23] =	ssyncset.done $0x0;
	v60 =	vld [tilespmem:$0x1FFE0];
	[tilespmem:$0x1FED0] =	vst v16  }
0x61: {  	v61 =	vld [tilespmem:$0x1FFF0];
	[tilespmem:$0x1FEE0] =	vst v17;
	[sflag:s23] =	ssyncadd.s32 $0xFFFFFF80  }
0x62: {  	[tilespmem:$0x1FEF0] =	vst v31;
	v50 =	vld [tilespmem:$0x300]  }
0x63: {  	[tilespmem:$0x1FF00] =	vst v29;
	v1 =	vld [tilespmem:$0x310]  }
0x64: {  	[tilespmem:$0x1FF10] =	vst v30;
	v2 =	vld [tilespmem:$0x320]  }
0x65: {  	[tilespmem:$0x1FF20] =	vst v15;
	v3 =	vld [tilespmem:$0x330]  }
0x66: {  	[tilespmem:$0x1FF30] =	vst v22;
	v4 =	vld [tilespmem:$0x340]  }
0x67: {  	[tilespmem:$0x1FF40] =	vst v45;
	v51 =	vld [tilespmem:$0x350];
	v0 =	vadd.s32 v5, v50  }
0x68: {  	v53 =	vld [tilespmem:$0x360];
	[tilespmem:$0x100] =	vst v0;
	v0 =	vadd.s32 v52, v1  }
0x69: {  	v55 =	vld [tilespmem:$0x370];
	[tilespmem:$0x110] =	vst v0;
	v0 =	vadd.s32 v54, v2  }
0x6a: {  	[tilespmem:$0x120] =	vst v0;
	v0 =	vadd.s32 v56, v3  }
0x6b: {  	[tilespmem:$0x130] =	vst v0;
	v0 =	vadd.s32 v57, v4  }
0x6c: {  	[tilespmem:$0x140] =	vst v0;
	v0 =	vadd.s32 v58, v51  }
0x6d: {  	[tilespmem:$0x150] =	vst v0;
	v0 =	vadd.s32 v60, v53  }
0x6e: {  	[tilespmem:$0x160] =	vst v0;
	v0 =	vadd.s32 v61, v55  }
0x6f: {  	s24 =	simm.s32 $0x80;
	s25 =	simm.s32 $0x400;
	[tilespmem:$0x170] =	vst v0  }
0x70: {  	[tilespmem:s25], [sflag:$0x3] =	stream.indirect.gather [hbm4b:s2+s24], $0x80, s7, s24, $0xb8;
	[tilespmem:$0x1CD00] =	vst v63  }
.Ltmp2:
0x71: {  	[tilespmem:$0x1FF50] =	vst v24;
	(pc) =	sbr.rel .LBB2_2-.Ltmp2, $4  }
0x72: {  	s31 =	simm.s32 $0x380;
	s26 =	rddreg [dreg:$0x9];
	[tilespmem:$0x1FF60] =	vst v32  }
0x73: {  	[tilespmem:s24], [sflag:$0x2] =	stream.linear.gather [hbm4b:s26+s7], $0x80, $0x38;
	[tilespmem:$0x1CD00] =	vst v63  }
0x74: {  	p0 =	sgt.f32 s20, $0.0e+00;
	s20 =	simm.s32 $0x0;
	s30 =	rddreg [dreg:$0xa];
	[tilespmem:$0x1FF70] =	vst v26  }
0x75: {  	[tilespmem:s31], [sflag:$0x2] =	stream.linear.gather [hbm4b:s30+s7], $0x80, $0x38;
	[tilespmem:$0x1CD00] =	vst v63  }
.LBB2_15:
0x76: {  	v32 =	vld [tilespmem:s25+$0x4550];
	_ =	sdelay $0x3  }
0x77: {  	v15 =	vld [tilespmem:s25+$0x4450]  }
0x78: {  	v31 =	vld [tilespmem:s25+$0x44D0];
	[tilespmem:$0x1F960] =	vst v32  }
0x79: {  	v32 =	vld [tilespmem:s12+$0x10460];
	_ =	sdelay $0x4  }
0x7a: {  	[tilespmem:$0x1F970] =	vst v32  }
0x7b: {  	v32 =	vld [tilespmem:s11+$0x10460];
	_ =	sdelay $0x4  }
0x7c: {  	[tilespmem:$0x1F980] =	vst v32  }
0x7d: {  	v32 =	vld [tilespmem:s10+$0x10460];
	_ =	sdelay $0x4  }
0x7e: {  	[tilespmem:$0x1F9A0] =	vst v32  }
0x7f: {  	v33 =	vld [tilespmem:s25+$0x44E0];
	_ =	sdelay $0x4  }
0x80: {  	v32 =	vld [tilespmem:s25+$0x4460];
	[tilespmem:$0x1F990] =	vst v33  }
0x81: {  	v34 =	vld [tilespmem:s12+$0x10470];
	_ =	sdelay $0x2  }
0x82: {  	v15 =	vadd.f32 v20, v15;
	v20 =	vmul.f32 v14, v14;
	_ =	sdelay $0x1  }
0x83: {  	v16 =	vadd.f32 v16, v29;
	v20 =	vadd.f32 v20, v27;
	v33 =	vld [tilespmem:s25+$0x4560];
	[tilespmem:$0x1F9B0] =	vst v34;
	v34 =	vmul.f32 v15, v15;
	_ =	sdelay $0x1  }
0x84: {  	[tilespmem:$0x1F9C0] =	vst v16;
	v16 =	vadd.f32 v34, v20;
	v34 =	vld [tilespmem:$0x1F970];
	_ =	sdelay $0x3  }
0x85: {  	v20 =	vld [tilespmem:$0x1F980]  }
0x86: {  	v34 =	vadd.f32 v34, v32;
	v32 =	vld [tilespmem:$0x1F990];
	_ =	sdelay $0x4  }
0x87: {  	v32 =	vadd.f32 v20, v32;
	v20 =	vld [tilespmem:$0x1F9A0];
	_ =	sdelay $0x2  }
0x88: {  	[tilespmem:$0x1F9F0] =	vst v15  }
0x89: {  	v27 =	vld [tilespmem:s25+$0x4470]  }
0x8a: {  	v33 =	vadd.f32 v20, v33;
	v20 =	vadd.f32 v14, v23;
	v23 =	vld [tilespmem:$0x1F9B0];
	_ =	sdelay $0x1  }
0x8b: {  	v29 =	vadd.f32 v19, v31;
	v31 =	vld [tilespmem:$0x1F960];
	_ =	sdelay $0x2  }
0x8c: {  	v23 =	vadd.f32 v23, v27;
	v27 =	vld [tilespmem:$0x1F9C0]  }
0x8d: {  	v19 =	vld [tilespmem:s11+$0x10470];
	[tilespmem:$0x1F9E0] =	vst v16  }
0x8e: {  	v31 =	vadd.f32 v21, v31;
	v21 =	vld [tilespmem:s10+$0x10470]  }
0x8f: {  	v30 =	vadd.f32 v22, v30;
	v22 =	vld [tilespmem:s25+$0x4570]  }
0x90: {  	v16 =	vld [tilespmem:s25+$0x44F0]  }
0x91: {  	[tilespmem:$0x1F9D0] =	vst v23;
	v23 =	vadd.f32 v27, v26;
	v26 =	vadd.f32 v30, v28  }
0x92: {  	v20 =	vadd.f32 v15, v20;
	_ =	sdelay $0x1  }
0x93: {  	s3 =	spop (v2sf);
	v22 =	vadd.f32 v21, v22;
	v21 =	vmul.f32 v34, v34;
	v20 =	vadd.f32 v34, v20  }
0x94: {  	s14 =	spop (v2sf);
	s12 =	smul.f32 $7.812500000e-03, s3;
	v28 =	vmovc v30;
	v30 =	vadd.f32 v19, v16;
	v19 =	vadd.f32 v31, v26;
	v26 =	vmovc v31;
	v31 =	vmov v34;
	v34 =	vld [tilespmem:$0x1F9D0]  }
0x95: {  	s3 =	smul.f32 $7.812500000e-03, s14  }
0x96: {  	s5 =	smul.f32 s12, s12;
	v16 =	vadd.f32 v29, v23  }
0x97: {  	s17 =	sshrl.u32 s0, $0x1;
	s24 =	smul.f32 $5.000000000e-01, s0;
	v23 =	vld [tilespmem:$0x1F9E0]  }
0x98: {  	s3 =	ssub.f32 s3, s5;
	s11 =	ssub.s32 $0x5F3759DF, s17;
	v16 =	vadd.f32 v32, v16  }
0x99: {  	s0 =	smul.f32 s11, s24;
	v19 =	vadd.f32 v33, v19;
	v20 =	vadd.f32 v34, v20  }
0x9a: {  	s3 =	sadd.f32 $9.999999960e-13, s3;
	v16 =	vadd.f32 v30, v16  }
0x9b: {  	s0 =	smul.f32 s11, s0;
	v19 =	vadd.f32 v22, v19;
	(xrf2) =	vadd.scan.msk.f32 $0xffff, v20  }
0x9c: {  	s26 =	sshrl.u32 s3, $0x1;
	s3 =	smul.f32 $5.000000000e-01, s3;
	v15 =	vadd.f32 v21, v23;
	v21 =	vmul.f32 v34, v34;
	v20 =	vmul.f32 v27, v27;
	(xrf2) =	vadd.scan.msk.f32 $0xffff, v16  }
0x9d: {  	v3 =	vmul.f32 s13, v3;
	v4 =	vmul.f32 s13, v4;
	s5 =	ssub.s32 $0x5F3759DF, s26;
	s0 =	ssub.f32 $1.500000000e+00, s0;
	[tilespmem:s22+$0xC580] =	vst v25;
	(xrf2) =	vadd.scan.msk.f32 $0xffff, v19  }
0x9e: {  	s3 =	smul.f32 s5, s3;
	[tilespmem:s22+$0xC590] =	vst v24;
	v15 =	vadd.f32 v21, v15;
	v21 =	vmul.f32 v29, v29;
	v23 =	vadd.f32 v20, v18  }
0x9f: {  	v5 =	vmul.f32 s13, v5;
	s0 =	smul.f32 s11, s0;
	[tilespmem:s22+$0xC5A0] =	vst v3  }
0xa0: {  	s3 =	smul.f32 s5, s3;
	[tilespmem:s22+$0xC5B0] =	vst v4;
	v20 =	vmul.f32 v32, v32;
	v23 =	vadd.f32 v21, v23  }
0xa1: {  	v7 =	vmul.f32 s0, v7;
	v24 =	vmul.f32 s13, v0;
	[tilespmem:s22+$0xC5C0] =	vst v5;
	v0 =	vmov s12  }
0xa2: {  	s3 =	ssub.f32 $1.500000000e+00, s3;
	(xrf2) =	vadd.scan.msk.f32 $0xffff, v15;
	v15 =	vadd.f32 v20, v23;
	v23 =	vmul.f32 v30, v30;
	v20 =	vmul.f32 s13, v8  }
0xa3: {  	v25 =	vmul.f32 v26, v26;
	[tilespmem:s22+$0xC5E0] =	vst v24;
	v24 =	vsub.f32 v48, v13;
	v21 =	vmul.f32 v28, v28  }
0xa4: {  	s10 =	smul.f32 s5, s3;
	v48 =	vsub.f32 v52, v13;
	v52 =	vmul.f32 s0, v12;
	[tilespmem:s22+$0xC5D0] =	vst v20;
	v20 =	vsub.f32 v60, v0  }
0xa5: {  	[tilespmem:s22+$0xC400] =	vst v7;
	v4 =	vmul.f32 s0, v24;
	v16 =	vadd.f32 v21, v17;
	v21 =	vmul.f32 v33, v33;
	v19, _, _ =	vpop (xrf2)  }
0xa6: {  	s30 =	sadd.f32 $9.999999960e-13, s23;
	[tilespmem:s22+$0xC430] =	vst v52;
	v15 =	vadd.f32 v23, v15;
	v3 =	vmul.f32 s10, v20;
	(v2sf) =	vpush v19, $0xF;
	v23, _, _ =	vpop (xrf2)  }
0xa7: {  	[tilespmem:s22+$0xC440] =	vst v4;
	v16 =	vadd.f32 v25, v16;
	(v2sf) =	vpush v23, $0xF;
	v25, _, _ =	vpop (xrf2);
	v23 =	vmul.f32 s0, v10  }
0xa8: {  	v55 =	vsub.f32 v55, v13;
	s31 =	sshrl.u32 s30, $0x1;
	s11 =	smul.f32 $5.000000000e-01, s30;
	[tilespmem:s25+$0xC5F0] =	vst v3;
	(v2sf) =	vpush v25, $0xF;
	v25 =	vmul.f32 s0, v11  }
0xa9: {  	s12 =	ssub.s32 $0x5F3759DF, s31;
	v18 =	vadd.f32 v21, v16;
	v21 =	vmul.f32 v22, v22;
	v3 =	vmul.f32 s0, v48;
	[tilespmem:s22+$0xC410] =	vst v23  }
0xaa: {  	s5 =	smul.f32 s12, s11;
	v12 =	vmul.f32 s0, v55;
	v60 =	vsub.f32 v56, v13;
	[tilespmem:s22+$0xC420] =	vst v25  }
0xab: {  	(xrf2) =	vadd.scan.msk.f32 $0xffff, v15;
	v5 =	vadd.f32 v21, v18;
	v4 =	vld [tilespmem:$0x1FA00];
	[tilespmem:s22+$0xC450] =	vst v3  }
0xac: {  	s3 =	smul.f32 s12, s5;
	v13 =	vmul.f32 s0, v60;
	v3 =	vld [tilespmem:$0x1FA20];
	[tilespmem:s22+$0xC460] =	vst v12  }
0xad: {  	(xrf2) =	vadd.scan.msk.f32 $0xffff, v5;
	v5 =	vld [tilespmem:$0x1FA40]  }
0xae: {  	s3 =	ssub.f32 $1.500000000e+00, s3;
	v19, _, _ =	vpop (xrf2);
	[tilespmem:s22+$0xC470] =	vst v13  }
0xaf: {  	(v2sf) =	vpush v19, $0xF;
	v7 =	vld [tilespmem:$0x1FA60]  }
0xb0: {  	s3 =	smul.f32 s12, s3;
	v4 =	vsub.f32 v4, v6  }
0xb1: {  	s11 =	ssub.f32 s19, s18;
	v3 =	vsub.f32 v3, v6  }
0xb2: {  	v5 =	vsub.f32 v5, v6;
	v4 =	vmul.f32 s3, v4  }
0xb3: {  	s5 =	sadd.f32 $9.999999960e-13, s11;
	v15 =	vsub.f32 v35, v6;
	v3 =	vmul.f32 s3, v3  }
0xb4: {  	v7 =	vsub.f32 v7, v6;
	[tilespmem:s22+$0xC480] =	vst v4;
	v5 =	vmul.f32 s3, v5  }
0xb5: {  	s13 =	sshrl.u32 s5, $0x1;
	s5 =	smul.f32 $5.000000000e-01, s5;
	v16 =	vsub.f32 v38, v6;
	v11, _, _ =	vpop (xrf2);
	v4 =	vmul.f32 s3, v15;
	[tilespmem:s22+$0xC490] =	vst v3  }
0xb6: {  	s11 =	ssub.s32 $0x5F3759DF, s13;
	(v2sf) =	vpush v11, $0xF;
	v7 =	vmul.f32 s3, v7;
	[tilespmem:s22+$0xC4A0] =	vst v5  }
0xb7: {  	v17 =	vsub.f32 v43, v6;
	s5 =	smul.f32 s11, s5;
	v3 =	vmul.f32 s3, v16;
	[tilespmem:s22+$0xC4C0] =	vst v4  }
0xb8: {  	v18 =	vsub.f32 v50, v6;
	[tilespmem:s22+$0xC4B0] =	vst v7  }
0xb9: {  	s14 =	smul.f32 s11, s5;
	v5 =	vmul.f32 s3, v17;
	v4 =	vld [tilespmem:$0x1FA10];
	[tilespmem:s22+$0xC4D0] =	vst v3  }
0xba: {  	v6 =	vmul.f32 s3, v18;
	v3 =	vld [tilespmem:$0x1FA30]  }
0xbb: {  	v24 =	vsub.f32 v42, v0;
	v20 =	vsub.f32 v36, v1;
	s0 =	ssub.f32 $1.500000000e+00, s14;
	s17 =	spop (v2sf);
	[tilespmem:s22+$0xC4E0] =	vst v5  }
0xbc: {  	v35 =	vsub.f32 v46, v0;
	v36 =	vsub.f32 v39, v0;
	s12 =	smul.f32 $7.812500000e-03, s17;
	s18 =	spop (v2sf);
	v5 =	vld [tilespmem:$0x1FA50];
	[tilespmem:s22+$0xC4F0] =	vst v6  }
0xbd: {  	v38 =	vsub.f32 v44, v0;
	v21 =	vsub.f32 v37, v1;
	s0 =	smul.f32 s11, s0;
	s19 =	spop (v2sf);
	v6 =	vld [tilespmem:$0x1FA70]  }
0xbe: {  	v37 =	vsub.f32 v40, v0;
	s23 =	smul.f32 s12, s12;
	s14 =	spop (v2sf);
	v4 =	vsub.f32 v4, v1  }
0xbf: {  	v25 =	vsub.f32 v45, v0;
	v19, _, _ =	vpop (xrf2);
	s24 =	smul.f32 $7.812500000e-03, s14;
	v3 =	vsub.f32 v3, v1  }
0xc0: {  	v0 =	vsub.f32 v47, v0;
	(v2sf) =	vpush v19, $0xF;
	v4 =	vmul.f32 s0, v4  }
0xc1: {  	s3 =	ssub.f32 s24, s23;
	v5 =	vsub.f32 v5, v1;
	v3 =	vmul.f32 s0, v3  }
0xc2: {  	v0 =	vmul.f32 s10, v0;
	s26 =	smul.f32 $7.812500000e-03, s18;
	v6 =	vsub.f32 v6, v1;
	[tilespmem:s22+$0xC500] =	vst v4  }
0xc3: {  	s3 =	sadd.f32 $9.999999960e-13, s3;
	v5 =	vmul.f32 s0, v5;
	v4 =	vld [tilespmem:$0x1FA80];
	[tilespmem:s22+$0xC510] =	vst v3  }
0xc4: {  	s5 =	smul.f32 s26, s26;
	v6 =	vmul.f32 s0, v6;
	[tilespmem:s25+$0xC5E0] =	vst v0  }
0xc5: {  	s30 =	spop (v2sf);
	s17 =	sshrl.u32 s3, $0x1;
	s3 =	smul.f32 $5.000000000e-01, s3;
	v3 =	vmul.f32 s0, v20;
	[tilespmem:s22+$0xC520] =	vst v5  }
0xc6: {  	s14 =	smul.f32 $7.812500000e-03, s30;
	s17 =	ssub.s32 $0x5F3759DF, s17;
	v5 =	vmul.f32 s0, v21;
	[tilespmem:s22+$0xC530] =	vst v6  }
0xc7: {  	s3 =	smul.f32 s17, s3;
	[tilespmem:s22+$0xC550] =	vst v3;
	v3 =	vmul.f32 s10, v25  }
0xc8: {  	s5 =	ssub.f32 s14, s5;
	[tilespmem:s22+$0xC560] =	vst v5;
	v5 =	vmul.f32 s10, v35;
	v4 =	vsub.f32 v4, v1  }
0xc9: {  	v23 =	vsub.f32 v41, v1;
	s3 =	smul.f32 s17, s3;
	[tilespmem:s25+$0xC590] =	vst v3;
	v3 =	vmul.f32 s10, v38  }
0xca: {  	s5 =	sadd.f32 $9.999999960e-13, s5;
	[tilespmem:s25+$0xC5A0] =	vst v5;
	v4 =	vmul.f32 s0, v4  }
0xcb: {  	s31 =	smul.f32 $7.812500000e-03, s19;
	s3 =	ssub.f32 $1.500000000e+00, s3;
	v1 =	vmul.f32 s0, v23;
	[tilespmem:s25+$0xC5D0] =	vst v3  }
0xcc: {  	v39 =	vmov s12;
	s18 =	smul.f32 $5.000000000e-01, s5;
	[tilespmem:s22+$0xC540] =	vst v4;
	v4 =	vmul.f32 s10, v24  }
0xcd: {  	v40 =	vsub.f32 v49, v39;
	s5 =	sshrl.u32 s5, $0x1;
	s3 =	smul.f32 s17, s3;
	[tilespmem:s22+$0xC570] =	vst v1;
	v1 =	vmul.f32 s10, v36  }
0xce: {  	v41 =	vsub.f32 v51, v39;
	s13 =	smul.f32 s31, s31;
	s5 =	ssub.s32 $0x5F3759DF, s5;
	[tilespmem:s25+$0xC580] =	vst v4;
	v4 =	vmul.f32 s10, v37  }
0xcf: {  	s19 =	spop (v2sf);
	[tilespmem:s25+$0xC5B0] =	vst v1;
	s22 =	smul.f32 s5, s18;
	v1 =	vmul.f32 s3, v40  }
0xd0: {  	v42 =	vsub.f32 v53, v39;
	s14 =	smul.f32 $7.812500000e-03, s19;
	[tilespmem:s25+$0xC5C0] =	vst v4;
	v4 =	vmul.f32 s3, v41  }
0xd1: {  	v43 =	vsub.f32 v54, v39;
	[tilespmem:s25+$0xC400] =	vst v1;
	s10 =	smul.f32 s5, s22  }
0xd2: {  	v44 =	vsub.f32 v14, v39;
	s23 =	ssub.f32 s14, s13;
	v3 =	vmul.f32 s3, v42;
	[tilespmem:s25+$0xC410] =	vst v4  }
0xd3: {  	v5 =	vsub.f32 v34, v39;
	v0 =	vmul.f32 s3, v43;
	s10 =	ssub.f32 $1.500000000e+00, s10;
	v4 =	vld [tilespmem:$0x1F9F0]  }
0xd4: {  	v45 =	vsub.f32 v31, v39;
	v46 =	vmov s26;
	s12 =	sadd.f32 $9.999999960e-13, s23;
	v1 =	vmul.f32 s3, v44;
	[tilespmem:s25+$0xC420] =	vst v3  }
0xd5: {  	v47 =	vsub.f32 v61, v46;
	v5 =	vmul.f32 s3, v5;
	s5 =	smul.f32 s5, s10;
	[tilespmem:s25+$0xC430] =	vst v0  }
0xd6: {  	v2 =	vsub.f32 v2, v46;
	s24 =	smul.f32 $5.000000000e-01, s12;
	s12 =	sshrl.u32 s12, $0x1;
	[tilespmem:s25+$0xC440] =	vst v1;
	v3 =	vmul.f32 s3, v45  }
0xd7: {  	v49 =	vsub.f32 v9, v46;
	s26 =	ssub.s32 $0x5F3759DF, s12;
	[tilespmem:s25+$0xC470] =	vst v5;
	v1 =	vmul.f32 s5, v47  }
0xd8: {  	s30 =	smul.f32 s26, s24;
	v0 =	vsub.f32 v30, v46;
	v2 =	vmul.f32 s5, v2;
	[tilespmem:s25+$0xC460] =	vst v3;
	v4 =	vsub.f32 v4, v39  }
0xd9: {  	v3 =	vmul.f32 s5, v49;
	[tilespmem:s25+$0xC480] =	vst v1  }
0xda: {  	v50 =	vsub.f32 v27, v46;
	v0 =	vmul.f32 s5, v0;
	[tilespmem:s25+$0xC4B0] =	vst v2;
	v4 =	vmul.f32 s3, v4;
	s3 =	smul.f32 s26, s30  }
0xdb: {  	v48 =	vsub.f32 v63, v46;
	[tilespmem:s25+$0xC4A0] =	vst v3  }
0xdc: {  	v52 =	vsub.f32 v32, v46;
	v1 =	vmul.f32 s5, v50;
	[tilespmem:s25+$0xC4F0] =	vst v0;
	s3 =	ssub.f32 $1.500000000e+00, s3  }
0xdd: {  	v51 =	vsub.f32 v29, v46;
	v53 =	vmov s31;
	[tilespmem:s25+$0xC450] =	vst v4;
	v4 =	vmul.f32 s5, v48  }
0xde: {  	v54 =	vsub.f32 v57, v53;
	v3 =	vmul.f32 s5, v52;
	[tilespmem:s25+$0xC4C0] =	vst v1;
	s31 =	smul.f32 s26, s3  }
0xdf: {  	v55 =	vsub.f32 v58, v53;
	[tilespmem:s25+$0xC490] =	vst v4;
	v4 =	vmul.f32 s5, v51  }
0xe0: {  	v56 =	vsub.f32 v59, v53;
	[tilespmem:s25+$0xC4E0] =	vst v3;
	v1 =	vmul.f32 s31, v54  }
0xe1: {  	v57 =	vsub.f32 v62, v53;
	[tilespmem:s25+$0xC4D0] =	vst v4;
	v4 =	vmul.f32 s31, v55  }
0xe2: {  	v59 =	vsub.f32 v26, v53;
	v3 =	vmul.f32 s31, v56;
	[tilespmem:s25+$0xC500] =	vst v1  }
0xe3: {  	v60 =	vsub.f32 v33, v53;
	v0 =	vmul.f32 s31, v57;
	[tilespmem:s25+$0xC510] =	vst v4  }
0xe4: {  	v2 =	vsub.f32 v22, v53;
	v61 =	vmul.f32 s31, v59;
	[tilespmem:s25+$0xC520] =	vst v3  }
0xe5: {  	v58 =	vsub.f32 v28, v53;
	v62 =	vmul.f32 s31, v60;
	[tilespmem:s25+$0xC530] =	vst v0  }
0xe6: {  	v63 =	vmul.f32 s31, v2;
	[tilespmem:s25+$0xC550] =	vst v61  }
0xe7: {  	v1 =	vmul.f32 s31, v58;
	[tilespmem:s25+$0xC560] =	vst v62  }
0xe8: {  	[tilespmem:s25+$0xC570] =	vst v63  }
0xe9: {  	[tilespmem:s25+$0xC540] =	vst v1  }
0xea: {  	v59 =	vld [tilespmem:$0x1FE90]  }
0xeb: {  	v62 =	vld [tilespmem:$0x1FEA0]  }
0xec: {  	v63 =	vld [tilespmem:$0x1FEB0]  }
.LBB2_19:
0xed: {  	s20 =	sadd.s32 $0x1, s20  }
0xee: {  	p1 =	sne.s32 s20, $0x19  }
.Ltmp3:
0xef: {  	s0 =	sshll.u32 s21, $0xE;
	(pc) =	sbr.rel @!p1 .LBB2_20-.Ltmp3, $4  }
0xf0: {  	s0 =	sadd.s32 s15, s0  }
0xf1: {  	s0 =	sshrl.u32 s0, $0x3  }
0xf2: {  	s3 =	simm.s32 $0xC400;
	s0 =	sadd.s32 s6, s0  }
0xf3: {  	[hbm4b:s0+s7] =	stream.linear.scatter [tilespmem:s3], [sflag:$0x6], $0x4000, $0x38;
	[tilespmem:$0x1CD00] =	vst v63  }
.LBB2_2:
0xf4: {  	s21 =	sshllo.u32 s20, $0x1  }
0xf5: {  	_ =	swait.ge [sflag:s28], $0x4000;
	s0 =	sshll.u32 s21, $0x7  }
0xf6: {  	v12 =	vlaneseq.u32;
	[sflag:s28] =	ssyncset.done $0x0;
	s0 =	sadd.s32 s1, s0  }
0xf7: {  	[sflag:s28] =	ssyncadd.s32 $0xFFFFC000;
	v0 =	vor.u32 s0, v12;
	s10 =	sor.u32 $0x10, s0  }
0xf8: {  	_ =	swait.ge [sflag:s29], $0x80;
	s23 =	sor.u32 $0x20, s0;
	v1 =	vmulhi.u32 $0x51EB851F, v0;
	v2 =	vor.u32 s10, v12  }
0xf9: {  	s24 =	sor.u32 $0x30, s0;
	[sflag:s29] =	ssyncset.done $0x0;
	v5 =	vor.u32 s23, v12;
	v4 =	vmulhi.u32 $0x51EB851F, v2  }
0xfa: {  	s25 =	sor.u32 $0x40, s0;
	v8 =	vor.u32 s24, v12;
	[sflag:s29] =	ssyncadd.s32 $0xFFFFFF80;
	v38 =	vmulhi.u32 $0x51EB851F, v5  }
0xfb: {  	s26 =	sor.u32 $0x50, s0;
	v41 =	vor.u32 s25, v12;
	v9 =	vmulhi.u32 $0x51EB851F, v8;
	_ =	swait.ge [sflag:s29], $0x80  }
0xfc: {  	s30 =	sor.u32 $0x60, s0;
	v43 =	vor.u32 s26, v12;
	v42 =	vmulhi.u32 $0x51EB851F, v41;
	[sflag:s29] =	ssyncset.done $0x0  }
0xfd: {  	s0 =	sor.u32 $0x70, s0;
	v45 =	vor.u32 s30, v12;
	v44 =	vmulhi.u32 $0x51EB851F, v43;
	v1 =	vshrl.u32 v1, $0x6;
	[sflag:s29] =	ssyncadd.s32 $0xFFFFFF80  }
0xfe: {  	v12 =	vor.u32 s0, v12;
	v11 =	vmulhi.u32 $0x51EB851F, v45;
	v1 =	vmul.u32 $0xC8, v1;
	v3 =	vld [tilespmem:$0x380]  }
0xff: {  	v14 =	vmulhi.u32 $0x51EB851F, v12;
	v4 =	vshrl.u32 v4, $0x6;
	v39 =	vshrl.u32 v9, $0x6;
	v6 =	vld [tilespmem:$0x390]  }
0x100: {  	v4 =	vmul.u32 $0xC8, v4;
	v0 =	vsub.s32 v0, v1;
	v1 =	vshrl.u32 v38, $0x6  }
0x101: {  	v48 =	vshrl.u32 v11, $0x6;
	v51 =	vshrl.u32 v14, $0x6;
	v7 =	vld [tilespmem:$0x3A0];
	v1 =	vmul.u32 $0xC8, v1  }
0x102: {  	v54 =	vmul.u32 $0xC8, v51;
	v0 =	vshll.u32 v0, $0x1;
	v2 =	vsub.s32 v2, v4  }
0x103: {  	v40 =	vld [tilespmem:$0x3B0];
	v2 =	vshll.u32 v2, $0x1;
	v1 =	vsub.s32 v5, v1;
	v0 =	vadd.s32 v0, v3  }
0x104: {  	v10 =	vld [tilespmem:$0x3C0];
	v3 =	vmul.u32 $0xC8, v39;
	v2 =	vadd.s32 v2, v6;
	v6 =	vshrl.u32 v42, $0x6  }
0x105: {  	v49 =	vld [tilespmem:$0x3E0];
	v4 =	vmul.u32 $0xC8, v48;
	v1 =	vshll.u32 v1, $0x1;
	v6 =	vmul.u32 $0xC8, v6  }
0x106: {  	v13 =	vld [tilespmem:$0x3D0];
	v1 =	vadd.s32 v1, v7;
	[tilespmem:$0x180] =	vst v0;
	v3 =	vsub.s32 v8, v3;
	v8 =	vshrl.u32 v44, $0x6  }
0x107: {  	v52 =	vld [tilespmem:$0x3F0];
	[tilespmem:$0x190] =	vst v2;
	v3 =	vshll.u32 v3, $0x1;
	v47 =	vmul.u32 $0xC8, v8;
	v50 =	vsub.s32 v41, v6  }
0x108: {  	v56 =	vsub.s32 v45, v4;
	[tilespmem:$0x1A0] =	vst v1;
	v46 =	vadd.s32 v3, v40;
	v2 =	vshll.u32 v50, $0x1  }
0x109: {  	v53 =	vsub.s32 v43, v47;
	[tilespmem:$0x1B0] =	vst v46;
	v55 =	vadd.s32 v2, v10;
	v2 =	vshll.u32 v56, $0x1  }
0x10a: {  	s31 =	sshll.u32 s20, $0x1;
	v58 =	vsub.s32 v12, v54;
	v1 =	vshll.u32 v53, $0x1;
	[tilespmem:$0x1C0] =	vst v55;
	v60 =	vadd.s32 v2, v49  }
0x10b: {  	p1 =	seq.s32 s20, $0x18;
	s0 =	sadd.s32 $0x2, s31;
	v57 =	vadd.s32 v1, v13;
	v1 =	vshll.u32 v58, $0x1;
	[tilespmem:$0x1E0] =	vst v60  }
0x10c: {  	s3 =	simm.s32 $0x80;
	p2 =	seq.s32 @!p1 s20, $0x0;
	s0 =	sshll.u32 @!p1 s0, $0x7;
	[tilespmem:$0x1D0] =	vst v57;
	v61 =	vadd.s32 v1, v52  }
0x10d: {  	s5 =	simm.s32 $0x4400;
	p2 =	por p1, !p2;
	s22 =	sadd.s32 @!p1 s1, s0;
	[tilespmem:$0x1F0] =	vst v61  }
0x10e: {  	[tilespmem:s5], [sflag:$0x4] =	stream.indirect.gather [hbm4b:s2+s3], $0x80, s3, s3, $0xb8;
	[tilespmem:$0x1CD00] =	vst v63  }
.Ltmp4:
0x10f: {  	s0 =	sshrl.u32 @!p1 s22, $0x3;
	(pc) =	sbr.rel @!p2 .LBB2_3-.Ltmp4, $4  }
0x110: {  	s11 =	simm.s32 @!p1 $0x0;
	s10 =	sadd.s32 @!p1 s8, s0  }
0x111: {  	[tilespmem:s11], [sflag:$0x1] =	stream.linear.gather @!p1 [hbm4b:s10+s11], $0x80, $0x38;
	[tilespmem:$0x1CD00] =	vst v63  }
0x112: {  	s0 =	sadd.s32 @!p1 s9, s0;
	s10 =	simm.s32 @!p1 $0x300  }
0x113: {  	[tilespmem:s10], [sflag:$0x1] =	stream.linear.gather @!p1 [hbm4b:s0+s11], $0x80, $0x38;
	[tilespmem:$0x1CD00] =	vst v63  }
.Ltmp5:
0x114: {  	(pc) =	sbr.rel .LBB2_5-.Ltmp5, $4  }
0x115: {  	s0 =	simm.s32 $0x5  }
0x116: {  	_ =	swait.ge [sflag:s0], $0x4000  }
0x117: {  	[sflag:s0] =	ssyncset.done $0x0  }
0x118: {  	p2 =	por $0x0, $0x0;
	[sflag:s0] =	ssyncadd.s32 $0xFFFFC000  }
.LBB2_3:
0x119: {  	p2 =	por @!p1 $0x1, $0x1  }
.LBB2_5:
.Ltmp6:
0x11a: {  	(pc) =	sbr.rel @p0 .LBB2_6-.Ltmp6, $2  }
0x11b: {  	_ =	sdelay $0x2  }
0x11c: {  	s0 =	simm.s32 $0x102;
	s10 =	simm.s32 $0x500;
	s25 =	simm.s32 $0x8500  }
0x11d: {  	v0 =	vld [tilespmem:s0+$0x1];
	_ =	sdelay $0x2  }
0x11e: {  	v1 =	vld [tilespmem:s0+$0x0]  }
0x11f: {  	v2 =	vld [tilespmem:s0+$0xFFFFFFFE]  }
0x120: {  	v4 =	vld [tilespmem:s10+$0xA0];
	(v2sf) =	vpush v0, $0x0  }
0x121: {  	v6 =	vld [tilespmem:s10+$0xB0]  }
0x122: {  	v9 =	vld [tilespmem:s10+$0xC0]  }
0x123: {  	v11 =	vld [tilespmem:s10+$0xD0]  }
0x124: {  	v13 =	vld [tilespmem:s10+$0xE0]  }
0x125: {  	v15 =	vld [tilespmem:s10+$0xF0]  }
0x126: {  	v20 =	vld [tilespmem:s10+$0xFFFFFF00]  }
0x127: {  	v21 =	vld [tilespmem:s10+$0xFFFFFF80]  }
0x128: {  	v0 =	vld [tilespmem:s0+$0xFFFFFFFF]  }
0x129: {  	v22 =	vld [tilespmem:s10+$0x0]  }
0x12a: {  	v25 =	vld [tilespmem:s10+$0xFFFFFF10]  }
0x12b: {  	v30 =	vld [tilespmem:s10+$0x20]  }
0x12c: {  	v35 =	vld [tilespmem:s10+$0xFFFFFF30]  }
0x12d: {  	v36 =	vld [tilespmem:s10+$0xFFFFFFB0];
	(v2sf) =	vpush v0, $0x0  }
0x12e: {  	v37 =	vld [tilespmem:s10+$0x30]  }
0x12f: {  	v45 =	vld [tilespmem:s10+$0x50];
	(v2sf) =	vpush v1, $0x0;
	s14 =	spop (v2sf)  }
0x130: {  	v0 =	vld [tilespmem:s10+$0x80];
	(v2sf) =	vpush v2, $0x0;
	s0 =	sshll.u32 s14, $0x9  }
0x131: {  	v1 =	vld [tilespmem:s10+$0x90];
	s0 =	sshra.s32 s0, $0x2  }
0x132: {  	v2 =	vld [tilespmem:s0+$0x10410]  }
0x133: {  	v3 =	vld [tilespmem:s0+$0x10400]  }
0x134: {  	v54 =	vld [tilespmem:s10+$0xFFFFFF60]  }
0x135: {  	v5 =	vld [tilespmem:s0+$0x10420]  }
0x136: {  	v60 =	vld [tilespmem:s10+$0xFFFFFF70]  }
0x137: {  	v7 =	vld [tilespmem:s0+$0x10430]  }
0x138: {  	v47 =	vld [tilespmem:s10+$0x60];
	v0 =	vadd.f32 v3, v0;
	v1 =	vadd.f32 v2, v1  }
0x139: {  	s19 =	simm.s32 $0x106;
	v10 =	vld [tilespmem:s0+$0x10440]  }
0x13a: {  	v41 =	vld [tilespmem:s19+$0x1];
	v2 =	vadd.f32 v5, v4;
	v3 =	vmul.f32 v0, v0;
	v8 =	vmul.f32 v1, v1  }
0x13b: {  	v12 =	vld [tilespmem:s0+$0x10450];
	v4 =	vadd.f32 $0.0e+00, v0  }
0x13c: {  	v61 =	vld [tilespmem:s19+$0xFFFFFFFF];
	s3 =	spop (v2sf);
	v5 =	vmul.f32 v2, v2;
	v3 =	vadd.f32 v8, v3;
	v8 =	vadd.f32 v7, v6  }
0x13d: {  	v14 =	vld [tilespmem:s0+$0x10460];
	s3 =	sshll.u32 s3, $0x9;
	v4 =	vadd.f32 v1, v4  }
0x13e: {  	v16 =	vld [tilespmem:s0+$0x10470];
	s5 =	spop (v2sf);
	s17 =	sshra.s32 s3, $0x2;
	v3 =	vadd.f32 v5, v3;
	v6 =	vmul.f32 v8, v8;
	v5 =	vadd.f32 v10, v9  }
0x13f: {  	s11 =	spop (v2sf);
	s18 =	sshll.u32 s5, $0x9;
	v18 =	vld [tilespmem:s17+$0x10400];
	v4 =	vadd.f32 v2, v4  }
0x140: {  	s11 =	sshll.u32 s11, $0x9;
	s12 =	sshra.s32 s18, $0x2;
	v29 =	vld [tilespmem:s17+$0x10420];
	v6 =	vadd.f32 v6, v3;
	v26 =	vmul.f32 v5, v5;
	v3 =	vadd.f32 v12, v11  }
0x141: {  	s13 =	sshra.s32 s11, $0x2;
	v19 =	vld [tilespmem:s12+$0x10400];
	v11 =	vadd.f32 v8, v4  }
0x142: {  	v17 =	vld [tilespmem:s13+$0x10400];
	v4 =	vadd.f32 v14, v13;
	v6 =	vadd.f32 v26, v6;
	v12 =	vmul.f32 v3, v3  }
0x143: {  	v23 =	vld [tilespmem:s13+$0x10410];
	v11 =	vadd.f32 v5, v11  }
0x144: {  	v34 =	vadd.f32 v16, v15;
	v7 =	vld [tilespmem:s12+$0x10410];
	v6 =	vadd.f32 v12, v6;
	v12 =	vmul.f32 v4, v4  }
0x145: {  	v10 =	vld [tilespmem:s10+$0x10];
	v11 =	vadd.f32 v3, v11  }
0x146: {  	v27 =	vld [tilespmem:s13+$0x10420];
	v6 =	vadd.f32 v12, v6;
	v12 =	vmul.f32 v34, v34  }
0x147: {  	v52 =	vadd.f32 v19, v22;
	v14 =	vld [tilespmem:s10+$0xFFFFFF20];
	v11 =	vadd.f32 v4, v11  }
0x148: {  	v16 =	vld [tilespmem:s10+$0xFFFFFFA0];
	v15 =	vadd.f32 v17, v20;
	v6 =	vadd.f32 v12, v6  }
0x149: {  	v32 =	vld [tilespmem:s17+$0x10430];
	v28 =	vadd.f32 $0.0e+00, v52;
	v11 =	vadd.f32 v34, v11  }
0x14a: {  	v24 =	vld [tilespmem:s17+$0x10410];
	v26 =	vadd.f32 v23, v25;
	v57 =	vadd.f32 v7, v10;
	(xrf2) =	vadd.scan.msk.f32 $0xffff, v6  }
0x14b: {  	v9 =	vld [tilespmem:s10+$0xFFFFFF90];
	v17 =	vadd.f32 $0.0e+00, v15;
	v19 =	vmul.f32 v15, v15;
	(xrf2) =	vadd.scan.msk.f32 $0xffff, v11  }
0x14c: {  	v31 =	vld [tilespmem:s13+$0x10430];
	v39 =	vmul.f32 v26, v26;
	v50 =	vadd.f32 v57, v28;
	v28 =	vadd.f32 v27, v14  }
0x14d: {  	v51 =	vld [tilespmem:s13+$0x10460];
	v10 =	vadd.f32 v26, v17;
	v27 =	vadd.f32 v29, v16  }
0x14e: {  	v49 =	vld [tilespmem:s19+$0xFFFFFFFE];
	v29 =	vadd.f32 v32, v36;
	v19 =	vadd.f32 v39, v19;
	v16 =	vmul.f32 v28, v28  }
0x14f: {  	v13 =	vld [tilespmem:s12+$0x10420];
	v42 =	vmul.f32 v57, v57;
	v10 =	vadd.f32 v28, v10;
	v11 =	vadd.f32 v18, v21  }
0x150: {  	v33 =	vld [tilespmem:s12+$0x10430];
	v12 =	vadd.f32 v24, v9;
	v9 =	vmul.f32 v52, v52;
	v19 =	vadd.f32 v16, v19  }
0x151: {  	v44 =	vld [tilespmem:s17+$0x10450];
	v16 =	vadd.f32 v31, v35;
	v22 =	vadd.f32 $0.0e+00, v11  }
0x152: {  	v46 =	vld [tilespmem:s17+$0x10460];
	v31 =	vadd.f32 v51, v54;
	v42 =	vadd.f32 v42, v9  }
0x153: {  	v38 =	vld [tilespmem:s13+$0x10440];
	v25 =	vmul.f32 v11, v11;
	v17 =	vadd.f32 v12, v22;
	v22 =	vmul.f32 v12, v12  }
0x154: {  	v9 =	vadd.f32 v13, v30;
	v18 =	vld [tilespmem:s10+$0xFFFFFF40];
	v55 =	vadd.f32 v16, v10;
	v43, _, _ =	vpop (xrf2)  }
0x155: {  	v40 =	vld [tilespmem:s13+$0x10450];
	v58 =	vmul.f32 v16, v16;
	v10 =	vadd.f32 v33, v37;
	v22 =	vadd.f32 v22, v25;
	v14, _, _ =	vpop (xrf2)  }
0x156: {  	v20 =	vld [tilespmem:s17+$0x10440];
	v13 =	vadd.f32 v27, v17;
	v17 =	vmul.f32 v27, v27;
	(v2sf) =	vpush v14, $0xF  }
0x157: {  	v39 =	vadd.f32 v9, v50;
	v14 =	vld [tilespmem:s10+$0xFFFFFF50];
	(v2sf) =	vpush v43, $0xF  }
0x158: {  	v23 =	vld [tilespmem:s10+$0xFFFFFFC0];
	v53 =	vmul.f32 v9, v9;
	v19 =	vadd.f32 v58, v19;
	v22 =	vadd.f32 v17, v22  }
0x159: {  	v50 =	vld [tilespmem:s10+$0xFFFFFFE0];
	v17 =	vadd.f32 v38, v18;
	(v2sf) =	vpush v41, $0x0  }
0x15a: {  	v48 =	vmul.f32 v29, v29;
	v32 =	vadd.f32 v53, v42;
	v39 =	vadd.f32 v10, v39;
	v43 =	vld [tilespmem:s10+$0xFFFFFFD0]  }
0x15b: {  	v56 =	vld [tilespmem:s13+$0x10470];
	v53 =	vmul.f32 v10, v10;
	v13 =	vadd.f32 v29, v13;
	v36 =	vadd.f32 v17, v55  }
0x15c: {  	v24 =	vld [tilespmem:s10+$0x40];
	v22 =	vadd.f32 v48, v22;
	v18 =	vadd.f32 v40, v14  }
0x15d: {  	v21 =	vld [tilespmem:s12+$0x10440];
	v55 =	vadd.f32 v53, v32;
	v14 =	vadd.f32 v20, v23  }
0x15e: {  	v35 =	vld [tilespmem:s12+$0x10460];
	v32 =	vadd.f32 v46, v50;
	v23 =	vadd.f32 v18, v36  }
0x15f: {  	v54 =	vld [tilespmem:s10+$0xFFFFFFF0];
	v30 =	vadd.f32 v44, v43;
	v51 =	vadd.f32 v14, v13;
	v58 =	vmul.f32 v14, v14  }
0x160: {  	v20 =	vld [tilespmem:s19+$0x0];
	v36 =	vadd.f32 v56, v60;
	v13 =	vadd.f32 v31, v23  }
0x161: {  	(v2sf) =	vpush v61, $0x0;
	v56 =	vmul.f32 v17, v17;
	v23 =	vld [tilespmem:s17+$0x10470];
	v22 =	vadd.f32 v58, v22  }
0x162: {  	s26 =	simm.s32 $0x700;
	v25 =	vld [tilespmem:s12+$0x10450];
	v50 =	vmul.f32 v30, v30;
	v38 =	vadd.f32 v36, v13;
	v13 =	vadd.f32 v21, v24  }
0x163: {  	v43 =	vld [tilespmem:s26+$0x80];
	v19 =	vadd.f32 v56, v19;
	v24 =	vadd.f32 v30, v51  }
0x164: {  	v44 =	vld [tilespmem:s26+$0xA0];
	v22 =	vadd.f32 v50, v22;
	v60 =	vadd.f32 v13, v39  }
0x165: {  	v48 =	vmul.f32 v18, v18;
	v21 =	vld [tilespmem:s10+$0x70];
	v24 =	vadd.f32 v32, v24;
	s23 =	spop (v2sf);
	(v2sf) =	vpush v20, $0x0  }
0x166: {  	v50 =	vld [tilespmem:s26+$0xD0];
	(xrf2) =	vadd.scan.msk.f32 $0xffff, v38;
	v39 =	vadd.f32 v23, v54;
	s11 =	spop (v2sf);
	(v2sf) =	vpush v49, $0x0  }
0x167: {  	v19 =	vadd.f32 v48, v19;
	v54 =	vmul.f32 v31, v31;
	v20 =	vld [tilespmem:s12+$0x10470]  }
0x168: {  	v33 =	vadd.f32 v25, v45;
	v38 =	vld [tilespmem:s26+$0x90];
	v24 =	vadd.f32 v39, v24;
	s24 =	spop (v2sf)  }
0x169: {  	v61 =	vmul.f32 v13, v13;
	v19 =	vadd.f32 v54, v19;
	v54 =	vld [tilespmem:s26+$0xE0];
	s3 =	sshll.u32 s24, $0x9  }
0x16a: {  	v35 =	vadd.f32 v35, v47;
	v51 =	vadd.f32 v33, v60;
	(xrf2) =	vadd.scan.msk.f32 $0xffff, v24;
	v24 =	vld [tilespmem:s26+$0xB0];
	s3 =	sshra.s32 s3, $0x2  }
0x16b: {  	v49 =	vadd.f32 v61, v55;
	v23 =	vld [tilespmem:s3+$0x10410]  }
0x16c: {  	v47 =	vadd.f32 v35, v51;
	v25 =	vld [tilespmem:s3+$0x10400];
	v37 =	vadd.f32 v20, v21  }
0x16d: {  	v53 =	vmul.f32 v33, v33;
	s14 =	smul.f32 $7.812500000e-03, s23;
	v45 =	vld [tilespmem:s3+$0x10420]  }
0x16e: {  	v56 =	vld [tilespmem:s3+$0x10430];
	v47 =	vadd.f32 v37, v47  }
0x16f: {  	v40 =	vadd.f32 v53, v49;
	v53 =	vmov s14;
	v20 =	vld [tilespmem:s26+$0xC0]  }
0x170: {  	v55 =	vmul.f32 v32, v32;
	v41 =	vld [tilespmem:s3+$0x10440];
	v49, _, _ =	vpop (xrf2);
	(xrf2) =	vadd.scan.msk.f32 $0xffff, v47;
	v47 =	vsub.f32 v0, v53;
	v0 =	vsub.f32 v1, v53  }
0x171: {  	v58 =	vmul.f32 v36, v36;
	v61 =	vld [tilespmem:s3+$0x10450];
	(v2sf) =	vpush v49, $0xF;
	v1 =	vsub.f32 v2, v53  }
0x172: {  	v22 =	vadd.f32 v55, v22;
	v55 =	vld [tilespmem:s3+$0x10460];
	[tilespmem:$0x1FAE0] =	vst v0  }
0x173: {  	s30 =	spop (v2sf);
	v19 =	vadd.f32 v58, v19;
	v0 =	vld [tilespmem:s26+$0xF0];
	[tilespmem:$0x1FAF0] =	vst v1;
	v1 =	vsub.f32 v8, v53  }
0x174: {  	v5 =	vsub.f32 v5, v53;
	v21 =	vmul.f32 v35, v35;
	v6 =	vadd.f32 v25, v43;
	s31 =	spop (v2sf)  }
0x175: {  	v48 =	vmul.f32 v39, v39;
	v3 =	vsub.f32 v3, v53;
	v7 =	vadd.f32 v23, v38;
	[tilespmem:$0x1FB00] =	vst v1;
	s12 =	spop (v2sf)  }
0x176: {  	v21 =	vadd.f32 v21, v40;
	v60 =	vmul.f32 v37, v37;
	(xrf2) =	vadd.scan.msk.f32 $0xffff, v19;
	v1 =	vld [tilespmem:s3+$0x10470];
	[tilespmem:$0x1FCD0] =	vst v6;
	s10 =	sshll.u32 s12, $0x9  }
0x177: {  	s0 =	sshll.u32 s30, $0x9;
	v4 =	vsub.f32 v4, v53;
	v22 =	vadd.f32 v48, v22;
	[tilespmem:$0x1FCE0] =	vst v7;
	s13 =	sshra.s32 s10, $0x2  }
0x178: {  	s19 =	sshra.s32 s0, $0x2;
	v21 =	vadd.f32 v60, v21;
	v25 =	vadd.f32 v45, v44;
	v2, _, _ =	vpop (xrf2);
	s23 =	sshll.u32 s31, $0x9;
	v19 =	vld [tilespmem:s13+$0x10400];
	[tilespmem:$0x1FB10] =	vst v5  }
0x179: {  	(xrf2) =	vadd.scan.msk.f32 $0xffff, v22;
	v8 =	vmul.f32 v7, v7;
	(v2sf) =	vpush v2, $0xF;
	s24 =	sshra.s32 s23, $0x2;
	v5 =	vmul.f32 v6, v6;
	v2 =	vld [tilespmem:s19+$0x10400]  }
0x17a: {  	v22 =	vadd.f32 $0.0e+00, v6;
	(xrf2) =	vadd.scan.msk.f32 $0xffff, v21;
	v6 =	vadd.f32 v56, v24;
	v21 =	vld [tilespmem:s24+$0x10400];
	[tilespmem:$0x1FB20] =	vst v3  }
0x17b: {  	v23 =	vld [tilespmem:s26+$0xFFFFFF00];
	v5 =	vadd.f32 v8, v5;
	[tilespmem:$0x1FCF0] =	vst v25;
	v8 =	vmul.f32 v25, v25  }
0x17c: {  	v22 =	vadd.f32 v7, v22;
	v3 =	vmov v25;
	v24 =	vld [tilespmem:s26+$0xFFFFFF80];
	[tilespmem:$0x1FB30] =	vst v4;
	v4 =	vmov v6  }
0x17d: {  	v25 =	vld [tilespmem:s26+$0x0];
	v5 =	vadd.f32 v8, v5;
	[tilespmem:$0x1FD00] =	vst v6;
	v8 =	vmul.f32 v6, v6;
	v6 =	vadd.f32 v41, v20  }
0x17e: {  	v40 =	vsub.f32 v34, v53;
	v22 =	vadd.f32 v3, v22;
	v20 =	vld [tilespmem:s13+$0x10410]  }
0x17f: {  	v56, _, _ =	vpop (xrf2);
	v41 =	vld [tilespmem:s19+$0x10410];
	v8 =	vadd.f32 v8, v5;
	[tilespmem:$0x1FD10] =	vst v6;
	v5 =	vadd.f32 v61, v50  }
0x180: {  	(v2sf) =	vpush v56, $0xF;
	v58, _, _ =	vpop (xrf2);
	v22 =	vadd.f32 v4, v22;
	s30 =	spop (v2sf);
	v43 =	vld [tilespmem:s24+$0x10410]  }
0x181: {  	v45 =	vadd.f32 v55, v54;
	(v2sf) =	vpush v58, $0xF;
	v60 =	vmul.f32 v6, v6;
	s17 =	smul.f32 $7.812500000e-03, s30;
	v61 =	vld [tilespmem:s26+$0xFFFFFF10];
	[tilespmem:$0x1FD20] =	vst v5  }
0x182: {  	v3 =	vadd.f32 v1, v0;
	v22 =	vadd.f32 v6, v22;
	v46 =	vld [tilespmem:s26+$0xFFFFFF90]  }
0x183: {  	v8 =	vadd.f32 v60, v8;
	v53 =	vmul.f32 v5, v5;
	v1 =	vmov s17;
	v44 =	vld [tilespmem:s26+$0x10]  }
0x184: {  	v51, _, _ =	vpop (xrf2);
	v22 =	vadd.f32 v5, v22;
	v0 =	vld [tilespmem:s13+$0x10420];
	v4 =	vsub.f32 v15, v1  }
0x185: {  	v48 =	vmul.f32 v45, v45;
	(v2sf) =	vpush v51, $0xF;
	v54, _, _ =	vpop (xrf2);
	v49 =	vld [tilespmem:s19+$0x10420];
	[tilespmem:$0x1FCB0] =	vst v3;
	v42 =	vadd.f32 v53, v8  }
0x186: {  	(v2sf) =	vpush v54, $0xF;
	v22 =	vadd.f32 v45, v22;
	[tilespmem:$0x1FB40] =	vst v4  }
0x187: {  	v54 =	vsub.f32 v16, v1;
	v15 =	vadd.f32 v48, v42;
	v42 =	vld [tilespmem:s24+$0x10420]  }
0x188: {  	v55 =	vmul.f32 v3, v3;
	s31 =	spop (v2sf);
	v48 =	vld [tilespmem:s26+$0xFFFFFF20];
	v16 =	vadd.f32 v3, v22;
	v3 =	vsub.f32 v17, v1  }
0x189: {  	v58 =	vsub.f32 v26, v1;
	v50 =	vsub.f32 v28, v1;
	v28 =	vld [tilespmem:s26+$0xFFFFFFA0];
	s18 =	smul.f32 $7.812500000e-03, s31  }
0x18a: {  	v22 =	vld [tilespmem:s26+$0x20];
	v15 =	vadd.f32 v55, v15;
	[tilespmem:$0x1FBA0] =	vst v3;
	v3 =	vsub.f32 v31, v1  }
0x18b: {  	v53 =	vsub.f32 v18, v1;
	v17 =	vmov s18;
	v1 =	vsub.f32 v36, v1  }
0x18c: {  	(xrf2) =	vadd.scan.msk.f32 $0xffff, v15;
	v15 =	vld [tilespmem:s13+$0x10430];
	[tilespmem:$0x1FBC0] =	vst v3;
	v3 =	vsub.f32 v11, v17  }
0x18d: {  	[tilespmem:$0x1FBE0] =	vst v1  }
0x18e: {  	v1 =	vld [tilespmem:s19+$0x10430];
	[tilespmem:$0x1FBF0] =	vst v3;
	v3 =	vsub.f32 v12, v17;
	_ =	sdelay $0x1  }
0x18f: {  	[tilespmem:$0x1FC00] =	vst v3;
	v3 =	vsub.f32 v27, v17;
	_ =	sdelay $0x1  }
0x190: {  	(xrf2) =	vadd.scan.msk.f32 $0xffff, v16;
	v16 =	vld [tilespmem:s24+$0x10430];
	[tilespmem:$0x1FC20] =	vst v3;
	v3 =	vsub.f32 v29, v17;
	_ =	sdelay $0x1  }
0x191: {  	v18 =	vld [tilespmem:s26+$0xFFFFFF30];
	[tilespmem:$0x1FC30] =	vst v3;
	v3 =	vsub.f32 v14, v17  }
0x192: {  	v34 =	vadd.f32 v19, v23  }
0x193: {  	v38 =	vadd.f32 v20, v61;
	v11 =	vadd.f32 v2, v24;
	v2 =	vld [tilespmem:s26+$0xFFFFFFB0];
	[tilespmem:$0x1FC40] =	vst v3  }
0x194: {  	v61 =	vadd.f32 v21, v25;
	v60 =	vadd.f32 v43, v44;
	v20 =	vld [tilespmem:s26+$0x30]  }
0x195: {  	v19 =	vmul.f32 v34, v34;
	v8 =	vadd.f32 v41, v46;
	v55 =	vsub.f32 v30, v17;
	v23 =	vld [tilespmem:s13+$0x10440]  }
0x196: {  	v51 =	vsub.f32 v39, v17;
	v24 =	vmul.f32 v38, v38;
	v56 =	vmul.f32 v60, v60;
	v25 =	vld [tilespmem:s19+$0x10440]  }
0x197: {  	v21 =	vmul.f32 v11, v11;
	v14 =	vsub.f32 v32, v17;
	v17 =	vmul.f32 v8, v8;
	v44 =	vld [tilespmem:s24+$0x10440]  }
0x198: {  	v46 =	vld [tilespmem:s26+$0xFFFFFF40]  }
0x199: {  	v19 =	vadd.f32 v24, v19;
	v24 =	vmul.f32 v61, v61;
	v17 =	vadd.f32 v17, v21;
	v21 =	vld [tilespmem:s26+$0xFFFFFFC0]  }
0x19a: {  	s5 =	smul.f32 s14, s14;
	v41 =	vadd.f32 v0, v48;
	v7 =	vadd.f32 v42, v22;
	v0, _, _ =	vpop (xrf2);
	v48 =	vld [tilespmem:s26+$0x40]  }
0x19b: {  	s3 =	smul.f32 $7.812500000e-03, s11;
	v24 =	vadd.f32 v56, v24;
	v32 =	vadd.f32 v49, v28;
	v56, _, _ =	vpop (xrf2);
	v31 =	vld [tilespmem:s13+$0x10450]  }
0x19c: {  	s11 =	spop (v2sf);
	v22 =	vmul.f32 v41, v41;
	(v2sf) =	vpush v56, $0xF;
	v43 =	vadd.f32 v15, v18;
	v15 =	vld [tilespmem:s19+$0x10450]  }
0x19d: {  	s0 =	ssub.f32 s3, s5;
	s3 =	smul.f32 $7.812500000e-03, s11;
	v56 =	vld [tilespmem:s26+$0x50];
	(v2sf) =	vpush v0, $0xF;
	v0 =	vmul.f32 v7, v7  }
0x19e: {  	v36 =	vadd.f32 v1, v2;
	v1 =	vmul.f32 v32, v32;
	v2 =	vadd.f32 v22, v19;
	v19 =	vld [tilespmem:s24+$0x10450]  }
0x19f: {  	v22 =	vld [tilespmem:s26+$0xFFFFFF50];
	v24 =	vadd.f32 v0, v24;
	v39 =	vadd.f32 v25, v21;
	v21 =	vmov s3  }
0x1a0: {  	v6 =	vadd.f32 v16, v20;
	v16 =	vld [tilespmem:s26+$0xFFFFFFD0];
	v0 =	vsub.f32 v10, v21  }
0x1a1: {  	v1 =	vadd.f32 v1, v17;
	v17 =	vmul.f32 v43, v43;
	v46 =	vadd.f32 v23, v46;
	v23 =	vld [tilespmem:s13+$0x10460]  }
0x1a2: {  	v25 =	vld [tilespmem:s19+$0x10460];
	[tilespmem:$0x1FC50] =	vst v0;
	v0 =	vsub.f32 v13, v21  }
0x1a3: {  	v20 =	vadd.f32 v17, v2  }
0x1a4: {  	v2 =	vsub.f32 v9, v21;
	v9 =	vld [tilespmem:s24+$0x10460];
	[tilespmem:$0x1FC60] =	vst v0;
	v0 =	vsub.f32 v33, v21;
	_ =	sdelay $0x1  }
0x1a5: {  	s0 =	sadd.f32 $9.999999960e-13, s0;
	[tilespmem:$0x1FC70] =	vst v0;
	v0 =	vsub.f32 v35, v21;
	_ =	sdelay $0x1  }
0x1a6: {  	s14 =	sshrl.u32 s0, $0x1;
	s0 =	smul.f32 $5.000000000e-01, s0;
	v10 =	vld [tilespmem:s26+$0xFFFFFF60];
	[tilespmem:$0x1FC80] =	vst v0;
	v0 =	vsub.f32 v37, v21  }
0x1a7: {  	s5 =	ssub.s32 $0x5F3759DF, s14;
	v18 =	vmul.f32 v36, v36  }
0x1a8: {  	s0 =	smul.f32 s5, s0;
	v3 =	vld [tilespmem:$0x1FAE0];
	[tilespmem:$0x1FC90] =	vst v0  }
0x1a9: {  	v28 =	vadd.f32 v18, v1;
	v1 =	vld [tilespmem:s26+$0x60]  }
0x1aa: {  	s0 =	smul.f32 s5, s0;
	v33 =	vadd.f32 v44, v48;
	v48 =	vadd.f32 v31, v22;
	v22 =	vld [tilespmem:s13+$0x10470]  }
0x1ab: {  	v29 =	vmul.f32 v46, v46;
	v49 =	vadd.f32 v23, v10;
	v23 =	vld [tilespmem:s26+$0xFFFFFF70]  }
0x1ac: {  	s0 =	ssub.f32 $1.500000000e+00, s0;
	v13 =	vmul.f32 v6, v6  }
0x1ad: {  	v20 =	vadd.f32 v29, v20  }
0x1ae: {  	s0 =	smul.f32 s5, s0;
	v13 =	vadd.f32 v13, v24;
	v42 =	vadd.f32 v15, v16;
	v30 =	vld [tilespmem:s26+$0xFFFFFFE0]  }
0x1af: {  	v35 =	vadd.f32 v19, v56;
	v16 =	vmul.f32 v33, v33;
	v19 =	vmul.f32 v48, v48;
	v15 =	vld [tilespmem:s19+$0x10470]  }
0x1b0: {  	v37 =	vadd.f32 v9, v1;
	v9 =	vadd.f32 v22, v23;
	v22 =	vmul.f32 s0, v3;
	v3 =	vld [tilespmem:$0x1FB00]  }
0x1b1: {  	v24 =	vmul.f32 v39, v39;
	v13 =	vadd.f32 v16, v13;
	v16 =	vadd.f32 v19, v20;
	v20 =	vld [tilespmem:s26+$0xFFFFFFF0]  }
0x1b2: {  	v19 =	vmul.f32 v35, v35  }
0x1b3: {  	v24 =	vadd.f32 v24, v28;
	v10 =	vmul.f32 v42, v42  }
0x1b4: {  	v13 =	vadd.f32 v19, v13;
	v44 =	vadd.f32 v25, v30  }
0x1b5: {  	v19 =	vmul.f32 s0, v47;
	v10 =	vadd.f32 v10, v24;
	v23 =	vmul.f32 s0, v3;
	v3 =	vld [tilespmem:$0x1FB20]  }
0x1b6: {  	v47 =	vadd.f32 v15, v20;
	v25 =	vmul.f32 v44, v44;
	v15 =	vmul.f32 v37, v37  }
0x1b7: {  	v31 =	vld [tilespmem:s24+$0x10470]  }
0x1b8: {  	v0 =	vld [tilespmem:s26+$0x70];
	v10 =	vadd.f32 v25, v10;
	v13 =	vadd.f32 v15, v13;
	v15 =	vmul.f32 v47, v47;
	_ =	sdelay $0x1  }
0x1b9: {  	v56 =	vadd.f32 v15, v10;
	v10 =	vmul.f32 s0, v3;
	v3 =	vld [tilespmem:$0x1FB30]  }
0x1ba: {  	v24 =	vmul.f32 v49, v49  }
0x1bb: {  	v27 =	vld [tilespmem:$0x1FF60]  }
0x1bc: {  	v1 =	vadd.f32 v24, v16;
	v16 =	vmul.f32 s0, v40;
	v40 =	vadd.f32 v31, v0;
	v0 =	vld [tilespmem:$0x1FAF0]  }
0x1bd: {  	v28 =	vld [tilespmem:$0x1FEC0]  }
0x1be: {  	v25 =	vmul.f32 s0, v3;
	v3 =	vld [tilespmem:$0x1FEE0]  }
0x1bf: {  	v26 =	vld [tilespmem:$0x1FE80];
	_ =	sdelay $0x1  }
0x1c0: {  	v24 =	vmul.f32 v40, v40;
	v0 =	vmul.f32 s0, v0  }
0x1c1: {  	v5 =	vld [tilespmem:$0x1FEF0];
	v20 =	vmul.f32 v16, v27  }
0x1c2: {  	v4 =	vld [tilespmem:$0x1FED0];
	v15 =	vadd.f32 v24, v13;
	v13 =	vmul.f32 v19, v28;
	v0 =	vmul.f32 v0, v3  }
0x1c3: {  	v12 =	vsub.f32 v57, v21;
	v16 =	vmul.f32 v9, v9;
	v57 =	vadd.f32 v20, v26  }
0x1c4: {  	v20 =	vadd.f32 v13, v59;
	v59 =	vadd.f32 v0, v63;
	v0 =	vld [tilespmem:$0x1FF20]  }
0x1c5: {  	v16 =	vadd.f32 v16, v1;
	v1 =	vld [tilespmem:$0x1FB10];
	_ =	sdelay $0x1  }
0x1c6: {  	v31 =	vld [tilespmem:$0x1FF00];
	v19 =	vmul.f32 v22, v4;
	v22 =	vmul.f32 v23, v5;
	_ =	sdelay $0x1  }
0x1c7: {  	v24 =	vadd.f32 v19, v62;
	v62 =	vadd.f32 v22, v0;
	v0 =	vld [tilespmem:$0x1FF40]  }
0x1c8: {  	v1 =	vmul.f32 s0, v1;
	_ =	sdelay $0x1  }
0x1c9: {  	v29 =	vld [tilespmem:$0x1FF10];
	v1 =	vmul.f32 v1, v31;
	_ =	sdelay $0x1  }
0x1ca: {  	v63 =	vadd.f32 v1, v0;
	v0 =	vld [tilespmem:$0x1FF50];
	_ =	sdelay $0x1  }
0x1cb: {  	s17 =	smul.f32 s17, s17;
	s23 =	spop (v2sf)  }
0x1cc: {  	s11 =	smul.f32 $7.812500000e-03, s23;
	v10 =	vmul.f32 v10, v29;
	_ =	sdelay $0x1  }
0x1cd: {  	s5 =	ssub.f32 s11, s17;
	v30 =	vld [tilespmem:$0x1FF30];
	v0 =	vadd.f32 v10, v0;
	_ =	sdelay $0x1  }
0x1ce: {  	s5 =	sadd.f32 $9.999999960e-13, s5;
	[tilespmem:$0x1FCA0] =	vst v0;
	v0 =	vld [tilespmem:$0x1FF70];
	_ =	sdelay $0x1  }
0x1cf: {  	s14 =	sshrl.u32 s5, $0x1;
	s5 =	smul.f32 $5.000000000e-01, s5  }
0x1d0: {  	s12 =	ssub.s32 $0x5F3759DF, s14;
	v13 =	vmul.f32 v25, v30  }
0x1d1: {  	s5 =	smul.f32 s12, s5  }
0x1d2: {  	v0 =	vadd.f32 v13, v0  }
0x1d3: {  	s5 =	smul.f32 s12, s5  }
0x1d4: {  	[tilespmem:$0x1FCC0] =	vst v0;
	v0 =	vld [tilespmem:$0x1FB40]  }
0x1d5: {  	s5 =	ssub.f32 $1.500000000e+00, s5;
	_ =	sdelay $0x1  }
0x1d6: {  	s5 =	smul.f32 s12, s5;
	_ =	sdelay $0x1  }
0x1d7: {  	v10 =	vmul.f32 s5, v0;
	v0 =	vld [tilespmem:$0x1FBA0];
	_ =	sdelay $0x2  }
0x1d8: {  	s19 =	smul.f32 s18, s18;
	s24 =	spop (v2sf)  }
0x1d9: {  	s30 =	smul.f32 $7.812500000e-03, s24  }
0x1da: {  	v23 =	vmul.f32 s5, v0;
	v0 =	vld [tilespmem:$0x1FBC0]  }
0x1db: {  	s10 =	ssub.f32 s30, s19;
	_ =	sdelay $0x1  }
0x1dc: {  	s10 =	sadd.f32 $9.999999960e-13, s10;
	v19 =	vadd.f32 $0.0e+00, v11;
	_ =	sdelay $0x1  }
0x1dd: {  	[tilespmem:$0x1FB80] =	vst v8;
	s17 =	sshrl.u32 s10, $0x1;
	s10 =	smul.f32 $5.000000000e-01, s10;
	v19 =	vadd.f32 v8, v19;
	v8 =	vmul.f32 s5, v0;
	v0 =	vld [tilespmem:$0x1FBE0]  }
0x1de: {  	s0 =	ssub.s32 $0x5F3759DF, s17  }
0x1df: {  	s10 =	smul.f32 s0, s10;
	_ =	sdelay $0x1  }
0x1e0: {  	s10 =	smul.f32 s0, s10  }
0x1e1: {  	v22 =	vmul.f32 s5, v0;
	v0 =	vld [tilespmem:$0x1FBF0]  }
0x1e2: {  	s10 =	ssub.f32 $1.500000000e+00, s10;
	_ =	sdelay $0x1  }
0x1e3: {  	[tilespmem:$0x1FB70] =	vst v61;
	v61 =	vadd.f32 $0.0e+00, v61;
	s10 =	smul.f32 s0, s10  }
0x1e4: {  	v52 =	vsub.f32 v52, v21  }
0x1e5: {  	v21 =	vmul.f32 s5, v50;
	[tilespmem:$0x1FB90] =	vst v60;
	v50 =	vadd.f32 v60, v61;
	v60 =	vmul.f32 s10, v0;
	v0 =	vld [tilespmem:$0x1FC00];
	_ =	sdelay $0x4  }
0x1e6: {  	s3 =	smul.f32 s3, s3;
	s31 =	spop (v2sf);
	v25 =	vmul.f32 s10, v0;
	v0 =	vld [tilespmem:$0x1FC20]  }
0x1e7: {  	s13 =	smul.f32 $7.812500000e-03, s31;
	_ =	sdelay $0x1  }
0x1e8: {  	s3 =	ssub.f32 s13, s3;
	_ =	sdelay $0x1  }
0x1e9: {  	[tilespmem:$0x1FB50] =	vst v34;
	s3 =	sadd.f32 $9.999999960e-13, s3;
	v13 =	vadd.f32 $0.0e+00, v34;
	v34 =	vmul.f32 s10, v0;
	v0 =	vld [tilespmem:$0x1FC30];
	_ =	sdelay $0x1  }
0x1ea: {  	s18 =	smul.f32 $5.000000000e-01, s3;
	s3 =	sshrl.u32 s3, $0x1  }
0x1eb: {  	v50 =	vadd.f32 v7, v50;
	s3 =	ssub.s32 $0x5F3759DF, s3  }
0x1ec: {  	s11 =	smul.f32 s3, s18;
	v13 =	vadd.f32 v38, v13  }
0x1ed: {  	[tilespmem:$0x1FBB0] =	vst v32;
	v19 =	vadd.f32 v32, v19;
	v32 =	vadd.f32 v6, v50;
	v50 =	vmul.f32 s10, v0;
	v0 =	vld [tilespmem:$0x1FC40]  }
0x1ee: {  	s11 =	smul.f32 s3, s11;
	v13 =	vadd.f32 v41, v13;
	_ =	sdelay $0x1  }
0x1ef: {  	v18 =	vmul.f32 s5, v53;
	s11 =	ssub.f32 $1.500000000e+00, s11;
	v53 =	vadd.f32 v43, v13;
	_ =	sdelay $0x1  }
0x1f0: {  	[tilespmem:$0x1FC10] =	vst v6;
	s3 =	smul.f32 s3, s11;
	v6 =	vld [tilespmem:$0x1FC60];
	v13 =	vmul.f32 s10, v0;
	v0 =	vadd.f32 v46, v53  }
0x1f1: {  	v53 =	vmul.f32 s10, v55  }
0x1f2: {  	v55 =	vmul.f32 s10, v14;
	v14 =	vmul.f32 s3, v2;
	v2 =	vadd.f32 v48, v0;
	v0 =	vld [tilespmem:$0x1FC50]  }
0x1f3: {  	[tilespmem:$0x1FB60] =	vst v11;
	v19 =	vadd.f32 v36, v19  }
0x1f4: {  	[tilespmem:$0x1FBD0] =	vst v7;
	v1 =	vadd.f32 v33, v32  }
0x1f5: {  	v19 =	vadd.f32 v39, v19;
	v11 =	vmul.f32 s3, v6;
	v6 =	vld [tilespmem:$0x1FC70];
	[tilespmem:s25+$0xF0] =	vst v57  }
0x1f6: {  	v17 =	vmul.f32 s5, v54;
	v54 =	vmul.f32 s3, v12;
	v1 =	vadd.f32 v35, v1;
	v7 =	vld [tilespmem:$0x1FC80];
	[tilespmem:s25+$0x80] =	vst v20  }
0x1f7: {  	v12 =	vmul.f32 s3, v0;
	v0 =	vadd.f32 v42, v19;
	v19 =	vmul.f32 v10, v28;
	v10 =	vld [tilespmem:$0x1FC90];
	[tilespmem:s25+$0x90] =	vst v24  }
0x1f8: {  	s19 =	spop (v2sf);
	[tilespmem:s25+$0xA0] =	vst v59  }
0x1f9: {  	s23 =	spop (v2sf);
	s0 =	smul.f32 $7.812500000e-03, s19;
	v1 =	vadd.f32 v37, v1;
	[tilespmem:s25+$0xB0] =	vst v62  }
0x1fa: {  	s12 =	smul.f32 $7.812500000e-03, s23;
	[tilespmem:s25+$0xC0] =	vst v63  }
0x1fb: {  	s24 =	smul.f32 s0, s0;
	v24 =	vadd.f32 v40, v1;
	v1 =	vld [tilespmem:$0x1FCA0];
	_ =	sdelay $0x1  }
0x1fc: {  	v58 =	vmul.f32 s5, v58;
	s5 =	ssub.f32 s12, s24;
	_ =	sdelay $0x1  }
0x1fd: {  	s5 =	sadd.f32 $9.999999960e-13, s5  }
0x1fe: {  	v20 =	vmul.f32 v58, v4;
	v58 =	vmul.f32 v18, v29;
	[tilespmem:s25+$0xD0] =	vst v1  }
0x1ff: {  	s30 =	sshrl.u32 s5, $0x1;
	s5 =	smul.f32 $5.000000000e-01, s5;
	v18 =	vmul.f32 v8, v30;
	v8 =	vmul.f32 v25, v4;
	v4 =	vld [tilespmem:$0x1FCC0]  }
0x200: {  	v51 =	vmul.f32 s10, v51;
	s10 =	ssub.s32 $0x5F3759DF, s30  }
0x201: {  	s5 =	smul.f32 s10, s5;
	v2 =	vadd.f32 v49, v2  }
0x202: {  	v1 =	vld [tilespmem:$0x1FCB0]  }
0x203: {  	s31 =	smul.f32 s10, s5;
	v2 =	vadd.f32 v9, v2  }
0x204: {  	v52 =	vmul.f32 s3, v52;
	v6 =	vmul.f32 s3, v6;
	[tilespmem:s25+$0xE0] =	vst v4  }
0x205: {  	v7 =	vmul.f32 s3, v7;
	(xrf2) =	vadd.scan.msk.f32 $0xffff, v2;
	v10 =	vmul.f32 s3, v10;
	s3 =	ssub.f32 $1.500000000e+00, s31;
	v2 =	vld [tilespmem:$0x1FCF0]  }
0x206: {  	v57 =	vmul.f32 v23, v31;
	v23 =	vmov s0  }
0x207: {  	s13 =	smul.f32 s10, s3;
	v1 =	vsub.f32 v1, v23;
	_ =	sdelay $0x1  }
0x208: {  	v59 =	vmul.f32 v22, v27;
	v22 =	vmul.f32 s13, v1;
	v1 =	vld [tilespmem:$0x1FD10]  }
0x209: {  	v61 =	vsub.f32 v2, v23;
	v2 =	vld [tilespmem:$0x1FD00];
	_ =	sdelay $0x2  }
0x20a: {  	v4 =	vld [tilespmem:$0x1FCD0]  }
0x20b: {  	v17 =	vmul.f32 v17, v5;
	v21 =	vmul.f32 v21, v3;
	v5 =	vld [tilespmem:$0x1FCE0]  }
0x20c: {  	v63 =	vmul.f32 v34, v3;
	v3 =	vsub.f32 v2, v23;
	v2 =	vsub.f32 v1, v23;
	v1 =	vld [tilespmem:$0x1FD20]  }
0x20d: {  	v0 =	vadd.f32 v44, v0;
	_ =	sdelay $0x1  }
0x20e: {  	v0 =	vadd.f32 v47, v0;
	v4 =	vsub.f32 v4, v23  }
0x20f: {  	v60 =	vmul.f32 v60, v28  }
0x210: {  	s11 =	simm.s32 $0x4;
	s12 =	simm.s32 $0x10A;
	(xrf2) =	vadd.scan.msk.f32 $0xffff, v0;
	s10 =	simm.s32 $0x8500;
	v62 =	vsub.f32 v5, v23;
	v0 =	vmul.f32 s13, v4;
	v1 =	vsub.f32 v1, v23  }
.LBB2_10:
0x211: {  	v4 =	vld [tilespmem:s12+$0x1]  }
0x212: {  	[tilespmem:$0x1FAB0] =	vst v33;
	v33 =	vld [tilespmem:$0x1FF60]  }
0x213: {  	v27 =	vld [tilespmem:$0x1FE90]  }
0x214: {  	v34 =	vld [tilespmem:$0x1FEB0]  }
0x215: {  	[tilespmem:$0x1FAA0] =	vst v36;
	v36 =	vld [tilespmem:$0x1FF00]  }
0x216: {  	v5 =	vmul.f32 s13, v62;
	v62 =	vld [tilespmem:$0x1FEA0]  }
0x217: {  	v30 =	vld [tilespmem:$0x1FEC0];
	(xrf2) =	vadd.scan.msk.f32 $0xffff, v24  }
0x218: {  	v24 =	vld [tilespmem:s12+$0xFFFFFFFF]  }
0x219: {  	v23 =	vsub.f32 v45, v23;
	v45 =	vld [tilespmem:s12+$0x0];
	v25 =	vmul.f32 s13, v61;
	(xrf2) =	vadd.scan.msk.f32 $0xffff, v16  }
0x21a: {  	v2 =	vmul.f32 s13, v2;
	v61 =	vld [tilespmem:s12+$0xFFFFFFFE];
	v22 =	vmul.f32 v22, v33;
	(v2sf) =	vpush v4, $0x0  }
0x21b: {  	v28 =	vld [tilespmem:$0x1FEF0];
	v19 =	vadd.f32 v19, v27;
	v13 =	vmul.f32 v13, v36;
	v16 =	vadd.f32 v20, v62  }
0x21c: {  	[tilespmem:$0x1FAC0] =	vst v35;
	v21 =	vadd.f32 v21, v34;
	v11 =	vmul.f32 v11, v36;
	v2 =	vmul.f32 v2, v36;
	v36 =	vld [tilespmem:$0x1FF20]  }
0x21d: {  	(v2sf) =	vpush v24, $0x0;
	v24 =	vmul.f32 v52, v30;
	v8 =	vadd.f32 v8, v62;
	[tilespmem:s10+$0xFFFFFF10] =	vst v16;
	v16 =	vld [tilespmem:$0x1FEE0]  }
0x21e: {  	v29 =	vadd.f32 v22, v26;
	[tilespmem:s10+$0xFFFFFF00] =	vst v19;
	(v2sf) =	vpush v45, $0x0;
	v22, _, _ =	vpop (xrf2);
	(xrf2) =	vadd.scan.msk.f32 $0xffff, v56;
	v56 =	vld [tilespmem:$0x1FED0]  }
0x21f: {  	v23 =	vmul.f32 s13, v23;
	v19 =	vmul.f32 v51, v33;
	[tilespmem:s10+$0xFFFFFF20] =	vst v21;
	(v2sf) =	vpush v61, $0x0  }
0x220: {  	s25 =	sadd.s32 $0x200, s25;
	v35 =	vld [tilespmem:$0x1FF30];
	v12 =	vmul.f32 v12, v28;
	[tilespmem:s10+$0xFFFFFF90] =	vst v8;
	v8 =	vadd.f32 v24, v27;
	v31, _, _ =	vpop (xrf2);
	(v2sf) =	vpush v22, $0xF  }
0x221: {  	[tilespmem:s25+$0xF0] =	vst v29;
	v19 =	vadd.f32 v19, v26;
	(xrf2) =	vadd.scan.msk.f32 $0xffff, v15;
	(v2sf) =	vpush v31, $0xF;
	v15, _, _ =	vpop (xrf2);
	v31 =	vld [tilespmem:$0x1FF50]  }
0x222: {  	v12 =	vadd.f32 v12, v36;
	[tilespmem:s10+$0x0] =	vst v8;
	(v2sf) =	vpush v15, $0xF;
	v14 =	vmul.f32 v14, v16  }
0x223: {  	[tilespmem:s10+$0xFFFFFFF0] =	vst v19;
	v15 =	vadd.f32 v17, v36;
	v21, _, _ =	vpop (xrf2);
	v51 =	vmul.f32 v54, v56;
	v5 =	vmul.f32 v5, v56;
	v56 =	vld [tilespmem:$0x1FF40]  }
0x224: {  	v0 =	vmul.f32 v0, v30;
	[tilespmem:s10+$0x30] =	vst v12;
	(v2sf) =	vpush v21, $0xF;
	v21 =	vadd.f32 v60, v27  }
0x225: {  	v32 =	vld [tilespmem:$0x1FF10];
	v3 =	vmul.f32 s13, v3;
	[tilespmem:s10+$0xFFFFFF30] =	vst v15;
	v14 =	vadd.f32 v14, v34  }
0x226: {  	s26 =	sadd.s32 $0x200, s26;
	v24 =	vadd.f32 v0, v27;
	v0 =	vld [tilespmem:$0x1FB50];
	v17 =	vmul.f32 v23, v35;
	[tilespmem:s10+$0xFFFFFF80] =	vst v21;
	v23 =	vadd.f32 v58, v31  }
0x227: {  	v4 =	vmul.f32 v55, v35;
	v3 =	vmul.f32 v3, v28;
	v55 =	vld [tilespmem:s26+$0xD0];
	v21 =	vadd.f32 v51, v62;
	[tilespmem:s10+$0x20] =	vst v14  }
0x228: {  	v16 =	vmul.f32 v25, v16;
	[tilespmem:s10+$0xFFFFFF50] =	vst v23;
	v23 =	vadd.f32 v63, v34;
	v25 =	vadd.f32 v57, v56;
	v57 =	vld [tilespmem:$0x1FF70]  }
0x229: {  	v60 =	vadd.f32 v3, v36;
	v3 =	vld [tilespmem:s26+$0xB0];
	[tilespmem:s10+$0x10] =	vst v21;
	s0 =	spop (v2sf)  }
0x22a: {  	v6 =	vmul.f32 v6, v32;
	v58 =	vld [tilespmem:s26+$0xA0];
	v22, _, _ =	vpop (xrf2);
	v13 =	vadd.f32 v13, v56;
	[tilespmem:s10+$0xFFFFFFA0] =	vst v23;
	s0 =	sshll.u32 s0, $0x9  }
0x22b: {  	(v2sf) =	vpush v22, $0xF;
	v22 =	vld [tilespmem:s26+$0x80];
	v23 =	vadd.f32 v11, v56;
	[tilespmem:s10+$0xFFFFFF40] =	vst v25;
	s18 =	sshra.s32 s0, $0x2  }
0x22c: {  	[tilespmem:s10+$0xFFFFFFC0] =	vst v13;
	v13 =	vadd.f32 v6, v31;
	v11 =	vld [tilespmem:s18+$0x10410]  }
0x22d: {  	v20 =	vmul.f32 v50, v28;
	[tilespmem:s10+$0x40] =	vst v23;
	v6 =	vld [tilespmem:s18+$0x10400];
	v15 =	vadd.f32 v18, v57  }
0x22e: {  	v8 =	vld [tilespmem:s18+$0x10430];
	[tilespmem:s10+$0x50] =	vst v13;
	v18 =	vadd.f32 v59, v26  }
0x22f: {  	v50 =	vmul.f32 v53, v32;
	s3 =	spop (v2sf);
	v23 =	vld [tilespmem:s18+$0x10450];
	v4 =	vadd.f32 v4, v57;
	[tilespmem:s10+$0xFFFFFF60] =	vst v15  }
0x230: {  	v10 =	vmul.f32 v10, v33;
	s19 =	spop (v2sf);
	v63 =	vadd.f32 v17, v57;
	v17 =	vld [tilespmem:s26+$0xC0];
	v15 =	vadd.f32 v20, v36;
	[tilespmem:s10+$0xFFFFFF70] =	vst v18  }
0x231: {  	v1 =	vmul.f32 s13, v1;
	v7 =	vmul.f32 v7, v35;
	s23 =	spop (v2sf);
	v18 =	vadd.f32 v50, v31;
	v20, _, _ =	vpop (xrf2);
	[tilespmem:s10+$0xFFFFFFE0] =	vst v4;
	v4 =	vld [tilespmem:s18+$0x10420]  }
0x232: {  	v25 =	vadd.f32 v10, v26;
	s3 =	sshll.u32 s3, $0x9;
	s0 =	sshll.u32 s19, $0x9;
	s24 =	spop (v2sf);
	(v2sf) =	vpush v20, $0xF;
	v20 =	vld [tilespmem:s26+$0x90];
	[tilespmem:s10+$0xFFFFFFB0] =	vst v15  }
0x233: {  	v1 =	vmul.f32 v1, v32;
	s13 =	sshra.s32 s3, $0x2;
	v7 =	vadd.f32 v7, v57;
	s14 =	sshra.s32 s0, $0x2;
	s0 =	smul.f32 $7.812500000e-03, s24;
	[tilespmem:s10+$0xFFFFFFD0] =	vst v18;
	v3 =	vadd.f32 v8, v3;
	v8 =	vld [tilespmem:s26+$0xE0]  }
0x234: {  	[tilespmem:s10+$0x70] =	vst v25;
	v33 =	vld [tilespmem:s13+$0x10410]  }
0x235: {  	v5 =	vadd.f32 v5, v62;
	v62 =	vadd.f32 v1, v31;
	[tilespmem:s10+$0x60] =	vst v7;
	v19 =	vmov s0;
	v35 =	vld [tilespmem:s26+$0xFFFFFF90]  }
0x236: {  	v10 =	vsub.f32 v0, v19;
	v15 =	vsub.f32 v38, v19;
	v38 =	vld [tilespmem:s26+$0x10]  }
0x237: {  	v0 =	vadd.f32 v6, v22;
	v53 =	vld [tilespmem:s13+$0x10430];
	v1 =	vadd.f32 v11, v20  }
0x238: {  	v61 =	vadd.f32 v2, v56;
	s3 =	sshll.u32 s23, $0x9;
	s30 =	spop (v2sf);
	v20 =	vld [tilespmem:s18+$0x10440]  }
0x239: {  	s17 =	sshra.s32 s3, $0x2;
	s3 =	smul.f32 $7.812500000e-03, s30;
	s5 =	spop (v2sf);
	v28 =	vld [tilespmem:s13+$0x10460];
	v21 =	vmul.f32 v0, v0;
	v2 =	vadd.f32 v4, v58;
	v22 =	vmul.f32 v1, v1  }
0x23a: {  	v59 =	vadd.f32 v16, v34;
	s0 =	smul.f32 s0, s0;
	s19 =	spop (v2sf);
	v58 =	vld [tilespmem:s26+$0xFFFFFF80]  }
0x23b: {  	v18 =	vsub.f32 v41, v19;
	s19 =	smul.f32 $7.812500000e-03, s19;
	v13 =	vmul.f32 v2, v2;
	v4 =	vadd.f32 v22, v21;
	v22 =	vld [tilespmem:s18+$0x10460]  }
0x23c: {  	v14 =	vsub.f32 v46, v19;
	[tilespmem:$0x1FAD0] =	vst v0;
	v21 =	vadd.f32 $0.0e+00, v0;
	v0 =	vld [tilespmem:$0x1FBB0]  }
0x23d: {  	v16 =	vmov s3;
	s0 =	ssub.f32 s19, s0;
	v25 =	vadd.f32 v13, v4;
	v4 =	vadd.f32 v20, v17;
	v20 =	vld [tilespmem:s26+$0xF0]  }
0x23e: {  	s3 =	smul.f32 s3, s3;
	v12 =	vsub.f32 v48, v19;
	v56 =	vmul.f32 v3, v3;
	[tilespmem:s25+$0x80] =	vst v24;
	v13 =	vsub.f32 v9, v19;
	v9 =	vld [tilespmem:s17+$0x10400]  }
0x23f: {  	v7 =	vsub.f32 v49, v19;
	s0 =	sadd.f32 $9.999999960e-13, s0;
	s23 =	spop (v2sf);
	v17 =	vadd.f32 v1, v21;
	v21 =	vld [tilespmem:s18+$0x10470]  }
0x240: {  	v11 =	vsub.f32 v43, v19;
	s31 =	smul.f32 $7.812500000e-03, s23;
	v19 =	vadd.f32 v56, v25;
	v25 =	vld [tilespmem:$0x1FB60]  }
0x241: {  	s30 =	sshrl.u32 s0, $0x1;
	s0 =	smul.f32 $5.000000000e-01, s0;
	[tilespmem:s25+$0x90] =	vst v5;
	v5 =	vadd.f32 v23, v55;
	v24 =	vmul.f32 v4, v4;
	v34 =	vadd.f32 v22, v8;
	v8 =	vld [tilespmem:$0x1FB80]  }
0x242: {  	v49 =	vsub.f32 v39, v16;
	s3 =	ssub.f32 s31, s3;
	s31 =	ssub.s32 $0x5F3759DF, s30;
	v23 =	vld [tilespmem:s13+$0x10400]  }
0x243: {  	[tilespmem:s25+$0xA0] =	vst v59;
	s0 =	smul.f32 s31, s0;
	v59 =	vld [tilespmem:s17+$0x10410];
	v17 =	vadd.f32 v2, v17;
	v19 =	vadd.f32 v24, v19;
	v24 =	vmul.f32 v5, v5  }
0x244: {  	v42 =	vsub.f32 v42, v16;
	v22 =	vld [tilespmem:s26+$0xFFFFFF00];
	v48 =	vsub.f32 v0, v16  }
0x245: {  	s0 =	smul.f32 s31, s0;
	v0 =	vld [tilespmem:$0x1FAA0];
	v57 =	vadd.f32 v3, v17;
	v19 =	vadd.f32 v24, v19  }
0x246: {  	[tilespmem:s25+$0xD0] =	vst v62;
	v62 =	vld [tilespmem:s13+$0x10420];
	v24 =	vmul.f32 v34, v34;
	v46 =	vsub.f32 v25, v16;
	v17 =	vsub.f32 v8, v16  }
0x247: {  	s0 =	ssub.f32 $1.500000000e+00, s0;
	v25 =	vld [tilespmem:s14+$0x10400];
	v8 =	vadd.f32 v21, v20;
	v21 =	vadd.f32 v4, v57  }
0x248: {  	v44 =	vsub.f32 v44, v16;
	v20 =	vld [tilespmem:s26+$0x0];
	v24 =	vadd.f32 v24, v19  }
0x249: {  	[tilespmem:s25+$0xE0] =	vst v63;
	s0 =	smul.f32 s31, s0;
	v27 =	vadd.f32 v9, v22;
	v22 =	vld [tilespmem:s14+$0x10410];
	v63 =	vmul.f32 v8, v8;
	v21 =	vadd.f32 v5, v21  }
0x24a: {  	v47 =	vsub.f32 v47, v16;
	v19 =	vsub.f32 v0, v16;
	v16 =	vld [tilespmem:$0x1FB90]  }
0x24b: {  	v56 =	vmul.f32 s0, v12;
	v12 =	vld [tilespmem:$0x1FAB0];
	v9 =	vadd.f32 v63, v24;
	v21 =	vadd.f32 v34, v21  }
0x24c: {  	v26 =	vadd.f32 v23, v58;
	v23 =	vadd.f32 $0.0e+00, v27;
	[tilespmem:$0x1FB50] =	vst v27;
	v24 =	vld [tilespmem:s26+$0xFFFFFF10]  }
0x24d: {  	v39 =	vmul.f32 v27, v27;
	v27 =	vadd.f32 v33, v35;
	v33 =	vld [tilespmem:s26+$0xFFFFFFB0];
	(xrf2) =	vadd.scan.msk.f32 $0xffff, v9;
	v9 =	vadd.f32 v8, v21  }
0x24e: {  	v63 =	vld [tilespmem:s26+$0xFFFFFFA0]  }
0x24f: {  	v20 =	vadd.f32 v25, v20;
	v25 =	vadd.f32 $0.0e+00, v26;
	(xrf2) =	vadd.scan.msk.f32 $0xffff, v9;
	v9 =	vld [tilespmem:$0x1FB70]  }
0x250: {  	s5 =	smul.f32 $7.812500000e-03, s5;
	[tilespmem:$0x1FB60] =	vst v26;
	v41 =	vmul.f32 v26, v26;
	v26 =	vadd.f32 v22, v38;
	v21 =	vld [tilespmem:s17+$0x10420]  }
0x251: {  	v22 =	vadd.f32 v27, v25;
	v25 =	vld [tilespmem:s26+$0x20];
	v45 =	vadd.f32 v59, v24  }
0x252: {  	v6 =	vmov s5;
	v24 =	vld [tilespmem:s14+$0x10420]  }
0x253: {  	s5 =	smul.f32 s5, s5;
	[tilespmem:s25+$0xB0] =	vst v60;
	s23 =	spop (v2sf);
	v57 =	vsub.f32 v16, v6;
	v59 =	vmul.f32 s0, v13;
	v13 =	vld [tilespmem:s26+$0xFFFFFF40];
	v16 =	vmul.f32 v45, v45  }
0x254: {  	[tilespmem:s25+$0xC0] =	vst v61;
	s3 =	sadd.f32 $9.999999960e-13, s3;
	s24 =	smul.f32 $7.812500000e-03, s23;
	v60 =	vadd.f32 $0.0e+00, v20;
	v61 =	vmul.f32 v20, v20;
	v54 =	vsub.f32 v9, v6;
	v9 =	vmovc v20;
	v20 =	vld [tilespmem:s26+$0xFFFFFF20]  }
0x255: {  	[tilespmem:$0x1FB80] =	vst v27;
	v36 =	vadd.f32 v16, v39;
	v39 =	vld [tilespmem:s17+$0x10430]  }
0x256: {  	v37 =	vsub.f32 v37, v6;
	s5 =	ssub.f32 s24, s5;
	s24 =	sshrl.u32 s3, $0x1;
	s3 =	smul.f32 $5.000000000e-01, s3;
	[tilespmem:$0x1FB70] =	vst v9;
	v9 =	vmul.f32 s0, v18;
	v18 =	vmul.f32 v27, v27;
	v27 =	vld [tilespmem:$0x1FBD0]  }
0x257: {  	s19 =	ssub.s32 $0x5F3759DF, s24;
	v35 =	vmul.f32 v26, v26;
	v43 =	vadd.f32 v26, v60;
	v16 =	vmul.f32 s0, v11;
	v11 =	vld [tilespmem:$0x1FC10]  }
0x258: {  	s3 =	smul.f32 s19, s3;
	[tilespmem:$0x1FB90] =	vst v26;
	v26 =	vadd.f32 v62, v63;
	v50 =	vadd.f32 v18, v41;
	v18 =	vmul.f32 s0, v14;
	v14 =	vld [tilespmem:s26+$0xFFFFFF30]  }
0x259: {  	v62 =	vsub.f32 v12, v6;
	v0 =	vadd.f32 v21, v20;
	v21 =	vld [tilespmem:s14+$0x10430]  }
0x25a: {  	s3 =	smul.f32 s19, s3;
	v23 =	vadd.f32 v45, v23;
	v20 =	vadd.f32 v35, v61;
	v35 =	vld [tilespmem:s17+$0x10440]  }
0x25b: {  	v30, _, _ =	vpop (xrf2);
	v58 =	vsub.f32 v27, v6;
	v27 =	vadd.f32 v24, v25;
	v25 =	vld [tilespmem:s26+$0x30]  }
0x25c: {  	s3 =	ssub.f32 $1.500000000e+00, s3;
	v22 =	vadd.f32 v26, v22;
	[tilespmem:$0x1FBB0] =	vst v26;
	v11 =	vsub.f32 v11, v6;
	v38, _, _ =	vpop (xrf2);
	v24 =	vmul.f32 v26, v26;
	v26 =	vld [tilespmem:$0x1FAC0]  }
0x25d: {  	v61 =	vmul.f32 s0, v7;
	(v2sf) =	vpush v38, $0xF;
	v38 =	vld [tilespmem:s26+$0xFFFFFFD0];
	v12 =	vadd.f32 v0, v23  }
0x25e: {  	s19 =	smul.f32 s19, s3;
	v23 =	vmul.f32 v0, v0;
	(v2sf) =	vpush v30, $0xF;
	v30 =	vld [tilespmem:s26+$0xFFFFFFC0];
	v52 =	vadd.f32 v27, v43  }
0x25f: {  	v41 =	vmul.f32 v27, v27;
	v43 =	vld [tilespmem:s13+$0x10440];
	v32 =	vadd.f32 v39, v14;
	v7 =	vadd.f32 v24, v50  }
0x260: {  	v60 =	vmul.f32 s19, v46;
	v14 =	vld [tilespmem:s14+$0x10440];
	v23 =	vadd.f32 v23, v36;
	v36 =	vadd.f32 v53, v33  }
0x261: {  	[tilespmem:$0x1FBD0] =	vst v27;
	v20 =	vadd.f32 v41, v20;
	v24 =	vmul.f32 v32, v32;
	v27 =	vadd.f32 v21, v25;
	v25 =	vld [tilespmem:s26+$0x40]  }
0x262: {  	v46 =	vadd.f32 v35, v13;
	v35 =	vld [tilespmem:s26+$0xFFFFFF50];
	v21 =	vadd.f32 v36, v22;
	v22 =	vmul.f32 v36, v36  }
0x263: {  	v26 =	vsub.f32 v26, v6;
	v23 =	vadd.f32 v24, v23;
	v24 =	vld [tilespmem:s17+$0x10450];
	v31 =	vmul.f32 v27, v27  }
0x264: {  	v52 =	vadd.f32 v27, v52;
	[tilespmem:$0x1FC10] =	vst v27;
	v7 =	vadd.f32 v22, v7;
	v27 =	vld [tilespmem:s13+$0x10450]  }
0x265: {  	v22 =	vmul.f32 s19, v17;
	v17 =	vsub.f32 v40, v6;
	v6 =	vadd.f32 v31, v20;
	v20 =	vld [tilespmem:s14+$0x10450]  }
0x266: {  	s5 =	sadd.f32 $9.999999960e-13, s5;
	v50 =	vmul.f32 s19, v19;
	v19 =	vmul.f32 v46, v46;
	v33 =	vadd.f32 v14, v25;
	v25 =	vld [tilespmem:s26+$0x50]  }
0x267: {  	v55 =	vmul.f32 s19, v44;
	v44 =	vld [tilespmem:s26+$0xFFFFFF60]  }
0x268: {  	s30 =	sshrl.u32 s5, $0x1;
	s5 =	smul.f32 $5.000000000e-01, s5;
	v19 =	vadd.f32 v19, v23;
	v23 =	vld [tilespmem:s17+$0x10460]  }
0x269: {  	s23 =	ssub.s32 $0x5F3759DF, s30;
	v41 =	vadd.f32 v43, v30;
	v43 =	vadd.f32 v27, v38;
	v38 =	vld [tilespmem:s26+$0xFFFFFFE0]  }
0x26a: {  	s5 =	smul.f32 s23, s5;
	v63 =	vmul.f32 s19, v48;
	v48 =	vadd.f32 v24, v35  }
0x26b: {  	v13 =	vmul.f32 s19, v49;
	v49 =	vadd.f32 v33, v52;
	v35 =	vadd.f32 v20, v25  }
0x26c: {  	s5 =	smul.f32 s23, s5;
	v51 =	vmul.f32 s19, v47  }
0x26d: {  	v21 =	vadd.f32 v41, v21;
	v14 =	vmul.f32 v41, v41;
	v29 =	vadd.f32 v35, v49  }
0x26e: {  	s5 =	ssub.f32 $1.500000000e+00, s5;
	v39 =	vmul.f32 v33, v33;
	v49 =	vadd.f32 v23, v44;
	v44 =	vadd.f32 v28, v38;
	v38 =	vld [tilespmem:$0x1FEE0]  }
0x26f: {  	v47 =	vld [tilespmem:s14+$0x10460];
	v7 =	vadd.f32 v14, v7;
	v20 =	vadd.f32 v43, v21;
	v21 =	vmul.f32 v43, v43  }
0x270: {  	s31 =	smul.f32 s23, s5;
	v53 =	vmul.f32 s19, v42;
	v42 =	vld [tilespmem:$0x1FEC0];
	v24 =	vadd.f32 v39, v6;
	v6 =	vmul.f32 v48, v48  }
0x271: {  	v10 =	vmul.f32 s0, v10;
	v39 =	vld [tilespmem:$0x1FED0];
	v21 =	vadd.f32 v21, v7;
	v40 =	vmul.f32 v44, v44  }
0x272: {  	v52 =	vmul.f32 s31, v54;
	v54 =	vmul.f32 s31, v57;
	v25 =	vld [tilespmem:s26+$0x60];
	v57 =	vadd.f32 v6, v19  }
0x273: {  	v19 =	vmul.f32 v35, v35;
	v31 =	vadd.f32 v40, v21;
	v21 =	vmul.f32 v9, v38;
	v9 =	vld [tilespmem:$0x1FEF0];
	_ =	sdelay $0x1  }
0x274: {  	v15 =	vmul.f32 s0, v15;
	v23 =	vadd.f32 v19, v24;
	v19 =	vmul.f32 v10, v42  }
0x275: {  	v10 =	vmul.f32 s31, v17;
	v17 =	vmul.f32 v49, v49  }
0x276: {  	v7 =	vmul.f32 s31, v37;
	v37 =	vadd.f32 v47, v25;
	v25 =	vadd.f32 v44, v20  }
0x277: {  	v20 =	vmul.f32 v15, v39;
	v15 =	vadd.f32 v17, v57;
	v17 =	vmul.f32 v16, v9;
	v16 =	vld [tilespmem:$0x1FF00];
	_ =	sdelay $0x2  }
0x278: {  	v14 =	vmul.f32 s31, v58;
	v58 =	vld [tilespmem:s17+$0x10470]  }
0x279: {  	v12 =	vadd.f32 v32, v12;
	v6 =	vmul.f32 s31, v26;
	v26 =	vld [tilespmem:s26+$0xFFFFFF70]  }
0x27a: {  	v57 =	vmul.f32 v18, v16;
	v16 =	vld [tilespmem:$0x1FF10]  }
0x27b: {  	v12 =	vadd.f32 v46, v12;
	_ =	sdelay $0x1  }
0x27c: {  	v27 =	vadd.f32 v48, v12;
	v12 =	vmul.f32 s31, v11;
	v11 =	vmul.f32 s31, v62;
	v62 =	vld [tilespmem:s26+$0x70];
	s23 =	spop (v2sf)  }
0x27d: {  	s0 =	smul.f32 $7.812500000e-03, s23;
	s24 =	spop (v2sf);
	v24 =	vld [tilespmem:s14+$0x10470]  }
0x27e: {  	s3 =	smul.f32 $7.812500000e-03, s24;
	v9 =	vadd.f32 v58, v26;
	v58 =	vmul.f32 v56, v16;
	v16 =	vld [tilespmem:$0x1FF30]  }
0x27f: {  	s30 =	smul.f32 s0, s0;
	_ =	sdelay $0x1  }
0x280: {  	s3 =	ssub.f32 s3, s30  }
0x281: {  	v27 =	vadd.f32 v49, v27;
	v47 =	vmul.f32 v37, v37  }
0x282: {  	v30 =	vld [tilespmem:s13+$0x10470];
	s3 =	sadd.f32 $9.999999960e-13, s3;
	v40 =	vadd.f32 v24, v62;
	v18 =	vmul.f32 v61, v16;
	v16 =	vmul.f32 v9, v9  }
0x283: {  	v28 =	vld [tilespmem:s26+$0xFFFFFFF0];
	v26 =	vadd.f32 v47, v23  }
0x284: {  	s31 =	sshrl.u32 s3, $0x1;
	s3 =	smul.f32 $5.000000000e-01, s3;
	v23 =	vadd.f32 v9, v27;
	v16 =	vadd.f32 v16, v15;
	v15 =	vmul.f32 v40, v40  }
0x285: {  	v24 =	vld [tilespmem:$0x1FF60];
	s5 =	ssub.s32 $0x5F3759DF, s31  }
0x286: {  	s3 =	smul.f32 s5, s3;
	(xrf2) =	vadd.scan.msk.f32 $0xffff, v23;
	v23 =	vmov s0;
	v15 =	vadd.f32 v15, v26  }
0x287: {  	v26 =	vsub.f32 v8, v23;
	v8 =	vmul.f32 v22, v39;
	v39 =	vmovc v41;
	v41 =	vmov v0;
	v0 =	vld [tilespmem:$0x1FAD0]  }
0x288: {  	s11 =	sadd.s32 $0x4, s11;
	v29 =	vadd.f32 v37, v29;
	v47 =	vadd.f32 v30, v28;
	s3 =	smul.f32 s5, s3  }
0x289: {  	p3 =	slt.u32 s11, $0x7C;
	v60 =	vmul.f32 v60, v42  }
.Ltmp7:
0x28a: {  	v25 =	vadd.f32 v47, v25;
	v59 =	vmul.f32 v59, v24;
	v24 =	vadd.f32 v40, v29;
	s3 =	ssub.f32 $1.500000000e+00, s3;
	(pc) =	sbr.rel @p3 .LBB2_10-.Ltmp7, $4  }
0x28b: {  	v27 =	vmul.f32 v47, v47;
	v62 =	vsub.f32 v1, v23;
	v3 =	vsub.f32 v3, v23  }
0x28c: {  	v42 =	vmovc v43;
	v43 =	vmov v32;
	s13 =	smul.f32 s5, s3;
	v1 =	vsub.f32 v5, v23;
	v0 =	vsub.f32 v0, v23  }
0x28d: {  	v63 =	vmul.f32 v63, v38;
	v38 =	vmovc v45;
	v56 =	vadd.f32 v27, v31;
	v61 =	vsub.f32 v2, v23  }
0x28e: {  	s12 =	sadd.s32 $0x4, s12;
	s10 =	smov.u32 s25;
	v45 =	vmovc v34;
	(xrf2) =	vadd.scan.msk.f32 $0xffff, v25;
	v2 =	vsub.f32 v4, v23;
	v22 =	vmul.f32 s13, v26;
	v26 =	vld [tilespmem:$0x1FE80];
	v0 =	vmul.f32 s13, v0  }
0x28f: {  	(xrf2) =	vadd.scan.msk.f32 $0xffff, v24  }
0x290: {  	(xrf2) =	vadd.scan.msk.f32 $0xffff, v16  }
0x291: {  	(xrf2) =	vadd.scan.msk.f32 $0xffff, v56  }
0x292: {  	(xrf2) =	vadd.scan.msk.f32 $0xffff, v15;
	_ =	sdelay $0x4  }
0x293: {  	v4, _, _ =	vpop (xrf2)  }
0x294: {  	(v2sf) =	vpush v4, $0xF;
	v25, _, _ =	vpop (xrf2)  }
0x295: {  	(v2sf) =	vpush v25, $0xF;
	v27, _, _ =	vpop (xrf2)  }
0x296: {  	(v2sf) =	vpush v27, $0xF;
	v28, _, _ =	vpop (xrf2)  }
0x297: {  	v32 =	vld [tilespmem:$0x1FF60];
	(v2sf) =	vpush v28, $0xF;
	v29, _, _ =	vpop (xrf2)  }
0x298: {  	(v2sf) =	vpush v29, $0xF;
	v31, _, _ =	vpop (xrf2);
	v29 =	vld [tilespmem:$0x1FEF0]  }
0x299: {  	(v2sf) =	vpush v31, $0xF;
	v31 =	vld [tilespmem:$0x1FE90];
	_ =	sdelay $0x2  }
0x29a: {  	v15 =	vsub.f32 v45, v23;
	v45 =	vld [tilespmem:$0x1FF10]  }
0x29b: {  	v27 =	vld [tilespmem:$0x1FEA0]  }
0x29c: {  	v5 =	vmul.f32 v22, v32;
	v4 =	vadd.f32 v19, v31;
	v19 =	vmul.f32 v50, v29;
	v50 =	vld [tilespmem:$0x1FEB0];
	_ =	sdelay $0x1  }
0x29d: {  	v30 =	vld [tilespmem:$0x1FF00];
	v5 =	vadd.f32 v5, v26  }
0x29e: {  	s11 =	sadd.s32 $0x200, s25;
	v28 =	vld [tilespmem:$0x1FF40]  }
0x29f: {  	v56 =	vld [tilespmem:$0x1FF20];
	[tilespmem:s11+$0xF0] =	vst v5  }
0x2a0: {  	v34 =	vadd.f32 v20, v27;
	v20 =	vadd.f32 v21, v50;
	v21 =	vmul.f32 v53, v45;
	v53 =	vld [tilespmem:$0x1FF30];
	_ =	sdelay $0x2  }
0x2a1: {  	v22 =	vadd.f32 v57, v28;
	v57 =	vld [tilespmem:$0x1FF50];
	_ =	sdelay $0x1  }
0x2a2: {  	v5 =	vmul.f32 v55, v53;
	v55 =	vld [tilespmem:$0x1FF70];
	[tilespmem:s10+$0xFFFFFF00] =	vst v4  }
0x2a3: {  	[tilespmem:s10+$0xFFFFFF10] =	vst v34  }
0x2a4: {  	v24 =	vadd.f32 v59, v26;
	v59 =	vld [tilespmem:$0x1FEC0];
	[tilespmem:s10+$0xFFFFFF20] =	vst v20  }
0x2a5: {  	v23 =	vadd.f32 v58, v57;
	v58 =	vld [tilespmem:$0x1FED0];
	_ =	sdelay $0x1  }
0x2a6: {  	v17 =	vadd.f32 v17, v56;
	_ =	sdelay $0x1  }
0x2a7: {  	v13 =	vmul.f32 v13, v30;
	[tilespmem:s10+$0xFFFFFF30] =	vst v17  }
0x2a8: {  	v4 =	vmul.f32 v51, v32;
	v18 =	vadd.f32 v18, v55;
	v51 =	vmul.f32 v54, v58;
	v54 =	vld [tilespmem:$0x1FEE0];
	[tilespmem:s10+$0xFFFFFF40] =	vst v22  }
0x2a9: {  	v8 =	vadd.f32 v8, v27;
	v17 =	vld [tilespmem:$0x1FE80];
	[tilespmem:s10+$0xFFFFFF50] =	vst v23  }
0x2aa: {  	v13 =	vadd.f32 v13, v28;
	s0 =	spop (v2sf);
	v25 =	vadd.f32 v60, v31;
	[tilespmem:s10+$0xFFFFFF60] =	vst v18  }
0x2ab: {  	s0 =	smul.f32 $7.812500000e-03, s0;
	v19 =	vadd.f32 v19, v56;
	v34 =	vadd.f32 v63, v50;
	v60 =	vmul.f32 v52, v59;
	v63 =	vld [tilespmem:$0x1FB50];
	[tilespmem:s10+$0xFFFFFF70] =	vst v24  }
0x2ac: {  	v21 =	vadd.f32 v21, v57;
	v5 =	vadd.f32 v5, v55;
	[tilespmem:s10+$0xFFFFFF80] =	vst v25  }
0x2ad: {  	s3 =	spop (v2sf);
	v22 =	vadd.f32 v60, v31;
	v60 =	vmov s0;
	v20 =	vadd.f32 v51, v27;
	[tilespmem:s10+$0xFFFFFF90] =	vst v8  }
0x2ae: {  	s5 =	spop (v2sf);
	v52 =	vsub.f32 v38, v60;
	v24 =	vsub.f32 v41, v60;
	[tilespmem:s10+$0xFFFFFFA0] =	vst v34  }
0x2af: {  	s3 =	smul.f32 $7.812500000e-03, s3;
	s12 =	spop (v2sf);
	v25 =	vsub.f32 v46, v60;
	v46 =	vsub.f32 v48, v60;
	v48 =	vld [tilespmem:$0x1FB60]  }
0x2b0: {  	s12 =	smul.f32 $7.812500000e-03, s12;
	v51 =	vsub.f32 v43, v60;
	v43 =	vsub.f32 v49, v60;
	v49 =	vld [tilespmem:$0x1FB80];
	[tilespmem:s10+$0xFFFFFFB0] =	vst v19  }
0x2b1: {  	s0 =	smul.f32 s0, s0;
	v41 =	vsub.f32 v9, v60;
	v14 =	vmul.f32 v14, v54;
	v18 =	vsub.f32 v63, v60;
	v60 =	vld [tilespmem:$0x1FBB0];
	[tilespmem:s10+$0xFFFFFFC0] =	vst v13  }
0x2b2: {  	v4 =	vadd.f32 v4, v17;
	[tilespmem:s10+$0xFFFFFFD0] =	vst v21  }
0x2b3: {  	s0 =	ssub.f32 s12, s0;
	v23 =	vadd.f32 v14, v50;
	v14 =	vmov s3;
	[tilespmem:s10+$0xFFFFFFE0] =	vst v5  }
0x2b4: {  	v63 =	vmul.f32 v12, v29;
	v26 =	vsub.f32 v48, v14;
	v5 =	vld [tilespmem:$0x1FB70];
	[tilespmem:s10+$0xFFFFFFF0] =	vst v4  }
0x2b5: {  	v2 =	vmul.f32 s13, v2;
	s14 =	spop (v2sf);
	s0 =	sadd.f32 $9.999999960e-13, s0;
	v34 =	vsub.f32 v49, v14;
	v48 =	vsub.f32 v36, v14;
	v4 =	vld [tilespmem:$0x1FB90]  }
0x2b6: {  	s14 =	smul.f32 $7.812500000e-03, s14;
	v49 =	vadd.f32 v63, v56;
	v63 =	vmul.f32 v11, v30;
	v19 =	vsub.f32 v60, v14;
	v60 =	vld [tilespmem:$0x1FBD0];
	[tilespmem:s10+$0x0] =	vst v22  }
0x2b7: {  	s24 =	sshrl.u32 s0, $0x1;
	s0 =	smul.f32 $5.000000000e-01, s0;
	v36 =	vsub.f32 v39, v14;
	v17 =	vsub.f32 v42, v14;
	v42 =	vmul.f32 v6, v45;
	v39 =	vld [tilespmem:$0x1FC10];
	[tilespmem:s10+$0x10] =	vst v20  }
0x2b8: {  	v3 =	vmul.f32 s13, v3;
	s3 =	smul.f32 s3, s3;
	v16 =	vsub.f32 v44, v14;
	s12 =	ssub.s32 $0x5F3759DF, s24;
	v44 =	vadd.f32 v63, v28;
	[tilespmem:s10+$0x20] =	vst v23  }
0x2b9: {  	v2 =	vmul.f32 v2, v30;
	s0 =	smul.f32 s12, s0;
	[tilespmem:s10+$0x30] =	vst v49;
	v20 =	vadd.f32 v42, v57  }
0x2ba: {  	v3 =	vmul.f32 v3, v29;
	s5 =	smul.f32 $7.812500000e-03, s5;
	v7 =	vmul.f32 v7, v53;
	s3 =	ssub.f32 s14, s3;
	[tilespmem:s10+$0x40] =	vst v44  }
0x2bb: {  	v1 =	vmul.f32 s13, v1;
	v2 =	vadd.f32 v2, v28;
	v0 =	vmul.f32 v0, v59;
	s0 =	smul.f32 s12, s0;
	[tilespmem:s10+$0x50] =	vst v20  }
0x2bc: {  	v3 =	vadd.f32 v3, v56;
	v7 =	vadd.f32 v7, v55;
	s3 =	sadd.f32 $9.999999960e-13, s3;
	v49 =	vmul.f32 s13, v61;
	v61 =	vld [tilespmem:$0x1FE80]  }
0x2bd: {  	v0 =	vadd.f32 v0, v31;
	v12 =	vsub.f32 v47, v14;
	v47 =	vmov s5;
	s0 =	ssub.f32 $1.500000000e+00, s0  }
0x2be: {  	v10 =	vmul.f32 v10, v32;
	v8 =	vsub.f32 v33, v47;
	v6 =	vsub.f32 v35, v47;
	s26 =	sshrl.u32 s3, $0x1;
	s3 =	smul.f32 $5.000000000e-01, s3  }
0x2bf: {  	v15 =	vmul.f32 s13, v15;
	v13 =	vsub.f32 v5, v47;
	v5 =	vsub.f32 v37, v47;
	s0 =	smul.f32 s12, s0;
	s12 =	ssub.s32 $0x5F3759DF, s26  }
0x2c0: {  	v1 =	vmul.f32 v1, v45;
	v14 =	vsub.f32 v4, v47;
	v4 =	vsub.f32 v40, v47;
	[tilespmem:s10+$0x60] =	vst v7;
	s3 =	smul.f32 s12, s3  }
0x2c1: {  	s5 =	smul.f32 s5, s5;
	[tilespmem:s11+$0x80] =	vst v0;
	v9 =	vsub.f32 v60, v47;
	v22 =	vmul.f32 s0, v24;
	v10 =	vadd.f32 v10, v61  }
0x2c2: {  	s25 =	spop (v2sf);
	[tilespmem:s11+$0xB0] =	vst v3;
	v11 =	vsub.f32 v39, v47;
	v47 =	vmul.f32 s13, v62;
	v62 =	vmul.f32 v49, v54;
	s3 =	smul.f32 s12, s3  }
0x2c3: {  	v1 =	vadd.f32 v1, v57;
	v0 =	vmul.f32 v15, v53;
	v20 =	vmul.f32 s0, v18;
	[tilespmem:s10+$0x70] =	vst v10;
	s10 =	smul.f32 $7.812500000e-03, s25  }
0x2c4: {  	[tilespmem:s11+$0xC0] =	vst v2;
	v21 =	vmul.f32 s0, v52;
	v3 =	vmul.f32 v22, v54;
	v7 =	vadd.f32 v62, v50;
	s3 =	ssub.f32 $1.500000000e+00, s3  }
0x2c5: {  	[tilespmem:s11+$0xD0] =	vst v1;
	v23 =	vmul.f32 s0, v51;
	v0 =	vadd.f32 v0, v55;
	v60 =	vmul.f32 v47, v58;
	s5 =	ssub.f32 s10, s5  }
0x2c6: {  	v24 =	vmul.f32 s0, v25;
	v3 =	vadd.f32 v3, v50;
	[tilespmem:s11+$0xA0] =	vst v7;
	v7 =	vmul.f32 v21, v58  }
0x2c7: {  	v25 =	vmul.f32 s0, v46;
	[tilespmem:s11+$0xE0] =	vst v0;
	v63 =	vadd.f32 v60, v27;
	s3 =	smul.f32 s12, s3;
	v10 =	vmul.f32 v20, v59;
	s5 =	sadd.f32 $9.999999960e-13, s5  }
0x2c8: {  	v33 =	vmul.f32 s0, v43;
	v2 =	vmul.f32 v23, v29;
	[tilespmem:s11+$0xFFFFFF20] =	vst v3;
	v7 =	vadd.f32 v7, v27  }
0x2c9: {  	v1 =	vmul.f32 v24, v30;
	[tilespmem:s11+$0x90] =	vst v63;
	v37 =	vmul.f32 s3, v26;
	v10 =	vadd.f32 v10, v31;
	s30 =	smul.f32 $5.000000000e-01, s5;
	s5 =	sshrl.u32 s5, $0x1  }
0x2ca: {  	v35 =	vmul.f32 s0, v41;
	v0 =	vmul.f32 v25, v45;
	v2 =	vadd.f32 v2, v56;
	[tilespmem:s11+$0xFFFFFF10] =	vst v7;
	s5 =	ssub.s32 $0x5F3759DF, s5  }
0x2cb: {  	v1 =	vadd.f32 v1, v28;
	v39 =	vmul.f32 s3, v34;
	v3 =	vmul.f32 v37, v59;
	[tilespmem:s11+$0xFFFFFF00] =	vst v10;
	s31 =	smul.f32 s5, s30  }
0x2cc: {  	v0 =	vadd.f32 v0, v57;
	v40 =	vmul.f32 s3, v19;
	v10 =	vmul.f32 v33, v53;
	v38 =	vld [tilespmem:$0x1FE80];
	[tilespmem:s11+$0xFFFFFF30] =	vst v2  }
0x2cd: {  	v41 =	vmul.f32 s3, v48;
	[tilespmem:s11+$0xFFFFFF40] =	vst v1;
	v2 =	vmul.f32 v39, v58;
	v3 =	vadd.f32 v3, v31;
	s0 =	smul.f32 s5, s31  }
0x2ce: {  	[tilespmem:s11+$0xFFFFFF50] =	vst v0;
	v1 =	vmul.f32 v40, v54;
	v10 =	vadd.f32 v10, v55  }
0x2cf: {  	v44 =	vmul.f32 s3, v16;
	v0 =	vmul.f32 v41, v29;
	v2 =	vadd.f32 v2, v27;
	[tilespmem:s11+$0xFFFFFF80] =	vst v3;
	s0 =	ssub.f32 $1.500000000e+00, s0  }
0x2d0: {  	v42 =	vmul.f32 s3, v36;
	v7 =	vmul.f32 v35, v32;
	v1 =	vadd.f32 v1, v50;
	[tilespmem:s11+$0xFFFFFF60] =	vst v10  }
0x2d1: {  	v46 =	vmul.f32 s3, v12;
	v0 =	vadd.f32 v0, v56;
	v3 =	vmul.f32 v44, v53;
	[tilespmem:s11+$0xFFFFFF90] =	vst v2;
	s0 =	smul.f32 s5, s0  }
0x2d2: {  	v43 =	vmul.f32 s3, v17;
	v10 =	vmul.f32 v42, v30;
	[tilespmem:s11+$0xFFFFFFA0] =	vst v1;
	v7 =	vadd.f32 v7, v38  }
0x2d3: {  	[tilespmem:s11+$0xFFFFFFB0] =	vst v0;
	v2 =	vmul.f32 v46, v32;
	v3 =	vadd.f32 v3, v55;
	v47 =	vmul.f32 s0, v13  }
0x2d4: {  	v10 =	vadd.f32 v10, v28;
	[tilespmem:s11+$0xFFFFFF70] =	vst v7;
	v7 =	vmul.f32 v43, v45;
	v48 =	vmul.f32 s0, v14  }
0x2d5: {  	v2 =	vadd.f32 v2, v38;
	[tilespmem:s11+$0xFFFFFFE0] =	vst v3;
	v9 =	vmul.f32 s0, v9;
	v1 =	vmul.f32 v47, v59  }
0x2d6: {  	[tilespmem:s11+$0xFFFFFFC0] =	vst v10;
	v7 =	vadd.f32 v7, v57;
	v49 =	vmul.f32 s0, v11;
	v0 =	vmul.f32 v48, v58  }
0x2d7: {  	[tilespmem:s11+$0xFFFFFFF0] =	vst v2;
	v51 =	vmul.f32 s0, v8;
	v52 =	vmul.f32 v9, v54;
	v1 =	vadd.f32 v1, v31  }
0x2d8: {  	[tilespmem:s11+$0xFFFFFFD0] =	vst v7;
	v54 =	vmul.f32 s0, v6;
	v58 =	vmul.f32 v49, v29;
	v0 =	vadd.f32 v0, v27  }
0x2d9: {  	v60 =	vmul.f32 s0, v5;
	v3 =	vmul.f32 v51, v30;
	v61 =	vadd.f32 v52, v50;
	[tilespmem:s11+$0x0] =	vst v1  }
0x2da: {  	v62 =	vmul.f32 s0, v4;
	v2 =	vmul.f32 v54, v45;
	v63 =	vadd.f32 v58, v56;
	[tilespmem:s11+$0x10] =	vst v0  }
0x2db: {  	v3 =	vadd.f32 v3, v28;
	[tilespmem:s11+$0x20] =	vst v61;
	v1 =	vmul.f32 v60, v53  }
.Ltmp8:
0x2dc: {  	[tilespmem:s11+$0x30] =	vst v63;
	v0 =	vmul.f32 v62, v32;
	v2 =	vadd.f32 v2, v57;
	(pc) =	sbr.rel .LBB2_12-.Ltmp8, $4  }
0x2dd: {  	[tilespmem:s11+$0x40] =	vst v3;
	v1 =	vadd.f32 v1, v55  }
0x2de: {  	[tilespmem:s11+$0x50] =	vst v2;
	v0 =	vadd.f32 v0, v38  }
0x2df: {  	[tilespmem:s11+$0x60] =	vst v1  }
0x2e0: {  	v62 =	vmov v59;
	v63 =	vmov v31;
	[tilespmem:s11+$0x70] =	vst v0  }
.LBB2_6:
0x2e1: {  	v0 =	vld [tilespmem:s0+$0x1];
	_ =	sdelay $0x4  }
0x2e2: {  	(v2sf) =	vpush v0, $0x0  }
0x2e3: {  	v1 =	vld [tilespmem:s0+$0x0]  }
0x2e4: {  	v2 =	vld [tilespmem:s0+$0xFFFFFFFE]  }
0x2e5: {  	v4 =	vld [tilespmem:s10+$0xA0]  }
0x2e6: {  	v0 =	vld [tilespmem:s0+$0xFFFFFFFF]  }
0x2e7: {  	v6 =	vld [tilespmem:s10+$0xB0]  }
0x2e8: {  	v10 =	vld [tilespmem:s10+$0xC0]  }
0x2e9: {  	v12 =	vld [tilespmem:s10+$0xD0]  }
0x2ea: {  	v14 =	vld [tilespmem:s10+$0xE0]  }
0x2eb: {  	v16 =	vld [tilespmem:s10+$0xF0];
	(v2sf) =	vpush v0, $0x0  }
0x2ec: {  	v21 =	vld [tilespmem:s10+$0xFFFFFF00]  }
0x2ed: {  	v22 =	vld [tilespmem:s10+$0x0]  }
0x2ee: {  	v25 =	vld [tilespmem:s10+$0xFFFFFF10]  }
0x2ef: {  	v26 =	vld [tilespmem:s10+$0x10];
	(v2sf) =	vpush v1, $0x0  }
0x2f0: {  	v28 =	vld [tilespmem:s10+$0xFFFFFF20]  }
0x2f1: {  	v31 =	vld [tilespmem:s10+$0xFFFFFF30];
	s14 =	spop (v2sf)  }
0x2f2: {  	v0 =	vld [tilespmem:s10+$0x90];
	(v2sf) =	vpush v2, $0x0;
	s0 =	sshll.u32 s14, $0x9  }
0x2f3: {  	v1 =	vld [tilespmem:s10+$0x80];
	s0 =	sshra.s32 s0, $0x2  }
0x2f4: {  	v2 =	vld [tilespmem:s0+$0x10410]  }
0x2f5: {  	v3 =	vld [tilespmem:s0+$0x10400]  }
0x2f6: {  	v32 =	vld [tilespmem:s10+$0xFFFFFFB0]  }
0x2f7: {  	v5 =	vld [tilespmem:s0+$0x10420]  }
0x2f8: {  	v7 =	vld [tilespmem:s0+$0x10430]  }
0x2f9: {  	v11 =	vld [tilespmem:s0+$0x10440]  }
0x2fa: {  	v13 =	vld [tilespmem:s0+$0x10450];
	s11 =	spop (v2sf);
	v9 =	vadd.f32 v3, v1;
	v3 =	vadd.f32 v2, v0  }
0x2fb: {  	v15 =	vld [tilespmem:s0+$0x10460];
	s11 =	sshll.u32 s11, $0x9  }
0x2fc: {  	v17 =	vld [tilespmem:s0+$0x10470];
	s18 =	sshra.s32 s11, $0x2;
	v8 =	vadd.f32 v5, v4;
	v0 =	vmul.f32 v9, v9;
	v2 =	vmul.f32 v3, v3  }
0x2fd: {  	v19 =	vld [tilespmem:s18+$0x10400];
	v5 =	vadd.f32 $0.0e+00, v9  }
0x2fe: {  	s12 =	spop (v2sf);
	v1 =	vld [tilespmem:s10+$0xFFFFFF80];
	v4 =	vadd.f32 v7, v6;
	v0 =	vadd.f32 v2, v0;
	v2 =	vmul.f32 v8, v8  }
0x2ff: {  	s17 =	sshll.u32 s12, $0x9;
	v24 =	vld [tilespmem:s18+$0x10410];
	v7 =	vadd.f32 v3, v5  }
0x300: {  	s19 =	sshra.s32 s17, $0x2;
	v30 =	vld [tilespmem:s18+$0x10430];
	v5 =	vadd.f32 v11, v10;
	v0 =	vadd.f32 v2, v0;
	v2 =	vmul.f32 v4, v4  }
0x301: {  	s13 =	spop (v2sf);
	v20 =	vld [tilespmem:s19+$0x10400];
	v10 =	vadd.f32 v8, v7  }
0x302: {  	s13 =	sshll.u32 s13, $0x9;
	v6 =	vld [tilespmem:s19+$0x10410];
	v7 =	vadd.f32 v13, v12;
	v0 =	vadd.f32 v2, v0;
	v2 =	vmul.f32 v5, v5  }
0x303: {  	s13 =	sshra.s32 s13, $0x2;
	v35 =	vld [tilespmem:s19+$0x10440];
	v10 =	vadd.f32 v4, v10  }
0x304: {  	v18 =	vld [tilespmem:s13+$0x10400];
	v27 =	vmul.f32 v7, v7;
	v2 =	vadd.f32 v2, v0;
	v0 =	vadd.f32 v15, v14  }
0x305: {  	v23 =	vld [tilespmem:s13+$0x10410];
	v15 =	vadd.f32 v5, v10  }
0x306: {  	v29 =	vld [tilespmem:s13+$0x10430];
	v10 =	vadd.f32 v17, v16;
	v2 =	vadd.f32 v27, v2;
	v27 =	vmul.f32 v0, v0  }
0x307: {  	v11 =	vld [tilespmem:s10+$0xFFFFFF90];
	v15 =	vadd.f32 v7, v15  }
0x308: {  	v12 =	vld [tilespmem:s13+$0x10420];
	v2 =	vadd.f32 v27, v2;
	v27 =	vmul.f32 v10, v10  }
0x309: {  	v13 =	vld [tilespmem:s18+$0x10420];
	v15 =	vadd.f32 v0, v15  }
0x30a: {  	v34 =	vadd.f32 v20, v22;
	v20 =	vld [tilespmem:s10+$0xFFFFFF40];
	v2 =	vadd.f32 v27, v2  }
0x30b: {  	v14 =	vld [tilespmem:s19+$0x10420];
	v15 =	vadd.f32 v10, v15  }
0x30c: {  	v16 =	vld [tilespmem:s10+$0xFFFFFFA0];
	(xrf2) =	vadd.scan.msk.f32 $0xffff, v2  }
0x30d: {  	v17 =	vld [tilespmem:s10+$0x20];
	(xrf2) =	vadd.scan.msk.f32 $0xffff, v15  }
0x30e: {  	v27 =	vld [tilespmem:s19+$0x10430]  }
0x30f: {  	v36 =	vadd.f32 v19, v1;
	v2 =	vadd.f32 v18, v21;
	v18 =	vld [tilespmem:s13+$0x10440]  }
0x310: {  	v32 =	vadd.f32 v30, v32;
	v21 =	vld [tilespmem:s18+$0x10440]  }
0x311: {  	v38 =	vadd.f32 v6, v26;
	v55 =	vadd.f32 v24, v11;
	v15 =	vld [tilespmem:s10+$0x30];
	[tilespmem:$0x1FDE0] =	vst v36  }
0x312: {  	v1 =	vadd.f32 v23, v25;
	v22 =	vadd.f32 $0.0e+00, v36;
	v11 =	vld [tilespmem:s10+$0xFFFFFFC0]  }
0x313: {  	v23 =	vmul.f32 v36, v36;
	v24 =	vadd.f32 $0.0e+00, v34;
	v6 =	vmul.f32 v55, v55;
	v26 =	vld [tilespmem:s10+$0x40];
	[tilespmem:$0x1FDF0] =	vst v34  }
0x314: {  	s23 =	simm.s32 $0x106;
	v22 =	vadd.f32 v55, v22;
	v19 =	vadd.f32 $0.0e+00, v2;
	v37 =	vld [tilespmem:s13+$0x10450];
	[tilespmem:$0x1FE00] =	vst v55  }
0x315: {  	v56 =	vmul.f32 v38, v38;
	v24 =	vadd.f32 v38, v24;
	v23 =	vadd.f32 v6, v23;
	v57 =	vld [tilespmem:s23+$0x1];
	[tilespmem:$0x1FE10] =	vst v38  }
0x316: {  	v25 =	vmul.f32 v1, v1;
	v6 =	vadd.f32 v12, v28;
	v19 =	vadd.f32 v1, v19;
	v39 =	vld [tilespmem:s18+$0x10450];
	v58, _, _ =	vpop (xrf2)  }
0x317: {  	v59 =	vadd.f32 v13, v16;
	v60 =	vadd.f32 v14, v17;
	v33 =	vmul.f32 v2, v2;
	v40 =	vld [tilespmem:s19+$0x10450];
	v12, _, _ =	vpop (xrf2)  }
0x318: {  	v34 =	vmul.f32 v34, v34;
	v13 =	vld [tilespmem:s23+$0xFFFFFFFF];
	v16 =	vadd.f32 v6, v19;
	(v2sf) =	vpush v12, $0xF  }
0x319: {  	v14 =	vld [tilespmem:s23+$0x0];
	v19 =	vadd.f32 v59, v22;
	v22 =	vmul.f32 v59, v59;
	(v2sf) =	vpush v58, $0xF  }
0x31a: {  	v25 =	vadd.f32 v25, v33;
	v28 =	vadd.f32 v56, v34;
	v17 =	vld [tilespmem:s23+$0xFFFFFFFE];
	[tilespmem:$0x1FE20] =	vst v59;
	v12 =	vmul.f32 v6, v6  }
0x31b: {  	v61 =	vld [tilespmem:s10+$0xFFFFFF50];
	[tilespmem:$0x1FE30] =	vst v60;
	v22 =	vadd.f32 v22, v23;
	(v2sf) =	vpush v57, $0x0  }
0x31c: {  	v62 =	vmul.f32 v60, v60;
	v23 =	vld [tilespmem:s10+$0x50];
	v25 =	vadd.f32 v12, v25;
	v12 =	vadd.f32 v29, v31  }
0x31d: {  	v24 =	vadd.f32 v60, v24;
	v48 =	vadd.f32 v18, v20;
	v29 =	vld [tilespmem:s10+$0xFFFFFFD0]  }
0x31e: {  	v28 =	vadd.f32 v62, v28;
	v31 =	vadd.f32 v27, v15;
	v15 =	vld [tilespmem:s13+$0x10460];
	[tilespmem:$0x1FE40] =	vst v32;
	v30 =	vmul.f32 v12, v12  }
0x31f: {  	v19 =	vadd.f32 v32, v19;
	v27 =	vmul.f32 v32, v32;
	v41 =	vld [tilespmem:s18+$0x10460];
	v16 =	vadd.f32 v12, v16  }
0x320: {  	v18 =	vld [tilespmem:s19+$0x10460];
	[tilespmem:$0x1FE50] =	vst v31;
	v20 =	vadd.f32 v31, v24;
	v25 =	vadd.f32 v30, v25;
	v30 =	vmul.f32 v31, v31  }
0x321: {  	v31 =	vadd.f32 v21, v11;
	v11 =	vld [tilespmem:s10+$0xFFFFFF60];
	v21 =	vadd.f32 v27, v22  }
0x322: {  	v24 =	vmul.f32 v48, v48;
	v27 =	vld [tilespmem:s10+$0xFFFFFFE0];
	v22 =	vadd.f32 v30, v28;
	v30 =	vadd.f32 v35, v26  }
0x323: {  	v52 =	vadd.f32 v37, v61;
	(v2sf) =	vpush v13, $0x0;
	v26 =	vmul.f32 v31, v31;
	v28 =	vld [tilespmem:s10+$0x60]  }
0x324: {  	v16 =	vadd.f32 v48, v16;
	v24 =	vadd.f32 v24, v25;
	v25 =	vld [tilespmem:s13+$0x10470];
	[tilespmem:$0x1FE60] =	vst v30  }
0x325: {  	v38 =	vadd.f32 v39, v29;
	v21 =	vadd.f32 v26, v21;
	v26 =	vld [tilespmem:s18+$0x10470]  }
0x326: {  	v36 =	vmov v31;
	v19 =	vadd.f32 v31, v19;
	v31 =	vadd.f32 v40, v23;
	v13 =	vld [tilespmem:s19+$0x10470]  }
0x327: {  	v20 =	vadd.f32 v30, v20;
	v29 =	vld [tilespmem:s10+$0xFFFFFFF0];
	s24 =	spop (v2sf);
	(v2sf) =	vpush v14, $0x0  }
0x328: {  	v30 =	vmul.f32 v30, v30;
	v23 =	vld [tilespmem:s10+$0x70];
	s14 =	spop (v2sf);
	(v2sf) =	vpush v17, $0x0;
	v17 =	vmul.f32 v52, v52  }
0x329: {  	s26 =	simm.s32 $0x700;
	v16 =	vadd.f32 v52, v16;
	v19 =	vadd.f32 v38, v19;
	v14 =	vld [tilespmem:s10+$0xFFFFFF70]  }
0x32a: {  	v22 =	vadd.f32 v30, v22;
	v30 =	vmul.f32 v38, v38;
	v17 =	vadd.f32 v17, v24;
	v24 =	vld [tilespmem:s26+$0x90];
	[tilespmem:$0x1FE70] =	vst v31  }
0x32b: {  	v55 =	vadd.f32 v15, v11;
	v43 =	vadd.f32 v41, v27;
	s31 =	spop (v2sf);
	v11 =	vld [tilespmem:s26+$0x80]  }
0x32c: {  	v20 =	vadd.f32 v31, v20;
	v15 =	vadd.f32 v30, v21;
	s10 =	sshll.u32 s31, $0x9;
	v30 =	vld [tilespmem:s26+$0xA0]  }
0x32d: {  	v63 =	vmul.f32 v31, v31;
	v37 =	vadd.f32 v18, v28;
	v41 =	vadd.f32 v13, v23;
	s10 =	sshra.s32 s10, $0x2;
	v13 =	vld [tilespmem:s26+$0xC0]  }
0x32e: {  	v27 =	vmul.f32 v55, v55;
	v16 =	vadd.f32 v55, v16;
	v19 =	vadd.f32 v43, v19;
	v18 =	vld [tilespmem:s10+$0x10400]  }
0x32f: {  	v28 =	vmul.f32 v43, v43;
	v22 =	vadd.f32 v63, v22;
	v21 =	vld [tilespmem:s10+$0x10410];
	v56 =	vadd.f32 v25, v14  }
0x330: {  	v20 =	vadd.f32 v37, v20;
	v17 =	vadd.f32 v27, v17;
	v27 =	vmul.f32 v37, v37;
	v14 =	vld [tilespmem:s10+$0x10420]  }
0x331: {  	v15 =	vadd.f32 v28, v15;
	s0 =	smul.f32 $7.812500000e-03, s24;
	v25 =	vld [tilespmem:s26+$0xB0];
	v16 =	vadd.f32 v56, v16  }
0x332: {  	v50 =	vadd.f32 v26, v29;
	v22 =	vadd.f32 v27, v22;
	v27 =	vld [tilespmem:s10+$0x10430]  }
0x333: {  	v23 =	vmov s0;
	v20 =	vadd.f32 v41, v20;
	(xrf2) =	vadd.scan.msk.f32 $0xffff, v16;
	v16 =	vld [tilespmem:s10+$0x10440];
	v42 =	vadd.f32 v18, v11  }
0x334: {  	v45 =	vadd.f32 v21, v24;
	v11 =	vsub.f32 v10, v23;
	v18 =	vld [tilespmem:s26+$0xD0]  }
0x335: {  	v10 =	vadd.f32 v50, v19;
	v46 =	vadd.f32 v14, v30;
	v14 =	vld [tilespmem:s10+$0x10450];
	v24 =	vmul.f32 v56, v56  }
0x336: {  	v26 =	vld [tilespmem:s26+$0xE0];
	v19 =	vmul.f32 v42, v42;
	v21 =	vmul.f32 v45, v45;
	v28 =	vadd.f32 $0.0e+00, v42  }
0x337: {  	v39 =	vadd.f32 v27, v25;
	v25 =	vld [tilespmem:s10+$0x10460];
	v27 =	vmul.f32 v50, v50;
	v17 =	vadd.f32 v24, v17  }
0x338: {  	s3 =	spop (v2sf);
	(xrf2) =	vadd.scan.msk.f32 $0xffff, v10;
	v10 =	vld [tilespmem:s26+$0xF0];
	v19 =	vadd.f32 v21, v19;
	v21 =	vmul.f32 v46, v46;
	v24 =	vadd.f32 v45, v28  }
0x339: {  	s11 =	sshll.u32 s3, $0x9;
	(xrf2) =	vadd.scan.msk.f32 $0xffff, v20;
	v40 =	vadd.f32 v16, v13;
	v13 =	vld [tilespmem:s10+$0x10470];
	v16 =	vmul.f32 v41, v41;
	v15 =	vadd.f32 v27, v15  }
0x33a: {  	s12 =	sshra.s32 s11, $0x2;
	(xrf2) =	vadd.scan.msk.f32 $0xffff, v17;
	v17 =	vld [tilespmem:s26+$0xFFFFFF80];
	v44 =	vadd.f32 v14, v18;
	v19 =	vadd.f32 v21, v19;
	v21 =	vmul.f32 v39, v39  }
0x33b: {  	s5 =	spop (v2sf);
	v14 =	vld [tilespmem:s12+$0x10400];
	v24 =	vadd.f32 v46, v24;
	v16 =	vadd.f32 v16, v22  }
0x33c: {  	s17 =	spop (v2sf);
	s18 =	sshll.u32 s5, $0x9;
	v47 =	vadd.f32 v25, v26;
	v25 =	vld [tilespmem:s26+$0xFFFFFF00];
	v19 =	vadd.f32 v21, v19;
	v21 =	vmul.f32 v40, v40  }
0x33d: {  	(xrf2) =	vadd.scan.msk.f32 $0xffff, v15;
	v15 =	vsub.f32 v3, v23;
	s13 =	sshll.u32 s17, $0x9;
	s11 =	sshra.s32 s18, $0x2;
	v26 =	vld [tilespmem:s26+$0xFFFFFF90];
	v22 =	vadd.f32 v39, v24  }
0x33e: {  	v3 =	vsub.f32 v8, v23;
	s13 =	sshra.s32 s13, $0x2;
	v18 =	vld [tilespmem:s11+$0x10400];
	v19 =	vadd.f32 v21, v19;
	v21 =	vmul.f32 v44, v44  }
0x33f: {  	v20 =	vld [tilespmem:s13+$0x10400];
	v61 =	vadd.f32 v13, v10;
	v24, _, _ =	vpop (xrf2);
	v22 =	vadd.f32 v40, v22  }
0x340: {  	v10 =	vld [tilespmem:s26+$0x0];
	(v2sf) =	vpush v24, $0xF;
	v24 =	vmul.f32 v47, v47;
	v21 =	vadd.f32 v21, v19  }
0x341: {  	v60 =	vadd.f32 v14, v17;
	v14 =	vld [tilespmem:s12+$0x10420];
	v19 =	vsub.f32 v9, v23  }
0x342: {  	(xrf2) =	vadd.scan.msk.f32 $0xffff, v16;
	v9 =	vld [tilespmem:s13+$0x10410];
	v13 =	vadd.f32 v44, v22;
	v8, _, _ =	vpop (xrf2);
	v16 =	vadd.f32 v24, v21;
	v21 =	vmul.f32 v61, v61  }
0x343: {  	v22 =	vld [tilespmem:s12+$0x10410];
	(v2sf) =	vpush v8, $0xF  }
0x344: {  	s19 =	smul.f32 $7.812500000e-03, s14;
	v24 =	vld [tilespmem:s11+$0x10410];
	v13 =	vadd.f32 v47, v13;
	v8 =	vadd.f32 v21, v16  }
0x345: {  	s0 =	smul.f32 s0, s0;
	v4 =	vsub.f32 v4, v23;
	v49 =	vadd.f32 v20, v25;
	v20 =	vld [tilespmem:s26+$0x10]  }
0x346: {  	v5 =	vsub.f32 v5, v23;
	v16 =	vld [tilespmem:s26+$0xFFFFFF10];
	v13 =	vadd.f32 v61, v13  }
0x347: {  	v0 =	vsub.f32 v0, v23;
	s0 =	ssub.f32 s19, s0;
	v57 =	vadd.f32 v18, v10;
	v10 =	vld [tilespmem:s13+$0x10420];
	v21, _, _ =	vpop (xrf2);
	(xrf2) =	vadd.scan.msk.f32 $0xffff, v8  }
0x348: {  	v63 =	vadd.f32 v22, v26;
	v22 =	vld [tilespmem:s26+$0x20];
	(v2sf) =	vpush v21, $0xF;
	(xrf2) =	vadd.scan.msk.f32 $0xffff, v13;
	v8, _, _ =	vpop (xrf2)  }
0x349: {  	s0 =	sadd.f32 $9.999999960e-13, s0;
	v17 =	vadd.f32 $0.0e+00, v60;
	v21 =	vld [tilespmem:s11+$0x10420];
	v27, _, _ =	vpop (xrf2);
	(v2sf) =	vpush v8, $0xF  }
0x34a: {  	v58 =	vadd.f32 v24, v20;
	v20 =	vld [tilespmem:s13+$0x10430];
	(v2sf) =	vpush v27, $0xF  }
0x34b: {  	s23 =	sshrl.u32 s0, $0x1;
	s0 =	smul.f32 $5.000000000e-01, s0;
	v8 =	vsub.f32 v7, v23;
	v7 =	vld [tilespmem:s26+$0xFFFFFF20];
	v51 =	vadd.f32 v9, v16  }
0x34c: {  	s10 =	ssub.s32 $0x5F3759DF, s23;
	v28 =	vmul.f32 v60, v60;
	v18 =	vadd.f32 $0.0e+00, v57;
	v13 =	vadd.f32 $0.0e+00, v49;
	v9 =	vld [tilespmem:s26+$0xFFFFFFA0];
	v23, _, _ =	vpop (xrf2)  }
0x34d: {  	s0 =	smul.f32 s10, s0;
	v25 =	vmul.f32 v49, v49;
	v27 =	vld [tilespmem:s26+$0xFFFFFF30];
	(v2sf) =	vpush v23, $0xF;
	v23 =	vmul.f32 v51, v51  }
0x34e: {  	v17 =	vadd.f32 v63, v17;
	v16 =	vmul.f32 v57, v57;
	v24 =	vadd.f32 v51, v13  }
0x34f: {  	v29 =	vld [tilespmem:s26+$0xFFFFFFB0];
	s0 =	smul.f32 s10, s0;
	v13 =	vmul.f32 v63, v63;
	v59 =	vadd.f32 v21, v22;
	v23 =	vadd.f32 v23, v25  }
0x350: {  	v26 =	vld [tilespmem:s12+$0x10430];
	v25 =	vadd.f32 v58, v18;
	v18 =	vmul.f32 v58, v58;
	s24 =	spop (v2sf);
	v53 =	vadd.f32 v10, v7  }
0x351: {  	s0 =	ssub.f32 $1.500000000e+00, s0;
	v28 =	vadd.f32 v13, v28;
	v9 =	vadd.f32 v14, v9;
	s17 =	smul.f32 $7.812500000e-03, s24;
	v10, _, _ =	vpop (xrf2)  }
0x352: {  	v21 =	vld [tilespmem:s26+$0x30];
	v16 =	vadd.f32 v18, v16;
	v54 =	vadd.f32 v20, v27;
	v14 =	vmul.f32 v53, v53;
	v7, _, _ =	vpop (xrf2)  }
0x353: {  	s14 =	smul.f32 s10, s0;
	v18 =	vld [tilespmem:s11+$0x10430];
	v30 =	vadd.f32 v53, v24;
	v13 =	vmov s17;
	(v2sf) =	vpush v7, $0xF  }
0x354: {  	s31 =	spop (v2sf);
	v22 =	vmul.f32 v9, v9;
	v7 =	vsub.f32 v2, v13;
	v14 =	vadd.f32 v14, v23  }
0x355: {  	v20 =	vld [tilespmem:s13+$0x10440];
	v24 =	vmul.f32 s14, v11;
	s31 =	smul.f32 $7.812500000e-03, s31;
	v23 =	vadd.f32 v9, v17;
	v2 =	vadd.f32 v26, v29  }
0x356: {  	s0 =	smul.f32 s17, s17;
	v17 =	vld [tilespmem:s26+$0xFFFFFF40];
	v26 =	vmul.f32 v59, v59;
	v28 =	vadd.f32 v22, v28;
	v22 =	vmul.f32 v54, v54  }
0x357: {  	v29 =	vld [tilespmem:s26+$0xFFFFFFC0];
	v11 =	vsub.f32 v6, v13;
	[tilespmem:s25+$0xF0] =	vst v24;
	v12 =	vsub.f32 v12, v13;
	v24 =	vmul.f32 s14, v19;
	s5 =	smul.f32 s31, s31;
	s3 =	spop (v2sf)  }
0x358: {  	v19 =	vld [tilespmem:s12+$0x10450];
	(v2sf) =	vpush v10, $0xF;
	v62 =	vadd.f32 v18, v21;
	v18 =	vmul.f32 v2, v2;
	s24 =	smul.f32 $7.812500000e-03, s3;
	s23 =	spop (v2sf)  }
0x359: {  	v10 =	vsub.f32 v1, v13;
	v1 =	vadd.f32 v26, v16;
	v16 =	vld [tilespmem:s12+$0x10440];
	s17 =	smul.f32 $7.812500000e-03, s23;
	s19 =	spop (v2sf)  }
0x35a: {  	v6 =	vmov s31;
	v27 =	vadd.f32 v22, v14;
	v22 =	vld [tilespmem:s11+$0x10440];
	v18 =	vadd.f32 v18, v28;
	s19 =	smul.f32 $7.812500000e-03, s19  }
0x35b: {  	s10 =	simm.s32 $0x8500;
	v21 =	vmul.f32 v62, v62;
	v28 =	vadd.f32 v59, v25;
	v25 =	vadd.f32 v54, v30;
	v30 =	vld [tilespmem:s26+$0x40];
	s18 =	smul.f32 s24, s24;
	s0 =	ssub.f32 s17, s0  }
0x35c: {  	v26 =	vadd.f32 v2, v23;
	v23 =	vmul.f32 s14, v15;
	v14 =	vadd.f32 v20, v17;
	v20 =	vld [tilespmem:s13+$0x10450];
	s23 =	spop (v2sf);
	s17 =	simm.s32 $0x4;
	s30 =	ssub.f32 s19, s5  }
0x35d: {  	v17 =	vadd.f32 v21, v1;
	v28 =	vadd.f32 v62, v28;
	v21 =	vld [tilespmem:s11+$0x10450];
	v1 =	vmov s24;
	s19 =	smul.f32 $7.812500000e-03, s23;
	s23 =	simm.s32 $0x10A;
	s0 =	sadd.f32 $9.999999960e-13, s0  }
.LBB2_7:
0x35e: {  	v31 =	vld [tilespmem:s23+$0x1]  }
0x35f: {  	v15 =	vsub.f32 v48, v13;
	v32 =	vld [tilespmem:s23+$0xFFFFFFFF];
	v34 =	vmul.f32 s14, v8;
	v25 =	vadd.f32 v14, v25  }
0x360: {  	v8 =	vld [tilespmem:$0x1FDE0];
	v33 =	vmul.f32 v14, v14;
	v48 =	vmovc v14;
	v14 =	vsub.f32 v55, v13;
	v55 =	vmul.f32 s14, v5;
	v5 =	vmovc v60  }
0x361: {  	v4 =	vmul.f32 s14, v4;
	[tilespmem:$0x1FDE0] =	vst v5;
	v5 =	vld [tilespmem:$0x1FE00]  }
0x362: {  	[tilespmem:s25+$0x80] =	vst v24;
	v24 =	vmul.f32 s14, v3;
	v3 =	vadd.f32 v22, v30;
	v22 =	vld [tilespmem:s23+$0x0]  }
0x363: {  	[tilespmem:s25+$0x90] =	vst v23;
	v29 =	vadd.f32 v16, v29;
	v16 =	vsub.f32 v52, v13;
	v52 =	vld [tilespmem:s26+$0xFFFFFF50]  }
0x364: {  	[tilespmem:s25+$0xA0] =	vst v24;
	v24 =	vld [tilespmem:s23+$0xFFFFFFFE]  }
0x365: {  	s19 =	ssub.f32 s19, s18;
	[tilespmem:s25+$0xB0] =	vst v4;
	v4 =	vmov v63;
	v30 =	vmul.f32 v3, v3;
	(v2sf) =	vpush v31, $0x0;
	v31 =	vld [tilespmem:s26+$0xFFFFFFD0]  }
0x366: {  	s5 =	sadd.f32 $9.999999960e-13, s30;
	[tilespmem:$0x1FE00] =	vst v4;
	v4 =	vld [tilespmem:$0x1FE20];
	v23 =	vadd.f32 v29, v26;
	v26 =	vmul.f32 v29, v29;
	(v2sf) =	vpush v32, $0x0  }
0x367: {  	v32 =	vld [tilespmem:s26+$0x50];
	v30 =	vadd.f32 v30, v17;
	v17 =	vsub.f32 v8, v6  }
0x368: {  	s3 =	sshrl.u32 s0, $0x1;
	s19 =	sadd.f32 $9.999999960e-13, s19;
	s30 =	sshrl.u32 s5, $0x1;
	v8 =	vmul.f32 s14, v0;
	v0 =	vmovc v9;
	v9 =	vld [tilespmem:s26+$0xFFFFFF60];
	v26 =	vadd.f32 v26, v18;
	v52 =	vadd.f32 v20, v52  }
0x369: {  	s24 =	smul.f32 $5.000000000e-01, s0;
	s0 =	ssub.s32 $0x5F3759DF, s30;
	v18 =	vsub.f32 v56, v13;
	s30 =	spop (v2sf);
	(v2sf) =	vpush v22, $0x0;
	v22 =	vld [tilespmem:s13+$0x10460]  }
0x36a: {  	s18 =	ssub.s32 $0x5F3759DF, s3;
	s31 =	sshrl.u32 s19, $0x1;
	s3 =	smul.f32 $5.000000000e-01, s19;
	v13 =	vsub.f32 v5, v6;
	v5 =	vmov v2;
	v2 =	vadd.f32 v52, v25;
	v25 =	vld [tilespmem:s26+$0xFFFFFFE0]  }
0x36b: {  	s19 =	ssub.s32 $0x5F3759DF, s31;
	s31 =	smul.f32 $7.812500000e-03, s30;
	s30 =	spop (v2sf);
	(v2sf) =	vpush v24, $0x0;
	v24 =	vld [tilespmem:s12+$0x10460]  }
0x36c: {  	v60 =	vld [tilespmem:s26+$0x70];
	v27 =	vadd.f32 v33, v27;
	v28 =	vadd.f32 v3, v28;
	[tilespmem:$0x1FE20] =	vst v0  }
0x36d: {  	v0 =	vld [tilespmem:$0x1FE40];
	[tilespmem:$0x1FE40] =	vst v5;
	v5 =	vsub.f32 v36, v6;
	v31 =	vadd.f32 v19, v31  }
0x36e: {  	[tilespmem:s25+$0xC0] =	vst v55;
	v63 =	vld [tilespmem:s26+$0x60];
	v4 =	vsub.f32 v4, v6;
	v19 =	vadd.f32 v21, v32;
	s14 =	smul.f32 $7.812500000e-03, s30  }
0x36f: {  	v20 =	vld [tilespmem:s11+$0x10460];
	[tilespmem:s25+$0xE0] =	vst v8;
	v8 =	vmul.f32 v52, v52;
	v21 =	vadd.f32 v31, v23;
	s30 =	smul.f32 s31, s31;
	v55 =	vadd.f32 v22, v9  }
0x370: {  	s24 =	smul.f32 s18, s24;
	v36 =	vmovc v29;
	v29 =	vld [tilespmem:s13+$0x10470];
	v23 =	vmul.f32 v31, v31;
	v9 =	vsub.f32 v43, v6;
	v43 =	vadd.f32 v24, v25  }
0x371: {  	s5 =	smul.f32 $5.000000000e-01, s5;
	v27 =	vadd.f32 v8, v27;
	v8 =	vsub.f32 v38, v6;
	v38 =	vmov v31;
	v31 =	vld [tilespmem:s26+$0xFFFFFF70];
	s14 =	ssub.f32 s14, s30  }
0x372: {  	s24 =	smul.f32 s18, s24;
	v35 =	vmul.f32 v19, v19;
	v23 =	vadd.f32 v23, v26;
	v26 =	vld [tilespmem:s12+$0x10470];
	v56 =	vmul.f32 v43, v43  }
0x373: {  	s5 =	smul.f32 s0, s5;
	v0 =	vsub.f32 v0, v6;
	v28 =	vadd.f32 v19, v28;
	s13 =	sadd.f32 $9.999999960e-13, s14;
	v25 =	vld [tilespmem:s26+$0xFFFFFFF0]  }
0x374: {  	v20 =	vadd.f32 v20, v63;
	v22 =	vadd.f32 v35, v30;
	v30 =	vld [tilespmem:s11+$0x10470];
	s14 =	ssub.f32 $1.500000000e+00, s24;
	v24 =	vmul.f32 v55, v55  }
0x375: {  	s5 =	smul.f32 s0, s5;
	v63 =	vsub.f32 v50, v6;
	v2 =	vadd.f32 v55, v2  }
0x376: {  	[tilespmem:s25+$0xD0] =	vst v34;
	s30 =	smul.f32 s18, s14;
	v24 =	vadd.f32 v24, v27;
	v23 =	vadd.f32 v56, v23;
	v56 =	vmov v57  }
0x377: {  	v6 =	vld [tilespmem:$0x1FDF0];
	s26 =	sadd.s32 $0x200, s26;
	s24 =	sshrl.u32 s13, $0x1;
	s13 =	smul.f32 $5.000000000e-01, s13;
	v27 =	vadd.f32 v20, v28;
	[tilespmem:$0x1FDF0] =	vst v56;
	v56 =	vadd.f32 v29, v31  }
0x378: {  	s5 =	ssub.f32 $1.500000000e+00, s5;
	s12 =	spop (v2sf);
	v32 =	vld [tilespmem:s26+$0x90];
	v28 =	vmul.f32 v20, v20;
	s11 =	ssub.s32 $0x5F3759DF, s24;
	v7 =	vmul.f32 s30, v7;
	v50 =	vadd.f32 v26, v25  }
0x379: {  	v30 =	vadd.f32 v30, v60;
	v60 =	vld [tilespmem:s26+$0xA0];
	s14 =	smul.f32 s11, s13;
	s13 =	sshll.u32 s12, $0x9;
	v2 =	vadd.f32 v56, v2  }
0x37a: {  	s18 =	smul.f32 s0, s5;
	v22 =	vadd.f32 v28, v22;
	v28 =	vmul.f32 s30, v10;
	s0 =	sshra.s32 s13, $0x2;
	v25 =	vmovc v58;
	[tilespmem:s25+$0xFFFFFF00] =	vst v7;
	v7 =	vld [tilespmem:$0x1FE10];
	v34 =	vmul.f32 v50, v50  }
0x37b: {  	s24 =	smul.f32 s11, s14;
	[tilespmem:$0x1FE10] =	vst v25;
	v25 =	vld [tilespmem:s0+$0x10410];
	(xrf2) =	vadd.scan.msk.f32 $0xffff, v2;
	v2 =	vmul.f32 s30, v11  }
0x37c: {  	[tilespmem:s25+$0xFFFFFF10] =	vst v28;
	v23 =	vadd.f32 v34, v23;
	v34 =	vmul.f32 s30, v12;
	v12 =	vld [tilespmem:$0x1FE30]  }
0x37d: {  	s12 =	ssub.f32 $1.500000000e+00, s24;
	[tilespmem:s10+$0xFFFFFF20] =	vst v2;
	v2 =	vld [tilespmem:$0x1FE50]  }
0x37e: {  	v10 =	vmov s31;
	s14 =	spop (v2sf);
	v28 =	vld [tilespmem:s0+$0x10400]  }
0x37f: {  	s5 =	sshll.u32 s14, $0x9;
	v29 =	vld [tilespmem:s26+$0x80];
	v31 =	vsub.f32 v61, v10;
	v26 =	vmul.f32 v56, v56;
	s14 =	smul.f32 s11, s12  }
0x380: {  	v17 =	vmul.f32 s18, v17;
	v61 =	vld [tilespmem:s0+$0x10420]  }
0x381: {  	v24 =	vadd.f32 v26, v24;
	v26 =	vld [tilespmem:s26+$0xB0];
	v31 =	vmul.f32 s14, v31  }
0x382: {  	v18 =	vmul.f32 s30, v18;
	s25 =	sadd.s32 $0x200, s25;
	[tilespmem:s10+$0xFFFFFF80] =	vst v17;
	s12 =	sshra.s32 s5, $0x2;
	v58 =	vsub.f32 v12, v1;
	v12 =	vmovc v59;
	v59 =	vsub.f32 v2, v1;
	v2 =	vld [tilespmem:$0x1FE60]  }
0x383: {  	v21 =	vadd.f32 v43, v21;
	v15 =	vmul.f32 s30, v15;
	v17 =	vld [tilespmem:s12+$0x10400];
	[tilespmem:s25+$0xF0] =	vst v31  }
0x384: {  	[tilespmem:s10+$0xFFFFFF70] =	vst v18;
	v31 =	vld [tilespmem:s0+$0x10430]  }
0x385: {  	v57 =	vmov v3;
	v21 =	vadd.f32 v50, v21;
	[tilespmem:s10+$0xFFFFFF40] =	vst v15;
	v3 =	vadd.f32 v28, v29;
	v28 =	vld [tilespmem:s26+$0xC0]  }
0x386: {  	v6 =	vsub.f32 v6, v1;
	v35 =	vmul.f32 v30, v30;
	v27 =	vadd.f32 v30, v27;
	[tilespmem:s10+$0xFFFFFF30] =	vst v34;
	v29 =	vld [tilespmem:s0+$0x10440]  }
0x387: {  	s24 =	spop (v2sf);
	(xrf2) =	vadd.scan.msk.f32 $0xffff, v21;
	v21 =	vmul.f32 s30, v16;
	[tilespmem:$0x1FE30] =	vst v12;
	v34 =	vld [tilespmem:s26+$0xD0];
	v12 =	vsub.f32 v2, v1;
	v2 =	vmovc v62  }
0x388: {  	v22 =	vadd.f32 v35, v22;
	s31 =	spop (v2sf);
	v25 =	vadd.f32 v25, v32;
	v32 =	vmul.f32 s30, v14;
	[tilespmem:$0x1FE50] =	vst v2;
	v2 =	vld [tilespmem:$0x1FE70]  }
0x389: {  	v13 =	vmul.f32 s18, v13;
	v15 =	vsub.f32 v45, v10;
	s13 =	sshll.u32 s31, $0x9;
	[tilespmem:s10+$0xFFFFFF50] =	vst v21;
	v21 =	vadd.f32 $0.0e+00, v3;
	v35 =	vld [tilespmem:s0+$0x10450]  }
0x38a: {  	v7 =	vsub.f32 v7, v1;
	v11 =	vmovc v19;
	v14 =	vsub.f32 v42, v10;
	s13 =	sshra.s32 s13, $0x2;
	(xrf2) =	vadd.scan.msk.f32 $0xffff, v27;
	[tilespmem:s10+$0xFFFFFF60] =	vst v32;
	v27 =	vld [tilespmem:s0+$0x10460]  }
0x38b: {  	[tilespmem:s10+$0xFFFFFF90] =	vst v13;
	v60 =	vadd.f32 v61, v60;
	v33 =	vmul.f32 v25, v25;
	v18 =	vld [tilespmem:s13+$0x10400];
	v21 =	vadd.f32 v25, v21  }
0x38c: {  	s3 =	smul.f32 s19, s3;
	v19 =	vmul.f32 v3, v3;
	v13 =	vld [tilespmem:s26+$0xFFFFFF00];
	v28 =	vadd.f32 v29, v28;
	[tilespmem:$0x1FE70] =	vst v11;
	v11 =	vsub.f32 v41, v1  }
0x38d: {  	v4 =	vmul.f32 s18, v4;
	(xrf2) =	vadd.scan.msk.f32 $0xffff, v24;
	v24 =	vld [tilespmem:s0+$0x10470];
	v16 =	vsub.f32 v2, v1;
	v2 =	vsub.f32 v37, v1  }
0x38e: {  	s3 =	smul.f32 s19, s3;
	v29 =	vld [tilespmem:s26+$0xF0];
	v37 =	vmovc v20;
	v1 =	vadd.f32 v33, v19;
	v19 =	vmul.f32 v60, v60;
	v20 =	vadd.f32 v31, v26  }
0x38f: {  	[tilespmem:s10+$0xFFFFFFA0] =	vst v4;
	v4 =	vsub.f32 v39, v10;
	v21 =	vadd.f32 v60, v21;
	v26 =	vld [tilespmem:s26+$0xE0]  }
0x390: {  	s3 =	ssub.f32 $1.500000000e+00, s3;
	v41 =	vmov v30;
	v30, _, _ =	vpop (xrf2);
	v1 =	vadd.f32 v19, v1;
	v19 =	vmul.f32 v20, v20  }
0x391: {  	v18 =	vadd.f32 v18, v13;
	(v2sf) =	vpush v30, $0xF  }
0x392: {  	s19 =	smul.f32 s19, s3;
	s3 =	sshll.u32 s24, $0x9;
	(xrf2) =	vadd.scan.msk.f32 $0xffff, v23;
	v31 =	vadd.f32 v35, v34;
	v1 =	vadd.f32 v19, v1;
	v19 =	vmul.f32 v28, v28  }
0x393: {  	v0 =	vmul.f32 s18, v0;
	s11 =	sshra.s32 s3, $0x2;
	v45 =	vmovc v25;
	v61 =	vadd.f32 v24, v29;
	v21 =	vadd.f32 v20, v21  }
0x394: {  	v13 =	vld [tilespmem:s11+$0x10410];
	v25 =	vadd.f32 v27, v26;
	v26, _, _ =	vpop (xrf2);
	v1 =	vadd.f32 v19, v1;
	v19 =	vmul.f32 v31, v31  }
0x395: {  	v6 =	vmul.f32 s19, v6;
	v23 =	vld [tilespmem:s11+$0x10400];
	v21 =	vadd.f32 v28, v21;
	(xrf2) =	vadd.scan.msk.f32 $0xffff, v22;
	(v2sf) =	vpush v26, $0xF  }
0x396: {  	v26 =	vld [tilespmem:s26+$0xFFFFFF80];
	[tilespmem:s10+$0xFFFFFFB0] =	vst v0;
	v0 =	vmul.f32 s18, v5;
	v1 =	vadd.f32 v19, v1;
	v19 =	vmul.f32 v25, v25  }
0x397: {  	v9 =	vmul.f32 s18, v9;
	v42 =	vmovc v3;
	v3 =	vsub.f32 v46, v10;
	v39 =	vmovc v20;
	v22 =	vld [tilespmem:s26+$0x0];
	v21 =	vadd.f32 v31, v21  }
0x398: {  	v24, _, _ =	vpop (xrf2);
	v20 =	vld [tilespmem:s12+$0x10410];
	[tilespmem:s10+$0xFFFFFFC0] =	vst v0;
	v0 =	vmul.f32 s18, v8;
	v1 =	vadd.f32 v19, v1;
	v19 =	vmul.f32 v61, v61  }
0x399: {  	v7 =	vmul.f32 s19, v7;
	v27 =	vld [tilespmem:s13+$0x10410];
	v5 =	vsub.f32 v40, v10;
	(v2sf) =	vpush v24, $0xF;
	v8, _, _ =	vpop (xrf2)  }
0x39a: {  	v12 =	vmul.f32 s19, v12;
	(v2sf) =	vpush v8, $0xF;
	[tilespmem:s10+$0xFFFFFFD0] =	vst v0;
	v1 =	vadd.f32 v19, v1;
	v19 =	vld [tilespmem:s26+$0xFFFFFF10]  }
0x39b: {  	v46 =	vmovc v60;
	[tilespmem:$0x1FE60] =	vst v57;
	v0 =	vmul.f32 s18, v63;
	v60 =	vadd.f32 v17, v26;
	v17 =	vadd.f32 v25, v21;
	v26 =	vld [tilespmem:s26+$0xFFFFFF90]  }
0x39c: {  	v40 =	vmov v28;
	v28, _, _ =	vpop (xrf2);
	v8 =	vsub.f32 v44, v10;
	v57 =	vadd.f32 v23, v22;
	v23 =	vld [tilespmem:s26+$0x10];
	[tilespmem:s10+$0xFFFFFFE0] =	vst v9  }
0x39d: {  	v16 =	vmul.f32 s19, v16;
	(v2sf) =	vpush v28, $0xF;
	v9 =	vld [tilespmem:s13+$0x10420];
	[tilespmem:s10+$0xFFFFFFF0] =	vst v0;
	v17 =	vadd.f32 v61, v17  }
0x39e: {  	v24 =	vmul.f32 v18, v18;
	v21 =	vadd.f32 $0.0e+00, v18;
	v29 =	vadd.f32 $0.0e+00, v57;
	v32 =	vld [tilespmem:s12+$0x10420];
	(xrf2) =	vadd.scan.msk.f32 $0xffff, v1  }
0x39f: {  	v0 =	vsub.f32 v47, v10;
	(xrf2) =	vadd.scan.msk.f32 $0xffff, v17;
	v17 =	vadd.f32 v27, v19;
	v19 =	vld [tilespmem:s11+$0x10420];
	[tilespmem:s10+$0x0] =	vst v6  }
0x3a0: {  	v1 =	vadd.f32 $0.0e+00, v60;
	v10, _, _ =	vpop (xrf2);
	v63 =	vadd.f32 v20, v26;
	v27 =	vld [tilespmem:s26+$0xFFFFFF20];
	v6 =	vmul.f32 s19, v58;
	[tilespmem:s10+$0x10] =	vst v7  }
0x3a1: {  	v30 =	vmul.f32 v57, v57;
	(v2sf) =	vpush v10, $0xF;
	v58 =	vadd.f32 v13, v23;
	v23 =	vld [tilespmem:s26+$0x20]  }
0x3a2: {  	s18 =	spop (v2sf);
	v10 =	vadd.f32 v17, v21;
	v20 =	vmul.f32 v17, v17;
	v21 =	vld [tilespmem:s26+$0xFFFFFFA0];
	[tilespmem:s10+$0x20] =	vst v6;
	v6 =	vmul.f32 s19, v59  }
0x3a3: {  	v47 =	vmovc v25;
	s0 =	smul.f32 $7.812500000e-03, s18;
	v22 =	vmul.f32 v60, v60;
	v28 =	vld [tilespmem:s12+$0x10430];
	v1 =	vadd.f32 v63, v1;
	v7 =	vmul.f32 v63, v63  }
0x3a4: {  	v25 =	vadd.f32 v58, v29;
	v26 =	vmul.f32 v58, v58;
	v20 =	vadd.f32 v20, v24;
	v24 =	vld [tilespmem:s13+$0x10430];
	[tilespmem:s10+$0x30] =	vst v6  }
0x3a5: {  	v44 =	vmovc v31;
	v13 =	vmov s0;
	v22 =	vadd.f32 v7, v22;
	s24 =	spop (v2sf);
	v31 =	vadd.f32 v9, v27;
	v27 =	vld [tilespmem:s11+$0x10430];
	[tilespmem:s10+$0x40] =	vst v12  }
0x3a6: {  	v7 =	vsub.f32 v49, v13;
	v26 =	vadd.f32 v26, v30;
	v30 =	vld [tilespmem:s26+$0xFFFFFF30];
	s3 =	smul.f32 $7.812500000e-03, s24;
	[tilespmem:s10+$0x50] =	vst v16  }
0x3a7: {  	v49 =	vmov v18;
	v59 =	vadd.f32 v19, v23;
	v62 =	vld [tilespmem:s26+$0x30];
	v9 =	vadd.f32 v32, v21  }
0x3a8: {  	s30 =	smul.f32 s0, s0;
	v29, _, _ =	vpop (xrf2);
	v6 =	vmov s3;
	v12 =	vadd.f32 v31, v10;
	v18 =	vmul.f32 v31, v31;
	v21 =	vld [tilespmem:s26+$0xFFFFFFB0]  }
0x3a9: {  	s31 =	spop (v2sf);
	s0 =	smul.f32 s3, s3;
	v10 =	vsub.f32 v51, v13;
	v51 =	vmovc v17;
	v34 =	vadd.f32 v59, v25;
	v25 =	vmul.f32 v59, v59  }
0x3aa: {  	v33 =	vld [tilespmem:s13+$0x10440];
	s3 =	smul.f32 $7.812500000e-03, s31;
	v19 =	vadd.f32 v9, v1;
	v23 =	vmul.f32 v9, v9;
	v1, _, _ =	vpop (xrf2);
	v17 =	vadd.f32 v18, v20  }
0x3ab: {  	v16 =	vld [tilespmem:s12+$0x10440];
	v35 =	vadd.f32 v24, v30;
	v20 =	vmul.f32 s19, v2;
	(v2sf) =	vpush v1, $0xF  }
0x3ac: {  	s17 =	sadd.s32 $0x4, s17;
	s5 =	spop (v2sf);
	s18 =	smul.f32 s3, s3;
	v24 =	vmul.f32 s19, v11;
	(v2sf) =	vpush v29, $0xF;
	v18 =	vadd.f32 v23, v22;
	v22 =	vld [tilespmem:s11+$0x10440]  }
0x3ad: {  	p3 =	slt.u32 s17, $0x7C;
	v1 =	vmov s3;
	s3 =	smul.f32 $7.812500000e-03, s5;
	v23 =	vld [tilespmem:s26+$0xFFFFFF40];
	v62 =	vadd.f32 v27, v62;
	v2 =	vadd.f32 v28, v21  }
.Ltmp9:
0x3ae: {  	s24 =	spop (v2sf);
	v29 =	vld [tilespmem:s26+$0xFFFFFFC0];
	v21 =	vadd.f32 v25, v26;
	v25 =	vadd.f32 v35, v12;
	v12 =	vmul.f32 v35, v35;
	(pc) =	sbr.rel @p3 .LBB2_7-.Ltmp9, $4  }
0x3af: {  	v11 =	vsub.f32 v53, v13;
	s5 =	smul.f32 $7.812500000e-03, s24;
	[tilespmem:s10+$0x60] =	vst v20;
	v20 =	vld [tilespmem:s13+$0x10450];
	v26 =	vadd.f32 v2, v19;
	v19 =	vmul.f32 v2, v2  }
0x3b0: {  	v30 =	vld [tilespmem:s26+$0x40];
	s3 =	ssub.f32 s3, s30;
	v28 =	vadd.f32 v62, v34;
	v27 =	vadd.f32 v12, v17;
	v17 =	vmul.f32 v62, v62  }
0x3b1: {  	s23 =	sadd.s32 $0x4, s23;
	[tilespmem:s10+$0x70] =	vst v24;
	s30 =	ssub.f32 s5, s0;
	v24 =	vmul.f32 s14, v14;
	s31 =	spop (v2sf);
	v12 =	vsub.f32 v54, v13;
	v18 =	vadd.f32 v19, v18;
	v19 =	vld [tilespmem:s12+$0x10450]  }
0x3b2: {  	v53 =	vmovc v31;
	s10 =	smov.u32 s25;
	v54 =	vmovc v35;
	s0 =	sadd.f32 $9.999999960e-13, s3;
	s19 =	smul.f32 $7.812500000e-03, s31;
	v14 =	vadd.f32 v33, v23;
	v17 =	vadd.f32 v17, v21;
	v21 =	vld [tilespmem:s11+$0x10450];
	v23 =	vmul.f32 s14, v15  }
0x3b3: {  	v32 =	vld [tilespmem:s26+$0x50];
	_ =	sdelay $0x3  }
0x3b4: {  	v15 =	vld [tilespmem:s26+$0xFFFFFF50]  }
0x3b5: {  	v31 =	vld [tilespmem:s26+$0xFFFFFFD0];
	[tilespmem:$0x1FD30] =	vst v32  }
0x3b6: {  	v32 =	vld [tilespmem:s13+$0x10460];
	_ =	sdelay $0x4  }
0x3b7: {  	[tilespmem:$0x1FD40] =	vst v32  }
0x3b8: {  	v32 =	vld [tilespmem:s12+$0x10460];
	_ =	sdelay $0x4  }
0x3b9: {  	[tilespmem:$0x1FD50] =	vst v32  }
0x3ba: {  	v32 =	vld [tilespmem:s11+$0x10460];
	_ =	sdelay $0x4  }
0x3bb: {  	[tilespmem:$0x1FD60] =	vst v32  }
0x3bc: {  	v32 =	vld [tilespmem:s13+$0x10470]  }
0x3bd: {  	v16 =	vadd.f32 v16, v29;
	v15 =	vadd.f32 v20, v15;
	v20 =	vmul.f32 v14, v14;
	v34 =	vld [tilespmem:s26+$0xFFFFFF60]  }
0x3be: {  	v35 =	vld [tilespmem:s26+$0xFFFFFFE0]  }
0x3bf: {  	v27 =	vadd.f32 v20, v27;
	v20 =	vmul.f32 v15, v15;
	v33 =	vld [tilespmem:s26+$0x60];
	[tilespmem:$0x1FD80] =	vst v16  }
0x3c0: {  	v30 =	vadd.f32 v22, v30;
	v22 =	vadd.f32 v19, v31;
	v31 =	vld [tilespmem:$0x1FD30];
	[tilespmem:$0x1FDD0] =	vst v15  }
0x3c1: {  	v19 =	vadd.f32 v20, v27;
	v20 =	vld [tilespmem:$0x1FD40];
	[tilespmem:$0x1FD70] =	vst v32  }
0x3c2: {  	v29 =	vld [tilespmem:s26+$0xFFFFFF70]  }
0x3c3: {  	[tilespmem:$0x1FD90] =	vst v22;
	v22 =	vld [tilespmem:$0x1FD50];
	_ =	sdelay $0x1  }
0x3c4: {  	v27 =	vld [tilespmem:$0x1FD60]  }
0x3c5: {  	v16 =	vmov v15;
	v15 =	vadd.f32 v20, v34;
	v32 =	vld [tilespmem:s12+$0x10470];
	[tilespmem:$0x1FDC0] =	vst v19  }
0x3c6: {  	v31 =	vadd.f32 v21, v31;
	v21 =	vld [tilespmem:s26+$0xFFFFFFF0]  }
0x3c7: {  	[tilespmem:$0x1FDA0] =	vst v15;
	v15 =	vadd.f32 v22, v35;
	v35 =	vld [tilespmem:$0x1FD70];
	_ =	sdelay $0x1  }
0x3c8: {  	v19 =	vadd.f32 v27, v33;
	v27 =	vld [tilespmem:$0x1FD80];
	_ =	sdelay $0x2  }
0x3c9: {  	v33 =	vadd.f32 v14, v25;
	v34 =	vld [tilespmem:s11+$0x10470];
	v25 =	vadd.f32 v35, v29  }
0x3ca: {  	v22 =	vld [tilespmem:s26+$0x70]  }
0x3cb: {  	[tilespmem:$0x1FDB0] =	vst v25;
	v25 =	vadd.f32 v27, v26;
	v26 =	vadd.f32 v30, v28  }
0x3cc: {  	v29 =	vld [tilespmem:$0x1FD90]  }
0x3cd: {  	v28 =	vmov v31;
	v26 =	vadd.f32 v31, v26;
	v31 =	vld [tilespmem:$0x1FDA0];
	_ =	sdelay $0x1  }
0x3ce: {  	v22 =	vadd.f32 v34, v22;
	v34 =	vld [tilespmem:$0x1FDB0]  }
0x3cf: {  	v20 =	vadd.f32 v16, v33  }
0x3d0: {  	s23 =	smul.f32 $5.000000000e-01, s0;
	s3 =	spop (v2sf);
	v33 =	vadd.f32 v29, v25  }
0x3d1: {  	s13 =	spop (v2sf);
	s11 =	smul.f32 $7.812500000e-03, s3;
	v35 =	vadd.f32 v32, v21;
	v20 =	vadd.f32 v31, v20  }
0x3d2: {  	s17 =	sshrl.u32 s0, $0x1;
	s3 =	smul.f32 $7.812500000e-03, s13;
	v32 =	vadd.f32 v19, v26;
	v33 =	vadd.f32 v15, v33;
	v26 =	vmov v19;
	v19 =	vld [tilespmem:$0x1FDC0]  }
0x3d3: {  	s12 =	ssub.s32 $0x5F3759DF, s17;
	s5 =	smul.f32 s11, s11;
	v20 =	vadd.f32 v34, v20  }
0x3d4: {  	s0 =	smul.f32 s12, s23;
	v16 =	vadd.f32 v35, v33  }
0x3d5: {  	s3 =	ssub.f32 s3, s5;
	v21 =	vmul.f32 v31, v31;
	(xrf2) =	vadd.scan.msk.f32 $0xffff, v20  }
0x3d6: {  	s0 =	smul.f32 s12, s0;
	v33 =	vmul.f32 v27, v27;
	(xrf2) =	vadd.scan.msk.f32 $0xffff, v16  }
0x3d7: {  	s3 =	sadd.f32 $9.999999960e-13, s3;
	v25 =	vmov v15;
	v15 =	vadd.f32 v21, v19;
	v21 =	vmul.f32 v34, v34  }
0x3d8: {  	s0 =	ssub.f32 $1.500000000e+00, s0;
	v19 =	vadd.f32 v22, v32;
	v32 =	vadd.f32 v33, v18;
	v33 =	vmul.f32 v29, v29  }
0x3d9: {  	v3 =	vmul.f32 s14, v3;
	s24 =	sshrl.u32 s3, $0x1;
	s3 =	smul.f32 $5.000000000e-01, s3;
	[tilespmem:s25+$0x80] =	vst v24;
	v15 =	vadd.f32 v21, v15  }
0x3da: {  	s0 =	smul.f32 s12, s0;
	s5 =	ssub.s32 $0x5F3759DF, s24;
	[tilespmem:s25+$0x90] =	vst v23;
	v20 =	vadd.f32 v33, v32;
	v21 =	vmul.f32 v25, v25;
	v32 =	vmul.f32 v30, v30  }
0x3db: {  	v4 =	vmul.f32 s14, v4;
	v5 =	vmul.f32 s14, v5;
	s3 =	smul.f32 s5, s3;
	[tilespmem:s25+$0xA0] =	vst v3;
	(xrf2) =	vadd.scan.msk.f32 $0xffff, v19  }
0x3dc: {  	(xrf2) =	vadd.scan.msk.f32 $0xffff, v15;
	v15 =	vadd.f32 v21, v20;
	v16 =	vadd.f32 v32, v17;
	v20 =	vmul.f32 v28, v28  }
0x3dd: {  	v7 =	vmul.f32 s0, v7;
	s3 =	smul.f32 s5, s3;
	[tilespmem:s25+$0xB0] =	vst v4;
	v33 =	vmul.f32 v35, v35  }
0x3de: {  	v23 =	vmul.f32 s14, v8;
	[tilespmem:s25+$0xC0] =	vst v5;
	v24 =	vmul.f32 v26, v26;
	v16 =	vadd.f32 v20, v16  }
0x3df: {  	s3 =	ssub.f32 $1.500000000e+00, s3;
	[tilespmem:s25+$0xFFFFFF00] =	vst v7;
	v15 =	vadd.f32 v33, v15;
	v33 =	vmul.f32 s14, v0;
	v0 =	vmov s11;
	v21, _, _ =	vpop (xrf2)  }
0x3e0: {  	[tilespmem:s25+$0xD0] =	vst v23;
	v19 =	vadd.f32 v24, v16;
	v24 =	vmul.f32 s0, v10;
	(v2sf) =	vpush v21, $0xF;
	v32, _, _ =	vpop (xrf2)  }
0x3e1: {  	s12 =	smul.f32 s5, s3;
	[tilespmem:s25+$0xE0] =	vst v33;
	v33 =	vmul.f32 s0, v11;
	v21 =	vsub.f32 v61, v0;
	(v2sf) =	vpush v32, $0xF  }
0x3e2: {  	s26 =	sadd.f32 $9.999999960e-13, s30;
	[tilespmem:s25+$0xFFFFFF10] =	vst v24;
	v32 =	vsub.f32 v48, v13;
	v48 =	vsub.f32 v52, v13;
	v52 =	vmul.f32 s0, v12  }
0x3e3: {  	[tilespmem:s10+$0xFFFFFF20] =	vst v33;
	v3 =	vmul.f32 s12, v21  }
0x3e4: {  	v55 =	vsub.f32 v55, v13;
	s30 =	sshrl.u32 s26, $0x1;
	s31 =	smul.f32 $5.000000000e-01, s26;
	s11 =	sadd.s32 $0x200, s25;
	v4 =	vmul.f32 s0, v32;
	[tilespmem:s10+$0xFFFFFF30] =	vst v52  }
0x3e5: {  	s13 =	ssub.s32 $0x5F3759DF, s30;
	v23 =	vmul.f32 v22, v22;
	[tilespmem:s11+$0xF0] =	vst v3;
	v3 =	vmul.f32 s0, v48  }
0x3e6: {  	s17 =	smul.f32 s13, s31;
	v61 =	vsub.f32 v56, v13;
	v13 =	vmul.f32 s0, v55;
	[tilespmem:s10+$0xFFFFFF40] =	vst v4  }
0x3e7: {  	v5 =	vadd.f32 v23, v19;
	v4 =	vld [tilespmem:$0x1FDE0];
	[tilespmem:s10+$0xFFFFFF50] =	vst v3  }
0x3e8: {  	s3 =	smul.f32 s13, s17;
	(xrf2) =	vadd.scan.msk.f32 $0xffff, v15;
	v15 =	vmul.f32 s0, v61;
	v3 =	vld [tilespmem:$0x1FE00];
	[tilespmem:s10+$0xFFFFFF60] =	vst v13  }
0x3e9: {  	v18, _, _ =	vpop (xrf2);
	(xrf2) =	vadd.scan.msk.f32 $0xffff, v5;
	v5 =	vld [tilespmem:$0x1FE20]  }
0x3ea: {  	s3 =	ssub.f32 $1.500000000e+00, s3;
	(v2sf) =	vpush v18, $0xF;
	v20, _, _ =	vpop (xrf2);
	[tilespmem:s10+$0xFFFFFF70] =	vst v15  }
0x3eb: {  	(v2sf) =	vpush v20, $0xF;
	v7 =	vld [tilespmem:$0x1FE40]  }
0x3ec: {  	s3 =	smul.f32 s13, s3;
	v4 =	vsub.f32 v4, v6  }
0x3ed: {  	s23 =	ssub.f32 s19, s18;
	v3 =	vsub.f32 v3, v6  }
0x3ee: {  	v5 =	vsub.f32 v5, v6;
	v4 =	vmul.f32 s3, v4  }
0x3ef: {  	s5 =	sadd.f32 $9.999999960e-13, s23;
	v16 =	vsub.f32 v36, v6;
	v3 =	vmul.f32 s3, v3  }
0x3f0: {  	v7 =	vsub.f32 v7, v6;
	[tilespmem:s10+$0xFFFFFF80] =	vst v4;
	v5 =	vmul.f32 s3, v5  }
0x3f1: {  	s24 =	sshrl.u32 s5, $0x1;
	s5 =	smul.f32 $5.000000000e-01, s5;
	v17 =	vsub.f32 v38, v6;
	v4 =	vmul.f32 s3, v16;
	[tilespmem:s10+$0xFFFFFF90] =	vst v3  }
0x3f2: {  	s17 =	ssub.s32 $0x5F3759DF, s24;
	v7 =	vmul.f32 s3, v7;
	[tilespmem:s10+$0xFFFFFFA0] =	vst v5  }
0x3f3: {  	s5 =	smul.f32 s17, s5;
	v12, _, _ =	vpop (xrf2);
	v3 =	vmul.f32 s3, v17;
	[tilespmem:s10+$0xFFFFFFC0] =	vst v4  }
0x3f4: {  	v18 =	vsub.f32 v43, v6;
	(v2sf) =	vpush v12, $0xF;
	[tilespmem:s10+$0xFFFFFFB0] =	vst v7  }
0x3f5: {  	s25 =	smul.f32 s17, s5;
	v4 =	vld [tilespmem:$0x1FDF0];
	[tilespmem:s10+$0xFFFFFFD0] =	vst v3  }
0x3f6: {  	v5 =	vmul.f32 s3, v18;
	v3 =	vld [tilespmem:$0x1FE10]  }
0x3f7: {  	v19 =	vsub.f32 v50, v6;
	s0 =	ssub.f32 $1.500000000e+00, s25;
	s26 =	spop (v2sf)  }
0x3f8: {  	s14 =	smul.f32 $7.812500000e-03, s26;
	s30 =	spop (v2sf);
	[tilespmem:s10+$0xFFFFFFE0] =	vst v5  }
0x3f9: {  	s0 =	smul.f32 s17, s0;
	v6 =	vmul.f32 s3, v19;
	s31 =	spop (v2sf);
	v5 =	vld [tilespmem:$0x1FE30]  }
0x3fa: {  	v38 =	vsub.f32 v44, v0;
	s23 =	smul.f32 s14, s14;
	s24 =	spop (v2sf);
	v4 =	vsub.f32 v4, v1  }
0x3fb: {  	v36 =	vsub.f32 v39, v0;
	s25 =	smul.f32 $7.812500000e-03, s24;
	[tilespmem:s10+$0xFFFFFFF0] =	vst v6;
	v3 =	vsub.f32 v3, v1  }
0x3fc: {  	v24 =	vsub.f32 v42, v0;
	v33 =	vsub.f32 v46, v0;
	v6 =	vld [tilespmem:$0x1FE50];
	v4 =	vmul.f32 s0, v4  }
0x3fd: {  	v21 =	vsub.f32 v37, v1;
	v37 =	vsub.f32 v40, v0;
	v20, _, _ =	vpop (xrf2);
	s3 =	ssub.f32 s25, s23;
	v3 =	vmul.f32 s0, v3  }
0x3fe: {  	(v2sf) =	vpush v20, $0xF;
	v5 =	vsub.f32 v5, v1;
	[tilespmem:s10+$0x0] =	vst v4  }
0x3ff: {  	v32 =	vsub.f32 v45, v0;
	v0 =	vsub.f32 v47, v0;
	s3 =	sadd.f32 $9.999999960e-13, s3;
	v4 =	vld [tilespmem:$0x1FE60];
	[tilespmem:s10+$0x10] =	vst v3  }
0x400: {  	s13 =	smul.f32 $7.812500000e-03, s30;
	v5 =	vmul.f32 s0, v5;
	v3 =	vld [tilespmem:$0x1FE70]  }
0x401: {  	v0 =	vmul.f32 s12, v0;
	s30 =	sshrl.u32 s3, $0x1;
	s3 =	smul.f32 $5.000000000e-01, s3;
	v6 =	vsub.f32 v6, v1  }
0x402: {  	s5 =	smul.f32 s13, s13;
	s19 =	ssub.s32 $0x5F3759DF, s30;
	[tilespmem:s10+$0x20] =	vst v5;
	v5 =	vmul.f32 s0, v21  }
0x403: {  	v23 =	vsub.f32 v41, v1;
	s26 =	spop (v2sf);
	s3 =	smul.f32 s19, s3;
	v6 =	vmul.f32 s0, v6;
	[tilespmem:s11+$0xE0] =	vst v0  }
0x404: {  	s18 =	smul.f32 $7.812500000e-03, s26;
	[tilespmem:s10+$0x60] =	vst v5;
	v5 =	vmul.f32 s12, v33;
	v4 =	vsub.f32 v4, v1  }
0x405: {  	s3 =	smul.f32 s19, s3;
	[tilespmem:s10+$0x30] =	vst v6;
	v3 =	vsub.f32 v3, v1;
	v1 =	vmul.f32 s0, v23  }
0x406: {  	s5 =	ssub.f32 s18, s5;
	[tilespmem:s11+$0xA0] =	vst v5;
	v4 =	vmul.f32 s0, v4  }
0x407: {  	s3 =	ssub.f32 $1.500000000e+00, s3;
	v3 =	vmul.f32 s0, v3;
	[tilespmem:s10+$0x70] =	vst v1  }
0x408: {  	v39 =	vmov s14;
	v1 =	vmul.f32 s12, v36;
	[tilespmem:s10+$0x40] =	vst v4  }
0x409: {  	v40 =	vsub.f32 v49, v39;
	s5 =	sadd.f32 $9.999999960e-13, s5;
	s3 =	smul.f32 s19, s3;
	v4 =	vmul.f32 s12, v24;
	[tilespmem:s10+$0x50] =	vst v3  }
0x40a: {  	s31 =	smul.f32 $7.812500000e-03, s31;
	v3 =	vmul.f32 s12, v32;
	[tilespmem:s11+$0xB0] =	vst v1  }
0x40b: {  	s23 =	smul.f32 $5.000000000e-01, s5;
	s5 =	sshrl.u32 s5, $0x1;
	v1 =	vmul.f32 s3, v40;
	[tilespmem:s11+$0x80] =	vst v4  }
0x40c: {  	v41 =	vsub.f32 v51, v39;
	s18 =	smul.f32 s31, s31;
	s5 =	ssub.s32 $0x5F3759DF, s5;
	v4 =	vmul.f32 s12, v37;
	[tilespmem:s11+$0x90] =	vst v3  }
0x40d: {  	s24 =	spop (v2sf);
	s25 =	smul.f32 s5, s23;
	v3 =	vmul.f32 s12, v38;
	[tilespmem:s11+$0xFFFFFF00] =	vst v1  }
0x40e: {  	v42 =	vsub.f32 v53, v39;
	s17 =	smul.f32 $7.812500000e-03, s24;
	[tilespmem:s11+$0xC0] =	vst v4;
	v4 =	vmul.f32 s3, v41  }
0x40f: {  	v43 =	vsub.f32 v54, v39;
	s12 =	smul.f32 s5, s25;
	[tilespmem:s11+$0xD0] =	vst v3  }
0x410: {  	v44 =	vsub.f32 v14, v39;
	s10 =	ssub.f32 s17, s18;
	v3 =	vmul.f32 s3, v42;
	[tilespmem:s11+$0xFFFFFF10] =	vst v4  }
0x411: {  	v5 =	vsub.f32 v34, v39;
	v0 =	vmul.f32 s3, v43;
	s12 =	ssub.f32 $1.500000000e+00, s12;
	v4 =	vld [tilespmem:$0x1FDD0]  }
0x412: {  	v45 =	vsub.f32 v31, v39;
	v46 =	vmov s13;
	s10 =	sadd.f32 $9.999999960e-13, s10;
	v1 =	vmul.f32 s3, v44;
	[tilespmem:s11+$0xFFFFFF20] =	vst v3  }
0x413: {  	v47 =	vsub.f32 v60, v46;
	v5 =	vmul.f32 s3, v5;
	[tilespmem:s11+$0xFFFFFF30] =	vst v0;
	s5 =	smul.f32 s5, s12  }
0x414: {  	v49 =	vsub.f32 v9, v46;
	s26 =	smul.f32 $5.000000000e-01, s10;
	s10 =	sshrl.u32 s10, $0x1;
	[tilespmem:s11+$0xFFFFFF40] =	vst v1;
	v3 =	vmul.f32 s3, v45  }
0x415: {  	v2 =	vsub.f32 v2, v46;
	s10 =	ssub.s32 $0x5F3759DF, s10;
	[tilespmem:s11+$0xFFFFFF70] =	vst v5;
	v1 =	vmul.f32 s5, v47  }
0x416: {  	s30 =	smul.f32 s10, s26;
	v0 =	vsub.f32 v35, v46;
	[tilespmem:s11+$0xFFFFFF60] =	vst v3;
	v3 =	vmul.f32 s5, v49;
	v4 =	vsub.f32 v4, v39  }
0x417: {  	v2 =	vmul.f32 s5, v2;
	[tilespmem:s11+$0xFFFFFF80] =	vst v1  }
0x418: {  	v50 =	vsub.f32 v27, v46;
	v0 =	vmul.f32 s5, v0;
	[tilespmem:s11+$0xFFFFFFA0] =	vst v3;
	v4 =	vmul.f32 s3, v4;
	s3 =	smul.f32 s10, s30  }
0x419: {  	v48 =	vsub.f32 v63, v46;
	[tilespmem:s11+$0xFFFFFFB0] =	vst v2  }
0x41a: {  	v52 =	vsub.f32 v25, v46;
	v1 =	vmul.f32 s5, v50;
	[tilespmem:s11+$0xFFFFFFF0] =	vst v0;
	s3 =	ssub.f32 $1.500000000e+00, s3  }
0x41b: {  	v51 =	vsub.f32 v29, v46;
	v53 =	vmov s31;
	[tilespmem:s11+$0xFFFFFF50] =	vst v4;
	v4 =	vmul.f32 s5, v48  }
0x41c: {  	v54 =	vsub.f32 v57, v53;
	v3 =	vmul.f32 s5, v52;
	[tilespmem:s11+$0xFFFFFFC0] =	vst v1;
	s31 =	smul.f32 s10, s3  }
0x41d: {  	v55 =	vsub.f32 v58, v53;
	[tilespmem:s11+$0xFFFFFF90] =	vst v4;
	v4 =	vmul.f32 s5, v51  }
0x41e: {  	v56 =	vsub.f32 v59, v53;
	[tilespmem:s11+$0xFFFFFFE0] =	vst v3;
	v1 =	vmul.f32 s31, v54  }
0x41f: {  	v57 =	vsub.f32 v62, v53;
	[tilespmem:s11+$0xFFFFFFD0] =	vst v4;
	v4 =	vmul.f32 s31, v55  }
0x420: {  	v59 =	vsub.f32 v28, v53;
	v3 =	vmul.f32 s31, v56;
	[tilespmem:s11+$0x0] =	vst v1  }
0x421: {  	v60 =	vsub.f32 v26, v53;
	v0 =	vmul.f32 s31, v57;
	[tilespmem:s11+$0x10] =	vst v4  }
0x422: {  	v2 =	vsub.f32 v22, v53;
	v61 =	vmul.f32 s31, v59;
	[tilespmem:s11+$0x20] =	vst v3  }
0x423: {  	v58 =	vsub.f32 v30, v53;
	v62 =	vmul.f32 s31, v60;
	[tilespmem:s11+$0x30] =	vst v0  }
0x424: {  	v63 =	vmul.f32 s31, v2;
	[tilespmem:s11+$0x50] =	vst v61  }
0x425: {  	v1 =	vmul.f32 s31, v58;
	[tilespmem:s11+$0x60] =	vst v62  }
0x426: {  	[tilespmem:s11+$0x70] =	vst v63  }
0x427: {  	[tilespmem:s11+$0x40] =	vst v1  }
0x428: {  	v62 =	vld [tilespmem:$0x1FEC0]  }
0x429: {  	v63 =	vld [tilespmem:$0x1FE90]  }
.LBB2_12:
0x42a: {  	s0 =	sshll.u32 s20, $0xF  }
0x42b: {  	s0 =	sadd.s32 s15, s0  }
0x42c: {  	s0 =	sshrl.u32 s0, $0x3  }
0x42d: {  	s3 =	simm.s32 $0x8400;
	s0 =	sadd.s32 s6, s0  }
0x42e: {  	[hbm4b:s0+s7] =	stream.linear.scatter [tilespmem:s3], [sflag:$0x5], $0x4000, $0x38;
	[tilespmem:$0x1CD00] =	vst v63  }
0x42f: {  	_ =	swait.ge [sflag:s4], $0x4000  }
0x430: {  	[sflag:s4] =	ssyncset.done $0x0  }
0x431: {  	s0 =	simm.s32 @!p1 $0x1;
	[sflag:s4] =	ssyncadd.s32 $0xFFFFC000  }
0x432: {  	v0 =	vlaneseq.u32 @!p1;
	_ =	swait.ge @!p1 [sflag:s0], $0x80  }
0x433: {  	v1 =	vor.u32 @!p1 s22, v0;
	[sflag:s0] =	ssyncset.done @!p1 $0x0  }
0x434: {  	v2 =	vmulhi.u32 @!p1 $0x51EB851F, v1;
	[sflag:s0] =	ssyncadd.s32 @!p1 $0xFFFFFF80  }
0x435: {  	s3 =	sor.u32 @!p1 $0x10, s22;
	_ =	swait.ge @!p1 [sflag:s0], $0x80  }
0x436: {  	v2 =	vshrl.u32 @!p1 v2, $0x6;
	v3 =	vor.u32 @!p1 s3, v0;
	[sflag:s0] =	ssyncset.done @!p1 $0x0  }
0x437: {  	v2 =	vmul.u32 @!p1 $0xC8, v2;
	v5 =	vmulhi.u32 @!p1 $0x51EB851F, v3;
	[sflag:s0] =	ssyncadd.s32 @!p1 $0xFFFFFF80;
	s0 =	sor.u32 @!p1 $0x20, s22  }
0x438: {  	v4 =	vld @!p1 [tilespmem:$0x300];
	v6 =	vor.u32 @!p1 s0, v0  }
0x439: {  	v1 =	vsub.s32 @!p1 v1, v2;
	v5 =	vshrl.u32 @!p1 v5, $0x6;
	s0 =	sor.u32 @!p1 $0x30, s22;
	v2 =	vmulhi.u32 @!p1 $0x51EB851F, v6  }
0x43a: {  	v5 =	vmul.u32 @!p1 $0xC8, v5;
	v7 =	vld @!p1 [tilespmem:$0x310];
	v9 =	vor.u32 @!p1 s0, v0  }
0x43b: {  	v8 =	vld @!p1 [tilespmem:$0x320];
	v10 =	vmulhi.u32 @!p1 $0x51EB851F, v9;
	v2 =	vshrl.u32 @!p1 v2, $0x6  }
0x43c: {  	v1 =	vshll.u32 @!p1 v1, $0x1;
	v3 =	vsub.s32 @!p1 v3, v5;
	v2 =	vmul.u32 @!p1 $0xC8, v2  }
0x43d: {  	v3 =	vshll.u32 @!p1 v3, $0x1;
	s0 =	sor.u32 @!p1 $0x40, s22;
	v1 =	vadd.s32 @!p1 v1, v4;
	v4 =	vshrl.u32 @!p1 v10, $0x6  }
0x43e: {  	v2 =	vsub.s32 @!p1 v6, v2;
	v4 =	vmul.u32 @!p1 $0xC8, v4;
	v6 =	vor.u32 @!p1 s0, v0  }
0x43f: {  	v5 =	vld @!p1 [tilespmem:$0x330];
	v3 =	vadd.s32 @!p1 v3, v7;
	s0 =	sor.u32 @!p1 $0x50, s22;
	v2 =	vshll.u32 @!p1 v2, $0x1;
	v7 =	vmulhi.u32 @!p1 $0x51EB851F, v6  }
0x440: {  	v2 =	vadd.s32 @!p1 v2, v8;
	v4 =	vsub.s32 @!p1 v9, v4;
	v8 =	vor.u32 @!p1 s0, v0;
	s0 =	sor.u32 @!p1 $0x60, s22  }
0x441: {  	v4 =	vshll.u32 @!p1 v4, $0x1;
	v9 =	vmulhi.u32 @!p1 $0x51EB851F, v8;
	v10 =	vor.u32 @!p1 s0, v0;
	s0 =	sor.u32 @!p1 $0x70, s22  }
0x442: {  	v11 =	vld @!p1 [tilespmem:$0x340];
	v7 =	vshrl.u32 @!p1 v7, $0x6;
	v12 =	vmulhi.u32 @!p1 $0x51EB851F, v10;
	v0 =	vor.u32 @!p1 s0, v0  }
0x443: {  	v13 =	vld @!p1 [tilespmem:$0x350];
	v7 =	vmul.u32 @!p1 $0xC8, v7;
	v9 =	vshrl.u32 @!p1 v9, $0x6;
	v14 =	vmulhi.u32 @!p1 $0x51EB851F, v0  }
0x444: {  	[tilespmem:$0x100] =	vst @!p1 v1;
	v1 =	vadd.s32 @!p1 v4, v5;
	v4 =	vmul.u32 @!p1 $0xC8, v9;
	v5 =	vshrl.u32 @!p1 v12, $0x6;
	v9 =	vld @!p1 [tilespmem:$0x360]  }
0x445: {  	[tilespmem:$0x110] =	vst @!p1 v3;
	v3 =	vsub.s32 @!p1 v6, v7;
	v7 =	vld @!p1 [tilespmem:$0x370];
	v5 =	vmul.u32 @!p1 $0xC8, v5;
	v6 =	vshrl.u32 @!p1 v14, $0x6  }
0x446: {  	[tilespmem:$0x120] =	vst @!p1 v2;
	v3 =	vshll.u32 @!p1 v3, $0x1;
	v2 =	vsub.s32 @!p1 v8, v4;
	v4 =	vmul.u32 @!p1 $0xC8, v6  }
0x447: {  	[tilespmem:$0x130] =	vst @!p1 v1;
	v1 =	vadd.s32 @!p1 v3, v11;
	v3 =	vsub.s32 @!p1 v10, v5;
	v2 =	vshll.u32 @!p1 v2, $0x1  }
0x448: {  	[tilespmem:$0x140] =	vst @!p1 v1;
	v1 =	vadd.s32 @!p1 v2, v13;
	v0 =	vsub.s32 @!p1 v0, v4;
	v2 =	vshll.u32 @!p1 v3, $0x1  }
0x449: {  	[tilespmem:$0x150] =	vst @!p1 v1;
	v1 =	vadd.s32 @!p1 v2, v9;
	v0 =	vshll.u32 @!p1 v0, $0x1  }
0x44a: {  	[tilespmem:$0x160] =	vst @!p1 v1;
	v0 =	vadd.s32 @!p1 v0, v7  }
0x44b: {  	s5 =	simm.s32 @!p1 $0x400;
	s3 =	simm.s32 @!p1 $0x0;
	s0 =	simm.s32 @!p1 $0x80;
	[tilespmem:$0x170] =	vst @!p1 v0  }
0x44c: {  	[tilespmem:s5], [sflag:$0x3] =	stream.indirect.gather @!p1 [hbm4b:s2+s0], $0x80, s3, s0, $0xb8;
	[tilespmem:$0x1CD00] =	vst v63  }
0x44d: {  	s5 =	sshll.u32 @!p1 s20, $0x8  }
0x44e: {  	s5 =	sadd.s32 @!p1 s5, s16  }
0x44f: {  	s5 =	sshrl.u32 @!p1 s5, $0x3  }
0x450: {  	s10 =	sadd.s32 @!p1 s8, s5  }
0x451: {  	[tilespmem:s0], [sflag:$0x2] =	stream.linear.gather @!p1 [hbm4b:s10+s3], $0x80, $0x38;
	[tilespmem:$0x1CD00] =	vst v63  }
0x452: {  	s0 =	sadd.s32 @!p1 s9, s5;
	s5 =	simm.s32 @!p1 $0x380  }
0x453: {  	[tilespmem:s5], [sflag:$0x2] =	stream.linear.gather @!p1 [hbm4b:s0+s3], $0x80, $0x38;
	[tilespmem:$0x1CD00] =	vst v63  }
.Ltmp10:
0x454: {  	p1 =	por p1, !p2;
	(pc) =	sbr.rel @p0 .LBB2_13-.Ltmp10, $4  }
0x455: {  	s0 =	simm.s32 @p1 $0x6  }
0x456: {  	_ =	swait.ge @p1 [sflag:s0], $0x4000  }
0x457: {  	[sflag:s0] =	ssyncset.done @p1 $0x0  }
0x458: {  	[sflag:s0] =	ssyncadd.s32 @p1 $0xFFFFC000;
	s0 =	simm.s32 $0x183  }
0x459: {  	v0 =	vld [tilespmem:s0+$0x0];
	_ =	sdelay $0x2  }
0x45a: {  	v1 =	vld [tilespmem:s0+$0xFFFFFFFF]  }
0x45b: {  	v2 =	vld [tilespmem:s0+$0xFFFFFFFD];
	s22 =	simm.s32 $0x0  }
0x45c: {  	v4 =	vld [tilespmem:s22+$0x45A0];
	(v2sf) =	vpush v0, $0x0  }
0x45d: {  	v6 =	vld [tilespmem:s22+$0x45B0]  }
0x45e: {  	v9 =	vld [tilespmem:s22+$0x45C0]  }
0x45f: {  	v11 =	vld [tilespmem:s22+$0x45D0]  }
0x460: {  	v13 =	vld [tilespmem:s22+$0x45E0]  }
0x461: {  	v15 =	vld [tilespmem:s22+$0x45F0]  }
0x462: {  	v0 =	vld [tilespmem:s0+$0xFFFFFFFE]  }
0x463: {  	v20 =	vld [tilespmem:s22+$0x4400]  }
0x464: {  	v21 =	vld [tilespmem:s22+$0x4480]  }
0x465: {  	v22 =	vld [tilespmem:s22+$0x4500]  }
0x466: {  	v25 =	vld [tilespmem:s22+$0x4410]  }
0x467: {  	v30 =	vld [tilespmem:s22+$0x4520];
	(v2sf) =	vpush v0, $0x0  }
0x468: {  	v35 =	vld [tilespmem:s22+$0x4430]  }
0x469: {  	v36 =	vld [tilespmem:s22+$0x44B0]  }
0x46a: {  	v37 =	vld [tilespmem:s22+$0x4530]  }
0x46b: {  	v45 =	vld [tilespmem:s22+$0x4550];
	s30 =	spop (v2sf)  }
0x46c: {  	v0 =	vld [tilespmem:s22+$0x4580];
	(v2sf) =	vpush v1, $0x0;
	s0 =	sshll.u32 s30, $0x9  }
0x46d: {  	v1 =	vld [tilespmem:s22+$0x4590];
	(v2sf) =	vpush v2, $0x0;
	s0 =	sshra.s32 s0, $0x2  }
0x46e: {  	v2 =	vld [tilespmem:s0+$0x10410]  }
0x46f: {  	v3 =	vld [tilespmem:s0+$0x10400]  }
0x470: {  	v54 =	vld [tilespmem:s22+$0x4460]  }
0x471: {  	v5 =	vld [tilespmem:s0+$0x10420]  }
0x472: {  	v60 =	vld [tilespmem:s22+$0x4470]  }
0x473: {  	v7 =	vld [tilespmem:s0+$0x10430]  }
0x474: {  	v49 =	vld [tilespmem:s22+$0x44E0];
	v0 =	vadd.f32 v3, v0;
	v1 =	vadd.f32 v2, v1  }
0x475: {  	v10 =	vld [tilespmem:s0+$0x10440]  }
0x476: {  	v16 =	vld [tilespmem:s0+$0x10470];
	s3 =	spop (v2sf);
	v2 =	vadd.f32 v5, v4;
	v3 =	vmul.f32 v0, v0;
	v8 =	vmul.f32 v1, v1  }
0x477: {  	v12 =	vld [tilespmem:s0+$0x10450];
	s3 =	sshll.u32 s3, $0x9;
	v4 =	vadd.f32 $0.0e+00, v0  }
0x478: {  	v14 =	vld [tilespmem:s0+$0x10460];
	s31 =	sshra.s32 s3, $0x2;
	v5 =	vmul.f32 v2, v2;
	v3 =	vadd.f32 v8, v3;
	v8 =	vadd.f32 v7, v6  }
0x479: {  	v18 =	vld [tilespmem:s31+$0x10400];
	v4 =	vadd.f32 v1, v4  }
0x47a: {  	v24 =	vld [tilespmem:s31+$0x10410];
	v3 =	vadd.f32 v5, v3;
	v6 =	vmul.f32 v8, v8;
	v5 =	vadd.f32 v10, v9  }
0x47b: {  	s5 =	spop (v2sf);
	v29 =	vld [tilespmem:s31+$0x10420];
	v34 =	vadd.f32 v16, v15;
	v4 =	vadd.f32 v2, v4  }
0x47c: {  	s10 =	spop (v2sf);
	s3 =	sshll.u32 s5, $0x9;
	v16 =	vld [tilespmem:s22+$0x44A0];
	v6 =	vadd.f32 v6, v3;
	v26 =	vmul.f32 v5, v5;
	v3 =	vadd.f32 v12, v11  }
0x47d: {  	s10 =	sshll.u32 s10, $0x9;
	s11 =	sshra.s32 s3, $0x2;
	v32 =	vld [tilespmem:s31+$0x10430];
	v11 =	vadd.f32 v8, v4  }
0x47e: {  	s12 =	sshra.s32 s10, $0x2;
	v19 =	vld [tilespmem:s11+$0x10400];
	v4 =	vadd.f32 v14, v13;
	v6 =	vadd.f32 v26, v6;
	v12 =	vmul.f32 v3, v3  }
0x47f: {  	v17 =	vld [tilespmem:s12+$0x10400];
	v11 =	vadd.f32 v5, v11  }
0x480: {  	v23 =	vld [tilespmem:s12+$0x10410];
	v6 =	vadd.f32 v12, v6;
	v12 =	vmul.f32 v4, v4  }
0x481: {  	v7 =	vld [tilespmem:s11+$0x10410];
	v11 =	vadd.f32 v3, v11  }
0x482: {  	v10 =	vld [tilespmem:s22+$0x4510];
	v6 =	vadd.f32 v12, v6;
	v12 =	vmul.f32 v34, v34  }
0x483: {  	v27 =	vld [tilespmem:s12+$0x10420];
	v11 =	vadd.f32 v4, v11  }
0x484: {  	s5 =	simm.s32 $0x187;
	v15 =	vadd.f32 v17, v20;
	v14 =	vld [tilespmem:s22+$0x4420];
	v6 =	vadd.f32 v12, v6  }
0x485: {  	v41 =	vld [tilespmem:s5+$0x0];
	v56 =	vadd.f32 v19, v22;
	v11 =	vadd.f32 v34, v11  }
0x486: {  	v46 =	vld [tilespmem:s31+$0x10460];
	v17 =	vadd.f32 $0.0e+00, v15;
	v26 =	vadd.f32 v23, v25;
	(xrf2) =	vadd.scan.msk.f32 $0xffff, v6  }
0x487: {  	v44 =	vld [tilespmem:s31+$0x10450];
	v28 =	vadd.f32 $0.0e+00, v56;
	v59 =	vadd.f32 v7, v10;
	(xrf2) =	vadd.scan.msk.f32 $0xffff, v11  }
0x488: {  	v9 =	vld [tilespmem:s22+$0x4490];
	v10 =	vadd.f32 v26, v17  }
0x489: {  	v31 =	vld [tilespmem:s12+$0x10430];
	v19 =	vmul.f32 v15, v15;
	v50 =	vadd.f32 v59, v28;
	v28 =	vadd.f32 v27, v14  }
0x48a: {  	v61 =	vld [tilespmem:s5+$0xFFFFFFFE];
	v39 =	vmul.f32 v26, v26;
	v27 =	vadd.f32 v29, v16;
	v29 =	vadd.f32 v32, v36  }
0x48b: {  	v51 =	vld [tilespmem:s12+$0x10460];
	v32 =	vadd.f32 v46, v49;
	v11 =	vadd.f32 v18, v21  }
0x48c: {  	v13 =	vld [tilespmem:s11+$0x10420];
	v19 =	vadd.f32 v39, v19;
	v16 =	vmul.f32 v28, v28;
	v10 =	vadd.f32 v28, v10  }
0x48d: {  	v33 =	vld [tilespmem:s11+$0x10430];
	v42 =	vmul.f32 v59, v59;
	v12 =	vadd.f32 v24, v9;
	v22 =	vadd.f32 $0.0e+00, v11  }
0x48e: {  	v38 =	vld [tilespmem:s12+$0x10440];
	v9 =	vmul.f32 v56, v56;
	v19 =	vadd.f32 v16, v19;
	v16 =	vadd.f32 v31, v35  }
0x48f: {  	v40 =	vld [tilespmem:s12+$0x10450];
	v25 =	vmul.f32 v11, v11;
	v17 =	vadd.f32 v12, v22;
	v22 =	vmul.f32 v12, v12  }
0x490: {  	v31 =	vadd.f32 v51, v54;
	v42 =	vadd.f32 v42, v9;
	v18 =	vld [tilespmem:s22+$0x4440];
	v43, _, _ =	vpop (xrf2)  }
0x491: {  	v20 =	vld [tilespmem:s31+$0x10440];
	v9 =	vadd.f32 v13, v30;
	v22 =	vadd.f32 v22, v25;
	v14, _, _ =	vpop (xrf2)  }
0x492: {  	v13 =	vadd.f32 v27, v17;
	v17 =	vmul.f32 v27, v27;
	(v2sf) =	vpush v14, $0xF;
	v14 =	vld [tilespmem:s22+$0x4450]  }
0x493: {  	v23 =	vld [tilespmem:s22+$0x44C0];
	v55 =	vadd.f32 v16, v10;
	(v2sf) =	vpush v43, $0xF  }
0x494: {  	v48 =	vld [tilespmem:s5+$0xFFFFFFFD];
	v58 =	vmul.f32 v16, v16;
	v10 =	vadd.f32 v33, v37;
	v22 =	vadd.f32 v17, v22  }
0x495: {  	v57 =	vld [tilespmem:s12+$0x10470];
	v17 =	vadd.f32 v38, v18;
	(v2sf) =	vpush v41, $0x0  }
0x496: {  	v24 =	vld [tilespmem:s22+$0x4540];
	v39 =	vadd.f32 v9, v50;
	v19 =	vadd.f32 v58, v19  }
0x497: {  	v52 =	vmul.f32 v9, v9;
	v36 =	vadd.f32 v17, v55;
	v43 =	vld [tilespmem:s22+$0x44D0];
	v18 =	vadd.f32 v40, v14  }
0x498: {  	v21 =	vld [tilespmem:s11+$0x10440];
	v13 =	vadd.f32 v29, v13;
	v14 =	vadd.f32 v20, v23  }
0x499: {  	v53 =	vadd.f32 v52, v42;
	v52 =	vld [tilespmem:s22+$0x44F0];
	v23 =	vadd.f32 v18, v36  }
0x49a: {  	v51 =	vmul.f32 v10, v10;
	v39 =	vadd.f32 v10, v39;
	v25 =	vld [tilespmem:s11+$0x10450];
	v50 =	vadd.f32 v14, v13  }
0x49b: {  	v47 =	vmul.f32 v29, v29;
	v20 =	vld [tilespmem:s5+$0xFFFFFFFF];
	v36 =	vadd.f32 v57, v60;
	v13 =	vadd.f32 v31, v23  }
0x49c: {  	v53 =	vadd.f32 v51, v53;
	v30 =	vadd.f32 v44, v43;
	v23 =	vld [tilespmem:s31+$0x10470]  }
0x49d: {  	v35 =	vld [tilespmem:s11+$0x10460];
	v22 =	vadd.f32 v47, v22;
	v38 =	vadd.f32 v36, v13  }
0x49e: {  	s25 =	simm.s32 $0x200;
	v47 =	vld [tilespmem:s22+$0x4560];
	v13 =	vadd.f32 v21, v24;
	v24 =	vadd.f32 v30, v50  }
0x49f: {  	v33 =	vadd.f32 v25, v45;
	(v2sf) =	vpush v61, $0x0;
	v43 =	vld [tilespmem:s25+$0x4580]  }
0x4a0: {  	v44 =	vld [tilespmem:s25+$0x45A0];
	(xrf2) =	vadd.scan.msk.f32 $0xffff, v38;
	v57 =	vadd.f32 v13, v39;
	v58 =	vmul.f32 v13, v13;
	v24 =	vadd.f32 v32, v24  }
0x4a1: {  	v54 =	vmul.f32 v17, v17;
	v21 =	vld [tilespmem:s22+$0x4570];
	v39 =	vadd.f32 v23, v52;
	s10 =	spop (v2sf);
	(v2sf) =	vpush v20, $0x0  }
0x4a2: {  	v50 =	vmul.f32 v33, v33;
	v38 =	vld [tilespmem:s25+$0x4590];
	v61 =	vadd.f32 v58, v53;
	s12 =	spop (v2sf);
	(v2sf) =	vpush v48, $0x0  }
0x4a3: {  	v19 =	vadd.f32 v54, v19;
	v60 =	vmul.f32 v18, v18;
	v20 =	vld [tilespmem:s11+$0x10470]  }
0x4a4: {  	v24 =	vadd.f32 v39, v24;
	s18 =	spop (v2sf);
	v40 =	vadd.f32 v50, v61;
	v50 =	vld [tilespmem:s25+$0x45D0]  }
0x4a5: {  	v51 =	vmul.f32 v31, v31;
	v55 =	vmul.f32 v14, v14;
	v19 =	vadd.f32 v60, v19;
	v61 =	vld [tilespmem:s25+$0x45E0];
	s3 =	sshll.u32 s18, $0x9  }
0x4a6: {  	v35 =	vadd.f32 v35, v47;
	v49 =	vadd.f32 v33, v57;
	(xrf2) =	vadd.scan.msk.f32 $0xffff, v24;
	v24 =	vld [tilespmem:s25+$0x45B0];
	s3 =	sshra.s32 s3, $0x2  }
0x4a7: {  	v22 =	vadd.f32 v55, v22;
	v19 =	vadd.f32 v51, v19;
	v23 =	vld [tilespmem:s3+$0x10410]  }
0x4a8: {  	v55 =	vmul.f32 v36, v36;
	v47 =	vadd.f32 v35, v49;
	v25 =	vld [tilespmem:s3+$0x10400];
	v37 =	vadd.f32 v20, v21  }
0x4a9: {  	v48 =	vmul.f32 v30, v30;
	s14 =	smul.f32 $7.812500000e-03, s10;
	v45 =	vld [tilespmem:s3+$0x10420]  }
0x4aa: {  	v19 =	vadd.f32 v55, v19;
	v52 =	vmul.f32 v32, v32;
	v53 =	vld [tilespmem:s3+$0x10430];
	v47 =	vadd.f32 v37, v47;
	v49, _, _ =	vpop (xrf2)  }
0x4ab: {  	v22 =	vadd.f32 v48, v22;
	v60 =	vmov s14;
	v20 =	vld [tilespmem:s25+$0x45C0];
	(v2sf) =	vpush v49, $0xF  }
0x4ac: {  	v21 =	vmul.f32 v35, v35;
	v54 =	vld [tilespmem:s3+$0x10440];
	(xrf2) =	vadd.scan.msk.f32 $0xffff, v47;
	v47 =	vsub.f32 v0, v60;
	v0 =	vsub.f32 v1, v60  }
0x4ad: {  	v48 =	vmul.f32 v39, v39;
	v22 =	vadd.f32 v52, v22;
	v58 =	vld [tilespmem:s3+$0x10450];
	v1 =	vsub.f32 v2, v60  }
0x4ae: {  	v52 =	vld [tilespmem:s3+$0x10460];
	v21 =	vadd.f32 v21, v40;
	v57 =	vmul.f32 v37, v37;
	[tilespmem:$0x1F730] =	vst v0  }
0x4af: {  	s19 =	spop (v2sf);
	v22 =	vadd.f32 v48, v22;
	(xrf2) =	vadd.scan.msk.f32 $0xffff, v19;
	v0 =	vld [tilespmem:s25+$0x45F0];
	[tilespmem:$0x1F740] =	vst v1;
	v1 =	vsub.f32 v8, v60  }
0x4b0: {  	v21 =	vadd.f32 v57, v21;
	v6 =	vadd.f32 v25, v43;
	s23 =	spop (v2sf)  }
0x4b1: {  	v7 =	vadd.f32 v23, v38;
	(xrf2) =	vadd.scan.msk.f32 $0xffff, v22;
	[tilespmem:$0x1F750] =	vst v1;
	s24 =	spop (v2sf)  }
0x4b2: {  	v5 =	vsub.f32 v5, v60;
	v2, _, _ =	vpop (xrf2);
	(xrf2) =	vadd.scan.msk.f32 $0xffff, v21;
	v1 =	vld [tilespmem:s3+$0x10470];
	[tilespmem:$0x1F900] =	vst v6;
	s11 =	sshll.u32 s24, $0x9  }
0x4b3: {  	s0 =	sshll.u32 s19, $0x9;
	v3 =	vsub.f32 v3, v60;
	[tilespmem:$0x1F910] =	vst v7;
	(v2sf) =	vpush v2, $0xF;
	s26 =	sshra.s32 s11, $0x2  }
0x4b4: {  	v4 =	vsub.f32 v4, v60;
	s30 =	sshra.s32 s0, $0x2;
	v40 =	vsub.f32 v34, v60;
	s31 =	sshll.u32 s23, $0x9;
	v19 =	vld [tilespmem:s26+$0x10400];
	[tilespmem:$0x1F760] =	vst v5  }
0x4b5: {  	v23 =	vadd.f32 v45, v44;
	v8 =	vmul.f32 v7, v7;
	s13 =	sshra.s32 s31, $0x2;
	v5 =	vmul.f32 v6, v6;
	v2 =	vld [tilespmem:s30+$0x10400]  }
0x4b6: {  	v53 =	vadd.f32 v53, v24;
	v21 =	vld [tilespmem:s13+$0x10400];
	[tilespmem:$0x1F770] =	vst v3;
	v3 =	vadd.f32 $0.0e+00, v6  }
0x4b7: {  	v45 =	vadd.f32 v52, v61;
	v25, _, _ =	vpop (xrf2);
	v22 =	vld [tilespmem:s25+$0x4400];
	v5 =	vadd.f32 v8, v5;
	[tilespmem:$0x1F920] =	vst v23;
	v8 =	vmul.f32 v23, v23  }
0x4b8: {  	v6 =	vmov v23;
	(v2sf) =	vpush v25, $0xF;
	v23 =	vld [tilespmem:s25+$0x4480];
	[tilespmem:$0x1F780] =	vst v4;
	v3 =	vadd.f32 v7, v3  }
0x4b9: {  	v7 =	vadd.f32 v54, v20;
	v54, _, _ =	vpop (xrf2);
	v24 =	vld [tilespmem:s25+$0x4500];
	v5 =	vadd.f32 v8, v5;
	[tilespmem:$0x1F930] =	vst v53;
	v8 =	vmul.f32 v53, v53  }
0x4ba: {  	v4 =	vmov v53;
	(v2sf) =	vpush v54, $0xF;
	v20 =	vld [tilespmem:s26+$0x10410];
	v3 =	vadd.f32 v6, v3  }
0x4bb: {  	v55, _, _ =	vpop (xrf2);
	v25 =	vld [tilespmem:s30+$0x10410];
	[tilespmem:$0x1F940] =	vst v7;
	v41 =	vmul.f32 v7, v7;
	v6 =	vadd.f32 v58, v50;
	s3 =	spop (v2sf);
	v8 =	vadd.f32 v8, v5  }
0x4bc: {  	(v2sf) =	vpush v55, $0xF;
	v58, _, _ =	vpop (xrf2);
	v42 =	vld [tilespmem:s13+$0x10410];
	s17 =	smul.f32 $7.812500000e-03, s3;
	v3 =	vadd.f32 v4, v3  }
0x4bd: {  	v38 =	vld [tilespmem:s25+$0x4410];
	(v2sf) =	vpush v58, $0xF;
	[tilespmem:$0x1F950] =	vst v6;
	v57 =	vmul.f32 v6, v6;
	v8 =	vadd.f32 v41, v8  }
0x4be: {  	v4 =	vadd.f32 v1, v0;
	v44 =	vld [tilespmem:s25+$0x4490];
	v1 =	vmov s17;
	v3 =	vadd.f32 v7, v3  }
0x4bf: {  	v60 =	vmul.f32 v45, v45;
	v43 =	vld [tilespmem:s25+$0x4510];
	v58 =	vsub.f32 v26, v1;
	v41 =	vadd.f32 v57, v8  }
0x4c0: {  	v0 =	vld [tilespmem:s26+$0x10420];
	v50 =	vsub.f32 v28, v1;
	v3 =	vadd.f32 v6, v3  }
0x4c1: {  	v48 =	vld [tilespmem:s30+$0x10420];
	[tilespmem:$0x1F8E0] =	vst v4;
	v61 =	vmul.f32 v4, v4;
	v57 =	vsub.f32 v15, v1;
	v15 =	vadd.f32 v60, v41  }
0x4c2: {  	v54 =	vsub.f32 v16, v1;
	v46 =	vld [tilespmem:s13+$0x10420];
	s5 =	spop (v2sf);
	v3 =	vadd.f32 v45, v3  }
0x4c3: {  	v53 =	vsub.f32 v18, v1;
	v28 =	vld [tilespmem:s25+$0x44A0];
	s18 =	smul.f32 $7.812500000e-03, s5;
	v15 =	vadd.f32 v61, v15  }
0x4c4: {  	v16 =	vld [tilespmem:s25+$0x4520];
	v3 =	vadd.f32 v4, v3;
	v4 =	vsub.f32 v31, v1  }
0x4c5: {  	v41 =	vld [tilespmem:s25+$0x4420];
	v60 =	vsub.f32 v17, v1;
	v17 =	vmov s18;
	v1 =	vsub.f32 v36, v1;
	(xrf2) =	vadd.scan.msk.f32 $0xffff, v15  }
0x4c6: {  	v15 =	vld [tilespmem:s26+$0x10430];
	[tilespmem:$0x1F7F0] =	vst v4;
	(xrf2) =	vadd.scan.msk.f32 $0xffff, v3;
	v3 =	vsub.f32 v11, v17  }
0x4c7: {  	[tilespmem:$0x1F810] =	vst v1  }
0x4c8: {  	v1 =	vld [tilespmem:s30+$0x10430];
	[tilespmem:$0x1F820] =	vst v3;
	v3 =	vsub.f32 v12, v17  }
0x4c9: {  	v4 =	vsub.f32 v27, v17  }
0x4ca: {  	[tilespmem:$0x1F830] =	vst v3  }
0x4cb: {  	v3 =	vld [tilespmem:s13+$0x10430];
	[tilespmem:$0x1F850] =	vst v4;
	v4 =	vsub.f32 v29, v17;
	_ =	sdelay $0x1  }
0x4cc: {  	v18 =	vld [tilespmem:s25+$0x4430];
	[tilespmem:$0x1F860] =	vst v4;
	v4 =	vsub.f32 v14, v17;
	_ =	sdelay $0x1  }
0x4cd: {  	v8 =	vadd.f32 v2, v23;
	v34 =	vadd.f32 v20, v38;
	v2 =	vld [tilespmem:s25+$0x44B0];
	[tilespmem:$0x1F870] =	vst v4  }
0x4ce: {  	v6 =	vadd.f32 v21, v24;
	v12 =	vadd.f32 v19, v22;
	v20 =	vld [tilespmem:s25+$0x4530]  }
0x4cf: {  	v21 =	vmul.f32 v8, v8;
	v7 =	vadd.f32 v25, v44;
	v23 =	vmul.f32 v34, v34;
	v22 =	vld [tilespmem:s26+$0x10440]  }
0x4d0: {  	v5 =	vadd.f32 v42, v43;
	v55 =	vsub.f32 v30, v17;
	v19 =	vmul.f32 v12, v12;
	v24 =	vld [tilespmem:s30+$0x10440]  }
0x4d1: {  	v52 =	vsub.f32 v32, v17;
	v51 =	vsub.f32 v39, v17;
	v17 =	vmul.f32 v7, v7;
	v25 =	vld [tilespmem:s13+$0x10440]  }
0x4d2: {  	v49 =	vmul.f32 v5, v5;
	v19 =	vadd.f32 v23, v19;
	v23 =	vmul.f32 v6, v6;
	v39 =	vld [tilespmem:s25+$0x4440]  }
0x4d3: {  	v41 =	vadd.f32 v0, v41;
	v17 =	vadd.f32 v17, v21;
	v0, _, _ =	vpop (xrf2);
	v21 =	vld [tilespmem:s25+$0x44C0]  }
0x4d4: {  	v32 =	vadd.f32 v46, v16;
	v23 =	vadd.f32 v49, v23;
	v61, _, _ =	vpop (xrf2);
	v42 =	vld [tilespmem:s25+$0x4540]  }
0x4d5: {  	s19 =	spop (v2sf);
	v16 =	vmul.f32 v41, v41;
	v4 =	vadd.f32 v48, v28;
	v28 =	vld [tilespmem:s26+$0x10450];
	(v2sf) =	vpush v61, $0xF  }
0x4d6: {  	s3 =	smul.f32 $7.812500000e-03, s19;
	v46 =	vadd.f32 v15, v18;
	v15 =	vld [tilespmem:s30+$0x10450];
	(v2sf) =	vpush v0, $0xF  }
0x4d7: {  	v61 =	vld [tilespmem:s25+$0x4550];
	v0 =	vmul.f32 v32, v32;
	v36 =	vadd.f32 v1, v2;
	v2 =	vadd.f32 v16, v19  }
0x4d8: {  	v16 =	vld [tilespmem:s13+$0x10450];
	v48 =	vadd.f32 v22, v39;
	v39 =	vadd.f32 v24, v21;
	v21 =	vmov s3  }
0x4d9: {  	v19 =	vld [tilespmem:s25+$0x4450];
	v23 =	vadd.f32 v0, v23;
	v0 =	vsub.f32 v59, v21  }
0x4da: {  	v1 =	vmul.f32 v4, v4;
	v11 =	vadd.f32 v3, v20;
	v20 =	vld [tilespmem:s25+$0x44D0]  }
0x4db: {  	v22 =	vld [tilespmem:s26+$0x10460];
	[tilespmem:$0x1F880] =	vst v0;
	v0 =	vsub.f32 v10, v21  }
0x4dc: {  	s10 =	smul.f32 $7.812500000e-03, s12;
	v1 =	vadd.f32 v1, v17;
	v17 =	vmul.f32 v46, v46  }
0x4dd: {  	s14 =	smul.f32 s14, s14;
	v24 =	vld [tilespmem:s30+$0x10460];
	[tilespmem:$0x1F890] =	vst v0;
	v0 =	vsub.f32 v13, v21  }
0x4de: {  	v17 =	vadd.f32 v17, v2  }
0x4df: {  	s0 =	ssub.f32 s10, s14;
	v2 =	vsub.f32 v9, v21;
	v9 =	vld [tilespmem:s13+$0x10460];
	[tilespmem:$0x1F8A0] =	vst v0;
	v0 =	vsub.f32 v33, v21;
	_ =	sdelay $0x1  }
0x4e0: {  	s0 =	sadd.f32 $9.999999960e-13, s0;
	[tilespmem:$0x1F8B0] =	vst v0;
	v0 =	vsub.f32 v35, v21;
	_ =	sdelay $0x1  }
0x4e1: {  	s23 =	sshrl.u32 s0, $0x1;
	s0 =	smul.f32 $5.000000000e-01, s0;
	v18 =	vmul.f32 v36, v36;
	v10 =	vld [tilespmem:s25+$0x4460];
	[tilespmem:$0x1F8C0] =	vst v0;
	v0 =	vsub.f32 v37, v21  }
0x4e2: {  	s5 =	ssub.s32 $0x5F3759DF, s23  }
0x4e3: {  	s0 =	smul.f32 s5, s0;
	v29 =	vadd.f32 v18, v1;
	v1 =	vld [tilespmem:$0x1F730];
	[tilespmem:$0x1F8D0] =	vst v0  }
0x4e4: {  	v33 =	vadd.f32 v25, v42;
	v25 =	vld [tilespmem:s25+$0x4560]  }
0x4e5: {  	s0 =	smul.f32 s5, s0;
	v43 =	vadd.f32 v28, v19;
	v19 =	vld [tilespmem:s26+$0x10470]  }
0x4e6: {  	v49 =	vadd.f32 v22, v10;
	v22 =	vld [tilespmem:s25+$0x4470]  }
0x4e7: {  	s0 =	ssub.f32 $1.500000000e+00, s0;
	v30 =	vmul.f32 v48, v48;
	v13 =	vmul.f32 v11, v11;
	_ =	sdelay $0x1  }
0x4e8: {  	s0 =	smul.f32 s5, s0;
	v17 =	vadd.f32 v30, v17;
	v13 =	vadd.f32 v13, v23;
	v23 =	vmul.f32 v39, v39  }
0x4e9: {  	v42 =	vadd.f32 v15, v20;
	v35 =	vadd.f32 v16, v61;
	v16 =	vmul.f32 v33, v33  }
0x4ea: {  	v37 =	vadd.f32 v9, v25;
	v9 =	vadd.f32 v19, v22;
	v22 =	vmul.f32 s0, v1;
	v1 =	vld [tilespmem:$0x1F750]  }
0x4eb: {  	v20 =	vmul.f32 v43, v43;
	v23 =	vadd.f32 v23, v29;
	v31 =	vld [tilespmem:s25+$0x44E0];
	v10 =	vmul.f32 v42, v42  }
0x4ec: {  	v13 =	vadd.f32 v16, v13  }
0x4ed: {  	v16 =	vadd.f32 v20, v17;
	v10 =	vadd.f32 v10, v23;
	v23 =	vmul.f32 v49, v49  }
0x4ee: {  	v15 =	vld [tilespmem:s30+$0x10470]  }
0x4ef: {  	v16 =	vadd.f32 v23, v16;
	v23 =	vmul.f32 s0, v1;
	v1 =	vld [tilespmem:$0x1F760]  }
0x4f0: {  	v20 =	vld [tilespmem:s25+$0x44F0];
	v44 =	vadd.f32 v24, v31  }
0x4f1: {  	v27 =	vld [tilespmem:$0x1FF60];
	v17 =	vmul.f32 v35, v35  }
0x4f2: {  	v24 =	vmul.f32 v44, v44  }
0x4f3: {  	v13 =	vadd.f32 v17, v13  }
0x4f4: {  	v17 =	vmul.f32 s0, v40;
	v10 =	vadd.f32 v24, v10;
	v24 =	vmul.f32 s0, v1;
	v1 =	vld [tilespmem:$0x1F770]  }
0x4f5: {  	v19 =	vmul.f32 s0, v47;
	v47 =	vadd.f32 v15, v20;
	v15 =	vmul.f32 v37, v37  }
0x4f6: {  	v14 =	vsub.f32 v56, v21;
	v20 =	vmul.f32 v17, v27  }
0x4f7: {  	v56 =	vld [tilespmem:s13+$0x10470];
	v17 =	vmul.f32 v9, v9;
	v13 =	vadd.f32 v15, v13;
	v15 =	vmul.f32 v47, v47  }
0x4f8: {  	v0 =	vld [tilespmem:s25+$0x4570]  }
0x4f9: {  	v17 =	vadd.f32 v17, v16;
	v16 =	vadd.f32 v15, v10;
	v10 =	vmul.f32 s0, v1;
	v1 =	vld [tilespmem:$0x1F780];
	_ =	sdelay $0x2  }
0x4fa: {  	v28 =	vld [tilespmem:$0x1FED0]  }
0x4fb: {  	v40 =	vadd.f32 v56, v0  }
0x4fc: {  	v59 =	vmul.f32 s0, v1;
	v1 =	vld [tilespmem:$0x1FEA0]  }
0x4fd: {  	v0 =	vld [tilespmem:$0x1F740];
	v25 =	vmul.f32 v40, v40;
	_ =	sdelay $0x1  }
0x4fe: {  	v29 =	vld [tilespmem:$0x1FEE0];
	v15 =	vadd.f32 v25, v13;
	v13 =	vmul.f32 v19, v62;
	v19 =	vmul.f32 v22, v28  }
0x4ff: {  	v3 =	vld [tilespmem:$0x1FF30]  }
0x500: {  	v56 =	vadd.f32 v19, v1;
	v1 =	vld [tilespmem:$0x1FEB0]  }
0x501: {  	v0 =	vmul.f32 s0, v0;
	_ =	sdelay $0x1  }
0x502: {  	v30 =	vld [tilespmem:$0x1FEF0];
	v0 =	vmul.f32 v0, v29;
	_ =	sdelay $0x1  }
0x503: {  	v18 =	vadd.f32 v13, v63;
	v13 =	vmul.f32 v59, v3;
	v59 =	vadd.f32 v0, v1;
	v0 =	vld [tilespmem:$0x1FF20];
	_ =	sdelay $0x2  }
0x504: {  	v31 =	vld [tilespmem:$0x1FF00];
	v22 =	vmul.f32 v23, v30;
	_ =	sdelay $0x1  }
0x505: {  	v61 =	vadd.f32 v22, v0;
	v0 =	vld [tilespmem:$0x1FF40];
	_ =	sdelay $0x2  }
0x506: {  	v38 =	vld [tilespmem:$0x1FF10];
	v23 =	vmul.f32 v24, v31;
	_ =	sdelay $0x1  }
0x507: {  	s24 =	smul.f32 s17, s17;
	s30 =	spop (v2sf);
	v23 =	vadd.f32 v23, v0;
	v0 =	vld [tilespmem:$0x1FF50]  }
0x508: {  	s11 =	smul.f32 $7.812500000e-03, s30;
	_ =	sdelay $0x1  }
0x509: {  	s5 =	ssub.f32 s11, s24;
	v10 =	vmul.f32 v10, v38  }
0x50a: {  	s26 =	smul.f32 s18, s18  }
0x50b: {  	s31 =	spop (v2sf);
	s5 =	sadd.f32 $9.999999960e-13, s5;
	v63 =	vadd.f32 v10, v0;
	v0 =	vld [tilespmem:$0x1FF70]  }
0x50c: {  	s12 =	smul.f32 $7.812500000e-03, s31  }
0x50d: {  	s17 =	sshrl.u32 s5, $0x1;
	s5 =	smul.f32 $5.000000000e-01, s5  }
0x50e: {  	s10 =	ssub.f32 s12, s26;
	s12 =	ssub.s32 $0x5F3759DF, s17  }
0x50f: {  	s5 =	smul.f32 s12, s5  }
0x510: {  	v0 =	vadd.f32 v13, v0  }
0x511: {  	s5 =	smul.f32 s12, s5  }
0x512: {  	[tilespmem:$0x1F8F0] =	vst v0;
	v0 =	vld [tilespmem:$0x1F7F0]  }
0x513: {  	s5 =	ssub.f32 $1.500000000e+00, s5;
	v19 =	vadd.f32 $0.0e+00, v8;
	_ =	sdelay $0x1  }
0x514: {  	s10 =	sadd.f32 $9.999999960e-13, s10;
	s5 =	smul.f32 s12, s5;
	v19 =	vadd.f32 v7, v19  }
0x515: {  	_ = 	snop  }
0x516: {  	[tilespmem:$0x1F7E0] =	vst v4;
	s18 =	sshrl.u32 s10, $0x1;
	s10 =	smul.f32 $5.000000000e-01, s10;
	v19 =	vadd.f32 v4, v19;
	v4 =	vmul.f32 s5, v0;
	v0 =	vld [tilespmem:$0x1F810]  }
0x517: {  	s0 =	ssub.s32 $0x5F3759DF, s18  }
0x518: {  	s10 =	smul.f32 s0, s10  }
0x519: {  	v10 =	vmul.f32 s5, v57;
	v57 =	vmul.f32 s5, v50;
	v50 =	vadd.f32 $0.0e+00, v6  }
0x51a: {  	s10 =	smul.f32 s0, s10  }
0x51b: {  	[tilespmem:$0x1F7D0] =	vst v5;
	v50 =	vadd.f32 v5, v50;
	v5 =	vmul.f32 s5, v0;
	v0 =	vld [tilespmem:$0x1F820]  }
0x51c: {  	s10 =	ssub.f32 $1.500000000e+00, s10;
	_ =	sdelay $0x1  }
0x51d: {  	s10 =	smul.f32 s0, s10;
	_ =	sdelay $0x1  }
0x51e: {  	v21 =	vmul.f32 s5, v60;
	v60 =	vmul.f32 s10, v0;
	v0 =	vld [tilespmem:$0x1F830];
	_ =	sdelay $0x2  }
0x51f: {  	s3 =	smul.f32 s3, s3;
	s13 =	spop (v2sf)  }
0x520: {  	s14 =	smul.f32 $7.812500000e-03, s13  }
0x521: {  	v24 =	vmul.f32 s10, v0;
	v0 =	vld [tilespmem:$0x1F850]  }
0x522: {  	s3 =	ssub.f32 s14, s3;
	_ =	sdelay $0x1  }
0x523: {  	s3 =	sadd.f32 $9.999999960e-13, s3;
	_ =	sdelay $0x1  }
0x524: {  	s19 =	smul.f32 $5.000000000e-01, s3;
	s3 =	sshrl.u32 s3, $0x1;
	v25 =	vmul.f32 s10, v0;
	v0 =	vld [tilespmem:$0x1F860]  }
0x525: {  	s3 =	ssub.s32 $0x5F3759DF, s3  }
0x526: {  	s11 =	smul.f32 s3, s19;
	v13 =	vadd.f32 $0.0e+00, v12  }
0x527: {  	v50 =	vadd.f32 v32, v50  }
0x528: {  	[tilespmem:$0x1F7B0] =	vst v6;
	s11 =	smul.f32 s3, s11;
	v6 =	vld [tilespmem:$0x1F880];
	v13 =	vadd.f32 v34, v13  }
0x529: {  	[tilespmem:$0x1F800] =	vst v32;
	v32 =	vadd.f32 v11, v50;
	v50 =	vmul.f32 s10, v0;
	v0 =	vld [tilespmem:$0x1F870]  }
0x52a: {  	s11 =	ssub.f32 $1.500000000e+00, s11;
	v13 =	vadd.f32 v41, v13;
	_ =	sdelay $0x1  }
0x52b: {  	v26 =	vld [tilespmem:$0x1FE80];
	[tilespmem:$0x1F7A0] =	vst v8;
	s3 =	smul.f32 s3, s11;
	v8 =	vmul.f32 s5, v53;
	v53 =	vadd.f32 v46, v13  }
0x52c: {  	v22 =	vmul.f32 s5, v58;
	v58 =	vmul.f32 s5, v54  }
0x52d: {  	v54 =	vmul.f32 s3, v6;
	v6 =	vld [tilespmem:$0x1F8A0];
	v13 =	vmul.f32 s10, v0;
	v0 =	vadd.f32 v48, v53  }
0x52e: {  	s23 =	spop (v2sf);
	v53 =	vmul.f32 s10, v55;
	v55 =	vmul.f32 s10, v52  }
0x52f: {  	[tilespmem:$0x1F790] =	vst v12;
	s24 =	spop (v2sf);
	s0 =	smul.f32 $7.812500000e-03, s23;
	v52 =	vmul.f32 s3, v14;
	v14 =	vmul.f32 s3, v2;
	v2 =	vadd.f32 v43, v0;
	v0 =	vld [tilespmem:$0x1F890]  }
0x530: {  	[tilespmem:$0x1F7C0] =	vst v7;
	v20 =	vadd.f32 v20, v26;
	s12 =	smul.f32 $7.812500000e-03, s24;
	v19 =	vadd.f32 v36, v19  }
0x531: {  	[tilespmem:$0x1F840] =	vst v11;
	s26 =	smul.f32 s0, s0  }
0x532: {  	v19 =	vadd.f32 v39, v19;
	v11 =	vmul.f32 s3, v6;
	v6 =	vld [tilespmem:$0x1F8B0];
	[tilespmem:s22+$0xC5F0] =	vst v20  }
0x533: {  	v1 =	vadd.f32 v33, v32;
	s5 =	ssub.f32 s12, s26;
	v7 =	vld [tilespmem:$0x1F8C0];
	[tilespmem:s22+$0xC580] =	vst v18  }
0x534: {  	v12 =	vmul.f32 s3, v0;
	v0 =	vadd.f32 v42, v19;
	v19 =	vmul.f32 v10, v62;
	v10 =	vld [tilespmem:$0x1F8D0];
	[tilespmem:s22+$0xC590] =	vst v56  }
0x535: {  	s5 =	sadd.f32 $9.999999960e-13, s5;
	[tilespmem:s22+$0xC5A0] =	vst v59  }
0x536: {  	v1 =	vadd.f32 v35, v1;
	[tilespmem:s22+$0xC5B0] =	vst v61  }
0x537: {  	s30 =	sshrl.u32 s5, $0x1;
	s5 =	smul.f32 $5.000000000e-01, s5;
	[tilespmem:s22+$0xC5C0] =	vst v23  }
0x538: {  	v51 =	vmul.f32 s10, v51;
	v1 =	vadd.f32 v37, v1;
	s10 =	ssub.s32 $0x5F3759DF, s30;
	[tilespmem:s22+$0xC5D0] =	vst v63  }
0x539: {  	s5 =	smul.f32 s10, s5;
	v56 =	vmul.f32 v4, v3;
	v3 =	vld [tilespmem:$0x1F8F0]  }
0x53a: {  	v23 =	vadd.f32 v40, v1;
	v1 =	vld [tilespmem:$0x1F8E0]  }
0x53b: {  	v6 =	vmul.f32 s3, v6;
	s31 =	smul.f32 s10, s5  }
0x53c: {  	v20 =	vmul.f32 v22, v28;
	v22 =	vmul.f32 v57, v29;
	v2 =	vadd.f32 v49, v2  }
0x53d: {  	v7 =	vmul.f32 s3, v7;
	v10 =	vmul.f32 s3, v10;
	s3 =	ssub.f32 $1.500000000e+00, s31  }
0x53e: {  	v57 =	vmul.f32 v21, v31;
	v21 =	vmov s0;
	v2 =	vadd.f32 v9, v2;
	[tilespmem:s22+$0xC5E0] =	vst v3  }
0x53f: {  	v1 =	vsub.f32 v1, v21;
	s13 =	smul.f32 s10, s3;
	v3 =	vld [tilespmem:$0x1F900]  }
0x540: {  	v18 =	vmul.f32 v58, v30;
	v58 =	vmul.f32 v8, v38;
	(xrf2) =	vadd.scan.msk.f32 $0xffff, v2;
	v2 =	vld [tilespmem:$0x1F920]  }
0x541: {  	v8 =	vmul.f32 v24, v28;
	v24 =	vmul.f32 s13, v1;
	v1 =	vld [tilespmem:$0x1F940]  }
0x542: {  	v0 =	vadd.f32 v44, v0;
	_ =	sdelay $0x1  }
0x543: {  	v0 =	vadd.f32 v47, v0;
	v4 =	vld [tilespmem:$0x1F910];
	v3 =	vsub.f32 v3, v21  }
0x544: {  	v60 =	vmul.f32 v60, v62;
	v62 =	vsub.f32 v2, v21;
	v2 =	vld [tilespmem:$0x1F930]  }
0x545: {  	(xrf2) =	vadd.scan.msk.f32 $0xffff, v0;
	v0 =	vmul.f32 s13, v3;
	v3 =	vsub.f32 v1, v21;
	v1 =	vld [tilespmem:$0x1F950];
	_ =	sdelay $0x3  }
0x546: {  	v59 =	vmul.f32 v5, v27;
	v63 =	vsub.f32 v4, v21  }
0x547: {  	s11 =	simm.s32 $0x800;
	s12 =	simm.s32 $0x18B;
	v61 =	vmul.f32 v25, v29;
	s10 =	simm.s32 $0x4;
	v2 =	vsub.f32 v2, v21;
	v1 =	vsub.f32 v1, v21  }
.LBB2_17:
0x548: {  	v4 =	vld [tilespmem:s12+$0x0]  }
0x549: {  	v31 =	vld [tilespmem:$0x1FF60]  }
0x54a: {  	v32 =	vld [tilespmem:$0x1FE90]  }
0x54b: {  	v27 =	vld [tilespmem:$0x1FEA0]  }
0x54c: {  	[tilespmem:$0x1F700] =	vst v33;
	v33 =	vld [tilespmem:$0x1FEF0]  }
0x54d: {  	[tilespmem:$0x1F710] =	vst v35;
	v35 =	vld [tilespmem:$0x1FF00]  }
0x54e: {  	v21 =	vsub.f32 v45, v21;
	v45 =	vld [tilespmem:s12+$0xFFFFFFFF]  }
0x54f: {  	v38 =	vld [tilespmem:$0x1FF30];
	v5 =	vmul.f32 s13, v63  }
0x550: {  	(xrf2) =	vadd.scan.msk.f32 $0xffff, v23;
	v25 =	vmul.f32 s13, v62;
	v2 =	vmul.f32 s13, v2;
	v63 =	vld [tilespmem:$0x1FEB0]  }
0x551: {  	v23 =	vld [tilespmem:s12+$0xFFFFFFFE];
	v3 =	vmul.f32 s13, v3;
	v24 =	vmul.f32 v24, v31;
	v19 =	vadd.f32 v19, v32  }
0x552: {  	v62 =	vld [tilespmem:s12+$0xFFFFFFFD];
	(xrf2) =	vadd.scan.msk.f32 $0xffff, v17;
	v17 =	vadd.f32 v20, v27;
	v20 =	vmul.f32 v50, v33;
	v13 =	vmul.f32 v13, v35  }
0x553: {  	v11 =	vmul.f32 v11, v35;
	v3 =	vmul.f32 v3, v35;
	v35 =	vld [tilespmem:$0x1FF40]  }
0x554: {  	(v2sf) =	vpush v4, $0x0;
	v12 =	vmul.f32 v12, v33;
	v8 =	vadd.f32 v8, v27;
	[tilespmem:s22+$0xC400] =	vst v19  }
0x555: {  	v2 =	vmul.f32 v2, v33;
	v33 =	vld [tilespmem:$0x1FF20];
	v22 =	vadd.f32 v22, v63;
	v19 =	vmul.f32 v51, v31;
	[tilespmem:s22+$0xC410] =	vst v17  }
0x556: {  	v4 =	vmul.f32 v55, v38;
	v55 =	vld [tilespmem:$0x1FED0];
	(v2sf) =	vpush v23, $0x0;
	v28 =	vadd.f32 v24, v26;
	[tilespmem:s22+$0xC490] =	vst v8  }
0x557: {  	v21 =	vmul.f32 s13, v21;
	v51 =	vld [tilespmem:$0x1FEC0];
	(v2sf) =	vpush v45, $0x0;
	[tilespmem:s22+$0xC420] =	vst v22;
	v19 =	vadd.f32 v19, v26  }
0x558: {  	v17 =	vld [tilespmem:$0x1FEE0];
	(v2sf) =	vpush v62, $0x0;
	[tilespmem:s25+$0xC5F0] =	vst v28;
	v24, _, _ =	vpop (xrf2);
	(xrf2) =	vadd.scan.msk.f32 $0xffff, v16;
	v22 =	vadd.f32 v57, v35  }
0x559: {  	v30, _, _ =	vpop (xrf2);
	(v2sf) =	vpush v24, $0xF;
	(xrf2) =	vadd.scan.msk.f32 $0xffff, v15;
	v13 =	vadd.f32 v13, v35;
	[tilespmem:s22+$0xC4F0] =	vst v19  }
0x55a: {  	v29 =	vld [tilespmem:$0x1FF10];
	v7 =	vmul.f32 v7, v38;
	v12 =	vadd.f32 v12, v33;
	(v2sf) =	vpush v30, $0xF;
	v15, _, _ =	vpop (xrf2);
	[tilespmem:s22+$0xC440] =	vst v22  }
0x55b: {  	(v2sf) =	vpush v15, $0xF;
	v15 =	vadd.f32 v18, v33;
	v18 =	vmul.f32 v21, v38;
	v38 =	vld [tilespmem:$0x1FF70];
	[tilespmem:s22+$0xC4C0] =	vst v13  }
0x55c: {  	v23 =	vmul.f32 v54, v55;
	v30 =	vld [tilespmem:$0x1FF50];
	v16 =	vmul.f32 v52, v51;
	v21, _, _ =	vpop (xrf2);
	v22 =	vadd.f32 v60, v32;
	[tilespmem:s22+$0xC530] =	vst v12  }
0x55d: {  	s11 =	sadd.s32 $0x800, s11;
	v14 =	vmul.f32 v14, v17;
	(v2sf) =	vpush v21, $0xF;
	v21 =	vadd.f32 v59, v26;
	[tilespmem:s22+$0xC430] =	vst v15  }
0x55e: {  	s18 =	sshra.s32 s11, $0x2;
	v0 =	vmul.f32 v0, v51;
	[tilespmem:s22+$0xC480] =	vst v22;
	v8 =	vadd.f32 v16, v32  }
0x55f: {  	v13 =	vld [tilespmem:s18+$0x45A0];
	v22 =	vadd.f32 v23, v27;
	v14 =	vadd.f32 v14, v63;
	[tilespmem:s22+$0xC470] =	vst v21  }
0x560: {  	v23 =	vld [tilespmem:s18+$0x4580];
	v62 =	vadd.f32 v0, v32;
	[tilespmem:s22+$0xC500] =	vst v8;
	v15 =	vadd.f32 v56, v38  }
0x561: {  	v50 =	vmul.f32 v53, v29;
	v0 =	vld [tilespmem:$0x1F790];
	v24 =	vadd.f32 v58, v30;
	v58 =	vadd.f32 v3, v35;
	[tilespmem:s22+$0xC510] =	vst v22  }
0x562: {  	v17 =	vmul.f32 v25, v17;
	v3 =	vld [tilespmem:s18+$0x45B0];
	v59 =	vadd.f32 v18, v38;
	v25, _, _ =	vpop (xrf2);
	[tilespmem:s22+$0xC460] =	vst v15;
	v15 =	vadd.f32 v20, v33  }
0x563: {  	v10 =	vmul.f32 v10, v31;
	[tilespmem:s22+$0xC520] =	vst v14;
	v18 =	vld [tilespmem:s18+$0x45C0];
	v20 =	vadd.f32 v50, v30;
	(v2sf) =	vpush v25, $0xF;
	v21, _, _ =	vpop (xrf2);
	s0 =	spop (v2sf)  }
0x564: {  	v53 =	vmov v29;
	[tilespmem:s22+$0xC450] =	vst v24;
	v24 =	vadd.f32 v61, v63;
	(v2sf) =	vpush v21, $0xF;
	s0 =	sshll.u32 s0, $0x9;
	v21 =	vld [tilespmem:s18+$0x4590]  }
0x565: {  	v6 =	vmul.f32 v6, v53;
	v4 =	vadd.f32 v4, v38;
	[tilespmem:s22+$0xC4D0] =	vst v20;
	v20 =	vadd.f32 v10, v26;
	v26 =	vld [tilespmem:$0x1F7E0];
	s19 =	sshra.s32 s0, $0x2  }
0x566: {  	v7 =	vadd.f32 v7, v38;
	[tilespmem:s22+$0xC4A0] =	vst v24;
	v24 =	vadd.f32 v11, v35;
	v11 =	vld [tilespmem:s19+$0x10410]  }
0x567: {  	[tilespmem:s22+$0xC4E0] =	vst v4;
	v25 =	vadd.f32 v6, v30;
	v6 =	vld [tilespmem:s19+$0x10400]  }
0x568: {  	[tilespmem:s22+$0xC560] =	vst v7;
	v4 =	vld [tilespmem:s19+$0x10420]  }
0x569: {  	s3 =	spop (v2sf);
	[tilespmem:s22+$0xC4B0] =	vst v15;
	v8 =	vld [tilespmem:s19+$0x10430]  }
0x56a: {  	v1 =	vmul.f32 s13, v1;
	s3 =	sshll.u32 s3, $0x9;
	s23 =	spop (v2sf);
	[tilespmem:s22+$0xC540] =	vst v24;
	v14 =	vld [tilespmem:s19+$0x10440]  }
0x56b: {  	v5 =	vmul.f32 v5, v55;
	[tilespmem:s22+$0xC550] =	vst v25;
	s13 =	sshra.s32 s3, $0x2;
	s0 =	sshll.u32 s23, $0x9;
	s24 =	spop (v2sf);
	v24 =	vld [tilespmem:s19+$0x10450]  }
0x56c: {  	v1 =	vmul.f32 v1, v53;
	v25 =	vld [tilespmem:s19+$0x10460];
	[tilespmem:s22+$0xC570] =	vst v20;
	s22 =	smov.u32 s25;
	s25 =	smov.u32 s18;
	s26 =	spop (v2sf)  }
0x56d: {  	v57 =	vadd.f32 v2, v33;
	v5 =	vadd.f32 v5, v27;
	s3 =	sshll.u32 s24, $0x9;
	s14 =	sshra.s32 s0, $0x2;
	v55 =	vld [tilespmem:s25+$0x4480];
	s0 =	smul.f32 $7.812500000e-03, s26  }
0x56e: {  	v53 =	vadd.f32 v1, v30;
	v63 =	vadd.f32 v17, v63;
	v35 =	vld [tilespmem:s25+$0x44A0];
	s17 =	sshra.s32 s3, $0x2  }
0x56f: {  	v56 =	vld [tilespmem:s17+$0x10410];
	v19 =	vmov s0;
	v38 =	vadd.f32 v6, v23;
	v2 =	vadd.f32 v4, v13  }
0x570: {  	v23 =	vld [tilespmem:s18+$0x45D0];
	v10 =	vsub.f32 v0, v19;
	v0 =	vadd.f32 v11, v21  }
0x571: {  	v3 =	vadd.f32 v8, v3;
	v8 =	vld [tilespmem:s18+$0x45E0];
	v15 =	vsub.f32 v34, v19  }
0x572: {  	v7 =	vsub.f32 v49, v19;
	v49 =	vld [tilespmem:s25+$0x45F0];
	v21 =	vmul.f32 v38, v38;
	v22 =	vmul.f32 v0, v0  }
0x573: {  	v17 =	vsub.f32 v41, v19;
	v11 =	vsub.f32 v46, v19;
	v34 =	vld [tilespmem:s13+$0x10420]  }
0x574: {  	v13 =	vsub.f32 v48, v19;
	v46 =	vld [tilespmem:s17+$0x10430];
	v4 =	vadd.f32 v22, v21;
	v21 =	vmul.f32 v2, v2  }
0x575: {  	v12 =	vsub.f32 v43, v19;
	v43 =	vld [tilespmem:s25+$0x44C0];
	v22 =	vadd.f32 $0.0e+00, v38  }
0x576: {  	s30 =	spop (v2sf);
	[tilespmem:s22+$0xC580] =	vst v62;
	v1 =	vadd.f32 v25, v8;
	v8 =	vld [tilespmem:$0x1F7C0];
	v20 =	vadd.f32 v21, v4  }
0x577: {  	s3 =	smul.f32 $7.812500000e-03, s30;
	s5 =	spop (v2sf);
	v21 =	vmul.f32 v3, v3;
	v4 =	vadd.f32 v14, v18;
	v18 =	vadd.f32 v0, v22;
	v22 =	vld [tilespmem:s19+$0x10470]  }
0x578: {  	s0 =	smul.f32 s0, s0;
	s23 =	spop (v2sf);
	v14 =	vsub.f32 v9, v19;
	[tilespmem:s22+$0xC590] =	vst v5;
	v9 =	vld [tilespmem:s17+$0x10400];
	v5 =	vadd.f32 v24, v23  }
0x579: {  	s23 =	smul.f32 $7.812500000e-03, s23;
	v23 =	vld [tilespmem:$0x1F7A0];
	v19 =	vadd.f32 v21, v20;
	v20 =	vmul.f32 v4, v4;
	v18 =	vadd.f32 v2, v18  }
0x57a: {  	v16 =	vmov s3;
	v24 =	vld [tilespmem:s25+$0x4400]  }
0x57b: {  	s0 =	ssub.f32 s23, s0;
	v21 =	vld [tilespmem:s13+$0x10400];
	v19 =	vadd.f32 v20, v19;
	v20 =	vmul.f32 v5, v5;
	v25 =	vadd.f32 v3, v18  }
0x57c: {  	[tilespmem:s22+$0xC5C0] =	vst v58;
	v58 =	vld [tilespmem:s13+$0x10410];
	v18 =	vsub.f32 v8, v16;
	v8 =	vadd.f32 v22, v49  }
0x57d: {  	s0 =	sadd.f32 $9.999999960e-13, s0;
	s24 =	spop (v2sf);
	[tilespmem:s22+$0xC5E0] =	vst v59;
	v59 =	vld [tilespmem:s25+$0x4490];
	v19 =	vadd.f32 v20, v19;
	v20 =	vmul.f32 v1, v1;
	v25 =	vadd.f32 v4, v25  }
0x57e: {  	v62 =	vsub.f32 v26, v16;
	[tilespmem:s22+$0xC5A0] =	vst v63;
	v63 =	vld [tilespmem:s25+$0x4510];
	s31 =	smul.f32 $7.812500000e-03, s24;
	v60 =	vsub.f32 v23, v16  }
0x57f: {  	[tilespmem:s22+$0xC5B0] =	vst v57;
	s24 =	sshrl.u32 s0, $0x1;
	s0 =	smul.f32 $5.000000000e-01, s0;
	v23 =	vld [tilespmem:s14+$0x10400];
	v57 =	vmul.f32 v8, v8;
	v20 =	vadd.f32 v20, v19;
	v25 =	vadd.f32 v5, v25  }
0x580: {  	s26 =	ssub.s32 $0x5F3759DF, s24;
	v22 =	vld [tilespmem:s25+$0x4500];
	v27 =	vadd.f32 v9, v24;
	v26 =	vadd.f32 v21, v55  }
0x581: {  	s0 =	smul.f32 s26, s0;
	v24 =	vld [tilespmem:s14+$0x10410];
	v9 =	vadd.f32 v57, v20;
	v21 =	vadd.f32 v1, v25  }
0x582: {  	v42 =	vsub.f32 v42, v16;
	v44 =	vsub.f32 v44, v16;
	v20 =	vld [tilespmem:s25+$0x4410]  }
0x583: {  	v47 =	vsub.f32 v47, v16;
	s0 =	smul.f32 s26, s0;
	v55 =	vld [tilespmem:s13+$0x10430];
	(xrf2) =	vadd.scan.msk.f32 $0xffff, v9;
	v9 =	vadd.f32 v8, v21  }
0x584: {  	s5 =	smul.f32 $7.812500000e-03, s5;
	v49 =	vsub.f32 v39, v16;
	v19 =	vsub.f32 v36, v16;
	v16 =	vld [tilespmem:$0x1F7D0]  }
0x585: {  	s0 =	ssub.f32 $1.500000000e+00, s0;
	(xrf2) =	vadd.scan.msk.f32 $0xffff, v9;
	v9 =	vld [tilespmem:$0x1F7B0]  }
0x586: {  	s3 =	smul.f32 s3, s3;
	v6 =	vmov s5;
	v36 =	vld [tilespmem:s25+$0x44E0];
	v22 =	vadd.f32 v23, v22;
	v23 =	vadd.f32 $0.0e+00, v26  }
0x587: {  	s0 =	smul.f32 s26, s0;
	[tilespmem:$0x1F7A0] =	vst v26;
	v61 =	vmul.f32 v26, v26;
	v26 =	vadd.f32 v24, v63;
	v24 =	vld [tilespmem:s25+$0x4520];
	v45 =	vadd.f32 v56, v20  }
0x588: {  	s3 =	ssub.f32 s31, s3;
	[tilespmem:$0x1F790] =	vst v27;
	v32 =	vmul.f32 v27, v27;
	v25 =	vadd.f32 $0.0e+00, v27;
	v27 =	vadd.f32 v58, v59;
	v21 =	vld [tilespmem:s17+$0x10420]  }
0x589: {  	v57 =	vsub.f32 v16, v6;
	v56 =	vmul.f32 s0, v12;
	v12 =	vld [tilespmem:$0x1F700];
	v16 =	vmul.f32 v45, v45  }
0x58a: {  	s3 =	sadd.f32 $9.999999960e-13, s3;
	v30 =	vadd.f32 $0.0e+00, v22;
	v33 =	vmul.f32 v22, v22;
	v54 =	vsub.f32 v9, v6;
	v9 =	vmovc v22;
	v22 =	vld [tilespmem:s25+$0x4420]  }
0x58b: {  	[tilespmem:$0x1F7C0] =	vst v27;
	v39 =	vadd.f32 v16, v32;
	v16 =	vmul.f32 s0, v11;
	v11 =	vld [tilespmem:$0x1F840]  }
0x58c: {  	s30 =	sshrl.u32 s3, $0x1;
	s3 =	smul.f32 $5.000000000e-01, s3;
	v23 =	vadd.f32 v27, v23;
	[tilespmem:$0x1F7B0] =	vst v9;
	v9 =	vmul.f32 s0, v17;
	v17 =	vmul.f32 v27, v27;
	v27 =	vld [tilespmem:$0x1F800]  }
0x58d: {  	v37 =	vsub.f32 v37, v6;
	s19 =	ssub.s32 $0x5F3759DF, s30;
	v50 =	vadd.f32 v26, v30;
	v20 =	vld [tilespmem:s14+$0x10420]  }
0x58e: {  	s3 =	smul.f32 s19, s3;
	[tilespmem:$0x1F7D0] =	vst v26;
	v59 =	vmul.f32 v26, v26;
	v30 =	vld [tilespmem:s14+$0x10430];
	v26 =	vadd.f32 v34, v35;
	v25 =	vadd.f32 v45, v25  }
0x58f: {  	[tilespmem:s22+$0xC5D0] =	vst v53;
	v63 =	vsub.f32 v12, v6;
	v53 =	vadd.f32 v17, v61;
	v17 =	vmul.f32 s0, v13;
	v13 =	vld [tilespmem:s25+$0x4430]  }
0x590: {  	[tilespmem:$0x1F720] =	vst v0;
	s3 =	smul.f32 s19, s3;
	v35 =	vld [tilespmem:s17+$0x10440];
	v11 =	vsub.f32 v11, v6;
	v0 =	vadd.f32 v21, v22  }
0x591: {  	v61 =	vld [tilespmem:s25+$0x44B0];
	v22 =	vadd.f32 v59, v33;
	v21, _, _ =	vpop (xrf2);
	v59 =	vmul.f32 s0, v14;
	v58 =	vsub.f32 v27, v6  }
0x592: {  	s3 =	ssub.f32 $1.500000000e+00, s3;
	v27 =	vadd.f32 v20, v24;
	v20 =	vadd.f32 v26, v23;
	v23 =	vmul.f32 v26, v26;
	v24 =	vld [tilespmem:s25+$0x4530];
	v29, _, _ =	vpop (xrf2)  }
0x593: {  	s23 =	spop (v2sf);
	[tilespmem:$0x1F7E0] =	vst v26;
	v26 =	vld [tilespmem:$0x1F710];
	v12 =	vadd.f32 v0, v25;
	v25 =	vmul.f32 v0, v0;
	(v2sf) =	vpush v29, $0xF  }
0x594: {  	s19 =	smul.f32 s19, s3;
	v50 =	vadd.f32 v27, v50;
	v31 =	vmul.f32 v27, v27;
	v46 =	vadd.f32 v46, v13;
	v13 =	vld [tilespmem:s25+$0x4440]  }
0x595: {  	s5 =	smul.f32 s5, s5;
	(v2sf) =	vpush v21, $0xF;
	v21 =	vmul.f32 s0, v7;
	v25 =	vadd.f32 v25, v39;
	v39 =	vld [tilespmem:s13+$0x10440]  }
0x596: {  	s18 =	smul.f32 $7.812500000e-03, s23;
	v7 =	vadd.f32 v23, v53;
	v23 =	vld [tilespmem:s14+$0x10440];
	v34 =	vadd.f32 v55, v61;
	v61 =	vmul.f32 s19, v18  }
0x597: {  	v18 =	vsub.f32 v40, v6;
	v14 =	vadd.f32 v31, v22;
	v22 =	vmul.f32 v46, v46;
	v31 =	vld [tilespmem:s25+$0x4540]  }
0x598: {  	s5 =	ssub.f32 s18, s5;
	[tilespmem:$0x1F800] =	vst v27;
	v55 =	vmul.f32 s19, v44;
	v44 =	vld [tilespmem:s25+$0x4460];
	v26 =	vsub.f32 v26, v6;
	v27 =	vadd.f32 v30, v24  }
0x599: {  	v24 =	vmul.f32 v34, v34;
	v30 =	vld [tilespmem:s25+$0x44D0];
	v22 =	vadd.f32 v22, v25;
	v48 =	vadd.f32 v35, v13  }
0x59a: {  	s5 =	sadd.f32 $9.999999960e-13, s5;
	v25 =	vld [tilespmem:s17+$0x10450];
	v28 =	vadd.f32 v27, v50;
	v29 =	vmul.f32 v27, v27;
	v41 =	vadd.f32 v39, v43  }
0x59b: {  	v7 =	vadd.f32 v24, v7;
	v24 =	vld [tilespmem:s13+$0x10450];
	v50 =	vmul.f32 s19, v19;
	v19 =	vmul.f32 v48, v48  }
0x59c: {  	s31 =	sshrl.u32 s5, $0x1;
	s5 =	smul.f32 $5.000000000e-01, s5;
	v6 =	vadd.f32 v29, v14;
	v14 =	vld [tilespmem:s25+$0x4450];
	v33 =	vadd.f32 v23, v31;
	v23 =	vmul.f32 v41, v41  }
0x59d: {  	s23 =	ssub.s32 $0x5F3759DF, s31;
	v19 =	vadd.f32 v19, v22;
	v22 =	vld [tilespmem:s17+$0x10460]  }
0x59e: {  	s5 =	smul.f32 s23, s5;
	v7 =	vadd.f32 v23, v7;
	v23 =	vld [tilespmem:s13+$0x10460]  }
0x59f: {  	v35 =	vld [tilespmem:s14+$0x10450]  }
0x5a0: {  	s5 =	smul.f32 s23, s5;
	v53 =	vmul.f32 s19, v42;
	v31 =	vld [tilespmem:s25+$0x4550];
	v32 =	vmul.f32 v33, v33;
	v42 =	vadd.f32 v24, v30  }
0x5a1: {  	v10 =	vmul.f32 s0, v10  }
0x5a2: {  	s5 =	ssub.f32 $1.500000000e+00, s5;
	v43 =	vadd.f32 v25, v14;
	v25 =	vadd.f32 v32, v6;
	v39 =	vmul.f32 v42, v42;
	v32 =	vld [tilespmem:$0x1FEE0]  }
0x5a3: {  	v13 =	vmul.f32 s19, v49;
	v49 =	vadd.f32 v22, v44;
	v44 =	vadd.f32 v23, v36  }
0x5a4: {  	s23 =	smul.f32 s23, s5;
	v20 =	vadd.f32 v34, v20;
	v6 =	vmul.f32 v43, v43;
	v29 =	vadd.f32 v39, v7;
	v39 =	vld [tilespmem:$0x1FEC0]  }
0x5a5: {  	v15 =	vmul.f32 s0, v15;
	v35 =	vadd.f32 v35, v31;
	v22 =	vmul.f32 v44, v44  }
0x5a6: {  	v20 =	vadd.f32 v41, v20;
	v14 =	vmul.f32 s23, v58;
	v36 =	vld [tilespmem:$0x1FED0];
	v58 =	vadd.f32 v6, v19  }
0x5a7: {  	v19 =	vmul.f32 v35, v35;
	v29 =	vadd.f32 v22, v29;
	v22 =	vmul.f32 v9, v32;
	v9 =	vld [tilespmem:$0x1FEF0]  }
0x5a8: {  	v51 =	vmul.f32 s19, v47;
	v52 =	vmul.f32 s23, v54  }
0x5a9: {  	v20 =	vadd.f32 v42, v20;
	v25 =	vadd.f32 v19, v25;
	v19 =	vmul.f32 v10, v39  }
0x5aa: {  	v47 =	vld [tilespmem:s14+$0x10460];
	v10 =	vmul.f32 s23, v18;
	v18 =	vmul.f32 v49, v49  }
0x5ab: {  	v54 =	vmul.f32 s23, v57;
	v57 =	vld [tilespmem:s25+$0x4560];
	v12 =	vadd.f32 v46, v12;
	v31 =	vadd.f32 v44, v20  }
0x5ac: {  	v20 =	vmul.f32 v15, v36;
	v15 =	vadd.f32 v18, v58;
	v18 =	vmul.f32 v16, v9;
	v16 =	vld [tilespmem:$0x1FF00];
	_ =	sdelay $0x1  }
0x5ad: {  	v40 =	vld [tilespmem:s25+$0x4570];
	v12 =	vadd.f32 v48, v12  }
0x5ae: {  	[tilespmem:$0x1F840] =	vst v27;
	v27 =	vadd.f32 v33, v28;
	v28 =	vld [tilespmem:s17+$0x10470];
	s24 =	spop (v2sf)  }
0x5af: {  	v24 =	vadd.f32 v43, v12;
	v12 =	vmul.f32 s23, v11;
	v11 =	vmul.f32 s23, v63;
	v63 =	vld [tilespmem:s25+$0x4470];
	s0 =	smul.f32 $7.812500000e-03, s24;
	s26 =	spop (v2sf)  }
0x5b0: {  	v7 =	vmul.f32 s23, v37;
	v37 =	vadd.f32 v47, v57;
	s3 =	smul.f32 $7.812500000e-03, s26;
	v57 =	vmul.f32 v17, v16;
	v16 =	vld [tilespmem:$0x1FF10]  }
0x5b1: {  	v30 =	vld [tilespmem:s13+$0x10470];
	s30 =	smul.f32 s0, s0  }
0x5b2: {  	v6 =	vmul.f32 s23, v26;
	v26 =	vld [tilespmem:s14+$0x10470]  }
0x5b3: {  	v23 =	vadd.f32 v49, v24;
	v24 =	vld [tilespmem:s25+$0x44F0];
	s3 =	ssub.f32 s3, s30;
	_ =	sdelay $0x1  }
0x5b4: {  	s3 =	sadd.f32 $9.999999960e-13, s3;
	v9 =	vadd.f32 v28, v63;
	v58 =	vmul.f32 v56, v16;
	v16 =	vld [tilespmem:$0x1FF30]  }
0x5b5: {  	v47 =	vmul.f32 v37, v37  }
0x5b6: {  	v40 =	vadd.f32 v26, v40;
	s31 =	sshrl.u32 s3, $0x1;
	s3 =	smul.f32 $5.000000000e-01, s3;
	v17 =	vmul.f32 v9, v9  }
0x5b7: {  	v25 =	vadd.f32 v47, v25;
	v47 =	vadd.f32 v30, v24;
	s5 =	ssub.s32 $0x5F3759DF, s31  }
0x5b8: {  	s3 =	smul.f32 s5, s3;
	v17 =	vadd.f32 v17, v15;
	v15 =	vmul.f32 v40, v40  }
0x5b9: {  	v56 =	vmul.f32 v21, v16;
	v16 =	vadd.f32 v9, v23;
	v21 =	vmul.f32 v47, v47  }
0x5ba: {  	v60 =	vmul.f32 s19, v60;
	v62 =	vmul.f32 s19, v62;
	v27 =	vadd.f32 v35, v27;
	s3 =	smul.f32 s5, s3  }
0x5bb: {  	s10 =	sadd.s32 $0x4, s10;
	v15 =	vadd.f32 v15, v25;
	v23 =	vld [tilespmem:$0x1FF60];
	(xrf2) =	vadd.scan.msk.f32 $0xffff, v16;
	v16 =	vadd.f32 v21, v29;
	v21 =	vmov s0  }
0x5bc: {  	p1 =	slt.u32 s10, $0x7C;
	s3 =	ssub.f32 $1.500000000e+00, s3;
	v25 =	vsub.f32 v8, v21;
	v8 =	vmul.f32 v61, v36;
	v36 =	vmovc v34;
	v34 =	vmovc v45;
	v45 =	vmov v1;
	v1 =	vld [tilespmem:$0x1F720]  }
.Ltmp11:
0x5bd: {  	v27 =	vadd.f32 v37, v27;
	v60 =	vmul.f32 v60, v39;
	v39 =	vmovc v41;
	v24 =	vadd.f32 v47, v31;
	(pc) =	sbr.rel @p1 .LBB2_17-.Ltmp11, $4  }
0x5be: {  	v41 =	vmovc v0;
	s13 =	smul.f32 s5, s3;
	v0 =	vsub.f32 v38, v21;
	v61 =	vmul.f32 v62, v32;
	v62 =	vsub.f32 v2, v21  }
0x5bf: {  	v2 =	vsub.f32 v3, v21;
	v3 =	vsub.f32 v4, v21  }
0x5c0: {  	(xrf2) =	vadd.scan.msk.f32 $0xffff, v24;
	v59 =	vmul.f32 v59, v23;
	v23 =	vadd.f32 v40, v27;
	v24 =	vmul.f32 s13, v25  }
0x5c1: {  	s12 =	sadd.s32 $0x4, s12;
	v26 =	vld [tilespmem:$0x1FE80];
	v0 =	vmul.f32 s13, v0;
	v63 =	vsub.f32 v1, v21;
	v1 =	vsub.f32 v5, v21  }
0x5c2: {  	(xrf2) =	vadd.scan.msk.f32 $0xffff, v23  }
0x5c3: {  	(xrf2) =	vadd.scan.msk.f32 $0xffff, v17  }
0x5c4: {  	(xrf2) =	vadd.scan.msk.f32 $0xffff, v16  }
0x5c5: {  	(xrf2) =	vadd.scan.msk.f32 $0xffff, v15;
	_ =	sdelay $0x4  }
0x5c6: {  	v4, _, _ =	vpop (xrf2)  }
0x5c7: {  	(v2sf) =	vpush v4, $0xF;
	v15, _, _ =	vpop (xrf2)  }
0x5c8: {  	v32 =	vld [tilespmem:$0x1FF60];
	(v2sf) =	vpush v15, $0xF;
	v16, _, _ =	vpop (xrf2)  }
0x5c9: {  	(v2sf) =	vpush v16, $0xF;
	v17, _, _ =	vpop (xrf2)  }
0x5ca: {  	v28 =	vld [tilespmem:$0x1FE90];
	(v2sf) =	vpush v17, $0xF;
	v23, _, _ =	vpop (xrf2)  }
0x5cb: {  	v27 =	vld [tilespmem:$0x1FEA0];
	(v2sf) =	vpush v23, $0xF;
	v31, _, _ =	vpop (xrf2)  }
0x5cc: {  	(v2sf) =	vpush v31, $0xF;
	v31 =	vld [tilespmem:$0x1FEF0]  }
0x5cd: {  	v5 =	vsub.f32 v45, v21;
	v45 =	vld [tilespmem:$0x1FF40];
	v25 =	vmul.f32 v24, v32  }
0x5ce: {  	v29 =	vld [tilespmem:$0x1FF00]  }
0x5cf: {  	v30 =	vld [tilespmem:$0x1FF10];
	[tilespmem:$0x1F6F0] =	vst v5;
	v5 =	vadd.f32 v25, v26  }
0x5d0: {  	v15 =	vld [tilespmem:$0x1FF20]  }
0x5d1: {  	v17 =	vmul.f32 v50, v31;
	v50 =	vld [tilespmem:$0x1FEB0];
	[tilespmem:s25+$0xC5F0] =	vst v5  }
0x5d2: {  	v21 =	vadd.f32 v57, v45;
	v57 =	vld [tilespmem:$0x1FF50];
	_ =	sdelay $0x2  }
0x5d3: {  	v38 =	vadd.f32 v20, v27;
	v20 =	vmul.f32 v53, v30;
	v53 =	vld [tilespmem:$0x1FF30]  }
0x5d4: {  	v4 =	vadd.f32 v19, v28  }
0x5d5: {  	v19 =	vadd.f32 v22, v50;
	v22 =	vadd.f32 v58, v57;
	v58 =	vld [tilespmem:$0x1FF70]  }
0x5d6: {  	[tilespmem:s22+$0xC400] =	vst v4  }
0x5d7: {  	v18 =	vadd.f32 v18, v15;
	[tilespmem:s22+$0xC410] =	vst v38  }
0x5d8: {  	v5 =	vmul.f32 v55, v53;
	v55 =	vld [tilespmem:$0x1FEC0];
	[tilespmem:s22+$0xC420] =	vst v19  }
0x5d9: {  	v24 =	vadd.f32 v59, v26;
	v59 =	vld [tilespmem:$0x1FED0];
	[tilespmem:s22+$0xC430] =	vst v18  }
0x5da: {  	v13 =	vmul.f32 v13, v29;
	v4 =	vmul.f32 v51, v32;
	v51 =	vld [tilespmem:$0x1FEE0];
	[tilespmem:s22+$0xC440] =	vst v21;
	v23 =	vadd.f32 v56, v58  }
0x5db: {  	v8 =	vadd.f32 v8, v27;
	v25 =	vadd.f32 v60, v28;
	[tilespmem:s22+$0xC450] =	vst v22  }
0x5dc: {  	v13 =	vadd.f32 v13, v45;
	s0 =	spop (v2sf);
	v17 =	vadd.f32 v17, v15;
	[tilespmem:s22+$0xC460] =	vst v23  }
0x5dd: {  	s3 =	spop (v2sf);
	v38 =	vadd.f32 v61, v50;
	v7 =	vmul.f32 v7, v53;
	v18 =	vadd.f32 v20, v57;
	v61 =	vld [tilespmem:$0x1F790];
	[tilespmem:s22+$0xC470] =	vst v24  }
0x5de: {  	s0 =	smul.f32 $7.812500000e-03, s0;
	s5 =	spop (v2sf);
	v56 =	vmov v26;
	v5 =	vadd.f32 v5, v58;
	v60 =	vmul.f32 v52, v55;
	[tilespmem:s22+$0xC480] =	vst v25  }
0x5df: {  	v10 =	vmul.f32 v10, v32;
	s10 =	spop (v2sf);
	v7 =	vadd.f32 v7, v58;
	v4 =	vadd.f32 v4, v56;
	[tilespmem:s22+$0xC490] =	vst v8  }
0x5e0: {  	s10 =	smul.f32 $7.812500000e-03, s10;
	v0 =	vmul.f32 v0, v55;
	v20 =	vadd.f32 v60, v28;
	v60 =	vmov s0;
	[tilespmem:s22+$0xC4A0] =	vst v38  }
0x5e1: {  	v10 =	vadd.f32 v10, v56;
	v54 =	vmul.f32 v54, v59;
	s0 =	smul.f32 s0, s0;
	v24 =	vsub.f32 v41, v60;
	v41 =	vld [tilespmem:$0x1F7A0]  }
0x5e2: {  	v52 =	vsub.f32 v46, v60;
	v46 =	vsub.f32 v49, v60;
	v49 =	vld [tilespmem:$0x1F7C0];
	[tilespmem:s22+$0xC4B0] =	vst v17  }
0x5e3: {  	s3 =	smul.f32 $7.812500000e-03, s3;
	v14 =	vmul.f32 v14, v51;
	v0 =	vadd.f32 v0, v28;
	v19 =	vadd.f32 v54, v27;
	s0 =	ssub.f32 s10, s0;
	v54 =	vld [tilespmem:$0x1F7E0];
	[tilespmem:s22+$0xC4C0] =	vst v13  }
0x5e4: {  	v62 =	vmul.f32 s13, v62;
	s5 =	smul.f32 $7.812500000e-03, s5;
	v23 =	vsub.f32 v34, v60;
	v25 =	vsub.f32 v48, v60;
	[tilespmem:s22+$0xC4D0] =	vst v18  }
0x5e5: {  	s11 =	spop (v2sf);
	v48 =	vsub.f32 v43, v60;
	v21 =	vadd.f32 v14, v50;
	v14 =	vmov s3;
	[tilespmem:s22+$0xC4E0] =	vst v5;
	s0 =	sadd.f32 $9.999999960e-13, s0  }
0x5e6: {  	v2 =	vmul.f32 s13, v2;
	s11 =	smul.f32 $7.812500000e-03, s11;
	v43 =	vsub.f32 v9, v60;
	v34 =	vsub.f32 v36, v14;
	v5 =	vld [tilespmem:$0x1F7B0];
	[tilespmem:s22+$0xC4F0] =	vst v4  }
0x5e7: {  	v18 =	vmul.f32 v62, v51;
	v36 =	vsub.f32 v39, v14;
	v17 =	vsub.f32 v42, v14;
	v4 =	vld [tilespmem:$0x1F7D0];
	s23 =	sshrl.u32 s0, $0x1;
	s0 =	smul.f32 $5.000000000e-01, s0  }
0x5e8: {  	v3 =	vmul.f32 s13, v3;
	s3 =	smul.f32 s3, s3;
	v16 =	vsub.f32 v44, v14;
	v42 =	vld [tilespmem:$0x1F800];
	[tilespmem:s22+$0xC500] =	vst v20;
	v22 =	vsub.f32 v61, v60;
	s10 =	ssub.s32 $0x5F3759DF, s23  }
0x5e9: {  	v60 =	vmul.f32 v12, v31;
	v12 =	vsub.f32 v47, v14;
	v47 =	vld [tilespmem:$0x1F840];
	[tilespmem:s22+$0xC560] =	vst v7;
	v7 =	vadd.f32 v18, v50;
	s0 =	smul.f32 s10, s0  }
0x5ea: {  	s3 =	ssub.f32 s11, s3;
	v61 =	vmov s5;
	[tilespmem:s22+$0xC510] =	vst v19;
	v26 =	vsub.f32 v41, v14;
	v41 =	vsub.f32 v49, v14  }
0x5eb: {  	v44 =	vmul.f32 v11, v29;
	[tilespmem:s22+$0xC520] =	vst v21;
	v8 =	vsub.f32 v33, v61;
	v49 =	vsub.f32 v54, v14;
	s0 =	smul.f32 s10, s0  }
0x5ec: {  	[tilespmem:s22+$0xC570] =	vst v10;
	s3 =	sadd.f32 $9.999999960e-13, s3;
	v38 =	vadd.f32 v60, v15;
	v54 =	vmul.f32 v6, v30;
	v6 =	vsub.f32 v35, v61  }
0x5ed: {  	v1 =	vmul.f32 s13, v1;
	[tilespmem:s25+$0xC580] =	vst v0;
	v60 =	vadd.f32 v44, v45;
	v13 =	vsub.f32 v5, v61;
	s0 =	ssub.f32 $1.500000000e+00, s0  }
0x5ee: {  	v3 =	vmul.f32 v3, v29;
	v5 =	vsub.f32 v37, v61;
	s26 =	sshrl.u32 s3, $0x1;
	s3 =	smul.f32 $5.000000000e-01, s3;
	[tilespmem:s22+$0xC530] =	vst v38;
	v19 =	vadd.f32 v54, v57  }
0x5ef: {  	v2 =	vmul.f32 v2, v31;
	v14 =	vsub.f32 v4, v61;
	v9 =	vsub.f32 v42, v61;
	[tilespmem:s22+$0xC540] =	vst v60;
	s0 =	smul.f32 s10, s0  }
0x5f0: {  	s5 =	smul.f32 s5, s5;
	v4 =	vsub.f32 v40, v61;
	s11 =	ssub.s32 $0x5F3759DF, s26;
	v11 =	vsub.f32 v47, v61;
	v61 =	vmul.f32 s13, v63;
	[tilespmem:s22+$0xC550] =	vst v19  }
0x5f1: {  	v1 =	vmul.f32 v1, v30;
	v2 =	vadd.f32 v2, v15;
	s24 =	spop (v2sf);
	s3 =	smul.f32 s11, s3;
	v0 =	vld [tilespmem:$0x1F6F0];
	v21 =	vmul.f32 s0, v22  }
0x5f2: {  	v3 =	vadd.f32 v3, v45;
	v63 =	vmul.f32 v61, v59;
	[tilespmem:s25+$0xC5A0] =	vst v7;
	s10 =	smul.f32 $7.812500000e-03, s24;
	v22 =	vmul.f32 s0, v23  }
0x5f3: {  	v1 =	vadd.f32 v1, v57;
	[tilespmem:s25+$0xC5B0] =	vst v2;
	s3 =	smul.f32 s11, s3;
	v23 =	vmul.f32 s0, v24;
	v10 =	vmul.f32 v21, v55  }
0x5f4: {  	[tilespmem:s25+$0xC5C0] =	vst v3;
	v20 =	vadd.f32 v63, v27;
	s5 =	ssub.f32 s10, s5;
	v24 =	vmul.f32 s0, v52;
	v7 =	vmul.f32 v22, v59  }
0x5f5: {  	[tilespmem:s25+$0xC5D0] =	vst v1;
	s3 =	ssub.f32 $1.500000000e+00, s3;
	v25 =	vmul.f32 s0, v25;
	v2 =	vmul.f32 v23, v51;
	v10 =	vadd.f32 v10, v28  }
0x5f6: {  	[tilespmem:s25+$0xC590] =	vst v20;
	v0 =	vmul.f32 s13, v0;
	s5 =	sadd.f32 $9.999999960e-13, s5;
	v3 =	vmul.f32 v24, v31;
	v7 =	vadd.f32 v7, v27  }
0x5f7: {  	s3 =	smul.f32 s11, s3;
	v35 =	vmul.f32 s0, v46;
	v1 =	vmul.f32 v25, v29;
	v2 =	vadd.f32 v2, v50;
	[tilespmem:s25+$0xC400] =	vst v10  }
0x5f8: {  	v37 =	vmul.f32 s0, v43;
	v0 =	vmul.f32 v0, v53;
	s30 =	smul.f32 $5.000000000e-01, s5;
	s5 =	sshrl.u32 s5, $0x1;
	v3 =	vadd.f32 v3, v15;
	[tilespmem:s25+$0xC410] =	vst v7  }
0x5f9: {  	v38 =	vmul.f32 s3, v26;
	v1 =	vadd.f32 v1, v45;
	s5 =	ssub.s32 $0x5F3759DF, s5;
	[tilespmem:s25+$0xC420] =	vst v2;
	v10 =	vmul.f32 v35, v53  }
0x5fa: {  	v39 =	vmul.f32 s3, v41;
	v0 =	vadd.f32 v0, v58;
	s31 =	smul.f32 s5, s30;
	[tilespmem:s25+$0xC430] =	vst v3;
	v7 =	vmul.f32 v37, v32  }
0x5fb: {  	v33 =	vmul.f32 s0, v48;
	[tilespmem:s25+$0xC440] =	vst v1;
	v2 =	vmul.f32 v38, v55;
	v10 =	vadd.f32 v10, v58  }
0x5fc: {  	v40 =	vmul.f32 s3, v49;
	v3 =	vmul.f32 v39, v59;
	[tilespmem:s25+$0xC5E0] =	vst v0;
	s0 =	smul.f32 s5, s31;
	v7 =	vadd.f32 v7, v56  }
0x5fd: {  	v42 =	vmul.f32 s3, v36;
	v0 =	vmul.f32 v33, v30;
	v2 =	vadd.f32 v2, v28;
	[tilespmem:s25+$0xC460] =	vst v10  }
0x5fe: {  	v43 =	vmul.f32 s3, v17;
	v1 =	vmul.f32 v40, v51;
	v3 =	vadd.f32 v3, v27;
	s0 =	ssub.f32 $1.500000000e+00, s0;
	[tilespmem:s25+$0xC470] =	vst v7  }
0x5ff: {  	v41 =	vmul.f32 s3, v34;
	v0 =	vadd.f32 v0, v57;
	[tilespmem:s25+$0xC480] =	vst v2;
	v10 =	vmul.f32 v42, v29  }
0x600: {  	v44 =	vmul.f32 s3, v16;
	v1 =	vadd.f32 v1, v50;
	[tilespmem:s25+$0xC490] =	vst v3;
	v7 =	vmul.f32 v43, v30;
	s0 =	smul.f32 s5, s0  }
0x601: {  	v46 =	vmul.f32 s3, v12;
	[tilespmem:s25+$0xC450] =	vst v0;
	v0 =	vmul.f32 v41, v31;
	v10 =	vadd.f32 v10, v45  }
0x602: {  	[tilespmem:s25+$0xC4A0] =	vst v1;
	v2 =	vmul.f32 v44, v53;
	v7 =	vadd.f32 v7, v57;
	v47 =	vmul.f32 s0, v13  }
0x603: {  	v3 =	vmul.f32 v46, v32;
	v0 =	vadd.f32 v0, v15;
	v48 =	vmul.f32 s0, v14;
	[tilespmem:s25+$0xC4C0] =	vst v10  }
0x604: {  	v2 =	vadd.f32 v2, v58;
	v9 =	vmul.f32 s0, v9;
	[tilespmem:s25+$0xC4D0] =	vst v7;
	v1 =	vmul.f32 v47, v55  }
0x605: {  	v3 =	vadd.f32 v3, v56;
	v49 =	vmul.f32 s0, v11;
	[tilespmem:s25+$0xC4B0] =	vst v0;
	v0 =	vmul.f32 v48, v59  }
0x606: {  	[tilespmem:s25+$0xC4E0] =	vst v2;
	v52 =	vmul.f32 s0, v8;
	v54 =	vmul.f32 v9, v51;
	v1 =	vadd.f32 v1, v28  }
0x607: {  	[tilespmem:s25+$0xC4F0] =	vst v3;
	v55 =	vmul.f32 s0, v6;
	v59 =	vmul.f32 v49, v31;
	v0 =	vadd.f32 v0, v27  }
0x608: {  	v60 =	vmul.f32 s0, v5;
	v2 =	vmul.f32 v52, v29;
	v61 =	vadd.f32 v54, v50;
	[tilespmem:s25+$0xC500] =	vst v1  }
0x609: {  	v62 =	vmul.f32 s0, v4;
	v3 =	vmul.f32 v55, v30;
	v63 =	vadd.f32 v59, v15;
	[tilespmem:s25+$0xC510] =	vst v0  }
0x60a: {  	v2 =	vadd.f32 v2, v45;
	[tilespmem:s25+$0xC520] =	vst v61;
	v1 =	vmul.f32 v60, v53  }
.Ltmp12:
0x60b: {  	[tilespmem:s25+$0xC530] =	vst v63;
	v0 =	vmul.f32 v62, v32;
	v3 =	vadd.f32 v3, v57;
	(pc) =	sbr.rel .LBB2_19-.Ltmp12, $4  }
0x60c: {  	[tilespmem:s25+$0xC540] =	vst v2;
	v1 =	vadd.f32 v1, v58  }
0x60d: {  	[tilespmem:s25+$0xC550] =	vst v3;
	v0 =	vadd.f32 v0, v56  }
0x60e: {  	[tilespmem:s25+$0xC560] =	vst v1  }
0x60f: {  	v59 =	vmov v28;
	v62 =	vmov v27;
	v63 =	vmov v50;
	[tilespmem:s25+$0xC570] =	vst v0  }
.LBB2_13:
0x610: {  	v0 =	vld [tilespmem:s0+$0x0];
	_ =	sdelay $0x4  }
0x611: {  	v1 =	vld [tilespmem:s0+$0xFFFFFFFF];
	(v2sf) =	vpush v0, $0x0  }
0x612: {  	v2 =	vld [tilespmem:s0+$0xFFFFFFFD];
	s22 =	simm.s32 $0x0  }
0x613: {  	v4 =	vld [tilespmem:s22+$0x45A0]  }
0x614: {  	v0 =	vld [tilespmem:s0+$0xFFFFFFFE]  }
0x615: {  	v6 =	vld [tilespmem:s22+$0x45B0]  }
0x616: {  	v10 =	vld [tilespmem:s22+$0x45C0]  }
0x617: {  	v12 =	vld [tilespmem:s22+$0x45D0]  }
0x618: {  	v14 =	vld [tilespmem:s22+$0x45E0]  }
0x619: {  	v16 =	vld [tilespmem:s22+$0x45F0];
	(v2sf) =	vpush v0, $0x0  }
0x61a: {  	v21 =	vld [tilespmem:s22+$0x4400]  }
0x61b: {  	v22 =	vld [tilespmem:s22+$0x4500]  }
0x61c: {  	v25 =	vld [tilespmem:s22+$0x4410]  }
0x61d: {  	v26 =	vld [tilespmem:s22+$0x4510];
	(v2sf) =	vpush v1, $0x0  }
0x61e: {  	v28 =	vld [tilespmem:s22+$0x4420]  }
0x61f: {  	v31 =	vld [tilespmem:s22+$0x4430]  }
0x620: {  	v32 =	vld [tilespmem:s22+$0x44B0];
	(v2sf) =	vpush v2, $0x0;
	s30 =	spop (v2sf)  }
0x621: {  	v0 =	vld [tilespmem:s22+$0x4590];
	s0 =	sshll.u32 s30, $0x9  }
0x622: {  	v1 =	vld [tilespmem:s22+$0x4580];
	s0 =	sshra.s32 s0, $0x2  }
0x623: {  	v2 =	vld [tilespmem:s0+$0x10410]  }
0x624: {  	v3 =	vld [tilespmem:s0+$0x10400]  }
0x625: {  	v5 =	vld [tilespmem:s0+$0x10420]  }
0x626: {  	v7 =	vld [tilespmem:s0+$0x10430]  }
0x627: {  	v11 =	vld [tilespmem:s0+$0x10440]  }
0x628: {  	v13 =	vld [tilespmem:s0+$0x10450];
	s3 =	spop (v2sf)  }
0x629: {  	v15 =	vld [tilespmem:s0+$0x10460];
	s3 =	sshll.u32 s3, $0x9;
	v9 =	vadd.f32 v3, v1;
	v3 =	vadd.f32 v2, v0  }
0x62a: {  	v17 =	vld [tilespmem:s0+$0x10470];
	s11 =	sshra.s32 s3, $0x2  }
0x62b: {  	v19 =	vld [tilespmem:s11+$0x10400];
	v8 =	vadd.f32 v5, v4;
	v0 =	vmul.f32 v9, v9;
	v2 =	vmul.f32 v3, v3  }
0x62c: {  	s5 =	spop (v2sf);
	v1 =	vld [tilespmem:s22+$0x4480];
	v5 =	vadd.f32 $0.0e+00, v9  }
0x62d: {  	s31 =	sshll.u32 s5, $0x9;
	v24 =	vld [tilespmem:s11+$0x10410];
	v4 =	vadd.f32 v7, v6;
	v0 =	vadd.f32 v2, v0;
	v2 =	vmul.f32 v8, v8  }
0x62e: {  	s5 =	sshra.s32 s31, $0x2;
	v30 =	vld [tilespmem:s11+$0x10430];
	v7 =	vadd.f32 v3, v5  }
0x62f: {  	s10 =	spop (v2sf);
	v20 =	vld [tilespmem:s5+$0x10400];
	v5 =	vadd.f32 v11, v10;
	v0 =	vadd.f32 v2, v0;
	v2 =	vmul.f32 v4, v4  }
0x630: {  	s10 =	sshll.u32 s10, $0x9;
	v6 =	vld [tilespmem:s5+$0x10410];
	v10 =	vadd.f32 v8, v7  }
0x631: {  	s12 =	sshra.s32 s10, $0x2;
	v42 =	vld [tilespmem:s5+$0x10440];
	v7 =	vadd.f32 v13, v12;
	v0 =	vadd.f32 v2, v0;
	v2 =	vmul.f32 v5, v5  }
0x632: {  	v18 =	vld [tilespmem:s12+$0x10400];
	v10 =	vadd.f32 v4, v10  }
0x633: {  	v23 =	vld [tilespmem:s12+$0x10410];
	v27 =	vmul.f32 v7, v7;
	v2 =	vadd.f32 v2, v0;
	v0 =	vadd.f32 v15, v14  }
0x634: {  	v29 =	vld [tilespmem:s12+$0x10430];
	v15 =	vadd.f32 v5, v10  }
0x635: {  	v11 =	vld [tilespmem:s22+$0x4490];
	v10 =	vadd.f32 v17, v16;
	v2 =	vadd.f32 v27, v2;
	v27 =	vmul.f32 v0, v0  }
0x636: {  	v12 =	vld [tilespmem:s12+$0x10420];
	v15 =	vadd.f32 v7, v15  }
0x637: {  	v13 =	vld [tilespmem:s11+$0x10420];
	v2 =	vadd.f32 v27, v2;
	v27 =	vmul.f32 v10, v10  }
0x638: {  	v14 =	vld [tilespmem:s5+$0x10420];
	v15 =	vadd.f32 v0, v15  }
0x639: {  	v16 =	vld [tilespmem:s22+$0x44A0];
	v2 =	vadd.f32 v27, v2  }
0x63a: {  	v17 =	vld [tilespmem:s22+$0x4520];
	v15 =	vadd.f32 v10, v15  }
0x63b: {  	v27 =	vld [tilespmem:s5+$0x10430];
	(xrf2) =	vadd.scan.msk.f32 $0xffff, v2  }
0x63c: {  	v35 =	vadd.f32 v23, v25;
	v2 =	vadd.f32 v18, v21;
	v18 =	vld [tilespmem:s12+$0x10440];
	(xrf2) =	vadd.scan.msk.f32 $0xffff, v15  }
0x63d: {  	v34 =	vadd.f32 v19, v1;
	v21 =	vld [tilespmem:s11+$0x10440]  }
0x63e: {  	v1 =	vadd.f32 v20, v22;
	v15 =	vld [tilespmem:s22+$0x4530];
	[tilespmem:$0x1FA90] =	vst v35  }
0x63f: {  	v22 =	vadd.f32 $0.0e+00, v34;
	v36 =	vadd.f32 v24, v11;
	v20 =	vld [tilespmem:s22+$0x4440];
	[tilespmem:$0x1FA00] =	vst v34  }
0x640: {  	v38 =	vadd.f32 v6, v26;
	v24 =	vadd.f32 $0.0e+00, v1;
	v11 =	vld [tilespmem:s22+$0x44C0]  }
0x641: {  	v23 =	vmul.f32 v34, v34;
	v6 =	vmul.f32 v36, v36;
	v22 =	vadd.f32 v36, v22;
	v26 =	vld [tilespmem:s22+$0x4540];
	[tilespmem:$0x1FA10] =	vst v1  }
0x642: {  	s13 =	simm.s32 $0x187;
	v56 =	vmul.f32 v1, v1;
	v24 =	vadd.f32 v38, v24;
	v19 =	vadd.f32 $0.0e+00, v2;
	v37 =	vld [tilespmem:s12+$0x10450];
	[tilespmem:$0x1FA20] =	vst v36  }
0x643: {  	v57 =	vmul.f32 v38, v38;
	v23 =	vadd.f32 v6, v23;
	v6 =	vadd.f32 v12, v28;
	v58 =	vld [tilespmem:s13+$0x0];
	[tilespmem:$0x1FA30] =	vst v38  }
0x644: {  	v25 =	vmul.f32 v35, v35;
	v60 =	vadd.f32 v13, v16;
	v19 =	vadd.f32 v35, v19;
	v39 =	vld [tilespmem:s11+$0x10450]  }
0x645: {  	v28 =	vadd.f32 v57, v56;
	v33 =	vmul.f32 v2, v2;
	v1 =	vadd.f32 v14, v17;
	v40 =	vld [tilespmem:s5+$0x10450];
	v59, _, _ =	vpop (xrf2)  }
0x646: {  	v13 =	vld [tilespmem:s13+$0xFFFFFFFE];
	v16 =	vadd.f32 v6, v19;
	v19 =	vadd.f32 v60, v22;
	v22 =	vmul.f32 v60, v60;
	v12, _, _ =	vpop (xrf2)  }
0x647: {  	v25 =	vadd.f32 v25, v33;
	v14 =	vld [tilespmem:s13+$0xFFFFFFFF];
	(v2sf) =	vpush v12, $0xF;
	v12 =	vmul.f32 v6, v6  }
0x648: {  	v17 =	vld [tilespmem:s13+$0xFFFFFFFD];
	[tilespmem:$0x1FA40] =	vst v60;
	v22 =	vadd.f32 v22, v23;
	(v2sf) =	vpush v59, $0xF  }
0x649: {  	v61 =	vld [tilespmem:s22+$0x4450];
	[tilespmem:$0x1FA50] =	vst v1;
	(v2sf) =	vpush v58, $0x0;
	v25 =	vadd.f32 v12, v25  }
0x64a: {  	v62 =	vmul.f32 v1, v1;
	v23 =	vld [tilespmem:s22+$0x4550];
	v12 =	vadd.f32 v29, v31;
	v31 =	vadd.f32 v30, v32  }
0x64b: {  	v24 =	vadd.f32 v1, v24;
	v1 =	vadd.f32 v27, v15;
	v15 =	vld [tilespmem:s12+$0x10460]  }
0x64c: {  	v28 =	vadd.f32 v62, v28;
	v29 =	vld [tilespmem:s22+$0x44D0];
	[tilespmem:$0x1FA60] =	vst v31  }
0x64d: {  	v48 =	vadd.f32 v18, v20;
	v20 =	vadd.f32 v1, v24;
	v30 =	vmul.f32 v12, v12;
	v41 =	vld [tilespmem:s11+$0x10460]  }
0x64e: {  	v52 =	vadd.f32 v37, v61;
	v19 =	vadd.f32 v31, v19;
	v27 =	vmul.f32 v31, v31;
	v18 =	vld [tilespmem:s5+$0x10460];
	[tilespmem:$0x1FA70] =	vst v1  }
0x64f: {  	v31 =	vadd.f32 v21, v11;
	v25 =	vadd.f32 v30, v25;
	v30 =	vmul.f32 v1, v1;
	v11 =	vld [tilespmem:s22+$0x4460]  }
0x650: {  	v24 =	vmul.f32 v48, v48;
	v21 =	vadd.f32 v27, v22;
	v27 =	vld [tilespmem:s22+$0x44E0];
	v1 =	vadd.f32 v42, v26  }
0x651: {  	v16 =	vadd.f32 v12, v16;
	v26 =	vmul.f32 v31, v31;
	v22 =	vadd.f32 v30, v28;
	v28 =	vld [tilespmem:s22+$0x4560]  }
0x652: {  	(v2sf) =	vpush v13, $0x0;
	v24 =	vadd.f32 v24, v25;
	v25 =	vld [tilespmem:s12+$0x10470];
	[tilespmem:$0x1FA80] =	vst v1  }
0x653: {  	v16 =	vadd.f32 v48, v16;
	v21 =	vadd.f32 v26, v21;
	v26 =	vld [tilespmem:s11+$0x10470]  }
0x654: {  	v19 =	vadd.f32 v31, v19;
	v38 =	vadd.f32 v39, v29;
	v30 =	vmul.f32 v1, v1;
	v13 =	vld [tilespmem:s5+$0x10470]  }
0x655: {  	v20 =	vadd.f32 v1, v20;
	v16 =	vadd.f32 v52, v16;
	v29 =	vld [tilespmem:s22+$0x44F0]  }
0x656: {  	s25 =	simm.s32 $0x200;
	v1 =	vadd.f32 v40, v23;
	v23 =	vld [tilespmem:s22+$0x4570];
	v22 =	vadd.f32 v30, v22;
	s14 =	spop (v2sf)  }
0x657: {  	v30 =	vmul.f32 v38, v38;
	v55 =	vadd.f32 v15, v11;
	v11 =	vld [tilespmem:s25+$0x4580];
	(v2sf) =	vpush v14, $0x0;
	s13 =	spop (v2sf)  }
0x658: {  	v19 =	vadd.f32 v38, v19;
	v14 =	vld [tilespmem:s22+$0x4470];
	(v2sf) =	vpush v17, $0x0;
	v17 =	vmul.f32 v52, v52;
	s17 =	spop (v2sf)  }
0x659: {  	v20 =	vadd.f32 v1, v20;
	v63 =	vmul.f32 v1, v1;
	v15 =	vadd.f32 v30, v21;
	v30 =	vld [tilespmem:s25+$0x45A0];
	s3 =	sshll.u32 s17, $0x9  }
0x65a: {  	v43 =	vadd.f32 v41, v27;
	v17 =	vadd.f32 v17, v24;
	v24 =	vld [tilespmem:s25+$0x4590];
	s3 =	sshra.s32 s3, $0x2  }
0x65b: {  	v22 =	vadd.f32 v63, v22;
	v27 =	vmul.f32 v55, v55;
	v37 =	vadd.f32 v18, v28;
	v21 =	vld [tilespmem:s3+$0x10410]  }
0x65c: {  	v16 =	vadd.f32 v55, v16;
	v19 =	vadd.f32 v43, v19;
	v18 =	vld [tilespmem:s3+$0x10400]  }
0x65d: {  	v17 =	vadd.f32 v27, v17;
	v27 =	vmul.f32 v37, v37;
	v56 =	vadd.f32 v25, v14;
	v14 =	vld [tilespmem:s3+$0x10420]  }
0x65e: {  	v28 =	vmul.f32 v43, v43;
	v50 =	vadd.f32 v26, v29;
	v41 =	vadd.f32 v13, v23;
	v25 =	vld [tilespmem:s25+$0x45B0]  }
0x65f: {  	v20 =	vadd.f32 v37, v20;
	s0 =	smul.f32 $7.812500000e-03, s14;
	v22 =	vadd.f32 v27, v22;
	v27 =	vld [tilespmem:s3+$0x10430]  }
0x660: {  	v13 =	vld [tilespmem:s25+$0x45C0];
	v15 =	vadd.f32 v28, v15;
	v16 =	vadd.f32 v56, v16  }
0x661: {  	v26 =	vld [tilespmem:s25+$0x45E0];
	v20 =	vadd.f32 v41, v20;
	v23 =	vmov s0;
	v42 =	vadd.f32 v18, v11  }
0x662: {  	(xrf2) =	vadd.scan.msk.f32 $0xffff, v16;
	v16 =	vld [tilespmem:s3+$0x10440];
	v45 =	vadd.f32 v21, v24;
	v11 =	vsub.f32 v10, v23  }
0x663: {  	v10 =	vadd.f32 v50, v19;
	v18 =	vld [tilespmem:s25+$0x45D0];
	v46 =	vadd.f32 v14, v30;
	v24 =	vmul.f32 v56, v56  }
0x664: {  	v19 =	vmul.f32 v42, v42;
	v21 =	vmul.f32 v45, v45;
	v39 =	vadd.f32 v27, v25;
	v25 =	vld [tilespmem:s3+$0x10460]  }
0x665: {  	v4 =	vsub.f32 v4, v23;
	v14 =	vld [tilespmem:s3+$0x10450];
	v28 =	vadd.f32 $0.0e+00, v42;
	v27 =	vmul.f32 v50, v50  }
0x666: {  	v17 =	vadd.f32 v24, v17;
	(xrf2) =	vadd.scan.msk.f32 $0xffff, v10;
	v10 =	vld [tilespmem:s25+$0x45F0];
	v19 =	vadd.f32 v21, v19;
	v21 =	vmul.f32 v46, v46  }
0x667: {  	s18 =	spop (v2sf);
	(xrf2) =	vadd.scan.msk.f32 $0xffff, v20;
	v24 =	vadd.f32 v45, v28;
	v40 =	vadd.f32 v16, v13;
	v13 =	vld [tilespmem:s3+$0x10470]  }
0x668: {  	v15 =	vadd.f32 v27, v15;
	(xrf2) =	vadd.scan.msk.f32 $0xffff, v17;
	v17 =	vld [tilespmem:s25+$0x4480];
	s19 =	spop (v2sf);
	v19 =	vadd.f32 v21, v19;
	v21 =	vmul.f32 v39, v39  }
0x669: {  	v16 =	vmul.f32 v41, v41;
	s23 =	spop (v2sf);
	s24 =	sshll.u32 s19, $0x9;
	v24 =	vadd.f32 v46, v24;
	v47 =	vadd.f32 v25, v26;
	v25 =	vld [tilespmem:s25+$0x4400]  }
0x66a: {  	v44 =	vadd.f32 v14, v18;
	s11 =	sshll.u32 s23, $0x9;
	s10 =	sshra.s32 s24, $0x2;
	v26 =	vld [tilespmem:s25+$0x4490];
	v19 =	vadd.f32 v21, v19;
	v21 =	vmul.f32 v40, v40  }
0x66b: {  	s5 =	sshll.u32 s18, $0x9;
	v16 =	vadd.f32 v16, v22;
	s12 =	sshra.s32 s11, $0x2;
	v18 =	vld [tilespmem:s10+$0x10400];
	v22 =	vadd.f32 v39, v24  }
0x66c: {  	(xrf2) =	vadd.scan.msk.f32 $0xffff, v15;
	v15 =	vsub.f32 v3, v23;
	s11 =	sshra.s32 s5, $0x2;
	v20 =	vld [tilespmem:s12+$0x10400];
	v19 =	vadd.f32 v21, v19;
	v21 =	vmul.f32 v44, v44  }
0x66d: {  	v14 =	vld [tilespmem:s11+$0x10400];
	v60 =	vadd.f32 v13, v10;
	v24, _, _ =	vpop (xrf2);
	v22 =	vadd.f32 v40, v22  }
0x66e: {  	v10 =	vld [tilespmem:s25+$0x4500];
	(v2sf) =	vpush v24, $0xF;
	v24 =	vmul.f32 v47, v47;
	v21 =	vadd.f32 v21, v19  }
0x66f: {  	v19 =	vsub.f32 v9, v23;
	v9 =	vld [tilespmem:s12+$0x10410];
	v13 =	vadd.f32 v44, v22  }
0x670: {  	v3 =	vsub.f32 v8, v23;
	(xrf2) =	vadd.scan.msk.f32 $0xffff, v16;
	v22 =	vld [tilespmem:s11+$0x10410];
	v8, _, _ =	vpop (xrf2);
	v16 =	vadd.f32 v24, v21;
	v21 =	vmul.f32 v60, v60  }
0x671: {  	(v2sf) =	vpush v8, $0xF;
	v24 =	vld [tilespmem:s10+$0x10410];
	v13 =	vadd.f32 v47, v13  }
0x672: {  	v49 =	vadd.f32 v20, v25;
	v20 =	vld [tilespmem:s25+$0x4510];
	v8 =	vadd.f32 v21, v16  }
0x673: {  	s26 =	smul.f32 $7.812500000e-03, s13;
	v61 =	vadd.f32 v14, v17;
	v57 =	vadd.f32 v18, v10;
	v10 =	vld [tilespmem:s12+$0x10420]  }
0x674: {  	s0 =	smul.f32 s0, s0;
	v5 =	vsub.f32 v5, v23;
	v0 =	vsub.f32 v0, v23;
	v16 =	vld [tilespmem:s25+$0x4410]  }
0x675: {  	v14 =	vld [tilespmem:s11+$0x10420];
	v13 =	vadd.f32 v60, v13;
	v17 =	vadd.f32 $0.0e+00, v61;
	v21, _, _ =	vpop (xrf2)  }
0x676: {  	s0 =	ssub.f32 s26, s0;
	v63 =	vadd.f32 v22, v26;
	v22 =	vld [tilespmem:s25+$0x4520];
	(xrf2) =	vadd.scan.msk.f32 $0xffff, v8;
	(v2sf) =	vpush v21, $0xF;
	v8, _, _ =	vpop (xrf2)  }
0x677: {  	v18 =	vadd.f32 $0.0e+00, v57;
	(xrf2) =	vadd.scan.msk.f32 $0xffff, v13;
	v21 =	vld [tilespmem:s10+$0x10420];
	v27, _, _ =	vpop (xrf2);
	(v2sf) =	vpush v8, $0xF  }
0x678: {  	s0 =	sadd.f32 $9.999999960e-13, s0;
	v58 =	vadd.f32 v24, v20;
	v20 =	vld [tilespmem:s12+$0x10430];
	(v2sf) =	vpush v27, $0xF  }
0x679: {  	v25 =	vmul.f32 v49, v49;
	v8 =	vsub.f32 v7, v23;
	v7 =	vld [tilespmem:s25+$0x4420];
	v51 =	vadd.f32 v9, v16  }
0x67a: {  	s30 =	sshrl.u32 s0, $0x1;
	s0 =	smul.f32 $5.000000000e-01, s0;
	v28 =	vmul.f32 v61, v61;
	v13 =	vadd.f32 $0.0e+00, v49;
	v17 =	vadd.f32 v63, v17;
	v9 =	vld [tilespmem:s25+$0x44A0];
	v23, _, _ =	vpop (xrf2)  }
0x67b: {  	s3 =	ssub.s32 $0x5F3759DF, s30;
	v16 =	vmul.f32 v57, v57;
	v27 =	vld [tilespmem:s25+$0x4430];
	(v2sf) =	vpush v23, $0xF;
	v23 =	vmul.f32 v51, v51  }
0x67c: {  	s0 =	smul.f32 s3, s0;
	v24 =	vadd.f32 v51, v13;
	v13 =	vmul.f32 v63, v63;
	v59 =	vadd.f32 v21, v22  }
0x67d: {  	v23 =	vadd.f32 v23, v25;
	v25 =	vadd.f32 v58, v18;
	v18 =	vmul.f32 v58, v58  }
0x67e: {  	v29 =	vld [tilespmem:s25+$0x44B0];
	s0 =	smul.f32 s3, s0;
	v28 =	vadd.f32 v13, v28;
	v53 =	vadd.f32 v10, v7  }
0x67f: {  	v26 =	vld [tilespmem:s11+$0x10430];
	s31 =	spop (v2sf);
	v9 =	vadd.f32 v14, v9;
	v16 =	vadd.f32 v18, v16  }
0x680: {  	v30 =	vld [tilespmem:s25+$0x4540];
	s0 =	ssub.f32 $1.500000000e+00, s0;
	s5 =	smul.f32 $7.812500000e-03, s31;
	v54 =	vadd.f32 v20, v27;
	v25 =	vadd.f32 v59, v25;
	v10, _, _ =	vpop (xrf2)  }
0x681: {  	v21 =	vld [tilespmem:s25+$0x4530];
	v14 =	vmul.f32 v53, v53;
	v24 =	vadd.f32 v53, v24;
	v22 =	vmul.f32 v9, v9;
	v7, _, _ =	vpop (xrf2)  }
0x682: {  	v36 =	vmovc v1;
	s13 =	smul.f32 s3, s0;
	v18 =	vld [tilespmem:s10+$0x10430];
	s3 =	spop (v2sf);
	v1 =	vadd.f32 v9, v17;
	v13 =	vmov s5;
	(v2sf) =	vpush v7, $0xF  }
0x683: {  	v20 =	vld [tilespmem:s12+$0x10440];
	s3 =	smul.f32 $7.812500000e-03, s3;
	v7 =	vsub.f32 v2, v13;
	v14 =	vadd.f32 v14, v23  }
0x684: {  	v17 =	vld [tilespmem:s25+$0x4440];
	s5 =	smul.f32 s5, s5;
	v2 =	vadd.f32 v26, v29;
	v23 =	vmul.f32 v59, v59;
	v26 =	vadd.f32 v22, v28  }
0x685: {  	v22 =	vmul.f32 v54, v54;
	v28 =	vmul.f32 s13, v11;
	(v2sf) =	vpush v10, $0xF;
	s23 =	smul.f32 s3, s3;
	v10 =	vld [tilespmem:$0x1FA90];
	s14 =	spop (v2sf)  }
0x686: {  	v29 =	vld [tilespmem:s25+$0x44C0];
	v11 =	vsub.f32 v6, v13;
	v12 =	vsub.f32 v12, v13;
	v6 =	vmov s3;
	s24 =	smul.f32 $7.812500000e-03, s14;
	s26 =	spop (v2sf)  }
0x687: {  	v62 =	vadd.f32 v18, v21;
	v18 =	vmul.f32 v2, v2;
	v21 =	vadd.f32 v23, v16;
	v16 =	vld [tilespmem:s11+$0x10440];
	s17 =	smul.f32 $7.812500000e-03, s26;
	s30 =	spop (v2sf)  }
0x688: {  	v27 =	vadd.f32 v22, v14;
	v22 =	vld [tilespmem:s10+$0x10440];
	v23 =	vadd.f32 v54, v24;
	v24 =	vmul.f32 s13, v15;
	s19 =	smul.f32 $7.812500000e-03, s30  }
0x689: {  	v14 =	vadd.f32 v20, v17;
	v20 =	vld [tilespmem:s12+$0x10450];
	v18 =	vadd.f32 v18, v26;
	v26 =	vmul.f32 v62, v62;
	s14 =	simm.s32 $0x4;
	s18 =	smul.f32 s24, s24;
	s0 =	ssub.f32 s17, s5  }
0x68a: {  	[tilespmem:s22+$0xC5F0] =	vst v28;
	v28 =	vadd.f32 v62, v25;
	v25 =	vmul.f32 s13, v19;
	v19 =	vld [tilespmem:s11+$0x10450];
	v10 =	vsub.f32 v10, v13;
	s26 =	simm.s32 $0x800;
	s31 =	spop (v2sf);
	s23 =	ssub.f32 s19, s23  }
0x68b: {  	v35 =	vmovc v31;
	v17 =	vadd.f32 v26, v21;
	v26 =	vadd.f32 v2, v1;
	v21 =	vld [tilespmem:s10+$0x10450];
	v1 =	vmov s24;
	s17 =	simm.s32 $0x18B;
	s19 =	smul.f32 $7.812500000e-03, s31;
	s0 =	sadd.f32 $9.999999960e-13, s0  }
.LBB2_14:
0x68c: {  	v31 =	vld [tilespmem:s17+$0x0]  }
0x68d: {  	v29 =	vadd.f32 v16, v29;
	v15 =	vsub.f32 v48, v13;
	v32 =	vld [tilespmem:s17+$0xFFFFFFFE]  }
0x68e: {  	[tilespmem:s22+$0xC580] =	vst v25;
	v25 =	vmul.f32 s13, v3;
	v23 =	vadd.f32 v14, v23;
	v3 =	vadd.f32 v22, v30;
	v22 =	vld [tilespmem:s17+$0xFFFFFFFF]  }
0x68f: {  	v33 =	vmul.f32 v14, v14;
	v16 =	vsub.f32 v52, v13;
	v52 =	vld [tilespmem:s25+$0x4450];
	v4 =	vmul.f32 s13, v4  }
0x690: {  	v48 =	vmovc v14;
	v14 =	vsub.f32 v55, v13;
	v55 =	vmul.f32 s13, v5;
	v34 =	vmul.f32 s13, v8;
	v8 =	vld [tilespmem:$0x1FA00];
	v5 =	vmovc v61  }
0x691: {  	[tilespmem:$0x1FA00] =	vst v5;
	v5 =	vld [tilespmem:$0x1FA20]  }
0x692: {  	[tilespmem:s22+$0xC5A0] =	vst v25;
	v25 =	vld [tilespmem:s17+$0xFFFFFFFD]  }
0x693: {  	[tilespmem:s22+$0xC5B0] =	vst v4;
	v4 =	vmov v63;
	v63 =	vld [tilespmem:s25+$0x4560]  }
0x694: {  	(v2sf) =	vpush v31, $0x0;
	v31 =	vld [tilespmem:s25+$0x44D0]  }
0x695: {  	[tilespmem:s22+$0xC590] =	vst v24;
	v30 =	vmul.f32 v3, v3;
	v52 =	vadd.f32 v20, v52;
	v20 =	vld [tilespmem:s10+$0x10460]  }
0x696: {  	s3 =	ssub.f32 s19, s18;
	v24 =	vadd.f32 v29, v26;
	v26 =	vmul.f32 v29, v29;
	[tilespmem:$0x1FA20] =	vst v4;
	v4 =	vld [tilespmem:$0x1FA40]  }
0x697: {  	s31 =	sadd.f32 $9.999999960e-13, s23;
	v30 =	vadd.f32 v30, v17;
	v17 =	vsub.f32 v8, v6;
	v8 =	vmul.f32 s13, v0;
	v0 =	vmovc v9;
	v9 =	vld [tilespmem:s25+$0x4460]  }
0x698: {  	s5 =	sshrl.u32 s0, $0x1;
	s3 =	sadd.f32 $9.999999960e-13, s3;
	v26 =	vadd.f32 v26, v18;
	(v2sf) =	vpush v32, $0x0;
	v32 =	vld [tilespmem:s25+$0x4550]  }
0x699: {  	s19 =	sshrl.u32 s31, $0x1;
	s23 =	smul.f32 $5.000000000e-01, s31;
	v18 =	vsub.f32 v56, v13;
	s31 =	spop (v2sf);
	(v2sf) =	vpush v22, $0x0;
	v22 =	vld [tilespmem:s12+$0x10460]  }
0x69a: {  	s24 =	smul.f32 $5.000000000e-01, s0;
	s0 =	ssub.s32 $0x5F3759DF, s19;
	s30 =	sshrl.u32 s3, $0x1;
	v13 =	vsub.f32 v5, v6;
	[tilespmem:$0x1FA40] =	vst v0;
	v5 =	vmov v2;
	v2 =	vadd.f32 v52, v23;
	v23 =	vld [tilespmem:s25+$0x44E0]  }
0x69b: {  	v27 =	vadd.f32 v33, v27;
	s19 =	ssub.s32 $0x5F3759DF, s30;
	s31 =	smul.f32 $7.812500000e-03, s31;
	[tilespmem:s22+$0xC5E0] =	vst v8;
	v8 =	vmul.f32 v52, v52;
	s30 =	spop (v2sf);
	(v2sf) =	vpush v25, $0x0;
	v25 =	vld [tilespmem:s11+$0x10460]  }
0x69c: {  	s18 =	ssub.s32 $0x5F3759DF, s5;
	v28 =	vadd.f32 v3, v28;
	v0 =	vld [tilespmem:$0x1FA60];
	[tilespmem:$0x1FA60] =	vst v5;
	v5 =	vsub.f32 v35, v6;
	s5 =	smul.f32 $7.812500000e-03, s30  }
0x69d: {  	v27 =	vadd.f32 v8, v27;
	s30 =	smul.f32 s31, s31;
	v31 =	vadd.f32 v19, v31  }
0x69e: {  	s24 =	smul.f32 s18, s24;
	v8 =	vsub.f32 v38, v6;
	v19 =	vadd.f32 v21, v32  }
0x69f: {  	v61 =	vld [tilespmem:s25+$0x4570];
	[tilespmem:s22+$0xC5C0] =	vst v55;
	s23 =	smul.f32 s0, s23;
	s5 =	ssub.f32 s5, s30;
	v21 =	vadd.f32 v31, v24;
	v55 =	vadd.f32 v22, v9  }
0x6a0: {  	v35 =	vmovc v29;
	v29 =	vld [tilespmem:s12+$0x10470];
	v24 =	vmul.f32 v31, v31;
	s30 =	smul.f32 s18, s24;
	v9 =	vsub.f32 v43, v6;
	v43 =	vadd.f32 v25, v23  }
0x6a1: {  	s23 =	smul.f32 s0, s23;
	v4 =	vsub.f32 v4, v6;
	v20 =	vadd.f32 v20, v63;
	v38 =	vmov v31;
	v31 =	vld [tilespmem:s25+$0x4470];
	s5 =	sadd.f32 $9.999999960e-13, s5  }
0x6a2: {  	s26 =	sadd.s32 $0x800, s26;
	[tilespmem:s22+$0xC5D0] =	vst v34;
	v34 =	vmul.f32 v19, v19;
	v24 =	vadd.f32 v24, v26;
	v26 =	vld [tilespmem:s11+$0x10470];
	s24 =	ssub.f32 $1.500000000e+00, s30;
	v56 =	vmul.f32 v43, v43  }
0x6a3: {  	s12 =	ssub.f32 $1.500000000e+00, s23;
	v63 =	vsub.f32 v50, v6;
	v28 =	vadd.f32 v19, v28;
	v23 =	vmul.f32 v55, v55;
	v25 =	vld [tilespmem:s25+$0x44F0];
	s30 =	sshrl.u32 s5, $0x1;
	s5 =	smul.f32 $5.000000000e-01, s5  }
0x6a4: {  	s23 =	sshra.s32 s26, $0x2;
	v0 =	vsub.f32 v0, v6;
	v22 =	vadd.f32 v34, v30;
	v30 =	vld [tilespmem:s10+$0x10470];
	s10 =	ssub.s32 $0x5F3759DF, s30;
	s30 =	smul.f32 s18, s24  }
0x6a5: {  	v32 =	vld [tilespmem:s23+$0x4590];
	v23 =	vadd.f32 v23, v27;
	v27 =	vadd.f32 v20, v28  }
0x6a6: {  	v6 =	vld [tilespmem:$0x1FA10];
	v28 =	vmul.f32 v20, v20;
	s5 =	smul.f32 s10, s5;
	v24 =	vadd.f32 v56, v24;
	v7 =	vmul.f32 s30, v7;
	v56 =	vmovc v57  }
0x6a7: {  	v2 =	vadd.f32 v55, v2;
	s18 =	smul.f32 s0, s12;
	s24 =	spop (v2sf);
	[tilespmem:$0x1FA10] =	vst v56;
	v56 =	vadd.f32 v29, v31;
	v29 =	vld [tilespmem:s23+$0x4580]  }
0x6a8: {  	v22 =	vadd.f32 v28, v22;
	v28 =	vmul.f32 s30, v10;
	v10 =	vmov s31;
	s13 =	smul.f32 s10, s5;
	s11 =	sshll.u32 s24, $0x9;
	[tilespmem:s22+$0xC400] =	vst v7;
	v7 =	vld [tilespmem:$0x1FA30]  }
0x6a9: {  	v50 =	vadd.f32 v26, v25;
	v25 =	vmov v58;
	v31 =	vsub.f32 v60, v10;
	v60 =	vld [tilespmem:s23+$0x45A0];
	s0 =	sshra.s32 s11, $0x2  }
0x6aa: {  	v17 =	vmul.f32 s18, v17;
	s12 =	spop (v2sf);
	[tilespmem:$0x1FA30] =	vst v25;
	s13 =	ssub.f32 $1.500000000e+00, s13;
	v25 =	vld [tilespmem:s0+$0x10410]  }
0x6ab: {  	[tilespmem:s22+$0xC410] =	vst v28;
	s5 =	sshll.u32 s12, $0x9;
	v28 =	vld [tilespmem:s0+$0x10400];
	v2 =	vadd.f32 v56, v2  }
0x6ac: {  	v30 =	vadd.f32 v30, v61;
	[tilespmem:s22+$0xC480] =	vst v17;
	s11 =	sshra.s32 s5, $0x2;
	v61 =	vld [tilespmem:s0+$0x10420];
	s13 =	smul.f32 s10, s13  }
0x6ad: {  	v26 =	vmul.f32 v56, v56;
	v17 =	vld [tilespmem:s11+$0x10400];
	(xrf2) =	vadd.scan.msk.f32 $0xffff, v2;
	v2 =	vmul.f32 s30, v11  }
0x6ae: {  	v11 =	vmul.f32 s30, v12;
	v12 =	vld [tilespmem:$0x1FA50];
	v31 =	vmul.f32 s13, v31  }
0x6af: {  	v15 =	vmul.f32 s30, v15;
	[tilespmem:s22+$0xC420] =	vst v2;
	v2 =	vld [tilespmem:$0x1FA70]  }
0x6b0: {  	v21 =	vadd.f32 v43, v21;
	v18 =	vmul.f32 s30, v18;
	v23 =	vadd.f32 v26, v23;
	v26 =	vld [tilespmem:s23+$0x45B0];
	[tilespmem:s25+$0xC5F0] =	vst v31  }
0x6b1: {  	v6 =	vsub.f32 v6, v1;
	v13 =	vmul.f32 s18, v13;
	v57 =	vmov v3;
	[tilespmem:s22+$0xC440] =	vst v15;
	v31 =	vld [tilespmem:s0+$0x10430]  }
0x6b2: {  	v21 =	vadd.f32 v50, v21;
	v33 =	vmul.f32 v50, v50;
	[tilespmem:s22+$0xC470] =	vst v18;
	v3 =	vadd.f32 v28, v29;
	v28 =	vld [tilespmem:s23+$0x45C0]  }
0x6b3: {  	v15 =	vsub.f32 v45, v10;
	v27 =	vadd.f32 v30, v27;
	v34 =	vmul.f32 v30, v30;
	[tilespmem:s22+$0xC490] =	vst v13;
	v29 =	vld [tilespmem:s0+$0x10440]  }
0x6b4: {  	s24 =	spop (v2sf);
	(xrf2) =	vadd.scan.msk.f32 $0xffff, v21;
	v21 =	vmul.f32 s30, v16;
	v58 =	vsub.f32 v12, v1;
	v12 =	vmovc v59;
	v59 =	vsub.f32 v2, v1;
	v2 =	vld [tilespmem:$0x1FA80]  }
0x6b5: {  	v24 =	vadd.f32 v33, v24;
	s31 =	spop (v2sf);
	[tilespmem:s22+$0xC430] =	vst v11;
	v25 =	vadd.f32 v25, v32;
	v32 =	vmul.f32 s30, v14;
	v33 =	vld [tilespmem:s23+$0x45D0]  }
0x6b6: {  	v22 =	vadd.f32 v34, v22;
	s12 =	sshll.u32 s31, $0x9;
	v7 =	vsub.f32 v7, v1;
	[tilespmem:s22+$0xC450] =	vst v21;
	v34 =	vld [tilespmem:s0+$0x10450]  }
0x6b7: {  	s3 =	smul.f32 $5.000000000e-01, s3;
	s12 =	sshra.s32 s12, $0x2;
	v16 =	vsub.f32 v36, v1;
	v36 =	vmovc v19;
	(xrf2) =	vadd.scan.msk.f32 $0xffff, v27;
	v11 =	vsub.f32 v41, v1;
	v27 =	vld [tilespmem:s0+$0x10460];
	[tilespmem:s22+$0xC460] =	vst v32  }
0x6b8: {  	v60 =	vadd.f32 v61, v60;
	v14 =	vsub.f32 v42, v10;
	v19 =	vmul.f32 v3, v3;
	[tilespmem:$0x1FA50] =	vst v12;
	v18 =	vld [tilespmem:s12+$0x10400]  }
0x6b9: {  	s3 =	smul.f32 s19, s3;
	v21 =	vadd.f32 $0.0e+00, v3;
	v13 =	vld [tilespmem:s23+$0x4400];
	[tilespmem:$0x1FA80] =	vst v57;
	v57 =	vmul.f32 v25, v25;
	v12 =	vsub.f32 v2, v1;
	v2 =	vmovc v62  }
0x6ba: {  	v41 =	vmovc v30;
	(xrf2) =	vadd.scan.msk.f32 $0xffff, v23;
	v23 =	vld [tilespmem:s0+$0x10470];
	v28 =	vadd.f32 v29, v28;
	[tilespmem:$0x1FA70] =	vst v2;
	v2 =	vsub.f32 v37, v1  }
0x6bb: {  	s3 =	smul.f32 s19, s3;
	v29 =	vld [tilespmem:s23+$0x45F0];
	v37 =	vmovc v20;
	v1 =	vadd.f32 v57, v19;
	v19 =	vmul.f32 v60, v60;
	v20 =	vadd.f32 v31, v26  }
0x6bc: {  	v42 =	vmov v3;
	v3 =	vsub.f32 v46, v10;
	v21 =	vadd.f32 v25, v21;
	v30, _, _ =	vpop (xrf2);
	v26 =	vld [tilespmem:s23+$0x45E0]  }
0x6bd: {  	s3 =	ssub.f32 $1.500000000e+00, s3;
	(v2sf) =	vpush v30, $0xF;
	v1 =	vadd.f32 v19, v1;
	v19 =	vmul.f32 v20, v20  }
0x6be: {  	v4 =	vmul.f32 s18, v4;
	v21 =	vadd.f32 v60, v21;
	v18 =	vadd.f32 v18, v13  }
0x6bf: {  	s19 =	smul.f32 s19, s3;
	s3 =	sshll.u32 s24, $0x9;
	(xrf2) =	vadd.scan.msk.f32 $0xffff, v24;
	v31 =	vadd.f32 v34, v33;
	v1 =	vadd.f32 v19, v1;
	v19 =	vmul.f32 v28, v28  }
0x6c0: {  	v0 =	vmul.f32 s18, v0;
	s10 =	sshra.s32 s3, $0x2;
	v45 =	vmovc v25;
	v46 =	vmovc v60;
	v60 =	vadd.f32 v23, v29;
	v21 =	vadd.f32 v20, v21  }
0x6c1: {  	v24 =	vld [tilespmem:s10+$0x10400];
	v25 =	vadd.f32 v27, v26;
	v26, _, _ =	vpop (xrf2);
	v1 =	vadd.f32 v19, v1;
	v19 =	vmul.f32 v31, v31  }
0x6c2: {  	[tilespmem:s22+$0xC4A0] =	vst v4;
	v13 =	vld [tilespmem:s10+$0x10410];
	v21 =	vadd.f32 v28, v21;
	(xrf2) =	vadd.scan.msk.f32 $0xffff, v22;
	(v2sf) =	vpush v26, $0xF  }
0x6c3: {  	v26 =	vld [tilespmem:s23+$0x4480];
	[tilespmem:s22+$0xC4B0] =	vst v0;
	v0 =	vmul.f32 s18, v5;
	v1 =	vadd.f32 v19, v1;
	v19 =	vmul.f32 v25, v25  }
0x6c4: {  	v9 =	vmul.f32 s18, v9;
	v4 =	vsub.f32 v39, v10;
	v39 =	vmovc v20;
	v22 =	vld [tilespmem:s23+$0x4500];
	v21 =	vadd.f32 v31, v21  }
0x6c5: {  	v23, _, _ =	vpop (xrf2);
	v20 =	vld [tilespmem:s11+$0x10410];
	[tilespmem:s22+$0xC4C0] =	vst v0;
	v0 =	vmul.f32 s18, v8;
	v1 =	vadd.f32 v19, v1;
	v19 =	vmul.f32 v60, v60  }
0x6c6: {  	v6 =	vmul.f32 s19, v6;
	v27 =	vld [tilespmem:s12+$0x10410];
	v5 =	vsub.f32 v40, v10;
	(v2sf) =	vpush v23, $0xF;
	v8, _, _ =	vpop (xrf2)  }
0x6c7: {  	v7 =	vmul.f32 s19, v7;
	(v2sf) =	vpush v8, $0xF;
	[tilespmem:s22+$0xC4D0] =	vst v0;
	v1 =	vadd.f32 v19, v1;
	v19 =	vld [tilespmem:s23+$0x4410]  }
0x6c8: {  	v0 =	vmul.f32 s18, v63;
	v61 =	vadd.f32 v17, v26;
	v17 =	vadd.f32 v25, v21;
	v26 =	vld [tilespmem:s23+$0x4490]  }
0x6c9: {  	v40 =	vmov v28;
	v28, _, _ =	vpop (xrf2);
	v8 =	vsub.f32 v44, v10;
	v57 =	vadd.f32 v24, v22;
	v24 =	vld [tilespmem:s23+$0x4510];
	[tilespmem:s22+$0xC4E0] =	vst v9  }
0x6ca: {  	v23 =	vmul.f32 v18, v18;
	(v2sf) =	vpush v28, $0xF;
	v9 =	vld [tilespmem:s12+$0x10420];
	[tilespmem:s22+$0xC4F0] =	vst v0;
	v17 =	vadd.f32 v60, v17  }
0x6cb: {  	v21 =	vadd.f32 $0.0e+00, v18;
	v29 =	vadd.f32 $0.0e+00, v57;
	v30 =	vmul.f32 v57, v57;
	v32 =	vld [tilespmem:s11+$0x10420];
	(xrf2) =	vadd.scan.msk.f32 $0xffff, v1  }
0x6cc: {  	v0 =	vsub.f32 v47, v10;
	s24 =	spop (v2sf);
	(xrf2) =	vadd.scan.msk.f32 $0xffff, v17;
	v17 =	vadd.f32 v27, v19;
	v19 =	vld [tilespmem:s10+$0x10420];
	[tilespmem:s22+$0xC500] =	vst v6  }
0x6cd: {  	v22 =	vmul.f32 v61, v61;
	v1 =	vadd.f32 $0.0e+00, v61;
	s0 =	smul.f32 $7.812500000e-03, s24;
	v10, _, _ =	vpop (xrf2);
	v63 =	vadd.f32 v20, v26;
	v27 =	vld [tilespmem:s23+$0x4420];
	[tilespmem:s22+$0xC510] =	vst v7  }
0x6ce: {  	(v2sf) =	vpush v10, $0xF;
	v6 =	vmul.f32 s19, v58;
	v58 =	vadd.f32 v13, v24;
	v24 =	vld [tilespmem:s23+$0x4520]  }
0x6cf: {  	v13 =	vmov s0;
	v7 =	vmul.f32 v63, v63;
	v10 =	vadd.f32 v17, v21;
	v21 =	vld [tilespmem:s23+$0x44A0]  }
0x6d0: {  	v1 =	vadd.f32 v63, v1;
	v20 =	vmul.f32 v17, v17;
	[tilespmem:s22+$0xC520] =	vst v6;
	v6 =	vmul.f32 s19, v59  }
0x6d1: {  	v47 =	vmovc v25;
	v28 =	vld [tilespmem:s11+$0x10430];
	v25 =	vadd.f32 v58, v29;
	v26 =	vmul.f32 v58, v58;
	v22 =	vadd.f32 v7, v22  }
0x6d2: {  	v12 =	vmul.f32 s19, v12;
	v7 =	vsub.f32 v49, v13;
	v20 =	vadd.f32 v20, v23;
	v23 =	vld [tilespmem:s12+$0x10430];
	s30 =	spop (v2sf)  }
0x6d3: {  	v16 =	vmul.f32 s19, v16;
	v44 =	vmovc v31;
	[tilespmem:s22+$0xC530] =	vst v6;
	v26 =	vadd.f32 v26, v30;
	v30 =	vld [tilespmem:s23+$0x4430];
	s3 =	smul.f32 $7.812500000e-03, s30;
	v31 =	vadd.f32 v9, v27  }
0x6d4: {  	v49 =	vmov v18;
	v27 =	vld [tilespmem:s10+$0x10430];
	[tilespmem:s22+$0xC540] =	vst v12;
	v59 =	vadd.f32 v19, v24;
	v9 =	vadd.f32 v32, v21  }
0x6d5: {  	s30 =	smul.f32 s0, s0;
	[tilespmem:s22+$0xC550] =	vst v16;
	v29, _, _ =	vpop (xrf2);
	v6 =	vmov s3;
	v12 =	vadd.f32 v31, v10;
	v18 =	vmul.f32 v31, v31;
	v21 =	vld [tilespmem:s23+$0x44B0]  }
0x6d6: {  	s31 =	spop (v2sf);
	s0 =	smul.f32 s3, s3;
	v32 =	vld [tilespmem:s23+$0x4530];
	v10 =	vsub.f32 v51, v13;
	v51 =	vmovc v17;
	v25 =	vadd.f32 v59, v25;
	v62 =	vmul.f32 v59, v59  }
0x6d7: {  	v33 =	vld [tilespmem:s12+$0x10440];
	s3 =	smul.f32 $7.812500000e-03, s31;
	v19 =	vadd.f32 v9, v1;
	v24 =	vmul.f32 v9, v9;
	v1, _, _ =	vpop (xrf2);
	v17 =	vadd.f32 v18, v20  }
0x6d8: {  	v16 =	vld [tilespmem:s11+$0x10440];
	v34 =	vadd.f32 v23, v30;
	v20 =	vmul.f32 s19, v2;
	(v2sf) =	vpush v1, $0xF  }
0x6d9: {  	s14 =	sadd.s32 $0x4, s14;
	s5 =	spop (v2sf);
	s18 =	smul.f32 s3, s3;
	v1 =	vmov s3;
	(v2sf) =	vpush v29, $0xF;
	v18 =	vadd.f32 v24, v22;
	v22 =	vld [tilespmem:s10+$0x10440]  }
0x6da: {  	p1 =	slt.u32 s14, $0x7C;
	s3 =	smul.f32 $7.812500000e-03, s5;
	v24 =	vld [tilespmem:s23+$0x4440];
	v23 =	vadd.f32 v34, v12;
	v12 =	vmul.f32 v34, v34;
	v2 =	vadd.f32 v28, v21  }
.Ltmp13:
0x6db: {  	s24 =	spop (v2sf);
	v29 =	vld [tilespmem:s23+$0x44C0];
	v21 =	vadd.f32 v62, v26;
	v28 =	vmul.f32 s19, v11;
	v62 =	vadd.f32 v27, v32;
	(pc) =	sbr.rel @p1 .LBB2_14-.Ltmp13, $4  }
0x6dc: {  	s5 =	smul.f32 $7.812500000e-03, s24;
	[tilespmem:s22+$0xC560] =	vst v20;
	v20 =	vld [tilespmem:s12+$0x10450];
	v11 =	vsub.f32 v53, v13;
	v26 =	vadd.f32 v2, v19;
	v19 =	vmul.f32 v2, v2  }
0x6dd: {  	v30 =	vld [tilespmem:s23+$0x4540];
	s3 =	ssub.f32 s3, s30;
	v27 =	vadd.f32 v12, v17;
	v12 =	vsub.f32 v54, v13;
	[tilespmem:s22+$0xC570] =	vst v28;
	s22 =	smov.u32 s25;
	v17 =	vmul.f32 v62, v62  }
0x6de: {  	s25 =	smov.u32 s23;
	v28 =	vadd.f32 v62, v25;
	s31 =	spop (v2sf);
	s23 =	ssub.f32 s5, s0;
	v25 =	vmul.f32 s13, v14;
	v18 =	vadd.f32 v19, v18;
	v19 =	vld [tilespmem:s11+$0x10450]  }
0x6df: {  	s17 =	sadd.s32 $0x4, s17;
	v53 =	vmovc v31;
	v54 =	vmovc v34;
	s0 =	sadd.f32 $9.999999960e-13, s3;
	s19 =	smul.f32 $7.812500000e-03, s31;
	v14 =	vadd.f32 v33, v24;
	v17 =	vadd.f32 v17, v21;
	v21 =	vld [tilespmem:s10+$0x10450];
	v24 =	vmul.f32 s13, v15  }
.Ltmp14:
0x6e0: {  	_ = 	snop;
	(pc) =	sbr.rel .LBB2_15-.Ltmp14, $1  }
0x6e1: {  	_ =	sdelay $0x3  }
.LBB2_21:
0x6e2: {  	_ =	sfence.sel $0x180000  }
0x6e3: {  	[bflag:$0x0] =	sbarrier.arrive $0xFFFF  }
0x6e4: {  	_ =	strace $0x90000047  }
0x6e5: {  	s0 =	stileid.u32;
	[bflag:$0x2] =	sbarrier.arrive $0xFFFF  }
0x6e6: {  	p0 =	sne.s32 s0, $0x0;
	s0 =	rddreg [dreg:$0x5]  }
0x6e7: {  	s0 =	sadd.s32 @!p0 $0x100000, s0  }
0x6e8: {  	[sflag:s0] =	ssyncadd.tile.s32 @!p0 $0x1;
	_ =	shalt  }
.Lfunc_end2:
_tile_overlayer_lowered:
.L_overlay_start_2:
0x6e9: {  	(tag) =	ssettag $0x2  }
0x6ea: {  	s0 =	rddreg [dreg:$0x0];
	s2 =	stileid.u32  }
0x6eb: {  	s1 =	rddreg [dreg:$0x1];
	p0 =	sne.s32 s2, $0x0  }
0x6ec: {  	s3 =	rddreg [dreg:$0x2];
	[bflag:$0x3] =	sbarrier.arrive $0xFFFF;
	s2 =	simm.s32 @!p0 $0x1C07  }
0x6ed: {  	[timem:s3], [sflag:s2] =	dma.local @!p0 [hbm:s0], s1  }
0x6ee: {  	s0 =	simm.s32 @!p0 $0x7  }
0x6ef: {  	_ =	swait.ge @!p0 [sflag:s0], s1  }
0x6f0: {  	s1 =	ssub.s32 @!p0 $0x0, s1;
	[sflag:s0] =	ssyncset.done @!p0 $0x0  }
0x6f1: {  	[sflag:s0] =	ssyncadd.s32 @!p0 s1  }
0x6f2: {  	[bflag:$0x3] =	sbarrier.arrive $0xFFFF  }
0x6f3: {  	_ =	shalt  }

</sc_bundles>
